<compile_context>
chip_gen: v7x
topology: tpu7x:2x2x1
jax: 0.10.2.dev20260603
libtpu: 0.0.44.dev20260713+nightly
codegen_flags: <defaults>
</compile_context>

<pallas_src>
import functools

import jax
import jax.numpy as jnp
from jax import lax
from jax.experimental import pallas as pl
from jax.experimental.pallas import tpu as pltpu
from jax.experimental.pallas import tpu_sc as plsc

N = 10000
D = 128
DEG = 32
NW = 32
NODES_W = 320
CH = 4
ROWS_CH = CH * DEG
NCH = NODES_W // CH
LANES = 16
ROWS_TILE = 624
ROWS_TAIL = N - 16 * ROWS_TILE


def _sc_aggregate(x, idx):
    mesh = plsc.VectorSubcoreMesh(
        core_axis_name="c", subcore_axis_name="s", num_cores=2, num_subcores=16
    )

    @functools.partial(
        pl.kernel,
        out_type=jax.ShapeDtypeStruct((N, D), jnp.float32),
        mesh=mesh,
        scratch_types=[
            pltpu.VMEM_SHARED((N, D), jnp.float32),
            pltpu.VMEM((NCH, ROWS_CH), jnp.int32),
            pltpu.VMEM((ROWS_CH, D), jnp.float32),
            pltpu.VMEM((ROWS_CH, D), jnp.float32),
            pltpu.VMEM((CH, D), jnp.float32),
            pltpu.VMEM((CH, D), jnp.float32),
            pltpu.SemaphoreType.DMA,
            pltpu.SemaphoreType.DMA,
            pltpu.SemaphoreType.DMA,
            pltpu.SemaphoreType.DMA,
            pltpu.SemaphoreType.DMA,
        ],
    )
    def agg(x_hbm, idx_hbm, out_hbm, xs, idx_v, gb0, gb1, ob0, ob1,
            gs0, gs1, os0, os1, ssem):
        sid = lax.axis_index("s")
        wid = sid * 2 + lax.axis_index("c")
        base = wid * NODES_W
        nch = jnp.minimum(NODES_W, N - base) // CH

        pltpu.async_copy(
            x_hbm.at[pl.ds(sid * ROWS_TILE, ROWS_TILE)],
            xs.at[pl.ds(sid * ROWS_TILE, ROWS_TILE)], ssem)

        @pl.when(sid == 0)
        def _():
            pltpu.async_copy(
                x_hbm.at[pl.ds(16 * ROWS_TILE, ROWS_TAIL)],
                xs.at[pl.ds(16 * ROWS_TILE, ROWS_TAIL)], ssem)

        pltpu.sync_copy(idx_hbm.at[wid], idx_v)

        gbufs, obufs = (gb0, gb1), (ob0, ob1)
        gsems, osems = (gs0, gs1), (os0, os1)

        pltpu.async_copy(x_hbm.at[idx_v.at[0]], gb0, gs0)
        pltpu.async_copy(x_hbm.at[idx_v.at[1]], gb1, gs1)

        pltpu.make_async_copy(x_hbm.at[idx_v.at[0]], gb0, gs0).wait()
        for k in range(CH):
            def rb0(r, accs):
                return tuple(
                    a + gb0[k * DEG + r, pl.ds(c * LANES, LANES)]
                    for c, a in enumerate(accs))
            accs = lax.fori_loop(
                0, DEG, rb0,
                tuple(jnp.zeros((LANES,), jnp.float32)
                      for _ in range(D // LANES)))
            for c in range(D // LANES):
                ob0[k, pl.ds(c * LANES, LANES)] = accs[c]
        pltpu.async_copy(ob0, out_hbm.at[pl.ds(base, CH)], os0)

        pltpu.make_async_copy(
            x_hbm.at[pl.ds(sid * ROWS_TILE, ROWS_TILE)],
            xs.at[pl.ds(sid * ROWS_TILE, ROWS_TILE)], ssem).wait()

        @pl.when(sid == 0)
        def _():
            pltpu.make_async_copy(
                x_hbm.at[pl.ds(16 * ROWS_TILE, ROWS_TAIL)],
                xs.at[pl.ds(16 * ROWS_TILE, ROWS_TAIL)], ssem).wait()

        plsc.subcore_barrier()
        pltpu.async_copy(xs.at[idx_v.at[2]], gb0, gs0)

        pltpu.make_async_copy(x_hbm.at[idx_v.at[1]], gb1, gs1).wait()
        for k in range(CH):
            def rb1(r, accs):
                return tuple(
                    a + gb1[k * DEG + r, pl.ds(c * LANES, LANES)]
                    for c, a in enumerate(accs))
            accs = lax.fori_loop(
                0, DEG, rb1,
                tuple(jnp.zeros((LANES,), jnp.float32)
                      for _ in range(D // LANES)))
            for c in range(D // LANES):
                ob1[k, pl.ds(c * LANES, LANES)] = accs[c]
        pltpu.async_copy(ob1, out_hbm.at[pl.ds(base + CH, CH)], os1)
        pltpu.async_copy(xs.at[idx_v.at[3]], gb1, gs1)

        def pair(g2, carry):
            for b in range(2):
                g = g2 * 2 + b
                gbuf, obuf = gbufs[b], obufs[b]
                gsem, osem = gsems[b], osems[b]
                pltpu.make_async_copy(xs.at[idx_v.at[g]], gbuf, gsem).wait()

                @pl.when(g2 > 0)
                def _():
                    pltpu.make_async_copy(
                        obuf, out_hbm.at[pl.ds(base, CH)], osem).wait()

                for k in range(CH):
                    def rb(r, accs):
                        return tuple(
                            a + gbuf[k * DEG + r, pl.ds(c * LANES, LANES)]
                            for c, a in enumerate(accs))
                    accs = lax.fori_loop(
                        0, DEG, rb,
                        tuple(jnp.zeros((LANES,), jnp.float32)
                              for _ in range(D // LANES)))
                    for c in range(D // LANES):
                        obuf[k, pl.ds(c * LANES, LANES)] = accs[c]

                @pl.when(g + 2 < nch)
                def _():
                    pltpu.async_copy(xs.at[idx_v.at[g + 2]], gbuf, gsem)

                pltpu.async_copy(obuf, out_hbm.at[pl.ds(base + g * CH, CH)],
                                 osem)
            return carry

        lax.fori_loop(1, nch // 2, pair, 0)
        pltpu.make_async_copy(ob0, out_hbm.at[pl.ds(base, CH)], os0).wait()
        pltpu.make_async_copy(ob1, out_hbm.at[pl.ds(base, CH)], os1).wait()

    return agg(x, idx)


def _matmul(xp, w):
    def mm_body(x_ref, w_ref, o_ref):
        o_ref[...] = jnp.dot(x_ref[...], w_ref[...],
                             preferred_element_type=jnp.float32)

    return pl.pallas_call(
        mm_body,
        grid=(5,),
        in_specs=[
            pl.BlockSpec((2000, D), lambda i: (i, 0)),
            pl.BlockSpec((D, D), lambda i: (0, 0)),
        ],
        out_specs=pl.BlockSpec((2000, D), lambda i: (i, 0)),
        out_shape=jax.ShapeDtypeStruct((N, D), jnp.float32),
    )(xp, w)


def kernel(X, weights, row_pointers, column_index, blockPartition,
           edgeToColumn, edgeToRow):
    idx = column_index.astype(jnp.int32)
    idx = jnp.pad(idx, (0, NW * NODES_W * DEG - idx.shape[0]))
    idx = idx.reshape(NW, NCH, ROWS_CH)
    xp = _sc_aggregate(X, idx)
    return _matmul(xp, weights)

# --- scband reference (transcript-rebuilt; emitter-appended) ---
"""Pipeline reference for scband-ginconv-23484881175228 (READ-ONLY COPY).

The authoritative reference and input builder live on the scoring server;
editing this copy changes nothing except your own understanding.
"""

import jax, jax.numpy as jnp
import numpy as np

N = 10000
DEG = 32
E = N * DEG
D_IN = 128
D_OUT = 128


def setup_inputs(seed: int = 0) -> dict:
    key = jax.random.key(seed)
    k1, k2, k3, k4, k5, k6 = jax.random.split(key, 6)
    X = jax.random.normal(k1, (N, D_IN), dtype=jnp.float32)
    # Well-formed CSR row pointers for a fixed-degree graph
    row_pointers = jnp.arange(N + 1, dtype=jnp.int32) * DEG
    column_index = jax.random.randint(k2, (E,), 0, N, dtype=jnp.int64)
    num_row_windows = (N + 15) // 16
    blockPartition = jax.random.randint(k3, (num_row_windows,), 1, 64, dtype=jnp.int32)
    edgeToColumn = jax.random.randint(k4, (E,), 0, N, dtype=jnp.int32)
    edgeToRow = jax.random.randint(k5, (E,), 0, 16, dtype=jnp.int32)
    weights = jax.random.normal(k6, (D_IN, D_OUT), dtype=jnp.float32)
    return {
        "X": X,
        "weights": weights,
        "row_pointers": row_pointers,
        "column_index": column_index,
        "blockPartition": blockPartition,
        "edgeToColumn": edgeToColumn,
        "edgeToRow": edgeToRow,
    }


def _spmm_sum(X, row_pointers, column_index):
    # TCGNN.forward computes sum-aggregation over CSR neighborhoods:
    #   X_prime[i] = sum_{e in [row_ptr[i], row_ptr[i+1])} X[column_index[e]]
    E_ = column_index.shape[0]
    N_ = row_pointers.shape[0] - 1
    edge_pos = jnp.arange(E_, dtype=row_pointers.dtype)
    row_ids = jnp.searchsorted(row_pointers, edge_pos, side="right") - 1
    gathered = jnp.take(X, column_index, axis=0)
    return jax.ops.segment_sum(gathered, row_ids, num_segments=N_)


def reference(X, weights, row_pointers, column_index, blockPartition, edgeToColumn, edgeToRow):
    # blockPartition / edgeToColumn / edgeToRow are TC-GNN kernel metadata
    # (tile bookkeeping); they do not change the math of the aggregation.
    X_prime = _spmm_sum(X, row_pointers, column_index)
    return jnp.matmul(X_prime, weights)

if __name__ == "__main__":
    import jax
    _d = setup_inputs()
    print(jax.jit(kernel)(*tuple(_d.values())))

</pallas_src>

<mosaic_0001>
#map = affine_map<(d0, d1) -> (0, 0)>
#map1 = affine_map<(d0, d1) -> (0, 0, 0)>
module attributes {stable_mosaic.version = 14 : i64} {
  func.func @agg(%arg0: i32, %arg1: i32, %arg2: memref<10000x128xf32, #tpu.memory_space<hbm>>, %arg3: memref<32x80x128xi32, #tpu.memory_space<hbm>>, %arg4: memref<10000x128xf32, #tpu.memory_space<hbm>>, %arg5: memref<10000x128xf32, #tpu.memory_space<vmem_shared>>, %arg6: memref<80x128xi32, #tpu.memory_space<vmem>>, %arg7: memref<128x128xf32, #tpu.memory_space<vmem>>, %arg8: memref<128x128xf32, #tpu.memory_space<vmem>>, %arg9: memref<4x128xf32, #tpu.memory_space<vmem>>, %arg10: memref<4x128xf32, #tpu.memory_space<vmem>>, %arg11: memref<!tpu.dma_semaphore, #tpu.memory_space<semaphore_mem>>, %arg12: memref<!tpu.dma_semaphore, #tpu.memory_space<semaphore_mem>>, %arg13: memref<!tpu.dma_semaphore, #tpu.memory_space<semaphore_mem>>, %arg14: memref<!tpu.dma_semaphore, #tpu.memory_space<semaphore_mem>>, %arg15: memref<!tpu.dma_semaphore, #tpu.memory_space<semaphore_mem>>) attributes {dimension_semantics = [#tpu.dimension_semantics<core_parallel>, #tpu.dimension_semantics<subcore_parallel>], iteration_bounds = array<i64: 2, 16>, scalar_prefetch = 0 : i64, scratch_operands = 11 : i64, tpu.core_type = #tpu.core_type<sc_vector_subcore>, window_params = [{transform_indices = #map}, {transform_indices = #map1}, {transform_indices = #map}]} {
    %mul3A = arith.constant 2 : i32
    %mul3A_0 = arith.muli %arg1, %mul3A : i32
    %add3A = arith.addi %mul3A_0, %arg0 : i32
    %mul3A_1 = arith.constant 320 : i32
    %mul3A_2 = arith.muli %add3A, %mul3A_1 : i32
    %sub3A = arith.constant 10000 : i32
    %sub3A_3 = arith.subi %sub3A, %mul3A_2 : i32
    %min3A = arith.constant 320 : i32
    %min3A_4 = arith.minsi %min3A, %sub3A_3 : i32
    %jit3A = arith.constant 4 : i32
    %div3A = arith.divsi %min3A_4, %jit3A : i32
    %sign3A = arith.constant 0 : i32
    %sign3A_5 = arith.cmpi sgt, %min3A_4, %sign3A : i32
    %sign3A_6 = arith.extui %sign3A_5 : i1 to i32
    %sign3A_7 = arith.constant 0 : i32
    %sign3A_8 = arith.cmpi slt, %min3A_4, %sign3A_7 : i32
    %sign3A_9 = arith.extui %sign3A_8 : i1 to i32
    %sign3A_10 = arith.subi %sign3A_6, %sign3A_9 : i32
    %sign3A_11 = arith.constant 0 : i32
    %sign3A_12 = arith.cmpi sgt, %jit3A, %sign3A_11 : i32
    %sign3A_13 = arith.extui %sign3A_12 : i1 to i32
    %sign3A_14 = arith.constant 0 : i32
    %sign3A_15 = arith.cmpi slt, %jit3A, %sign3A_14 : i32
    %sign3A_16 = arith.extui %sign3A_15 : i1 to i32
    %sign3A_17 = arith.subi %sign3A_13, %sign3A_16 : i32
    %ne3A = arith.cmpi ne, %sign3A_10, %sign3A_17 : i32
    %rem3A = arith.remsi %min3A_4, %jit3A : i32
    %ne3A_18 = arith.constant 0 : i32
    %ne3A_19 = arith.cmpi ne, %rem3A, %ne3A_18 : i32
    %and3A = arith.andi %ne3A, %ne3A_19 : i1
    %sub3A_20 = arith.constant 1 : i32
    %sub3A_21 = arith.subi %div3A, %sub3A_20 : i32
    %select_n3A = arith.select %and3A, %sub3A_21, %div3A : i32
    %mul3A_22 = arith.constant 624 : i32
    %mul3A_23 = arith.muli %arg1, %mul3A_22 : i32
    %mul3A_24 = arith.constant 624 : i32
    %mul3A_25 = arith.muli %arg1, %mul3A_24 : i32
    %dma_start3A = arith.constant 0 : i32
    %dma_start3A_26 = tpu.memref_slice %arg5[%mul3A_25, %dma_start3A] : memref<10000x128xf32, #tpu.memory_space<vmem_shared>> -> memref<624x128xf32, #tpu.memory_space<vmem_shared>>
    %dma_start3A_27 = arith.constant 0 : i32
    %dma_start3A_28 = tpu.memref_slice %arg2[%mul3A_23, %dma_start3A_27] : memref<10000x128xf32, #tpu.memory_space<hbm>> -> memref<624x128xf32, #tpu.memory_space<hbm>>
    tpu.enqueue_dma source(%dma_start3A_28 : memref<624x128xf32, #tpu.memory_space<hbm>>) target(%dma_start3A_26 : memref<624x128xf32, #tpu.memory_space<vmem_shared>>) target_semaphore(%arg15 : memref<!tpu.dma_semaphore, #tpu.memory_space<semaphore_mem>>)
    %eq3A = arith.constant 0 : i32
    %eq3A_29 = arith.cmpi eq, %arg1, %eq3A : i32
    %convert_element_type3A = arith.extui %eq3A_29 : i1 to i32
    %cond3A = arith.constant 0 : i32
    %cond3A_30 = arith.cmpi ne, %convert_element_type3A, %cond3A : i32
    scf.if %cond3A_30 {
      %dma_start3A_693 = arith.constant 9984 : i32
      %dma_start3A_694 = arith.constant 0 : i32
      %dma_start3A_695 = tpu.memref_slice %arg5[%dma_start3A_693, %dma_start3A_694] : memref<10000x128xf32, #tpu.memory_space<vmem_shared>> -> memref<16x128xf32, #tpu.memory_space<vmem_shared>>
      %dma_start3A_696 = arith.constant 9984 : i32
      %dma_start3A_697 = arith.constant 0 : i32
      %dma_start3A_698 = tpu.memref_slice %arg2[%dma_start3A_696, %dma_start3A_697] : memref<10000x128xf32, #tpu.memory_space<hbm>> -> memref<16x128xf32, #tpu.memory_space<hbm>>
      tpu.enqueue_dma source(%dma_start3A_698 : memref<16x128xf32, #tpu.memory_space<hbm>>) target(%dma_start3A_695 : memref<16x128xf32, #tpu.memory_space<vmem_shared>>) target_semaphore(%arg15 : memref<!tpu.dma_semaphore, #tpu.memory_space<semaphore_mem>>)
    } else {
    }
    "tpu.region"() ({
      %run_scoped3A = tpu.sem_alloc : memref<!tpu.dma_semaphore, #tpu.memory_space<semaphore_mem>>
      %dma_start3A_693 = arith.constant 0 : i32
      %dma_start3A_694 = arith.constant 0 : i32
      %dma_start3A_695 = tpu.memref_slice %arg3[%add3A, %dma_start3A_693, %dma_start3A_694] : memref<32x80x128xi32, #tpu.memory_space<hbm>> -> memref<1x80x128xi32, #tpu.memory_space<hbm>>
      %dma_start3A_696 = tpu.memref_squeeze %dma_start3A_695 : memref<1x80x128xi32, #tpu.memory_space<hbm>> -> memref<80x128xi32, #tpu.memory_space<hbm>>
      %dma_start3A_697 = arith.constant 0 : i32
      %dma_start3A_698 = arith.constant 0 : i32
      %dma_start3A_699 = tpu.memref_slice %arg3[%add3A, %dma_start3A_697, %dma_start3A_698] : memref<32x80x128xi32, #tpu.memory_space<hbm>> -> memref<1x80x128xi32, #tpu.memory_space<hbm>>
      %dma_start3A_700 = tpu.memref_squeeze %dma_start3A_699 : memref<1x80x128xi32, #tpu.memory_space<hbm>> -> memref<80x128xi32, #tpu.memory_space<hbm>>
      tpu.enqueue_dma source(%dma_start3A_700 : memref<80x128xi32, #tpu.memory_space<hbm>>) target(%arg6 : memref<80x128xi32, #tpu.memory_space<vmem>>) target_semaphore(%run_scoped3A : memref<!tpu.dma_semaphore, #tpu.memory_space<semaphore_mem>>)
      %dma_wait3A_701 = arith.constant 0 : i32
      %dma_wait3A_702 = arith.constant 0 : i32
      %dma_wait3A_703 = tpu.memref_slice %arg3[%add3A, %dma_wait3A_701, %dma_wait3A_702] : memref<32x80x128xi32, #tpu.memory_space<hbm>> -> memref<1x80x128xi32, #tpu.memory_space<hbm>>
      %dma_wait3A_704 = tpu.memref_squeeze %dma_wait3A_703 : memref<1x80x128xi32, #tpu.memory_space<hbm>> -> memref<80x128xi32, #tpu.memory_space<hbm>>
      %dma_wait3A_705 = arith.constant 0 : i32
      %dma_wait3A_706 = arith.constant 0 : i32
      %dma_wait3A_707 = tpu.memref_slice %arg3[%add3A, %dma_wait3A_705, %dma_wait3A_706] : memref<32x80x128xi32, #tpu.memory_space<hbm>> -> memref<1x80x128xi32, #tpu.memory_space<hbm>>
      %dma_wait3A_708 = tpu.memref_squeeze %dma_wait3A_707 : memref<1x80x128xi32, #tpu.memory_space<hbm>> -> memref<80x128xi32, #tpu.memory_space<hbm>>
      tpu.wait_dma2 semaphore(%run_scoped3A : memref<!tpu.dma_semaphore, #tpu.memory_space<semaphore_mem>>) src(%dma_wait3A_708 : memref<80x128xi32, #tpu.memory_space<hbm>>) dst(%arg6 : memref<80x128xi32, #tpu.memory_space<vmem>>)
      tpu.yield
    }) : () -> ()
    %dma_start3A_31 = arith.constant 0 : i32
    %dma_start3A_32 = arith.constant 0 : i32
    %dma_start3A_33 = tpu.memref_slice %arg6[%dma_start3A_31, %dma_start3A_32] : memref<80x128xi32, #tpu.memory_space<vmem>> -> memref<1x128xi32, #tpu.memory_space<vmem>>
    %dma_start3A_34 = tpu.memref_squeeze %dma_start3A_33 : memref<1x128xi32, #tpu.memory_space<vmem>> -> memref<128xi32, #tpu.memory_space<vmem>>
    %dma_start3A_35 = arith.constant 0 : i32
    %dma_start3A_36 = arith.constant 0 : i32
    %dma_start3A_37 = tpu.memref_slice %arg2[%dma_start3A_35, %dma_start3A_36] : memref<10000x128xf32, #tpu.memory_space<hbm>> -> memref<10000x128xf32, #tpu.memory_space<hbm>>
    tpu.enqueue_indirect_dma source(%dma_start3A_37 : memref<10000x128xf32, #tpu.memory_space<hbm>>) target(%arg7 : memref<128x128xf32, #tpu.memory_space<vmem>>) offsets(%dma_start3A_34 : memref<128xi32, #tpu.memory_space<vmem>>) semaphore(%arg11 : memref<!tpu.dma_semaphore, #tpu.memory_space<semaphore_mem>>)
    %dma_start3A_38 = arith.constant 1 : i32
    %dma_start3A_39 = arith.constant 0 : i32
    %dma_start3A_40 = tpu.memref_slice %arg6[%dma_start3A_38, %dma_start3A_39] : memref<80x128xi32, #tpu.memory_space<vmem>> -> memref<1x128xi32, #tpu.memory_space<vmem>>
    %dma_start3A_41 = tpu.memref_squeeze %dma_start3A_40 : memref<1x128xi32, #tpu.memory_space<vmem>> -> memref<128xi32, #tpu.memory_space<vmem>>
    %dma_start3A_42 = arith.constant 0 : i32
    %dma_start3A_43 = arith.constant 0 : i32
    %dma_start3A_44 = tpu.memref_slice %arg2[%dma_start3A_42, %dma_start3A_43] : memref<10000x128xf32, #tpu.memory_space<hbm>> -> memref<10000x128xf32, #tpu.memory_space<hbm>>
    tpu.enqueue_indirect_dma source(%dma_start3A_44 : memref<10000x128xf32, #tpu.memory_space<hbm>>) target(%arg8 : memref<128x128xf32, #tpu.memory_space<vmem>>) offsets(%dma_start3A_41 : memref<128xi32, #tpu.memory_space<vmem>>) semaphore(%arg12 : memref<!tpu.dma_semaphore, #tpu.memory_space<semaphore_mem>>)
    %dma_wait3A = arith.constant 0 : i32
    %dma_wait3A_45 = arith.constant 0 : i32
    %dma_wait3A_46 = tpu.memref_slice %arg6[%dma_wait3A, %dma_wait3A_45] : memref<80x128xi32, #tpu.memory_space<vmem>> -> memref<1x128xi32, #tpu.memory_space<vmem>>
    %dma_wait3A_47 = tpu.memref_squeeze %dma_wait3A_46 : memref<1x128xi32, #tpu.memory_space<vmem>> -> memref<128xi32, #tpu.memory_space<vmem>>
    %dma_wait3A_48 = arith.constant 0 : i32
    %dma_wait3A_49 = arith.constant 0 : i32
    %dma_wait3A_50 = tpu.memref_slice %arg2[%dma_wait3A_48, %dma_wait3A_49] : memref<10000x128xf32, #tpu.memory_space<hbm>> -> memref<10000x128xf32, #tpu.memory_space<hbm>>
    tpu.wait_indirect_dma semaphore(%arg11 : memref<!tpu.dma_semaphore, #tpu.memory_space<semaphore_mem>>) src(%dma_wait3A_50 : memref<10000x128xf32, #tpu.memory_space<hbm>>) dst(%arg7 : memref<128x128xf32, #tpu.memory_space<vmem>>)
    %broadcast_in_dim3A = arith.constant 0.000000e+00 : f32
    %broadcast_in_dim3A_51 = vector.broadcast %broadcast_in_dim3A : f32 to vector<16xf32>
    %broadcast_in_dim3A_52 = arith.constant 0.000000e+00 : f32
    %broadcast_in_dim3A_53 = vector.broadcast %broadcast_in_dim3A_52 : f32 to vector<16xf32>
    %broadcast_in_dim3A_54 = arith.constant 0.000000e+00 : f32
    %broadcast_in_dim3A_55 = vector.broadcast %broadcast_in_dim3A_54 : f32 to vector<16xf32>
    %broadcast_in_dim3A_56 = arith.constant 0.000000e+00 : f32
    %broadcast_in_dim3A_57 = vector.broadcast %broadcast_in_dim3A_56 : f32 to vector<16xf32>
    %broadcast_in_dim3A_58 = arith.constant 0.000000e+00 : f32
    %broadcast_in_dim3A_59 = vector.broadcast %broadcast_in_dim3A_58 : f32 to vector<16xf32>
    %broadcast_in_dim3A_60 = arith.constant 0.000000e+00 : f32
    %broadcast_in_dim3A_61 = vector.broadcast %broadcast_in_dim3A_60 : f32 to vector<16xf32>
    %broadcast_in_dim3A_62 = arith.constant 0.000000e+00 : f32
    %broadcast_in_dim3A_63 = vector.broadcast %broadcast_in_dim3A_62 : f32 to vector<16xf32>
    %broadcast_in_dim3A_64 = arith.constant 0.000000e+00 : f32
    %broadcast_in_dim3A_65 = vector.broadcast %broadcast_in_dim3A_64 : f32 to vector<16xf32>
    %scan3A = arith.constant 0 : i32
    %scan3A_66 = arith.constant 32 : i32
    %scan3A_67 = arith.addi %scan3A, %scan3A_66 : i32
    %scan3A_68 = arith.constant 1 : i32
    %scan3A_69:8 = scf.for %scan3A_693 = %scan3A to %scan3A_67 step %scan3A_68 iter_args(%scan3A_694 = %broadcast_in_dim3A_51, %scan3A_695 = %broadcast_in_dim3A_53, %scan3A_696 = %broadcast_in_dim3A_55, %scan3A_697 = %broadcast_in_dim3A_57, %scan3A_698 = %broadcast_in_dim3A_59, %scan3A_699 = %broadcast_in_dim3A_61, %scan3A_700 = %broadcast_in_dim3A_63, %scan3A_701 = %broadcast_in_dim3A_65) -> (vector<16xf32>, vector<16xf32>, vector<16xf32>, vector<16xf32>, vector<16xf32>, vector<16xf32>, vector<16xf32>, vector<16xf32>)  : i32 {
      %add3A_702 = arith.constant 0 : i32
      %add3A_703 = arith.addi %add3A_702, %scan3A_693 : i32
      %get3A = arith.index_cast %add3A_703 : i32 to index
      %get3A_704 = arith.constant 0 : index
      %get3A_705 = tpu.vector_load %arg7[%get3A, %get3A_704] {strides = array<i32>} : memref<128x128xf32, #tpu.memory_space<vmem>>, vector<1x16xf32>,
      %get3A_706 = vector.shape_cast %get3A_705 : vector<1x16xf32> to vector<16xf32>
      %add3A_707 = arith.addf %scan3A_694, %get3A_706 : vector<16xf32>
      %add3A_708 = arith.constant 0 : i32
      %add3A_709 = arith.addi %add3A_708, %scan3A_693 : i32
      %get3A_710 = arith.index_cast %add3A_709 : i32 to index
      %get3A_711 = arith.constant 16 : index
      %get3A_712 = tpu.vector_load %arg7[%get3A_710, %get3A_711] {strides = array<i32>} : memref<128x128xf32, #tpu.memory_space<vmem>>, vector<1x16xf32>,
      %get3A_713 = vector.shape_cast %get3A_712 : vector<1x16xf32> to vector<16xf32>
      %add3A_714 = arith.addf %scan3A_695, %get3A_713 : vector<16xf32>
      %add3A_715 = arith.constant 0 : i32
      %add3A_716 = arith.addi %add3A_715, %scan3A_693 : i32
      %get3A_717 = arith.index_cast %add3A_716 : i32 to index
      %get3A_718 = arith.constant 32 : index
      %get3A_719 = tpu.vector_load %arg7[%get3A_717, %get3A_718] {strides = array<i32>} : memref<128x128xf32, #tpu.memory_space<vmem>>, vector<1x16xf32>,
      %get3A_720 = vector.shape_cast %get3A_719 : vector<1x16xf32> to vector<16xf32>
      %add3A_721 = arith.addf %scan3A_696, %get3A_720 : vector<16xf32>
      %add3A_722 = arith.constant 0 : i32
      %add3A_723 = arith.addi %add3A_722, %scan3A_693 : i32
      %get3A_724 = arith.index_cast %add3A_723 : i32 to index
      %get3A_725 = arith.constant 48 : index
      %get3A_726 = tpu.vector_load %arg7[%get3A_724, %get3A_725] {strides = array<i32>} : memref<128x128xf32, #tpu.memory_space<vmem>>, vector<1x16xf32>,
      %get3A_727 = vector.shape_cast %get3A_726 : vector<1x16xf32> to vector<16xf32>
      %add3A_728 = arith.addf %scan3A_697, %get3A_727 : vector<16xf32>
      %add3A_729 = arith.constant 0 : i32
      %add3A_730 = arith.addi %add3A_729, %scan3A_693 : i32
      %get3A_731 = arith.index_cast %add3A_730 : i32 to index
      %get3A_732 = arith.constant 64 : index
      %get3A_733 = tpu.vector_load %arg7[%get3A_731, %get3A_732] {strides = array<i32>} : memref<128x128xf32, #tpu.memory_space<vmem>>, vector<1x16xf32>,
      %get3A_734 = vector.shape_cast %get3A_733 : vector<1x16xf32> to vector<16xf32>
      %add3A_735 = arith.addf %scan3A_698, %get3A_734 : vector<16xf32>
      %add3A_736 = arith.constant 0 : i32
      %add3A_737 = arith.addi %add3A_736, %scan3A_693 : i32
      %get3A_738 = arith.index_cast %add3A_737 : i32 to index
      %get3A_739 = arith.constant 80 : index
      %get3A_740 = tpu.vector_load %arg7[%get3A_738, %get3A_739] {strides = array<i32>} : memref<128x128xf32, #tpu.memory_space<vmem>>, vector<1x16xf32>,
      %get3A_741 = vector.shape_cast %get3A_740 : vector<1x16xf32> to vector<16xf32>
      %add3A_742 = arith.addf %scan3A_699, %get3A_741 : vector<16xf32>
      %add3A_743 = arith.constant 0 : i32
      %add3A_744 = arith.addi %add3A_743, %scan3A_693 : i32
      %get3A_745 = arith.index_cast %add3A_744 : i32 to index
      %get3A_746 = arith.constant 96 : index
      %get3A_747 = tpu.vector_load %arg7[%get3A_745, %get3A_746] {strides = array<i32>} : memref<128x128xf32, #tpu.memory_space<vmem>>, vector<1x16xf32>,
      %get3A_748 = vector.shape_cast %get3A_747 : vector<1x16xf32> to vector<16xf32>
      %add3A_749 = arith.addf %scan3A_700, %get3A_748 : vector<16xf32>
      %add3A_750 = arith.constant 0 : i32
      %add3A_751 = arith.addi %add3A_750, %scan3A_693 : i32
      %get3A_752 = arith.index_cast %add3A_751 : i32 to index
      %get3A_753 = arith.constant 112 : index
      %get3A_754 = tpu.vector_load %arg7[%get3A_752, %get3A_753] {strides = array<i32>} : memref<128x128xf32, #tpu.memory_space<vmem>>, vector<1x16xf32>,
      %get3A_755 = vector.shape_cast %get3A_754 : vector<1x16xf32> to vector<16xf32>
      %add3A_756 = arith.addf %scan3A_701, %get3A_755 : vector<16xf32>
      scf.yield %add3A_707, %add3A_714, %add3A_721, %add3A_728, %add3A_735, %add3A_742, %add3A_749, %add3A_756 : vector<16xf32>, vector<16xf32>, vector<16xf32>, vector<16xf32>, vector<16xf32>, vector<16xf32>, vector<16xf32>, vector<16xf32>
    }
    %scan3A_70 = arith.constant 32 : i32
    %swap3A = arith.constant 0 : i32
    %swap3A_71 = arith.index_cast %swap3A : i32 to index
    %swap3A_72 = arith.constant 0 : index
    %swap3A_73 = tpu.vector_load %arg9[%swap3A_71, %swap3A_72] {strides = array<i32>} : memref<4x128xf32, #tpu.memory_space<vmem>>, vector<1x16xf32>,
    %swap3A_74 = vector.shape_cast %swap3A_73 : vector<1x16xf32> to vector<16xf32>
    %swap3A_75 = vector.shape_cast %scan3A_69#0 : vector<16xf32> to vector<1x16xf32>
    tpu.vector_store %arg9[%swap3A_71, %swap3A_72], %swap3A_75 {strides = array<i32>} : memref<4x128xf32, #tpu.memory_space<vmem>>, vector<1x16xf32>,
    %swap3A_76 = arith.constant 0 : i32
    %swap3A_77 = arith.index_cast %swap3A_76 : i32 to index
    %swap3A_78 = arith.constant 16 : index
    %swap3A_79 = tpu.vector_load %arg9[%swap3A_77, %swap3A_78] {strides = array<i32>} : memref<4x128xf32, #tpu.memory_space<vmem>>, vector<1x16xf32>,
    %swap3A_80 = vector.shape_cast %swap3A_79 : vector<1x16xf32> to vector<16xf32>
    %swap3A_81 = vector.shape_cast %scan3A_69#1 : vector<16xf32> to vector<1x16xf32>
    tpu.vector_store %arg9[%swap3A_77, %swap3A_78], %swap3A_81 {strides = array<i32>} : memref<4x128xf32, #tpu.memory_space<vmem>>, vector<1x16xf32>,
    %swap3A_82 = arith.constant 0 : i32
    %swap3A_83 = arith.index_cast %swap3A_82 : i32 to index
    %swap3A_84 = arith.constant 32 : index
    %swap3A_85 = tpu.vector_load %arg9[%swap3A_83, %swap3A_84] {strides = array<i32>} : memref<4x128xf32, #tpu.memory_space<vmem>>, vector<1x16xf32>,
    %swap3A_86 = vector.shape_cast %swap3A_85 : vector<1x16xf32> to vector<16xf32>
    %swap3A_87 = vector.shape_cast %scan3A_69#2 : vector<16xf32> to vector<1x16xf32>
    tpu.vector_store %arg9[%swap3A_83, %swap3A_84], %swap3A_87 {strides = array<i32>} : memref<4x128xf32, #tpu.memory_space<vmem>>, vector<1x16xf32>,
    %swap3A_88 = arith.constant 0 : i32
    %swap3A_89 = arith.index_cast %swap3A_88 : i32 to index
    %swap3A_90 = arith.constant 48 : index
    %swap3A_91 = tpu.vector_load %arg9[%swap3A_89, %swap3A_90] {strides = array<i32>} : memref<4x128xf32, #tpu.memory_space<vmem>>, vector<1x16xf32>,
    %swap3A_92 = vector.shape_cast %swap3A_91 : vector<1x16xf32> to vector<16xf32>
    %swap3A_93 = vector.shape_cast %scan3A_69#3 : vector<16xf32> to vector<1x16xf32>
    tpu.vector_store %arg9[%swap3A_89, %swap3A_90], %swap3A_93 {strides = array<i32>} : memref<4x128xf32, #tpu.memory_space<vmem>>, vector<1x16xf32>,
    %swap3A_94 = arith.constant 0 : i32
    %swap3A_95 = arith.index_cast %swap3A_94 : i32 to index
    %swap3A_96 = arith.constant 64 : index
    %swap3A_97 = tpu.vector_load %arg9[%swap3A_95, %swap3A_96] {strides = array<i32>} : memref<4x128xf32, #tpu.memory_space<vmem>>, vector<1x16xf32>,
    %swap3A_98 = vector.shape_cast %swap3A_97 : vector<1x16xf32> to vector<16xf32>
    %swap3A_99 = vector.shape_cast %scan3A_69#4 : vector<16xf32> to vector<1x16xf32>
    tpu.vector_store %arg9[%swap3A_95, %swap3A_96], %swap3A_99 {strides = array<i32>} : memref<4x128xf32, #tpu.memory_space<vmem>>, vector<1x16xf32>,
    %swap3A_100 = arith.constant 0 : i32
    %swap3A_101 = arith.index_cast %swap3A_100 : i32 to index
    %swap3A_102 = arith.constant 80 : index
    %swap3A_103 = tpu.vector_load %arg9[%swap3A_101, %swap3A_102] {strides = array<i32>} : memref<4x128xf32, #tpu.memory_space<vmem>>, vector<1x16xf32>,
    %swap3A_104 = vector.shape_cast %swap3A_103 : vector<1x16xf32> to vector<16xf32>
    %swap3A_105 = vector.shape_cast %scan3A_69#5 : vector<16xf32> to vector<1x16xf32>
    tpu.vector_store %arg9[%swap3A_101, %swap3A_102], %swap3A_105 {strides = array<i32>} : memref<4x128xf32, #tpu.memory_space<vmem>>, vector<1x16xf32>,
    %swap3A_106 = arith.constant 0 : i32
    %swap3A_107 = arith.index_cast %swap3A_106 : i32 to index
    %swap3A_108 = arith.constant 96 : index
    %swap3A_109 = tpu.vector_load %arg9[%swap3A_107, %swap3A_108] {strides = array<i32>} : memref<4x128xf32, #tpu.memory_space<vmem>>, vector<1x16xf32>,
    %swap3A_110 = vector.shape_cast %swap3A_109 : vector<1x16xf32> to vector<16xf32>
    %swap3A_111 = vector.shape_cast %scan3A_69#6 : vector<16xf32> to vector<1x16xf32>
    tpu.vector_store %arg9[%swap3A_107, %swap3A_108], %swap3A_111 {strides = array<i32>} : memref<4x128xf32, #tpu.memory_space<vmem>>, vector<1x16xf32>,
    %swap3A_112 = arith.constant 0 : i32
    %swap3A_113 = arith.index_cast %swap3A_112 : i32 to index
    %swap3A_114 = arith.constant 112 : index
    %swap3A_115 = tpu.vector_load %arg9[%swap3A_113, %swap3A_114] {strides = array<i32>} : memref<4x128xf32, #tpu.memory_space<vmem>>, vector<1x16xf32>,
    %swap3A_116 = vector.shape_cast %swap3A_115 : vector<1x16xf32> to vector<16xf32>
    %swap3A_117 = vector.shape_cast %scan3A_69#7 : vector<16xf32> to vector<1x16xf32>
    tpu.vector_store %arg9[%swap3A_113, %swap3A_114], %swap3A_117 {strides = array<i32>} : memref<4x128xf32, #tpu.memory_space<vmem>>, vector<1x16xf32>,
    %broadcast_in_dim3A_118 = arith.constant 0.000000e+00 : f32
    %broadcast_in_dim3A_119 = vector.broadcast %broadcast_in_dim3A_118 : f32 to vector<16xf32>
    %broadcast_in_dim3A_120 = arith.constant 0.000000e+00 : f32
    %broadcast_in_dim3A_121 = vector.broadcast %broadcast_in_dim3A_120 : f32 to vector<16xf32>
    %broadcast_in_dim3A_122 = arith.constant 0.000000e+00 : f32
    %broadcast_in_dim3A_123 = vector.broadcast %broadcast_in_dim3A_122 : f32 to vector<16xf32>
    %broadcast_in_dim3A_124 = arith.constant 0.000000e+00 : f32
    %broadcast_in_dim3A_125 = vector.broadcast %broadcast_in_dim3A_124 : f32 to vector<16xf32>
    %broadcast_in_dim3A_126 = arith.constant 0.000000e+00 : f32
    %broadcast_in_dim3A_127 = vector.broadcast %broadcast_in_dim3A_126 : f32 to vector<16xf32>
    %broadcast_in_dim3A_128 = arith.constant 0.000000e+00 : f32
    %broadcast_in_dim3A_129 = vector.broadcast %broadcast_in_dim3A_128 : f32 to vector<16xf32>
    %broadcast_in_dim3A_130 = arith.constant 0.000000e+00 : f32
    %broadcast_in_dim3A_131 = vector.broadcast %broadcast_in_dim3A_130 : f32 to vector<16xf32>
    %broadcast_in_dim3A_132 = arith.constant 0.000000e+00 : f32
    %broadcast_in_dim3A_133 = vector.broadcast %broadcast_in_dim3A_132 : f32 to vector<16xf32>
    %scan3A_134 = arith.constant 0 : i32
    %scan3A_135 = arith.constant 32 : i32
    %scan3A_136 = arith.addi %scan3A_134, %scan3A_135 : i32
    %scan3A_137 = arith.constant 1 : i32
    %scan3A_138:8 = scf.for %scan3A_693 = %scan3A_134 to %scan3A_136 step %scan3A_137 iter_args(%scan3A_694 = %broadcast_in_dim3A_119, %scan3A_695 = %broadcast_in_dim3A_121, %scan3A_696 = %broadcast_in_dim3A_123, %scan3A_697 = %broadcast_in_dim3A_125, %scan3A_698 = %broadcast_in_dim3A_127, %scan3A_699 = %broadcast_in_dim3A_129, %scan3A_700 = %broadcast_in_dim3A_131, %scan3A_701 = %broadcast_in_dim3A_133) -> (vector<16xf32>, vector<16xf32>, vector<16xf32>, vector<16xf32>, vector<16xf32>, vector<16xf32>, vector<16xf32>, vector<16xf32>)  : i32 {
      %add3A_702 = arith.constant 32 : i32
      %add3A_703 = arith.addi %add3A_702, %scan3A_693 : i32
      %get3A = arith.index_cast %add3A_703 : i32 to index
      %get3A_704 = arith.constant 0 : index
      %get3A_705 = tpu.vector_load %arg7[%get3A, %get3A_704] {strides = array<i32>} : memref<128x128xf32, #tpu.memory_space<vmem>>, vector<1x16xf32>,
      %get3A_706 = vector.shape_cast %get3A_705 : vector<1x16xf32> to vector<16xf32>
      %add3A_707 = arith.addf %scan3A_694, %get3A_706 : vector<16xf32>
      %add3A_708 = arith.constant 32 : i32
      %add3A_709 = arith.addi %add3A_708, %scan3A_693 : i32
      %get3A_710 = arith.index_cast %add3A_709 : i32 to index
      %get3A_711 = arith.constant 16 : index
      %get3A_712 = tpu.vector_load %arg7[%get3A_710, %get3A_711] {strides = array<i32>} : memref<128x128xf32, #tpu.memory_space<vmem>>, vector<1x16xf32>,
      %get3A_713 = vector.shape_cast %get3A_712 : vector<1x16xf32> to vector<16xf32>
      %add3A_714 = arith.addf %scan3A_695, %get3A_713 : vector<16xf32>
      %add3A_715 = arith.constant 32 : i32
      %add3A_716 = arith.addi %add3A_715, %scan3A_693 : i32
      %get3A_717 = arith.index_cast %add3A_716 : i32 to index
      %get3A_718 = arith.constant 32 : index
      %get3A_719 = tpu.vector_load %arg7[%get3A_717, %get3A_718] {strides = array<i32>} : memref<128x128xf32, #tpu.memory_space<vmem>>, vector<1x16xf32>,
      %get3A_720 = vector.shape_cast %get3A_719 : vector<1x16xf32> to vector<16xf32>
      %add3A_721 = arith.addf %scan3A_696, %get3A_720 : vector<16xf32>
      %add3A_722 = arith.constant 32 : i32
      %add3A_723 = arith.addi %add3A_722, %scan3A_693 : i32
      %get3A_724 = arith.index_cast %add3A_723 : i32 to index
      %get3A_725 = arith.constant 48 : index
      %get3A_726 = tpu.vector_load %arg7[%get3A_724, %get3A_725] {strides = array<i32>} : memref<128x128xf32, #tpu.memory_space<vmem>>, vector<1x16xf32>,
      %get3A_727 = vector.shape_cast %get3A_726 : vector<1x16xf32> to vector<16xf32>
      %add3A_728 = arith.addf %scan3A_697, %get3A_727 : vector<16xf32>
      %add3A_729 = arith.constant 32 : i32
      %add3A_730 = arith.addi %add3A_729, %scan3A_693 : i32
      %get3A_731 = arith.index_cast %add3A_730 : i32 to index
      %get3A_732 = arith.constant 64 : index
      %get3A_733 = tpu.vector_load %arg7[%get3A_731, %get3A_732] {strides = array<i32>} : memref<128x128xf32, #tpu.memory_space<vmem>>, vector<1x16xf32>,
      %get3A_734 = vector.shape_cast %get3A_733 : vector<1x16xf32> to vector<16xf32>
      %add3A_735 = arith.addf %scan3A_698, %get3A_734 : vector<16xf32>
      %add3A_736 = arith.constant 32 : i32
      %add3A_737 = arith.addi %add3A_736, %scan3A_693 : i32
      %get3A_738 = arith.index_cast %add3A_737 : i32 to index
      %get3A_739 = arith.constant 80 : index
      %get3A_740 = tpu.vector_load %arg7[%get3A_738, %get3A_739] {strides = array<i32>} : memref<128x128xf32, #tpu.memory_space<vmem>>, vector<1x16xf32>,
      %get3A_741 = vector.shape_cast %get3A_740 : vector<1x16xf32> to vector<16xf32>
      %add3A_742 = arith.addf %scan3A_699, %get3A_741 : vector<16xf32>
      %add3A_743 = arith.constant 32 : i32
      %add3A_744 = arith.addi %add3A_743, %scan3A_693 : i32
      %get3A_745 = arith.index_cast %add3A_744 : i32 to index
      %get3A_746 = arith.constant 96 : index
      %get3A_747 = tpu.vector_load %arg7[%get3A_745, %get3A_746] {strides = array<i32>} : memref<128x128xf32, #tpu.memory_space<vmem>>, vector<1x16xf32>,
      %get3A_748 = vector.shape_cast %get3A_747 : vector<1x16xf32> to vector<16xf32>
      %add3A_749 = arith.addf %scan3A_700, %get3A_748 : vector<16xf32>
      %add3A_750 = arith.constant 32 : i32
      %add3A_751 = arith.addi %add3A_750, %scan3A_693 : i32
      %get3A_752 = arith.index_cast %add3A_751 : i32 to index
      %get3A_753 = arith.constant 112 : index
      %get3A_754 = tpu.vector_load %arg7[%get3A_752, %get3A_753] {strides = array<i32>} : memref<128x128xf32, #tpu.memory_space<vmem>>, vector<1x16xf32>,
      %get3A_755 = vector.shape_cast %get3A_754 : vector<1x16xf32> to vector<16xf32>
      %add3A_756 = arith.addf %scan3A_701, %get3A_755 : vector<16xf32>
      scf.yield %add3A_707, %add3A_714, %add3A_721, %add3A_728, %add3A_735, %add3A_742, %add3A_749, %add3A_756 : vector<16xf32>, vector<16xf32>, vector<16xf32>, vector<16xf32>, vector<16xf32>, vector<16xf32>, vector<16xf32>, vector<16xf32>
    }
    %scan3A_139 = arith.constant 32 : i32
    %swap3A_140 = arith.constant 1 : i32
    %swap3A_141 = arith.index_cast %swap3A_140 : i32 to index
    %swap3A_142 = arith.constant 0 : index
    %swap3A_143 = tpu.vector_load %arg9[%swap3A_141, %swap3A_142] {strides = array<i32>} : memref<4x128xf32, #tpu.memory_space<vmem>>, vector<1x16xf32>,
    %swap3A_144 = vector.shape_cast %swap3A_143 : vector<1x16xf32> to vector<16xf32>
    %swap3A_145 = vector.shape_cast %scan3A_138#0 : vector<16xf32> to vector<1x16xf32>
    tpu.vector_store %arg9[%swap3A_141, %swap3A_142], %swap3A_145 {strides = array<i32>} : memref<4x128xf32, #tpu.memory_space<vmem>>, vector<1x16xf32>,
    %swap3A_146 = arith.constant 1 : i32
    %swap3A_147 = arith.index_cast %swap3A_146 : i32 to index
    %swap3A_148 = arith.constant 16 : index
    %swap3A_149 = tpu.vector_load %arg9[%swap3A_147, %swap3A_148] {strides = array<i32>} : memref<4x128xf32, #tpu.memory_space<vmem>>, vector<1x16xf32>,
    %swap3A_150 = vector.shape_cast %swap3A_149 : vector<1x16xf32> to vector<16xf32>
    %swap3A_151 = vector.shape_cast %scan3A_138#1 : vector<16xf32> to vector<1x16xf32>
    tpu.vector_store %arg9[%swap3A_147, %swap3A_148], %swap3A_151 {strides = array<i32>} : memref<4x128xf32, #tpu.memory_space<vmem>>, vector<1x16xf32>,
    %swap3A_152 = arith.constant 1 : i32
    %swap3A_153 = arith.index_cast %swap3A_152 : i32 to index
    %swap3A_154 = arith.constant 32 : index
    %swap3A_155 = tpu.vector_load %arg9[%swap3A_153, %swap3A_154] {strides = array<i32>} : memref<4x128xf32, #tpu.memory_space<vmem>>, vector<1x16xf32>,
    %swap3A_156 = vector.shape_cast %swap3A_155 : vector<1x16xf32> to vector<16xf32>
    %swap3A_157 = vector.shape_cast %scan3A_138#2 : vector<16xf32> to vector<1x16xf32>
    tpu.vector_store %arg9[%swap3A_153, %swap3A_154], %swap3A_157 {strides = array<i32>} : memref<4x128xf32, #tpu.memory_space<vmem>>, vector<1x16xf32>,
    %swap3A_158 = arith.constant 1 : i32
    %swap3A_159 = arith.index_cast %swap3A_158 : i32 to index
    %swap3A_160 = arith.constant 48 : index
    %swap3A_161 = tpu.vector_load %arg9[%swap3A_159, %swap3A_160] {strides = array<i32>} : memref<4x128xf32, #tpu.memory_space<vmem>>, vector<1x16xf32>,
    %swap3A_162 = vector.shape_cast %swap3A_161 : vector<1x16xf32> to vector<16xf32>
    %swap3A_163 = vector.shape_cast %scan3A_138#3 : vector<16xf32> to vector<1x16xf32>
    tpu.vector_store %arg9[%swap3A_159, %swap3A_160], %swap3A_163 {strides = array<i32>} : memref<4x128xf32, #tpu.memory_space<vmem>>, vector<1x16xf32>,
    %swap3A_164 = arith.constant 1 : i32
    %swap3A_165 = arith.index_cast %swap3A_164 : i32 to index
    %swap3A_166 = arith.constant 64 : index
    %swap3A_167 = tpu.vector_load %arg9[%swap3A_165, %swap3A_166] {strides = array<i32>} : memref<4x128xf32, #tpu.memory_space<vmem>>, vector<1x16xf32>,
    %swap3A_168 = vector.shape_cast %swap3A_167 : vector<1x16xf32> to vector<16xf32>
    %swap3A_169 = vector.shape_cast %scan3A_138#4 : vector<16xf32> to vector<1x16xf32>
    tpu.vector_store %arg9[%swap3A_165, %swap3A_166], %swap3A_169 {strides = array<i32>} : memref<4x128xf32, #tpu.memory_space<vmem>>, vector<1x16xf32>,
    %swap3A_170 = arith.constant 1 : i32
    %swap3A_171 = arith.index_cast %swap3A_170 : i32 to index
    %swap3A_172 = arith.constant 80 : index
    %swap3A_173 = tpu.vector_load %arg9[%swap3A_171, %swap3A_172] {strides = array<i32>} : memref<4x128xf32, #tpu.memory_space<vmem>>, vector<1x16xf32>,
    %swap3A_174 = vector.shape_cast %swap3A_173 : vector<1x16xf32> to vector<16xf32>
    %swap3A_175 = vector.shape_cast %scan3A_138#5 : vector<16xf32> to vector<1x16xf32>
    tpu.vector_store %arg9[%swap3A_171, %swap3A_172], %swap3A_175 {strides = array<i32>} : memref<4x128xf32, #tpu.memory_space<vmem>>, vector<1x16xf32>,
    %swap3A_176 = arith.constant 1 : i32
    %swap3A_177 = arith.index_cast %swap3A_176 : i32 to index
    %swap3A_178 = arith.constant 96 : index
    %swap3A_179 = tpu.vector_load %arg9[%swap3A_177, %swap3A_178] {strides = array<i32>} : memref<4x128xf32, #tpu.memory_space<vmem>>, vector<1x16xf32>,
    %swap3A_180 = vector.shape_cast %swap3A_179 : vector<1x16xf32> to vector<16xf32>
    %swap3A_181 = vector.shape_cast %scan3A_138#6 : vector<16xf32> to vector<1x16xf32>
    tpu.vector_store %arg9[%swap3A_177, %swap3A_178], %swap3A_181 {strides = array<i32>} : memref<4x128xf32, #tpu.memory_space<vmem>>, vector<1x16xf32>,
    %swap3A_182 = arith.constant 1 : i32
    %swap3A_183 = arith.index_cast %swap3A_182 : i32 to index
    %swap3A_184 = arith.constant 112 : index
    %swap3A_185 = tpu.vector_load %arg9[%swap3A_183, %swap3A_184] {strides = array<i32>} : memref<4x128xf32, #tpu.memory_space<vmem>>, vector<1x16xf32>,
    %swap3A_186 = vector.shape_cast %swap3A_185 : vector<1x16xf32> to vector<16xf32>
    %swap3A_187 = vector.shape_cast %scan3A_138#7 : vector<16xf32> to vector<1x16xf32>
    tpu.vector_store %arg9[%swap3A_183, %swap3A_184], %swap3A_187 {strides = array<i32>} : memref<4x128xf32, #tpu.memory_space<vmem>>, vector<1x16xf32>,
    %broadcast_in_dim3A_188 = arith.constant 0.000000e+00 : f32
    %broadcast_in_dim3A_189 = vector.broadcast %broadcast_in_dim3A_188 : f32 to vector<16xf32>
    %broadcast_in_dim3A_190 = arith.constant 0.000000e+00 : f32
    %broadcast_in_dim3A_191 = vector.broadcast %broadcast_in_dim3A_190 : f32 to vector<16xf32>
    %broadcast_in_dim3A_192 = arith.constant 0.000000e+00 : f32
    %broadcast_in_dim3A_193 = vector.broadcast %broadcast_in_dim3A_192 : f32 to vector<16xf32>
    %broadcast_in_dim3A_194 = arith.constant 0.000000e+00 : f32
    %broadcast_in_dim3A_195 = vector.broadcast %broadcast_in_dim3A_194 : f32 to vector<16xf32>
    %broadcast_in_dim3A_196 = arith.constant 0.000000e+00 : f32
    %broadcast_in_dim3A_197 = vector.broadcast %broadcast_in_dim3A_196 : f32 to vector<16xf32>
    %broadcast_in_dim3A_198 = arith.constant 0.000000e+00 : f32
    %broadcast_in_dim3A_199 = vector.broadcast %broadcast_in_dim3A_198 : f32 to vector<16xf32>
    %broadcast_in_dim3A_200 = arith.constant 0.000000e+00 : f32
    %broadcast_in_dim3A_201 = vector.broadcast %broadcast_in_dim3A_200 : f32 to vector<16xf32>
    %broadcast_in_dim3A_202 = arith.constant 0.000000e+00 : f32
    %broadcast_in_dim3A_203 = vector.broadcast %broadcast_in_dim3A_202 : f32 to vector<16xf32>
    %scan3A_204 = arith.constant 0 : i32
    %scan3A_205 = arith.constant 32 : i32
    %scan3A_206 = arith.addi %scan3A_204, %scan3A_205 : i32
    %scan3A_207 = arith.constant 1 : i32
    %scan3A_208:8 = scf.for %scan3A_693 = %scan3A_204 to %scan3A_206 step %scan3A_207 iter_args(%scan3A_694 = %broadcast_in_dim3A_189, %scan3A_695 = %broadcast_in_dim3A_191, %scan3A_696 = %broadcast_in_dim3A_193, %scan3A_697 = %broadcast_in_dim3A_195, %scan3A_698 = %broadcast_in_dim3A_197, %scan3A_699 = %broadcast_in_dim3A_199, %scan3A_700 = %broadcast_in_dim3A_201, %scan3A_701 = %broadcast_in_dim3A_203) -> (vector<16xf32>, vector<16xf32>, vector<16xf32>, vector<16xf32>, vector<16xf32>, vector<16xf32>, vector<16xf32>, vector<16xf32>)  : i32 {
      %add3A_702 = arith.constant 64 : i32
      %add3A_703 = arith.addi %add3A_702, %scan3A_693 : i32
      %get3A = arith.index_cast %add3A_703 : i32 to index
      %get3A_704 = arith.constant 0 : index
      %get3A_705 = tpu.vector_load %arg7[%get3A, %get3A_704] {strides = array<i32>} : memref<128x128xf32, #tpu.memory_space<vmem>>, vector<1x16xf32>,
      %get3A_706 = vector.shape_cast %get3A_705 : vector<1x16xf32> to vector<16xf32>
      %add3A_707 = arith.addf %scan3A_694, %get3A_706 : vector<16xf32>
      %add3A_708 = arith.constant 64 : i32
      %add3A_709 = arith.addi %add3A_708, %scan3A_693 : i32
      %get3A_710 = arith.index_cast %add3A_709 : i32 to index
      %get3A_711 = arith.constant 16 : index
      %get3A_712 = tpu.vector_load %arg7[%get3A_710, %get3A_711] {strides = array<i32>} : memref<128x128xf32, #tpu.memory_space<vmem>>, vector<1x16xf32>,
      %get3A_713 = vector.shape_cast %get3A_712 : vector<1x16xf32> to vector<16xf32>
      %add3A_714 = arith.addf %scan3A_695, %get3A_713 : vector<16xf32>
      %add3A_715 = arith.constant 64 : i32
      %add3A_716 = arith.addi %add3A_715, %scan3A_693 : i32
      %get3A_717 = arith.index_cast %add3A_716 : i32 to index
      %get3A_718 = arith.constant 32 : index
      %get3A_719 = tpu.vector_load %arg7[%get3A_717, %get3A_718] {strides = array<i32>} : memref<128x128xf32, #tpu.memory_space<vmem>>, vector<1x16xf32>,
      %get3A_720 = vector.shape_cast %get3A_719 : vector<1x16xf32> to vector<16xf32>
      %add3A_721 = arith.addf %scan3A_696, %get3A_720 : vector<16xf32>
      %add3A_722 = arith.constant 64 : i32
      %add3A_723 = arith.addi %add3A_722, %scan3A_693 : i32
      %get3A_724 = arith.index_cast %add3A_723 : i32 to index
      %get3A_725 = arith.constant 48 : index
      %get3A_726 = tpu.vector_load %arg7[%get3A_724, %get3A_725] {strides = array<i32>} : memref<128x128xf32, #tpu.memory_space<vmem>>, vector<1x16xf32>,
      %get3A_727 = vector.shape_cast %get3A_726 : vector<1x16xf32> to vector<16xf32>
      %add3A_728 = arith.addf %scan3A_697, %get3A_727 : vector<16xf32>
      %add3A_729 = arith.constant 64 : i32
      %add3A_730 = arith.addi %add3A_729, %scan3A_693 : i32
      %get3A_731 = arith.index_cast %add3A_730 : i32 to index
      %get3A_732 = arith.constant 64 : index
      %get3A_733 = tpu.vector_load %arg7[%get3A_731, %get3A_732] {strides = array<i32>} : memref<128x128xf32, #tpu.memory_space<vmem>>, vector<1x16xf32>,
      %get3A_734 = vector.shape_cast %get3A_733 : vector<1x16xf32> to vector<16xf32>
      %add3A_735 = arith.addf %scan3A_698, %get3A_734 : vector<16xf32>
      %add3A_736 = arith.constant 64 : i32
      %add3A_737 = arith.addi %add3A_736, %scan3A_693 : i32
      %get3A_738 = arith.index_cast %add3A_737 : i32 to index
      %get3A_739 = arith.constant 80 : index
      %get3A_740 = tpu.vector_load %arg7[%get3A_738, %get3A_739] {strides = array<i32>} : memref<128x128xf32, #tpu.memory_space<vmem>>, vector<1x16xf32>,
      %get3A_741 = vector.shape_cast %get3A_740 : vector<1x16xf32> to vector<16xf32>
      %add3A_742 = arith.addf %scan3A_699, %get3A_741 : vector<16xf32>
      %add3A_743 = arith.constant 64 : i32
      %add3A_744 = arith.addi %add3A_743, %scan3A_693 : i32
      %get3A_745 = arith.index_cast %add3A_744 : i32 to index
      %get3A_746 = arith.constant 96 : index
      %get3A_747 = tpu.vector_load %arg7[%get3A_745, %get3A_746] {strides = array<i32>} : memref<128x128xf32, #tpu.memory_space<vmem>>, vector<1x16xf32>,
      %get3A_748 = vector.shape_cast %get3A_747 : vector<1x16xf32> to vector<16xf32>
      %add3A_749 = arith.addf %scan3A_700, %get3A_748 : vector<16xf32>
      %add3A_750 = arith.constant 64 : i32
      %add3A_751 = arith.addi %add3A_750, %scan3A_693 : i32
      %get3A_752 = arith.index_cast %add3A_751 : i32 to index
      %get3A_753 = arith.constant 112 : index
      %get3A_754 = tpu.vector_load %arg7[%get3A_752, %get3A_753] {strides = array<i32>} : memref<128x128xf32, #tpu.memory_space<vmem>>, vector<1x16xf32>,
      %get3A_755 = vector.shape_cast %get3A_754 : vector<1x16xf32> to vector<16xf32>
      %add3A_756 = arith.addf %scan3A_701, %get3A_755 : vector<16xf32>
      scf.yield %add3A_707, %add3A_714, %add3A_721, %add3A_728, %add3A_735, %add3A_742, %add3A_749, %add3A_756 : vector<16xf32>, vector<16xf32>, vector<16xf32>, vector<16xf32>, vector<16xf32>, vector<16xf32>, vector<16xf32>, vector<16xf32>
    }
    %scan3A_209 = arith.constant 32 : i32
    %swap3A_210 = arith.constant 2 : i32
    %swap3A_211 = arith.index_cast %swap3A_210 : i32 to index
    %swap3A_212 = arith.constant 0 : index
    %swap3A_213 = tpu.vector_load %arg9[%swap3A_211, %swap3A_212] {strides = array<i32>} : memref<4x128xf32, #tpu.memory_space<vmem>>, vector<1x16xf32>,
    %swap3A_214 = vector.shape_cast %swap3A_213 : vector<1x16xf32> to vector<16xf32>
    %swap3A_215 = vector.shape_cast %scan3A_208#0 : vector<16xf32> to vector<1x16xf32>
    tpu.vector_store %arg9[%swap3A_211, %swap3A_212], %swap3A_215 {strides = array<i32>} : memref<4x128xf32, #tpu.memory_space<vmem>>, vector<1x16xf32>,
    %swap3A_216 = arith.constant 2 : i32
    %swap3A_217 = arith.index_cast %swap3A_216 : i32 to index
    %swap3A_218 = arith.constant 16 : index
    %swap3A_219 = tpu.vector_load %arg9[%swap3A_217, %swap3A_218] {strides = array<i32>} : memref<4x128xf32, #tpu.memory_space<vmem>>, vector<1x16xf32>,
    %swap3A_220 = vector.shape_cast %swap3A_219 : vector<1x16xf32> to vector<16xf32>
    %swap3A_221 = vector.shape_cast %scan3A_208#1 : vector<16xf32> to vector<1x16xf32>
    tpu.vector_store %arg9[%swap3A_217, %swap3A_218], %swap3A_221 {strides = array<i32>} : memref<4x128xf32, #tpu.memory_space<vmem>>, vector<1x16xf32>,
    %swap3A_222 = arith.constant 2 : i32
    %swap3A_223 = arith.index_cast %swap3A_222 : i32 to index
    %swap3A_224 = arith.constant 32 : index
    %swap3A_225 = tpu.vector_load %arg9[%swap3A_223, %swap3A_224] {strides = array<i32>} : memref<4x128xf32, #tpu.memory_space<vmem>>, vector<1x16xf32>,
    %swap3A_226 = vector.shape_cast %swap3A_225 : vector<1x16xf32> to vector<16xf32>
    %swap3A_227 = vector.shape_cast %scan3A_208#2 : vector<16xf32> to vector<1x16xf32>
    tpu.vector_store %arg9[%swap3A_223, %swap3A_224], %swap3A_227 {strides = array<i32>} : memref<4x128xf32, #tpu.memory_space<vmem>>, vector<1x16xf32>,
    %swap3A_228 = arith.constant 2 : i32
    %swap3A_229 = arith.index_cast %swap3A_228 : i32 to index
    %swap3A_230 = arith.constant 48 : index
    %swap3A_231 = tpu.vector_load %arg9[%swap3A_229, %swap3A_230] {strides = array<i32>} : memref<4x128xf32, #tpu.memory_space<vmem>>, vector<1x16xf32>,
    %swap3A_232 = vector.shape_cast %swap3A_231 : vector<1x16xf32> to vector<16xf32>
    %swap3A_233 = vector.shape_cast %scan3A_208#3 : vector<16xf32> to vector<1x16xf32>
    tpu.vector_store %arg9[%swap3A_229, %swap3A_230], %swap3A_233 {strides = array<i32>} : memref<4x128xf32, #tpu.memory_space<vmem>>, vector<1x16xf32>,
    %swap3A_234 = arith.constant 2 : i32
    %swap3A_235 = arith.index_cast %swap3A_234 : i32 to index
    %swap3A_236 = arith.constant 64 : index
    %swap3A_237 = tpu.vector_load %arg9[%swap3A_235, %swap3A_236] {strides = array<i32>} : memref<4x128xf32, #tpu.memory_space<vmem>>, vector<1x16xf32>,
    %swap3A_238 = vector.shape_cast %swap3A_237 : vector<1x16xf32> to vector<16xf32>
    %swap3A_239 = vector.shape_cast %scan3A_208#4 : vector<16xf32> to vector<1x16xf32>
    tpu.vector_store %arg9[%swap3A_235, %swap3A_236], %swap3A_239 {strides = array<i32>} : memref<4x128xf32, #tpu.memory_space<vmem>>, vector<1x16xf32>,
    %swap3A_240 = arith.constant 2 : i32
    %swap3A_241 = arith.index_cast %swap3A_240 : i32 to index
    %swap3A_242 = arith.constant 80 : index
    %swap3A_243 = tpu.vector_load %arg9[%swap3A_241, %swap3A_242] {strides = array<i32>} : memref<4x128xf32, #tpu.memory_space<vmem>>, vector<1x16xf32>,
    %swap3A_244 = vector.shape_cast %swap3A_243 : vector<1x16xf32> to vector<16xf32>
    %swap3A_245 = vector.shape_cast %scan3A_208#5 : vector<16xf32> to vector<1x16xf32>
    tpu.vector_store %arg9[%swap3A_241, %swap3A_242], %swap3A_245 {strides = array<i32>} : memref<4x128xf32, #tpu.memory_space<vmem>>, vector<1x16xf32>,
    %swap3A_246 = arith.constant 2 : i32
    %swap3A_247 = arith.index_cast %swap3A_246 : i32 to index
    %swap3A_248 = arith.constant 96 : index
    %swap3A_249 = tpu.vector_load %arg9[%swap3A_247, %swap3A_248] {strides = array<i32>} : memref<4x128xf32, #tpu.memory_space<vmem>>, vector<1x16xf32>,
    %swap3A_250 = vector.shape_cast %swap3A_249 : vector<1x16xf32> to vector<16xf32>
    %swap3A_251 = vector.shape_cast %scan3A_208#6 : vector<16xf32> to vector<1x16xf32>
    tpu.vector_store %arg9[%swap3A_247, %swap3A_248], %swap3A_251 {strides = array<i32>} : memref<4x128xf32, #tpu.memory_space<vmem>>, vector<1x16xf32>,
    %swap3A_252 = arith.constant 2 : i32
    %swap3A_253 = arith.index_cast %swap3A_252 : i32 to index
    %swap3A_254 = arith.constant 112 : index
    %swap3A_255 = tpu.vector_load %arg9[%swap3A_253, %swap3A_254] {strides = array<i32>} : memref<4x128xf32, #tpu.memory_space<vmem>>, vector<1x16xf32>,
    %swap3A_256 = vector.shape_cast %swap3A_255 : vector<1x16xf32> to vector<16xf32>
    %swap3A_257 = vector.shape_cast %scan3A_208#7 : vector<16xf32> to vector<1x16xf32>
    tpu.vector_store %arg9[%swap3A_253, %swap3A_254], %swap3A_257 {strides = array<i32>} : memref<4x128xf32, #tpu.memory_space<vmem>>, vector<1x16xf32>,
    %broadcast_in_dim3A_258 = arith.constant 0.000000e+00 : f32
    %broadcast_in_dim3A_259 = vector.broadcast %broadcast_in_dim3A_258 : f32 to vector<16xf32>
    %broadcast_in_dim3A_260 = arith.constant 0.000000e+00 : f32
    %broadcast_in_dim3A_261 = vector.broadcast %broadcast_in_dim3A_260 : f32 to vector<16xf32>
    %broadcast_in_dim3A_262 = arith.constant 0.000000e+00 : f32
    %broadcast_in_dim3A_263 = vector.broadcast %broadcast_in_dim3A_262 : f32 to vector<16xf32>
    %broadcast_in_dim3A_264 = arith.constant 0.000000e+00 : f32
    %broadcast_in_dim3A_265 = vector.broadcast %broadcast_in_dim3A_264 : f32 to vector<16xf32>
    %broadcast_in_dim3A_266 = arith.constant 0.000000e+00 : f32
    %broadcast_in_dim3A_267 = vector.broadcast %broadcast_in_dim3A_266 : f32 to vector<16xf32>
    %broadcast_in_dim3A_268 = arith.constant 0.000000e+00 : f32
    %broadcast_in_dim3A_269 = vector.broadcast %broadcast_in_dim3A_268 : f32 to vector<16xf32>
    %broadcast_in_dim3A_270 = arith.constant 0.000000e+00 : f32
    %broadcast_in_dim3A_271 = vector.broadcast %broadcast_in_dim3A_270 : f32 to vector<16xf32>
    %broadcast_in_dim3A_272 = arith.constant 0.000000e+00 : f32
    %broadcast_in_dim3A_273 = vector.broadcast %broadcast_in_dim3A_272 : f32 to vector<16xf32>
    %scan3A_274 = arith.constant 0 : i32
    %scan3A_275 = arith.constant 32 : i32
    %scan3A_276 = arith.addi %scan3A_274, %scan3A_275 : i32
    %scan3A_277 = arith.constant 1 : i32
    %scan3A_278:8 = scf.for %scan3A_693 = %scan3A_274 to %scan3A_276 step %scan3A_277 iter_args(%scan3A_694 = %broadcast_in_dim3A_259, %scan3A_695 = %broadcast_in_dim3A_261, %scan3A_696 = %broadcast_in_dim3A_263, %scan3A_697 = %broadcast_in_dim3A_265, %scan3A_698 = %broadcast_in_dim3A_267, %scan3A_699 = %broadcast_in_dim3A_269, %scan3A_700 = %broadcast_in_dim3A_271, %scan3A_701 = %broadcast_in_dim3A_273) -> (vector<16xf32>, vector<16xf32>, vector<16xf32>, vector<16xf32>, vector<16xf32>, vector<16xf32>, vector<16xf32>, vector<16xf32>)  : i32 {
      %add3A_702 = arith.constant 96 : i32
      %add3A_703 = arith.addi %add3A_702, %scan3A_693 : i32
      %get3A = arith.index_cast %add3A_703 : i32 to index
      %get3A_704 = arith.constant 0 : index
      %get3A_705 = tpu.vector_load %arg7[%get3A, %get3A_704] {strides = array<i32>} : memref<128x128xf32, #tpu.memory_space<vmem>>, vector<1x16xf32>,
      %get3A_706 = vector.shape_cast %get3A_705 : vector<1x16xf32> to vector<16xf32>
      %add3A_707 = arith.addf %scan3A_694, %get3A_706 : vector<16xf32>
      %add3A_708 = arith.constant 96 : i32
      %add3A_709 = arith.addi %add3A_708, %scan3A_693 : i32
      %get3A_710 = arith.index_cast %add3A_709 : i32 to index
      %get3A_711 = arith.constant 16 : index
      %get3A_712 = tpu.vector_load %arg7[%get3A_710, %get3A_711] {strides = array<i32>} : memref<128x128xf32, #tpu.memory_space<vmem>>, vector<1x16xf32>,
      %get3A_713 = vector.shape_cast %get3A_712 : vector<1x16xf32> to vector<16xf32>
      %add3A_714 = arith.addf %scan3A_695, %get3A_713 : vector<16xf32>
      %add3A_715 = arith.constant 96 : i32
      %add3A_716 = arith.addi %add3A_715, %scan3A_693 : i32
      %get3A_717 = arith.index_cast %add3A_716 : i32 to index
      %get3A_718 = arith.constant 32 : index
      %get3A_719 = tpu.vector_load %arg7[%get3A_717, %get3A_718] {strides = array<i32>} : memref<128x128xf32, #tpu.memory_space<vmem>>, vector<1x16xf32>,
      %get3A_720 = vector.shape_cast %get3A_719 : vector<1x16xf32> to vector<16xf32>
      %add3A_721 = arith.addf %scan3A_696, %get3A_720 : vector<16xf32>
      %add3A_722 = arith.constant 96 : i32
      %add3A_723 = arith.addi %add3A_722, %scan3A_693 : i32
      %get3A_724 = arith.index_cast %add3A_723 : i32 to index
      %get3A_725 = arith.constant 48 : index
      %get3A_726 = tpu.vector_load %arg7[%get3A_724, %get3A_725] {strides = array<i32>} : memref<128x128xf32, #tpu.memory_space<vmem>>, vector<1x16xf32>,
      %get3A_727 = vector.shape_cast %get3A_726 : vector<1x16xf32> to vector<16xf32>
      %add3A_728 = arith.addf %scan3A_697, %get3A_727 : vector<16xf32>
      %add3A_729 = arith.constant 96 : i32
      %add3A_730 = arith.addi %add3A_729, %scan3A_693 : i32
      %get3A_731 = arith.index_cast %add3A_730 : i32 to index
      %get3A_732 = arith.constant 64 : index
      %get3A_733 = tpu.vector_load %arg7[%get3A_731, %get3A_732] {strides = array<i32>} : memref<128x128xf32, #tpu.memory_space<vmem>>, vector<1x16xf32>,
      %get3A_734 = vector.shape_cast %get3A_733 : vector<1x16xf32> to vector<16xf32>
      %add3A_735 = arith.addf %scan3A_698, %get3A_734 : vector<16xf32>
      %add3A_736 = arith.constant 96 : i32
      %add3A_737 = arith.addi %add3A_736, %scan3A_693 : i32
      %get3A_738 = arith.index_cast %add3A_737 : i32 to index
      %get3A_739 = arith.constant 80 : index
      %get3A_740 = tpu.vector_load %arg7[%get3A_738, %get3A_739] {strides = array<i32>} : memref<128x128xf32, #tpu.memory_space<vmem>>, vector<1x16xf32>,
      %get3A_741 = vector.shape_cast %get3A_740 : vector<1x16xf32> to vector<16xf32>
      %add3A_742 = arith.addf %scan3A_699, %get3A_741 : vector<16xf32>
      %add3A_743 = arith.constant 96 : i32
      %add3A_744 = arith.addi %add3A_743, %scan3A_693 : i32
      %get3A_745 = arith.index_cast %add3A_744 : i32 to index
      %get3A_746 = arith.constant 96 : index
      %get3A_747 = tpu.vector_load %arg7[%get3A_745, %get3A_746] {strides = array<i32>} : memref<128x128xf32, #tpu.memory_space<vmem>>, vector<1x16xf32>,
      %get3A_748 = vector.shape_cast %get3A_747 : vector<1x16xf32> to vector<16xf32>
      %add3A_749 = arith.addf %scan3A_700, %get3A_748 : vector<16xf32>
      %add3A_750 = arith.constant 96 : i32
      %add3A_751 = arith.addi %add3A_750, %scan3A_693 : i32
      %get3A_752 = arith.index_cast %add3A_751 : i32 to index
      %get3A_753 = arith.constant 112 : index
      %get3A_754 = tpu.vector_load %arg7[%get3A_752, %get3A_753] {strides = array<i32>} : memref<128x128xf32, #tpu.memory_space<vmem>>, vector<1x16xf32>,
      %get3A_755 = vector.shape_cast %get3A_754 : vector<1x16xf32> to vector<16xf32>
      %add3A_756 = arith.addf %scan3A_701, %get3A_755 : vector<16xf32>
      scf.yield %add3A_707, %add3A_714, %add3A_721, %add3A_728, %add3A_735, %add3A_742, %add3A_749, %add3A_756 : vector<16xf32>, vector<16xf32>, vector<16xf32>, vector<16xf32>, vector<16xf32>, vector<16xf32>, vector<16xf32>, vector<16xf32>
    }
    %scan3A_279 = arith.constant 32 : i32
    %swap3A_280 = arith.constant 3 : i32
    %swap3A_281 = arith.index_cast %swap3A_280 : i32 to index
    %swap3A_282 = arith.constant 0 : index
    %swap3A_283 = tpu.vector_load %arg9[%swap3A_281, %swap3A_282] {strides = array<i32>} : memref<4x128xf32, #tpu.memory_space<vmem>>, vector<1x16xf32>,
    %swap3A_284 = vector.shape_cast %swap3A_283 : vector<1x16xf32> to vector<16xf32>
    %swap3A_285 = vector.shape_cast %scan3A_278#0 : vector<16xf32> to vector<1x16xf32>
    tpu.vector_store %arg9[%swap3A_281, %swap3A_282], %swap3A_285 {strides = array<i32>} : memref<4x128xf32, #tpu.memory_space<vmem>>, vector<1x16xf32>,
    %swap3A_286 = arith.constant 3 : i32
    %swap3A_287 = arith.index_cast %swap3A_286 : i32 to index
    %swap3A_288 = arith.constant 16 : index
    %swap3A_289 = tpu.vector_load %arg9[%swap3A_287, %swap3A_288] {strides = array<i32>} : memref<4x128xf32, #tpu.memory_space<vmem>>, vector<1x16xf32>,
    %swap3A_290 = vector.shape_cast %swap3A_289 : vector<1x16xf32> to vector<16xf32>
    %swap3A_291 = vector.shape_cast %scan3A_278#1 : vector<16xf32> to vector<1x16xf32>
    tpu.vector_store %arg9[%swap3A_287, %swap3A_288], %swap3A_291 {strides = array<i32>} : memref<4x128xf32, #tpu.memory_space<vmem>>, vector<1x16xf32>,
    %swap3A_292 = arith.constant 3 : i32
    %swap3A_293 = arith.index_cast %swap3A_292 : i32 to index
    %swap3A_294 = arith.constant 32 : index
    %swap3A_295 = tpu.vector_load %arg9[%swap3A_293, %swap3A_294] {strides = array<i32>} : memref<4x128xf32, #tpu.memory_space<vmem>>, vector<1x16xf32>,
    %swap3A_296 = vector.shape_cast %swap3A_295 : vector<1x16xf32> to vector<16xf32>
    %swap3A_297 = vector.shape_cast %scan3A_278#2 : vector<16xf32> to vector<1x16xf32>
    tpu.vector_store %arg9[%swap3A_293, %swap3A_294], %swap3A_297 {strides = array<i32>} : memref<4x128xf32, #tpu.memory_space<vmem>>, vector<1x16xf32>,
    %swap3A_298 = arith.constant 3 : i32
    %swap3A_299 = arith.index_cast %swap3A_298 : i32 to index
    %swap3A_300 = arith.constant 48 : index
    %swap3A_301 = tpu.vector_load %arg9[%swap3A_299, %swap3A_300] {strides = array<i32>} : memref<4x128xf32, #tpu.memory_space<vmem>>, vector<1x16xf32>,
    %swap3A_302 = vector.shape_cast %swap3A_301 : vector<1x16xf32> to vector<16xf32>
    %swap3A_303 = vector.shape_cast %scan3A_278#3 : vector<16xf32> to vector<1x16xf32>
    tpu.vector_store %arg9[%swap3A_299, %swap3A_300], %swap3A_303 {strides = array<i32>} : memref<4x128xf32, #tpu.memory_space<vmem>>, vector<1x16xf32>,
    %swap3A_304 = arith.constant 3 : i32
    %swap3A_305 = arith.index_cast %swap3A_304 : i32 to index
    %swap3A_306 = arith.constant 64 : index
    %swap3A_307 = tpu.vector_load %arg9[%swap3A_305, %swap3A_306] {strides = array<i32>} : memref<4x128xf32, #tpu.memory_space<vmem>>, vector<1x16xf32>,
    %swap3A_308 = vector.shape_cast %swap3A_307 : vector<1x16xf32> to vector<16xf32>
    %swap3A_309 = vector.shape_cast %scan3A_278#4 : vector<16xf32> to vector<1x16xf32>
    tpu.vector_store %arg9[%swap3A_305, %swap3A_306], %swap3A_309 {strides = array<i32>} : memref<4x128xf32, #tpu.memory_space<vmem>>, vector<1x16xf32>,
    %swap3A_310 = arith.constant 3 : i32
    %swap3A_311 = arith.index_cast %swap3A_310 : i32 to index
    %swap3A_312 = arith.constant 80 : index
    %swap3A_313 = tpu.vector_load %arg9[%swap3A_311, %swap3A_312] {strides = array<i32>} : memref<4x128xf32, #tpu.memory_space<vmem>>, vector<1x16xf32>,
    %swap3A_314 = vector.shape_cast %swap3A_313 : vector<1x16xf32> to vector<16xf32>
    %swap3A_315 = vector.shape_cast %scan3A_278#5 : vector<16xf32> to vector<1x16xf32>
    tpu.vector_store %arg9[%swap3A_311, %swap3A_312], %swap3A_315 {strides = array<i32>} : memref<4x128xf32, #tpu.memory_space<vmem>>, vector<1x16xf32>,
    %swap3A_316 = arith.constant 3 : i32
    %swap3A_317 = arith.index_cast %swap3A_316 : i32 to index
    %swap3A_318 = arith.constant 96 : index
    %swap3A_319 = tpu.vector_load %arg9[%swap3A_317, %swap3A_318] {strides = array<i32>} : memref<4x128xf32, #tpu.memory_space<vmem>>, vector<1x16xf32>,
    %swap3A_320 = vector.shape_cast %swap3A_319 : vector<1x16xf32> to vector<16xf32>
    %swap3A_321 = vector.shape_cast %scan3A_278#6 : vector<16xf32> to vector<1x16xf32>
    tpu.vector_store %arg9[%swap3A_317, %swap3A_318], %swap3A_321 {strides = array<i32>} : memref<4x128xf32, #tpu.memory_space<vmem>>, vector<1x16xf32>,
    %swap3A_322 = arith.constant 3 : i32
    %swap3A_323 = arith.index_cast %swap3A_322 : i32 to index
    %swap3A_324 = arith.constant 112 : index
    %swap3A_325 = tpu.vector_load %arg9[%swap3A_323, %swap3A_324] {strides = array<i32>} : memref<4x128xf32, #tpu.memory_space<vmem>>, vector<1x16xf32>,
    %swap3A_326 = vector.shape_cast %swap3A_325 : vector<1x16xf32> to vector<16xf32>
    %swap3A_327 = vector.shape_cast %scan3A_278#7 : vector<16xf32> to vector<1x16xf32>
    tpu.vector_store %arg9[%swap3A_323, %swap3A_324], %swap3A_327 {strides = array<i32>} : memref<4x128xf32, #tpu.memory_space<vmem>>, vector<1x16xf32>,
    %dma_start3A_328 = arith.constant 0 : i32
    %dma_start3A_329 = tpu.memref_slice %arg4[%mul3A_2, %dma_start3A_328] : memref<10000x128xf32, #tpu.memory_space<hbm>> -> memref<4x128xf32, #tpu.memory_space<hbm>>
    %dma_start3A_330 = arith.constant 0 : i32
    %dma_start3A_331 = tpu.memref_slice %arg4[%mul3A_2, %dma_start3A_330] : memref<10000x128xf32, #tpu.memory_space<hbm>> -> memref<4x128xf32, #tpu.memory_space<hbm>>
    tpu.enqueue_dma source(%arg9 : memref<4x128xf32, #tpu.memory_space<vmem>>) target(%dma_start3A_331 : memref<4x128xf32, #tpu.memory_space<hbm>>) target_semaphore(%arg13 : memref<!tpu.dma_semaphore, #tpu.memory_space<semaphore_mem>>)
    %mul3A_332 = arith.constant 624 : i32
    %mul3A_333 = arith.muli %arg1, %mul3A_332 : i32
    %mul3A_334 = arith.constant 624 : i32
    %mul3A_335 = arith.muli %arg1, %mul3A_334 : i32
    %dma_wait3A_336 = arith.constant 0 : i32
    %dma_wait3A_337 = tpu.memref_slice %arg5[%mul3A_335, %dma_wait3A_336] : memref<10000x128xf32, #tpu.memory_space<vmem_shared>> -> memref<624x128xf32, #tpu.memory_space<vmem_shared>>
    %dma_wait3A_338 = arith.constant 0 : i32
    %dma_wait3A_339 = tpu.memref_slice %arg2[%mul3A_333, %dma_wait3A_338] : memref<10000x128xf32, #tpu.memory_space<hbm>> -> memref<624x128xf32, #tpu.memory_space<hbm>>
    tpu.wait_dma2 semaphore(%arg15 : memref<!tpu.dma_semaphore, #tpu.memory_space<semaphore_mem>>) src(%dma_wait3A_339 : memref<624x128xf32, #tpu.memory_space<hbm>>) dst(%dma_wait3A_337 : memref<624x128xf32, #tpu.memory_space<vmem_shared>>)
    %eq3A_340 = arith.constant 0 : i32
    %eq3A_341 = arith.cmpi eq, %arg1, %eq3A_340 : i32
    %convert_element_type3A_342 = arith.extui %eq3A_341 : i1 to i32
    %cond3A_343 = arith.constant 0 : i32
    %cond3A_344 = arith.cmpi ne, %convert_element_type3A_342, %cond3A_343 : i32
    scf.if %cond3A_344 {
      %dma_wait3A_693 = arith.constant 9984 : i32
      %dma_wait3A_694 = arith.constant 0 : i32
      %dma_wait3A_695 = tpu.memref_slice %arg5[%dma_wait3A_693, %dma_wait3A_694] : memref<10000x128xf32, #tpu.memory_space<vmem_shared>> -> memref<16x128xf32, #tpu.memory_space<vmem_shared>>
      %dma_wait3A_696 = arith.constant 9984 : i32
      %dma_wait3A_697 = arith.constant 0 : i32
      %dma_wait3A_698 = tpu.memref_slice %arg2[%dma_wait3A_696, %dma_wait3A_697] : memref<10000x128xf32, #tpu.memory_space<hbm>> -> memref<16x128xf32, #tpu.memory_space<hbm>>
      tpu.wait_dma2 semaphore(%arg15 : memref<!tpu.dma_semaphore, #tpu.memory_space<semaphore_mem>>) src(%dma_wait3A_698 : memref<16x128xf32, #tpu.memory_space<hbm>>) dst(%dma_wait3A_695 : memref<16x128xf32, #tpu.memory_space<vmem_shared>>)
    } else {
    }
    %barrier3A = arith.constant 0 : index
    tpu.barrier barrier_id(%barrier3A)
    %dma_start3A_345 = arith.constant 2 : i32
    %dma_start3A_346 = arith.constant 0 : i32
    %dma_start3A_347 = tpu.memref_slice %arg6[%dma_start3A_345, %dma_start3A_346] : memref<80x128xi32, #tpu.memory_space<vmem>> -> memref<1x128xi32, #tpu.memory_space<vmem>>
    %dma_start3A_348 = tpu.memref_squeeze %dma_start3A_347 : memref<1x128xi32, #tpu.memory_space<vmem>> -> memref<128xi32, #tpu.memory_space<vmem>>
    %dma_start3A_349 = arith.constant 0 : i32
    %dma_start3A_350 = arith.constant 0 : i32
    %dma_start3A_351 = tpu.memref_slice %arg5[%dma_start3A_349, %dma_start3A_350] : memref<10000x128xf32, #tpu.memory_space<vmem_shared>> -> memref<10000x128xf32, #tpu.memory_space<vmem_shared>>
    tpu.enqueue_indirect_dma source(%dma_start3A_351 : memref<10000x128xf32, #tpu.memory_space<vmem_shared>>) target(%arg7 : memref<128x128xf32, #tpu.memory_space<vmem>>) offsets(%dma_start3A_348 : memref<128xi32, #tpu.memory_space<vmem>>) semaphore(%arg11 : memref<!tpu.dma_semaphore, #tpu.memory_space<semaphore_mem>>)
    %dma_wait3A_352 = arith.constant 1 : i32
    %dma_wait3A_353 = arith.constant 0 : i32
    %dma_wait3A_354 = tpu.memref_slice %arg6[%dma_wait3A_352, %dma_wait3A_353] : memref<80x128xi32, #tpu.memory_space<vmem>> -> memref<1x128xi32, #tpu.memory_space<vmem>>
    %dma_wait3A_355 = tpu.memref_squeeze %dma_wait3A_354 : memref<1x128xi32, #tpu.memory_space<vmem>> -> memref<128xi32, #tpu.memory_space<vmem>>
    %dma_wait3A_356 = arith.constant 0 : i32
    %dma_wait3A_357 = arith.constant 0 : i32
    %dma_wait3A_358 = tpu.memref_slice %arg2[%dma_wait3A_356, %dma_wait3A_357] : memref<10000x128xf32, #tpu.memory_space<hbm>> -> memref<10000x128xf32, #tpu.memory_space<hbm>>
    tpu.wait_indirect_dma semaphore(%arg12 : memref<!tpu.dma_semaphore, #tpu.memory_space<semaphore_mem>>) src(%dma_wait3A_358 : memref<10000x128xf32, #tpu.memory_space<hbm>>) dst(%arg8 : memref<128x128xf32, #tpu.memory_space<vmem>>)
    %broadcast_in_dim3A_359 = arith.constant 0.000000e+00 : f32
    %broadcast_in_dim3A_360 = vector.broadcast %broadcast_in_dim3A_359 : f32 to vector<16xf32>
    %broadcast_in_dim3A_361 = arith.constant 0.000000e+00 : f32
    %broadcast_in_dim3A_362 = vector.broadcast %broadcast_in_dim3A_361 : f32 to vector<16xf32>
    %broadcast_in_dim3A_363 = arith.constant 0.000000e+00 : f32
    %broadcast_in_dim3A_364 = vector.broadcast %broadcast_in_dim3A_363 : f32 to vector<16xf32>
    %broadcast_in_dim3A_365 = arith.constant 0.000000e+00 : f32
    %broadcast_in_dim3A_366 = vector.broadcast %broadcast_in_dim3A_365 : f32 to vector<16xf32>
    %broadcast_in_dim3A_367 = arith.constant 0.000000e+00 : f32
    %broadcast_in_dim3A_368 = vector.broadcast %broadcast_in_dim3A_367 : f32 to vector<16xf32>
    %broadcast_in_dim3A_369 = arith.constant 0.000000e+00 : f32
    %broadcast_in_dim3A_370 = vector.broadcast %broadcast_in_dim3A_369 : f32 to vector<16xf32>
    %broadcast_in_dim3A_371 = arith.constant 0.000000e+00 : f32
    %broadcast_in_dim3A_372 = vector.broadcast %broadcast_in_dim3A_371 : f32 to vector<16xf32>
    %broadcast_in_dim3A_373 = arith.constant 0.000000e+00 : f32
    %broadcast_in_dim3A_374 = vector.broadcast %broadcast_in_dim3A_373 : f32 to vector<16xf32>
    %scan3A_375 = arith.constant 0 : i32
    %scan3A_376 = arith.constant 32 : i32
    %scan3A_377 = arith.addi %scan3A_375, %scan3A_376 : i32
    %scan3A_378 = arith.constant 1 : i32
    %scan3A_379:8 = scf.for %scan3A_693 = %scan3A_375 to %scan3A_377 step %scan3A_378 iter_args(%scan3A_694 = %broadcast_in_dim3A_360, %scan3A_695 = %broadcast_in_dim3A_362, %scan3A_696 = %broadcast_in_dim3A_364, %scan3A_697 = %broadcast_in_dim3A_366, %scan3A_698 = %broadcast_in_dim3A_368, %scan3A_699 = %broadcast_in_dim3A_370, %scan3A_700 = %broadcast_in_dim3A_372, %scan3A_701 = %broadcast_in_dim3A_374) -> (vector<16xf32>, vector<16xf32>, vector<16xf32>, vector<16xf32>, vector<16xf32>, vector<16xf32>, vector<16xf32>, vector<16xf32>)  : i32 {
      %add3A_702 = arith.constant 0 : i32
      %add3A_703 = arith.addi %add3A_702, %scan3A_693 : i32
      %get3A = arith.index_cast %add3A_703 : i32 to index
      %get3A_704 = arith.constant 0 : index
      %get3A_705 = tpu.vector_load %arg8[%get3A, %get3A_704] {strides = array<i32>} : memref<128x128xf32, #tpu.memory_space<vmem>>, vector<1x16xf32>,
      %get3A_706 = vector.shape_cast %get3A_705 : vector<1x16xf32> to vector<16xf32>
      %add3A_707 = arith.addf %scan3A_694, %get3A_706 : vector<16xf32>
      %add3A_708 = arith.constant 0 : i32
      %add3A_709 = arith.addi %add3A_708, %scan3A_693 : i32
      %get3A_710 = arith.index_cast %add3A_709 : i32 to index
      %get3A_711 = arith.constant 16 : index
      %get3A_712 = tpu.vector_load %arg8[%get3A_710, %get3A_711] {strides = array<i32>} : memref<128x128xf32, #tpu.memory_space<vmem>>, vector<1x16xf32>,
      %get3A_713 = vector.shape_cast %get3A_712 : vector<1x16xf32> to vector<16xf32>
      %add3A_714 = arith.addf %scan3A_695, %get3A_713 : vector<16xf32>
      %add3A_715 = arith.constant 0 : i32
      %add3A_716 = arith.addi %add3A_715, %scan3A_693 : i32
      %get3A_717 = arith.index_cast %add3A_716 : i32 to index
      %get3A_718 = arith.constant 32 : index
      %get3A_719 = tpu.vector_load %arg8[%get3A_717, %get3A_718] {strides = array<i32>} : memref<128x128xf32, #tpu.memory_space<vmem>>, vector<1x16xf32>,
      %get3A_720 = vector.shape_cast %get3A_719 : vector<1x16xf32> to vector<16xf32>
      %add3A_721 = arith.addf %scan3A_696, %get3A_720 : vector<16xf32>
      %add3A_722 = arith.constant 0 : i32
      %add3A_723 = arith.addi %add3A_722, %scan3A_693 : i32
      %get3A_724 = arith.index_cast %add3A_723 : i32 to index
      %get3A_725 = arith.constant 48 : index
      %get3A_726 = tpu.vector_load %arg8[%get3A_724, %get3A_725] {strides = array<i32>} : memref<128x128xf32, #tpu.memory_space<vmem>>, vector<1x16xf32>,
      %get3A_727 = vector.shape_cast %get3A_726 : vector<1x16xf32> to vector<16xf32>
      %add3A_728 = arith.addf %scan3A_697, %get3A_727 : vector<16xf32>
      %add3A_729 = arith.constant 0 : i32
      %add3A_730 = arith.addi %add3A_729, %scan3A_693 : i32
      %get3A_731 = arith.index_cast %add3A_730 : i32 to index
      %get3A_732 = arith.constant 64 : index
      %get3A_733 = tpu.vector_load %arg8[%get3A_731, %get3A_732] {strides = array<i32>} : memref<128x128xf32, #tpu.memory_space<vmem>>, vector<1x16xf32>,
      %get3A_734 = vector.shape_cast %get3A_733 : vector<1x16xf32> to vector<16xf32>
      %add3A_735 = arith.addf %scan3A_698, %get3A_734 : vector<16xf32>
      %add3A_736 = arith.constant 0 : i32
      %add3A_737 = arith.addi %add3A_736, %scan3A_693 : i32
      %get3A_738 = arith.index_cast %add3A_737 : i32 to index
      %get3A_739 = arith.constant 80 : index
      %get3A_740 = tpu.vector_load %arg8[%get3A_738, %get3A_739] {strides = array<i32>} : memref<128x128xf32, #tpu.memory_space<vmem>>, vector<1x16xf32>,
      %get3A_741 = vector.shape_cast %get3A_740 : vector<1x16xf32> to vector<16xf32>
      %add3A_742 = arith.addf %scan3A_699, %get3A_741 : vector<16xf32>
      %add3A_743 = arith.constant 0 : i32
      %add3A_744 = arith.addi %add3A_743, %scan3A_693 : i32
      %get3A_745 = arith.index_cast %add3A_744 : i32 to index
      %get3A_746 = arith.constant 96 : index
      %get3A_747 = tpu.vector_load %arg8[%get3A_745, %get3A_746] {strides = array<i32>} : memref<128x128xf32, #tpu.memory_space<vmem>>, vector<1x16xf32>,
      %get3A_748 = vector.shape_cast %get3A_747 : vector<1x16xf32> to vector<16xf32>
      %add3A_749 = arith.addf %scan3A_700, %get3A_748 : vector<16xf32>
      %add3A_750 = arith.constant 0 : i32
      %add3A_751 = arith.addi %add3A_750, %scan3A_693 : i32
      %get3A_752 = arith.index_cast %add3A_751 : i32 to index
      %get3A_753 = arith.constant 112 : index
      %get3A_754 = tpu.vector_load %arg8[%get3A_752, %get3A_753] {strides = array<i32>} : memref<128x128xf32, #tpu.memory_space<vmem>>, vector<1x16xf32>,
      %get3A_755 = vector.shape_cast %get3A_754 : vector<1x16xf32> to vector<16xf32>
      %add3A_756 = arith.addf %scan3A_701, %get3A_755 : vector<16xf32>
      scf.yield %add3A_707, %add3A_714, %add3A_721, %add3A_728, %add3A_735, %add3A_742, %add3A_749, %add3A_756 : vector<16xf32>, vector<16xf32>, vector<16xf32>, vector<16xf32>, vector<16xf32>, vector<16xf32>, vector<16xf32>, vector<16xf32>
    }
    %scan3A_380 = arith.constant 32 : i32
    %swap3A_381 = arith.constant 0 : i32
    %swap3A_382 = arith.index_cast %swap3A_381 : i32 to index
    %swap3A_383 = arith.constant 0 : index
    %swap3A_384 = tpu.vector_load %arg10[%swap3A_382, %swap3A_383] {strides = array<i32>} : memref<4x128xf32, #tpu.memory_space<vmem>>, vector<1x16xf32>,
    %swap3A_385 = vector.shape_cast %swap3A_384 : vector<1x16xf32> to vector<16xf32>
    %swap3A_386 = vector.shape_cast %scan3A_379#0 : vector<16xf32> to vector<1x16xf32>
    tpu.vector_store %arg10[%swap3A_382, %swap3A_383], %swap3A_386 {strides = array<i32>} : memref<4x128xf32, #tpu.memory_space<vmem>>, vector<1x16xf32>,
    %swap3A_387 = arith.constant 0 : i32
    %swap3A_388 = arith.index_cast %swap3A_387 : i32 to index
    %swap3A_389 = arith.constant 16 : index
    %swap3A_390 = tpu.vector_load %arg10[%swap3A_388, %swap3A_389] {strides = array<i32>} : memref<4x128xf32, #tpu.memory_space<vmem>>, vector<1x16xf32>,
    %swap3A_391 = vector.shape_cast %swap3A_390 : vector<1x16xf32> to vector<16xf32>
    %swap3A_392 = vector.shape_cast %scan3A_379#1 : vector<16xf32> to vector<1x16xf32>
    tpu.vector_store %arg10[%swap3A_388, %swap3A_389], %swap3A_392 {strides = array<i32>} : memref<4x128xf32, #tpu.memory_space<vmem>>, vector<1x16xf32>,
    %swap3A_393 = arith.constant 0 : i32
    %swap3A_394 = arith.index_cast %swap3A_393 : i32 to index
    %swap3A_395 = arith.constant 32 : index
    %swap3A_396 = tpu.vector_load %arg10[%swap3A_394, %swap3A_395] {strides = array<i32>} : memref<4x128xf32, #tpu.memory_space<vmem>>, vector<1x16xf32>,
    %swap3A_397 = vector.shape_cast %swap3A_396 : vector<1x16xf32> to vector<16xf32>
    %swap3A_398 = vector.shape_cast %scan3A_379#2 : vector<16xf32> to vector<1x16xf32>
    tpu.vector_store %arg10[%swap3A_394, %swap3A_395], %swap3A_398 {strides = array<i32>} : memref<4x128xf32, #tpu.memory_space<vmem>>, vector<1x16xf32>,
    %swap3A_399 = arith.constant 0 : i32
    %swap3A_400 = arith.index_cast %swap3A_399 : i32 to index
    %swap3A_401 = arith.constant 48 : index
    %swap3A_402 = tpu.vector_load %arg10[%swap3A_400, %swap3A_401] {strides = array<i32>} : memref<4x128xf32, #tpu.memory_space<vmem>>, vector<1x16xf32>,
    %swap3A_403 = vector.shape_cast %swap3A_402 : vector<1x16xf32> to vector<16xf32>
    %swap3A_404 = vector.shape_cast %scan3A_379#3 : vector<16xf32> to vector<1x16xf32>
    tpu.vector_store %arg10[%swap3A_400, %swap3A_401], %swap3A_404 {strides = array<i32>} : memref<4x128xf32, #tpu.memory_space<vmem>>, vector<1x16xf32>,
    %swap3A_405 = arith.constant 0 : i32
    %swap3A_406 = arith.index_cast %swap3A_405 : i32 to index
    %swap3A_407 = arith.constant 64 : index
    %swap3A_408 = tpu.vector_load %arg10[%swap3A_406, %swap3A_407] {strides = array<i32>} : memref<4x128xf32, #tpu.memory_space<vmem>>, vector<1x16xf32>,
    %swap3A_409 = vector.shape_cast %swap3A_408 : vector<1x16xf32> to vector<16xf32>
    %swap3A_410 = vector.shape_cast %scan3A_379#4 : vector<16xf32> to vector<1x16xf32>
    tpu.vector_store %arg10[%swap3A_406, %swap3A_407], %swap3A_410 {strides = array<i32>} : memref<4x128xf32, #tpu.memory_space<vmem>>, vector<1x16xf32>,
    %swap3A_411 = arith.constant 0 : i32
    %swap3A_412 = arith.index_cast %swap3A_411 : i32 to index
    %swap3A_413 = arith.constant 80 : index
    %swap3A_414 = tpu.vector_load %arg10[%swap3A_412, %swap3A_413] {strides = array<i32>} : memref<4x128xf32, #tpu.memory_space<vmem>>, vector<1x16xf32>,
    %swap3A_415 = vector.shape_cast %swap3A_414 : vector<1x16xf32> to vector<16xf32>
    %swap3A_416 = vector.shape_cast %scan3A_379#5 : vector<16xf32> to vector<1x16xf32>
    tpu.vector_store %arg10[%swap3A_412, %swap3A_413], %swap3A_416 {strides = array<i32>} : memref<4x128xf32, #tpu.memory_space<vmem>>, vector<1x16xf32>,
    %swap3A_417 = arith.constant 0 : i32
    %swap3A_418 = arith.index_cast %swap3A_417 : i32 to index
    %swap3A_419 = arith.constant 96 : index
    %swap3A_420 = tpu.vector_load %arg10[%swap3A_418, %swap3A_419] {strides = array<i32>} : memref<4x128xf32, #tpu.memory_space<vmem>>, vector<1x16xf32>,
    %swap3A_421 = vector.shape_cast %swap3A_420 : vector<1x16xf32> to vector<16xf32>
    %swap3A_422 = vector.shape_cast %scan3A_379#6 : vector<16xf32> to vector<1x16xf32>
    tpu.vector_store %arg10[%swap3A_418, %swap3A_419], %swap3A_422 {strides = array<i32>} : memref<4x128xf32, #tpu.memory_space<vmem>>, vector<1x16xf32>,
    %swap3A_423 = arith.constant 0 : i32
    %swap3A_424 = arith.index_cast %swap3A_423 : i32 to index
    %swap3A_425 = arith.constant 112 : index
    %swap3A_426 = tpu.vector_load %arg10[%swap3A_424, %swap3A_425] {strides = array<i32>} : memref<4x128xf32, #tpu.memory_space<vmem>>, vector<1x16xf32>,
    %swap3A_427 = vector.shape_cast %swap3A_426 : vector<1x16xf32> to vector<16xf32>
    %swap3A_428 = vector.shape_cast %scan3A_379#7 : vector<16xf32> to vector<1x16xf32>
    tpu.vector_store %arg10[%swap3A_424, %swap3A_425], %swap3A_428 {strides = array<i32>} : memref<4x128xf32, #tpu.memory_space<vmem>>, vector<1x16xf32>,
    %broadcast_in_dim3A_429 = arith.constant 0.000000e+00 : f32
    %broadcast_in_dim3A_430 = vector.broadcast %broadcast_in_dim3A_429 : f32 to vector<16xf32>
    %broadcast_in_dim3A_431 = arith.constant 0.000000e+00 : f32
    %broadcast_in_dim3A_432 = vector.broadcast %broadcast_in_dim3A_431 : f32 to vector<16xf32>
    %broadcast_in_dim3A_433 = arith.constant 0.000000e+00 : f32
    %broadcast_in_dim3A_434 = vector.broadcast %broadcast_in_dim3A_433 : f32 to vector<16xf32>
    %broadcast_in_dim3A_435 = arith.constant 0.000000e+00 : f32
    %broadcast_in_dim3A_436 = vector.broadcast %broadcast_in_dim3A_435 : f32 to vector<16xf32>
    %broadcast_in_dim3A_437 = arith.constant 0.000000e+00 : f32
    %broadcast_in_dim3A_438 = vector.broadcast %broadcast_in_dim3A_437 : f32 to vector<16xf32>
    %broadcast_in_dim3A_439 = arith.constant 0.000000e+00 : f32
    %broadcast_in_dim3A_440 = vector.broadcast %broadcast_in_dim3A_439 : f32 to vector<16xf32>
    %broadcast_in_dim3A_441 = arith.constant 0.000000e+00 : f32
    %broadcast_in_dim3A_442 = vector.broadcast %broadcast_in_dim3A_441 : f32 to vector<16xf32>
    %broadcast_in_dim3A_443 = arith.constant 0.000000e+00 : f32
    %broadcast_in_dim3A_444 = vector.broadcast %broadcast_in_dim3A_443 : f32 to vector<16xf32>
    %scan3A_445 = arith.constant 0 : i32
    %scan3A_446 = arith.constant 32 : i32
    %scan3A_447 = arith.addi %scan3A_445, %scan3A_446 : i32
    %scan3A_448 = arith.constant 1 : i32
    %scan3A_449:8 = scf.for %scan3A_693 = %scan3A_445 to %scan3A_447 step %scan3A_448 iter_args(%scan3A_694 = %broadcast_in_dim3A_430, %scan3A_695 = %broadcast_in_dim3A_432, %scan3A_696 = %broadcast_in_dim3A_434, %scan3A_697 = %broadcast_in_dim3A_436, %scan3A_698 = %broadcast_in_dim3A_438, %scan3A_699 = %broadcast_in_dim3A_440, %scan3A_700 = %broadcast_in_dim3A_442, %scan3A_701 = %broadcast_in_dim3A_444) -> (vector<16xf32>, vector<16xf32>, vector<16xf32>, vector<16xf32>, vector<16xf32>, vector<16xf32>, vector<16xf32>, vector<16xf32>)  : i32 {
      %add3A_702 = arith.constant 32 : i32
      %add3A_703 = arith.addi %add3A_702, %scan3A_693 : i32
      %get3A = arith.index_cast %add3A_703 : i32 to index
      %get3A_704 = arith.constant 0 : index
      %get3A_705 = tpu.vector_load %arg8[%get3A, %get3A_704] {strides = array<i32>} : memref<128x128xf32, #tpu.memory_space<vmem>>, vector<1x16xf32>,
      %get3A_706 = vector.shape_cast %get3A_705 : vector<1x16xf32> to vector<16xf32>
      %add3A_707 = arith.addf %scan3A_694, %get3A_706 : vector<16xf32>
      %add3A_708 = arith.constant 32 : i32
      %add3A_709 = arith.addi %add3A_708, %scan3A_693 : i32
      %get3A_710 = arith.index_cast %add3A_709 : i32 to index
      %get3A_711 = arith.constant 16 : index
      %get3A_712 = tpu.vector_load %arg8[%get3A_710, %get3A_711] {strides = array<i32>} : memref<128x128xf32, #tpu.memory_space<vmem>>, vector<1x16xf32>,
      %get3A_713 = vector.shape_cast %get3A_712 : vector<1x16xf32> to vector<16xf32>
      %add3A_714 = arith.addf %scan3A_695, %get3A_713 : vector<16xf32>
      %add3A_715 = arith.constant 32 : i32
      %add3A_716 = arith.addi %add3A_715, %scan3A_693 : i32
      %get3A_717 = arith.index_cast %add3A_716 : i32 to index
      %get3A_718 = arith.constant 32 : index
      %get3A_719 = tpu.vector_load %arg8[%get3A_717, %get3A_718] {strides = array<i32>} : memref<128x128xf32, #tpu.memory_space<vmem>>, vector<1x16xf32>,
      %get3A_720 = vector.shape_cast %get3A_719 : vector<1x16xf32> to vector<16xf32>
      %add3A_721 = arith.addf %scan3A_696, %get3A_720 : vector<16xf32>
      %add3A_722 = arith.constant 32 : i32
      %add3A_723 = arith.addi %add3A_722, %scan3A_693 : i32
      %get3A_724 = arith.index_cast %add3A_723 : i32 to index
      %get3A_725 = arith.constant 48 : index
      %get3A_726 = tpu.vector_load %arg8[%get3A_724, %get3A_725] {strides = array<i32>} : memref<128x128xf32, #tpu.memory_space<vmem>>, vector<1x16xf32>,
      %get3A_727 = vector.shape_cast %get3A_726 : vector<1x16xf32> to vector<16xf32>
      %add3A_728 = arith.addf %scan3A_697, %get3A_727 : vector<16xf32>
      %add3A_729 = arith.constant 32 : i32
      %add3A_730 = arith.addi %add3A_729, %scan3A_693 : i32
      %get3A_731 = arith.index_cast %add3A_730 : i32 to index
      %get3A_732 = arith.constant 64 : index
      %get3A_733 = tpu.vector_load %arg8[%get3A_731, %get3A_732] {strides = array<i32>} : memref<128x128xf32, #tpu.memory_space<vmem>>, vector<1x16xf32>,
      %get3A_734 = vector.shape_cast %get3A_733 : vector<1x16xf32> to vector<16xf32>
      %add3A_735 = arith.addf %scan3A_698, %get3A_734 : vector<16xf32>
      %add3A_736 = arith.constant 32 : i32
      %add3A_737 = arith.addi %add3A_736, %scan3A_693 : i32
      %get3A_738 = arith.index_cast %add3A_737 : i32 to index
      %get3A_739 = arith.constant 80 : index
      %get3A_740 = tpu.vector_load %arg8[%get3A_738, %get3A_739] {strides = array<i32>} : memref<128x128xf32, #tpu.memory_space<vmem>>, vector<1x16xf32>,
      %get3A_741 = vector.shape_cast %get3A_740 : vector<1x16xf32> to vector<16xf32>
      %add3A_742 = arith.addf %scan3A_699, %get3A_741 : vector<16xf32>
      %add3A_743 = arith.constant 32 : i32
      %add3A_744 = arith.addi %add3A_743, %scan3A_693 : i32
      %get3A_745 = arith.index_cast %add3A_744 : i32 to index
      %get3A_746 = arith.constant 96 : index
      %get3A_747 = tpu.vector_load %arg8[%get3A_745, %get3A_746] {strides = array<i32>} : memref<128x128xf32, #tpu.memory_space<vmem>>, vector<1x16xf32>,
      %get3A_748 = vector.shape_cast %get3A_747 : vector<1x16xf32> to vector<16xf32>
      %add3A_749 = arith.addf %scan3A_700, %get3A_748 : vector<16xf32>
      %add3A_750 = arith.constant 32 : i32
      %add3A_751 = arith.addi %add3A_750, %scan3A_693 : i32
      %get3A_752 = arith.index_cast %add3A_751 : i32 to index
      %get3A_753 = arith.constant 112 : index
      %get3A_754 = tpu.vector_load %arg8[%get3A_752, %get3A_753] {strides = array<i32>} : memref<128x128xf32, #tpu.memory_space<vmem>>, vector<1x16xf32>,
      %get3A_755 = vector.shape_cast %get3A_754 : vector<1x16xf32> to vector<16xf32>
      %add3A_756 = arith.addf %scan3A_701, %get3A_755 : vector<16xf32>
      scf.yield %add3A_707, %add3A_714, %add3A_721, %add3A_728, %add3A_735, %add3A_742, %add3A_749, %add3A_756 : vector<16xf32>, vector<16xf32>, vector<16xf32>, vector<16xf32>, vector<16xf32>, vector<16xf32>, vector<16xf32>, vector<16xf32>
    }
    %scan3A_450 = arith.constant 32 : i32
    %swap3A_451 = arith.constant 1 : i32
    %swap3A_452 = arith.index_cast %swap3A_451 : i32 to index
    %swap3A_453 = arith.constant 0 : index
    %swap3A_454 = tpu.vector_load %arg10[%swap3A_452, %swap3A_453] {strides = array<i32>} : memref<4x128xf32, #tpu.memory_space<vmem>>, vector<1x16xf32>,
    %swap3A_455 = vector.shape_cast %swap3A_454 : vector<1x16xf32> to vector<16xf32>
    %swap3A_456 = vector.shape_cast %scan3A_449#0 : vector<16xf32> to vector<1x16xf32>
    tpu.vector_store %arg10[%swap3A_452, %swap3A_453], %swap3A_456 {strides = array<i32>} : memref<4x128xf32, #tpu.memory_space<vmem>>, vector<1x16xf32>,
    %swap3A_457 = arith.constant 1 : i32
    %swap3A_458 = arith.index_cast %swap3A_457 : i32 to index
    %swap3A_459 = arith.constant 16 : index
    %swap3A_460 = tpu.vector_load %arg10[%swap3A_458, %swap3A_459] {strides = array<i32>} : memref<4x128xf32, #tpu.memory_space<vmem>>, vector<1x16xf32>,
    %swap3A_461 = vector.shape_cast %swap3A_460 : vector<1x16xf32> to vector<16xf32>
    %swap3A_462 = vector.shape_cast %scan3A_449#1 : vector<16xf32> to vector<1x16xf32>
    tpu.vector_store %arg10[%swap3A_458, %swap3A_459], %swap3A_462 {strides = array<i32>} : memref<4x128xf32, #tpu.memory_space<vmem>>, vector<1x16xf32>,
    %swap3A_463 = arith.constant 1 : i32
    %swap3A_464 = arith.index_cast %swap3A_463 : i32 to index
    %swap3A_465 = arith.constant 32 : index
    %swap3A_466 = tpu.vector_load %arg10[%swap3A_464, %swap3A_465] {strides = array<i32>} : memref<4x128xf32, #tpu.memory_space<vmem>>, vector<1x16xf32>,
    %swap3A_467 = vector.shape_cast %swap3A_466 : vector<1x16xf32> to vector<16xf32>
    %swap3A_468 = vector.shape_cast %scan3A_449#2 : vector<16xf32> to vector<1x16xf32>
    tpu.vector_store %arg10[%swap3A_464, %swap3A_465], %swap3A_468 {strides = array<i32>} : memref<4x128xf32, #tpu.memory_space<vmem>>, vector<1x16xf32>,
    %swap3A_469 = arith.constant 1 : i32
    %swap3A_470 = arith.index_cast %swap3A_469 : i32 to index
    %swap3A_471 = arith.constant 48 : index
    %swap3A_472 = tpu.vector_load %arg10[%swap3A_470, %swap3A_471] {strides = array<i32>} : memref<4x128xf32, #tpu.memory_space<vmem>>, vector<1x16xf32>,
    %swap3A_473 = vector.shape_cast %swap3A_472 : vector<1x16xf32> to vector<16xf32>
    %swap3A_474 = vector.shape_cast %scan3A_449#3 : vector<16xf32> to vector<1x16xf32>
    tpu.vector_store %arg10[%swap3A_470, %swap3A_471], %swap3A_474 {strides = array<i32>} : memref<4x128xf32, #tpu.memory_space<vmem>>, vector<1x16xf32>,
    %swap3A_475 = arith.constant 1 : i32
    %swap3A_476 = arith.index_cast %swap3A_475 : i32 to index
    %swap3A_477 = arith.constant 64 : index
    %swap3A_478 = tpu.vector_load %arg10[%swap3A_476, %swap3A_477] {strides = array<i32>} : memref<4x128xf32, #tpu.memory_space<vmem>>, vector<1x16xf32>,
    %swap3A_479 = vector.shape_cast %swap3A_478 : vector<1x16xf32> to vector<16xf32>
    %swap3A_480 = vector.shape_cast %scan3A_449#4 : vector<16xf32> to vector<1x16xf32>
    tpu.vector_store %arg10[%swap3A_476, %swap3A_477], %swap3A_480 {strides = array<i32>} : memref<4x128xf32, #tpu.memory_space<vmem>>, vector<1x16xf32>,
    %swap3A_481 = arith.constant 1 : i32
    %swap3A_482 = arith.index_cast %swap3A_481 : i32 to index
    %swap3A_483 = arith.constant 80 : index
    %swap3A_484 = tpu.vector_load %arg10[%swap3A_482, %swap3A_483] {strides = array<i32>} : memref<4x128xf32, #tpu.memory_space<vmem>>, vector<1x16xf32>,
    %swap3A_485 = vector.shape_cast %swap3A_484 : vector<1x16xf32> to vector<16xf32>
    %swap3A_486 = vector.shape_cast %scan3A_449#5 : vector<16xf32> to vector<1x16xf32>
    tpu.vector_store %arg10[%swap3A_482, %swap3A_483], %swap3A_486 {strides = array<i32>} : memref<4x128xf32, #tpu.memory_space<vmem>>, vector<1x16xf32>,
    %swap3A_487 = arith.constant 1 : i32
    %swap3A_488 = arith.index_cast %swap3A_487 : i32 to index
    %swap3A_489 = arith.constant 96 : index
    %swap3A_490 = tpu.vector_load %arg10[%swap3A_488, %swap3A_489] {strides = array<i32>} : memref<4x128xf32, #tpu.memory_space<vmem>>, vector<1x16xf32>,
    %swap3A_491 = vector.shape_cast %swap3A_490 : vector<1x16xf32> to vector<16xf32>
    %swap3A_492 = vector.shape_cast %scan3A_449#6 : vector<16xf32> to vector<1x16xf32>
    tpu.vector_store %arg10[%swap3A_488, %swap3A_489], %swap3A_492 {strides = array<i32>} : memref<4x128xf32, #tpu.memory_space<vmem>>, vector<1x16xf32>,
    %swap3A_493 = arith.constant 1 : i32
    %swap3A_494 = arith.index_cast %swap3A_493 : i32 to index
    %swap3A_495 = arith.constant 112 : index
    %swap3A_496 = tpu.vector_load %arg10[%swap3A_494, %swap3A_495] {strides = array<i32>} : memref<4x128xf32, #tpu.memory_space<vmem>>, vector<1x16xf32>,
    %swap3A_497 = vector.shape_cast %swap3A_496 : vector<1x16xf32> to vector<16xf32>
    %swap3A_498 = vector.shape_cast %scan3A_449#7 : vector<16xf32> to vector<1x16xf32>
    tpu.vector_store %arg10[%swap3A_494, %swap3A_495], %swap3A_498 {strides = array<i32>} : memref<4x128xf32, #tpu.memory_space<vmem>>, vector<1x16xf32>,
    %broadcast_in_dim3A_499 = arith.constant 0.000000e+00 : f32
    %broadcast_in_dim3A_500 = vector.broadcast %broadcast_in_dim3A_499 : f32 to vector<16xf32>
    %broadcast_in_dim3A_501 = arith.constant 0.000000e+00 : f32
    %broadcast_in_dim3A_502 = vector.broadcast %broadcast_in_dim3A_501 : f32 to vector<16xf32>
    %broadcast_in_dim3A_503 = arith.constant 0.000000e+00 : f32
    %broadcast_in_dim3A_504 = vector.broadcast %broadcast_in_dim3A_503 : f32 to vector<16xf32>
    %broadcast_in_dim3A_505 = arith.constant 0.000000e+00 : f32
    %broadcast_in_dim3A_506 = vector.broadcast %broadcast_in_dim3A_505 : f32 to vector<16xf32>
    %broadcast_in_dim3A_507 = arith.constant 0.000000e+00 : f32
    %broadcast_in_dim3A_508 = vector.broadcast %broadcast_in_dim3A_507 : f32 to vector<16xf32>
    %broadcast_in_dim3A_509 = arith.constant 0.000000e+00 : f32
    %broadcast_in_dim3A_510 = vector.broadcast %broadcast_in_dim3A_509 : f32 to vector<16xf32>
    %broadcast_in_dim3A_511 = arith.constant 0.000000e+00 : f32
    %broadcast_in_dim3A_512 = vector.broadcast %broadcast_in_dim3A_511 : f32 to vector<16xf32>
    %broadcast_in_dim3A_513 = arith.constant 0.000000e+00 : f32
    %broadcast_in_dim3A_514 = vector.broadcast %broadcast_in_dim3A_513 : f32 to vector<16xf32>
    %scan3A_515 = arith.constant 0 : i32
    %scan3A_516 = arith.constant 32 : i32
    %scan3A_517 = arith.addi %scan3A_515, %scan3A_516 : i32
    %scan3A_518 = arith.constant 1 : i32
    %scan3A_519:8 = scf.for %scan3A_693 = %scan3A_515 to %scan3A_517 step %scan3A_518 iter_args(%scan3A_694 = %broadcast_in_dim3A_500, %scan3A_695 = %broadcast_in_dim3A_502, %scan3A_696 = %broadcast_in_dim3A_504, %scan3A_697 = %broadcast_in_dim3A_506, %scan3A_698 = %broadcast_in_dim3A_508, %scan3A_699 = %broadcast_in_dim3A_510, %scan3A_700 = %broadcast_in_dim3A_512, %scan3A_701 = %broadcast_in_dim3A_514) -> (vector<16xf32>, vector<16xf32>, vector<16xf32>, vector<16xf32>, vector<16xf32>, vector<16xf32>, vector<16xf32>, vector<16xf32>)  : i32 {
      %add3A_702 = arith.constant 64 : i32
      %add3A_703 = arith.addi %add3A_702, %scan3A_693 : i32
      %get3A = arith.index_cast %add3A_703 : i32 to index
      %get3A_704 = arith.constant 0 : index
      %get3A_705 = tpu.vector_load %arg8[%get3A, %get3A_704] {strides = array<i32>} : memref<128x128xf32, #tpu.memory_space<vmem>>, vector<1x16xf32>,
      %get3A_706 = vector.shape_cast %get3A_705 : vector<1x16xf32> to vector<16xf32>
      %add3A_707 = arith.addf %scan3A_694, %get3A_706 : vector<16xf32>
      %add3A_708 = arith.constant 64 : i32
      %add3A_709 = arith.addi %add3A_708, %scan3A_693 : i32
      %get3A_710 = arith.index_cast %add3A_709 : i32 to index
      %get3A_711 = arith.constant 16 : index
      %get3A_712 = tpu.vector_load %arg8[%get3A_710, %get3A_711] {strides = array<i32>} : memref<128x128xf32, #tpu.memory_space<vmem>>, vector<1x16xf32>,
      %get3A_713 = vector.shape_cast %get3A_712 : vector<1x16xf32> to vector<16xf32>
      %add3A_714 = arith.addf %scan3A_695, %get3A_713 : vector<16xf32>
      %add3A_715 = arith.constant 64 : i32
      %add3A_716 = arith.addi %add3A_715, %scan3A_693 : i32
      %get3A_717 = arith.index_cast %add3A_716 : i32 to index
      %get3A_718 = arith.constant 32 : index
      %get3A_719 = tpu.vector_load %arg8[%get3A_717, %get3A_718] {strides = array<i32>} : memref<128x128xf32, #tpu.memory_space<vmem>>, vector<1x16xf32>,
      %get3A_720 = vector.shape_cast %get3A_719 : vector<1x16xf32> to vector<16xf32>
      %add3A_721 = arith.addf %scan3A_696, %get3A_720 : vector<16xf32>
      %add3A_722 = arith.constant 64 : i32
      %add3A_723 = arith.addi %add3A_722, %scan3A_693 : i32
      %get3A_724 = arith.index_cast %add3A_723 : i32 to index
      %get3A_725 = arith.constant 48 : index
      %get3A_726 = tpu.vector_load %arg8[%get3A_724, %get3A_725] {strides = array<i32>} : memref<128x128xf32, #tpu.memory_space<vmem>>, vector<1x16xf32>,
      %get3A_727 = vector.shape_cast %get3A_726 : vector<1x16xf32> to vector<16xf32>
      %add3A_728 = arith.addf %scan3A_697, %get3A_727 : vector<16xf32>
      %add3A_729 = arith.constant 64 : i32
      %add3A_730 = arith.addi %add3A_729, %scan3A_693 : i32
      %get3A_731 = arith.index_cast %add3A_730 : i32 to index
      %get3A_732 = arith.constant 64 : index
      %get3A_733 = tpu.vector_load %arg8[%get3A_731, %get3A_732] {strides = array<i32>} : memref<128x128xf32, #tpu.memory_space<vmem>>, vector<1x16xf32>,
      %get3A_734 = vector.shape_cast %get3A_733 : vector<1x16xf32> to vector<16xf32>
      %add3A_735 = arith.addf %scan3A_698, %get3A_734 : vector<16xf32>
      %add3A_736 = arith.constant 64 : i32
      %add3A_737 = arith.addi %add3A_736, %scan3A_693 : i32
      %get3A_738 = arith.index_cast %add3A_737 : i32 to index
      %get3A_739 = arith.constant 80 : index
      %get3A_740 = tpu.vector_load %arg8[%get3A_738, %get3A_739] {strides = array<i32>} : memref<128x128xf32, #tpu.memory_space<vmem>>, vector<1x16xf32>,
      %get3A_741 = vector.shape_cast %get3A_740 : vector<1x16xf32> to vector<16xf32>
      %add3A_742 = arith.addf %scan3A_699, %get3A_741 : vector<16xf32>
      %add3A_743 = arith.constant 64 : i32
      %add3A_744 = arith.addi %add3A_743, %scan3A_693 : i32
      %get3A_745 = arith.index_cast %add3A_744 : i32 to index
      %get3A_746 = arith.constant 96 : index
      %get3A_747 = tpu.vector_load %arg8[%get3A_745, %get3A_746] {strides = array<i32>} : memref<128x128xf32, #tpu.memory_space<vmem>>, vector<1x16xf32>,
      %get3A_748 = vector.shape_cast %get3A_747 : vector<1x16xf32> to vector<16xf32>
      %add3A_749 = arith.addf %scan3A_700, %get3A_748 : vector<16xf32>
      %add3A_750 = arith.constant 64 : i32
      %add3A_751 = arith.addi %add3A_750, %scan3A_693 : i32
      %get3A_752 = arith.index_cast %add3A_751 : i32 to index
      %get3A_753 = arith.constant 112 : index
      %get3A_754 = tpu.vector_load %arg8[%get3A_752, %get3A_753] {strides = array<i32>} : memref<128x128xf32, #tpu.memory_space<vmem>>, vector<1x16xf32>,
      %get3A_755 = vector.shape_cast %get3A_754 : vector<1x16xf32> to vector<16xf32>
      %add3A_756 = arith.addf %scan3A_701, %get3A_755 : vector<16xf32>
      scf.yield %add3A_707, %add3A_714, %add3A_721, %add3A_728, %add3A_735, %add3A_742, %add3A_749, %add3A_756 : vector<16xf32>, vector<16xf32>, vector<16xf32>, vector<16xf32>, vector<16xf32>, vector<16xf32>, vector<16xf32>, vector<16xf32>
    }
    %scan3A_520 = arith.constant 32 : i32
    %swap3A_521 = arith.constant 2 : i32
    %swap3A_522 = arith.index_cast %swap3A_521 : i32 to index
    %swap3A_523 = arith.constant 0 : index
    %swap3A_524 = tpu.vector_load %arg10[%swap3A_522, %swap3A_523] {strides = array<i32>} : memref<4x128xf32, #tpu.memory_space<vmem>>, vector<1x16xf32>,
    %swap3A_525 = vector.shape_cast %swap3A_524 : vector<1x16xf32> to vector<16xf32>
    %swap3A_526 = vector.shape_cast %scan3A_519#0 : vector<16xf32> to vector<1x16xf32>
    tpu.vector_store %arg10[%swap3A_522, %swap3A_523], %swap3A_526 {strides = array<i32>} : memref<4x128xf32, #tpu.memory_space<vmem>>, vector<1x16xf32>,
    %swap3A_527 = arith.constant 2 : i32
    %swap3A_528 = arith.index_cast %swap3A_527 : i32 to index
    %swap3A_529 = arith.constant 16 : index
    %swap3A_530 = tpu.vector_load %arg10[%swap3A_528, %swap3A_529] {strides = array<i32>} : memref<4x128xf32, #tpu.memory_space<vmem>>, vector<1x16xf32>,
    %swap3A_531 = vector.shape_cast %swap3A_530 : vector<1x16xf32> to vector<16xf32>
    %swap3A_532 = vector.shape_cast %scan3A_519#1 : vector<16xf32> to vector<1x16xf32>
    tpu.vector_store %arg10[%swap3A_528, %swap3A_529], %swap3A_532 {strides = array<i32>} : memref<4x128xf32, #tpu.memory_space<vmem>>, vector<1x16xf32>,
    %swap3A_533 = arith.constant 2 : i32
    %swap3A_534 = arith.index_cast %swap3A_533 : i32 to index
    %swap3A_535 = arith.constant 32 : index
    %swap3A_536 = tpu.vector_load %arg10[%swap3A_534, %swap3A_535] {strides = array<i32>} : memref<4x128xf32, #tpu.memory_space<vmem>>, vector<1x16xf32>,
    %swap3A_537 = vector.shape_cast %swap3A_536 : vector<1x16xf32> to vector<16xf32>
    %swap3A_538 = vector.shape_cast %scan3A_519#2 : vector<16xf32> to vector<1x16xf32>
    tpu.vector_store %arg10[%swap3A_534, %swap3A_535], %swap3A_538 {strides = array<i32>} : memref<4x128xf32, #tpu.memory_space<vmem>>, vector<1x16xf32>,
    %swap3A_539 = arith.constant 2 : i32
    %swap3A_540 = arith.index_cast %swap3A_539 : i32 to index
    %swap3A_541 = arith.constant 48 : index
    %swap3A_542 = tpu.vector_load %arg10[%swap3A_540, %swap3A_541] {strides = array<i32>} : memref<4x128xf32, #tpu.memory_space<vmem>>, vector<1x16xf32>,
    %swap3A_543 = vector.shape_cast %swap3A_542 : vector<1x16xf32> to vector<16xf32>
    %swap3A_544 = vector.shape_cast %scan3A_519#3 : vector<16xf32> to vector<1x16xf32>
    tpu.vector_store %arg10[%swap3A_540, %swap3A_541], %swap3A_544 {strides = array<i32>} : memref<4x128xf32, #tpu.memory_space<vmem>>, vector<1x16xf32>,
    %swap3A_545 = arith.constant 2 : i32
    %swap3A_546 = arith.index_cast %swap3A_545 : i32 to index
    %swap3A_547 = arith.constant 64 : index
    %swap3A_548 = tpu.vector_load %arg10[%swap3A_546, %swap3A_547] {strides = array<i32>} : memref<4x128xf32, #tpu.memory_space<vmem>>, vector<1x16xf32>,
    %swap3A_549 = vector.shape_cast %swap3A_548 : vector<1x16xf32> to vector<16xf32>
    %swap3A_550 = vector.shape_cast %scan3A_519#4 : vector<16xf32> to vector<1x16xf32>
    tpu.vector_store %arg10[%swap3A_546, %swap3A_547], %swap3A_550 {strides = array<i32>} : memref<4x128xf32, #tpu.memory_space<vmem>>, vector<1x16xf32>,
    %swap3A_551 = arith.constant 2 : i32
    %swap3A_552 = arith.index_cast %swap3A_551 : i32 to index
    %swap3A_553 = arith.constant 80 : index
    %swap3A_554 = tpu.vector_load %arg10[%swap3A_552, %swap3A_553] {strides = array<i32>} : memref<4x128xf32, #tpu.memory_space<vmem>>, vector<1x16xf32>,
    %swap3A_555 = vector.shape_cast %swap3A_554 : vector<1x16xf32> to vector<16xf32>
    %swap3A_556 = vector.shape_cast %scan3A_519#5 : vector<16xf32> to vector<1x16xf32>
    tpu.vector_store %arg10[%swap3A_552, %swap3A_553], %swap3A_556 {strides = array<i32>} : memref<4x128xf32, #tpu.memory_space<vmem>>, vector<1x16xf32>,
    %swap3A_557 = arith.constant 2 : i32
    %swap3A_558 = arith.index_cast %swap3A_557 : i32 to index
    %swap3A_559 = arith.constant 96 : index
    %swap3A_560 = tpu.vector_load %arg10[%swap3A_558, %swap3A_559] {strides = array<i32>} : memref<4x128xf32, #tpu.memory_space<vmem>>, vector<1x16xf32>,
    %swap3A_561 = vector.shape_cast %swap3A_560 : vector<1x16xf32> to vector<16xf32>
    %swap3A_562 = vector.shape_cast %scan3A_519#6 : vector<16xf32> to vector<1x16xf32>
    tpu.vector_store %arg10[%swap3A_558, %swap3A_559], %swap3A_562 {strides = array<i32>} : memref<4x128xf32, #tpu.memory_space<vmem>>, vector<1x16xf32>,
    %swap3A_563 = arith.constant 2 : i32
    %swap3A_564 = arith.index_cast %swap3A_563 : i32 to index
    %swap3A_565 = arith.constant 112 : index
    %swap3A_566 = tpu.vector_load %arg10[%swap3A_564, %swap3A_565] {strides = array<i32>} : memref<4x128xf32, #tpu.memory_space<vmem>>, vector<1x16xf32>,
    %swap3A_567 = vector.shape_cast %swap3A_566 : vector<1x16xf32> to vector<16xf32>
    %swap3A_568 = vector.shape_cast %scan3A_519#7 : vector<16xf32> to vector<1x16xf32>
    tpu.vector_store %arg10[%swap3A_564, %swap3A_565], %swap3A_568 {strides = array<i32>} : memref<4x128xf32, #tpu.memory_space<vmem>>, vector<1x16xf32>,
    %broadcast_in_dim3A_569 = arith.constant 0.000000e+00 : f32
    %broadcast_in_dim3A_570 = vector.broadcast %broadcast_in_dim3A_569 : f32 to vector<16xf32>
    %broadcast_in_dim3A_571 = arith.constant 0.000000e+00 : f32
    %broadcast_in_dim3A_572 = vector.broadcast %broadcast_in_dim3A_571 : f32 to vector<16xf32>
    %broadcast_in_dim3A_573 = arith.constant 0.000000e+00 : f32
    %broadcast_in_dim3A_574 = vector.broadcast %broadcast_in_dim3A_573 : f32 to vector<16xf32>
    %broadcast_in_dim3A_575 = arith.constant 0.000000e+00 : f32
    %broadcast_in_dim3A_576 = vector.broadcast %broadcast_in_dim3A_575 : f32 to vector<16xf32>
    %broadcast_in_dim3A_577 = arith.constant 0.000000e+00 : f32
    %broadcast_in_dim3A_578 = vector.broadcast %broadcast_in_dim3A_577 : f32 to vector<16xf32>
    %broadcast_in_dim3A_579 = arith.constant 0.000000e+00 : f32
    %broadcast_in_dim3A_580 = vector.broadcast %broadcast_in_dim3A_579 : f32 to vector<16xf32>
    %broadcast_in_dim3A_581 = arith.constant 0.000000e+00 : f32
    %broadcast_in_dim3A_582 = vector.broadcast %broadcast_in_dim3A_581 : f32 to vector<16xf32>
    %broadcast_in_dim3A_583 = arith.constant 0.000000e+00 : f32
    %broadcast_in_dim3A_584 = vector.broadcast %broadcast_in_dim3A_583 : f32 to vector<16xf32>
    %scan3A_585 = arith.constant 0 : i32
    %scan3A_586 = arith.constant 32 : i32
    %scan3A_587 = arith.addi %scan3A_585, %scan3A_586 : i32
    %scan3A_588 = arith.constant 1 : i32
    %scan3A_589:8 = scf.for %scan3A_693 = %scan3A_585 to %scan3A_587 step %scan3A_588 iter_args(%scan3A_694 = %broadcast_in_dim3A_570, %scan3A_695 = %broadcast_in_dim3A_572, %scan3A_696 = %broadcast_in_dim3A_574, %scan3A_697 = %broadcast_in_dim3A_576, %scan3A_698 = %broadcast_in_dim3A_578, %scan3A_699 = %broadcast_in_dim3A_580, %scan3A_700 = %broadcast_in_dim3A_582, %scan3A_701 = %broadcast_in_dim3A_584) -> (vector<16xf32>, vector<16xf32>, vector<16xf32>, vector<16xf32>, vector<16xf32>, vector<16xf32>, vector<16xf32>, vector<16xf32>)  : i32 {
      %add3A_702 = arith.constant 96 : i32
      %add3A_703 = arith.addi %add3A_702, %scan3A_693 : i32
      %get3A = arith.index_cast %add3A_703 : i32 to index
      %get3A_704 = arith.constant 0 : index
      %get3A_705 = tpu.vector_load %arg8[%get3A, %get3A_704] {strides = array<i32>} : memref<128x128xf32, #tpu.memory_space<vmem>>, vector<1x16xf32>,
      %get3A_706 = vector.shape_cast %get3A_705 : vector<1x16xf32> to vector<16xf32>
      %add3A_707 = arith.addf %scan3A_694, %get3A_706 : vector<16xf32>
      %add3A_708 = arith.constant 96 : i32
      %add3A_709 = arith.addi %add3A_708, %scan3A_693 : i32
      %get3A_710 = arith.index_cast %add3A_709 : i32 to index
      %get3A_711 = arith.constant 16 : index
      %get3A_712 = tpu.vector_load %arg8[%get3A_710, %get3A_711] {strides = array<i32>} : memref<128x128xf32, #tpu.memory_space<vmem>>, vector<1x16xf32>,
      %get3A_713 = vector.shape_cast %get3A_712 : vector<1x16xf32> to vector<16xf32>
      %add3A_714 = arith.addf %scan3A_695, %get3A_713 : vector<16xf32>
      %add3A_715 = arith.constant 96 : i32
      %add3A_716 = arith.addi %add3A_715, %scan3A_693 : i32
      %get3A_717 = arith.index_cast %add3A_716 : i32 to index
      %get3A_718 = arith.constant 32 : index
      %get3A_719 = tpu.vector_load %arg8[%get3A_717, %get3A_718] {strides = array<i32>} : memref<128x128xf32, #tpu.memory_space<vmem>>, vector<1x16xf32>,
      %get3A_720 = vector.shape_cast %get3A_719 : vector<1x16xf32> to vector<16xf32>
      %add3A_721 = arith.addf %scan3A_696, %get3A_720 : vector<16xf32>
      %add3A_722 = arith.constant 96 : i32
      %add3A_723 = arith.addi %add3A_722, %scan3A_693 : i32
      %get3A_724 = arith.index_cast %add3A_723 : i32 to index
      %get3A_725 = arith.constant 48 : index
      %get3A_726 = tpu.vector_load %arg8[%get3A_724, %get3A_725] {strides = array<i32>} : memref<128x128xf32, #tpu.memory_space<vmem>>, vector<1x16xf32>,
      %get3A_727 = vector.shape_cast %get3A_726 : vector<1x16xf32> to vector<16xf32>
      %add3A_728 = arith.addf %scan3A_697, %get3A_727 : vector<16xf32>
      %add3A_729 = arith.constant 96 : i32
      %add3A_730 = arith.addi %add3A_729, %scan3A_693 : i32
      %get3A_731 = arith.index_cast %add3A_730 : i32 to index
      %get3A_732 = arith.constant 64 : index
      %get3A_733 = tpu.vector_load %arg8[%get3A_731, %get3A_732] {strides = array<i32>} : memref<128x128xf32, #tpu.memory_space<vmem>>, vector<1x16xf32>,
      %get3A_734 = vector.shape_cast %get3A_733 : vector<1x16xf32> to vector<16xf32>
      %add3A_735 = arith.addf %scan3A_698, %get3A_734 : vector<16xf32>
      %add3A_736 = arith.constant 96 : i32
      %add3A_737 = arith.addi %add3A_736, %scan3A_693 : i32
      %get3A_738 = arith.index_cast %add3A_737 : i32 to index
      %get3A_739 = arith.constant 80 : index
      %get3A_740 = tpu.vector_load %arg8[%get3A_738, %get3A_739] {strides = array<i32>} : memref<128x128xf32, #tpu.memory_space<vmem>>, vector<1x16xf32>,
      %get3A_741 = vector.shape_cast %get3A_740 : vector<1x16xf32> to vector<16xf32>
      %add3A_742 = arith.addf %scan3A_699, %get3A_741 : vector<16xf32>
      %add3A_743 = arith.constant 96 : i32
      %add3A_744 = arith.addi %add3A_743, %scan3A_693 : i32
      %get3A_745 = arith.index_cast %add3A_744 : i32 to index
      %get3A_746 = arith.constant 96 : index
      %get3A_747 = tpu.vector_load %arg8[%get3A_745, %get3A_746] {strides = array<i32>} : memref<128x128xf32, #tpu.memory_space<vmem>>, vector<1x16xf32>,
      %get3A_748 = vector.shape_cast %get3A_747 : vector<1x16xf32> to vector<16xf32>
      %add3A_749 = arith.addf %scan3A_700, %get3A_748 : vector<16xf32>
      %add3A_750 = arith.constant 96 : i32
      %add3A_751 = arith.addi %add3A_750, %scan3A_693 : i32
      %get3A_752 = arith.index_cast %add3A_751 : i32 to index
      %get3A_753 = arith.constant 112 : index
      %get3A_754 = tpu.vector_load %arg8[%get3A_752, %get3A_753] {strides = array<i32>} : memref<128x128xf32, #tpu.memory_space<vmem>>, vector<1x16xf32>,
      %get3A_755 = vector.shape_cast %get3A_754 : vector<1x16xf32> to vector<16xf32>
      %add3A_756 = arith.addf %scan3A_701, %get3A_755 : vector<16xf32>
      scf.yield %add3A_707, %add3A_714, %add3A_721, %add3A_728, %add3A_735, %add3A_742, %add3A_749, %add3A_756 : vector<16xf32>, vector<16xf32>, vector<16xf32>, vector<16xf32>, vector<16xf32>, vector<16xf32>, vector<16xf32>, vector<16xf32>
    }
    %scan3A_590 = arith.constant 32 : i32
    %swap3A_591 = arith.constant 3 : i32
    %swap3A_592 = arith.index_cast %swap3A_591 : i32 to index
    %swap3A_593 = arith.constant 0 : index
    %swap3A_594 = tpu.vector_load %arg10[%swap3A_592, %swap3A_593] {strides = array<i32>} : memref<4x128xf32, #tpu.memory_space<vmem>>, vector<1x16xf32>,
    %swap3A_595 = vector.shape_cast %swap3A_594 : vector<1x16xf32> to vector<16xf32>
    %swap3A_596 = vector.shape_cast %scan3A_589#0 : vector<16xf32> to vector<1x16xf32>
    tpu.vector_store %arg10[%swap3A_592, %swap3A_593], %swap3A_596 {strides = array<i32>} : memref<4x128xf32, #tpu.memory_space<vmem>>, vector<1x16xf32>,
    %swap3A_597 = arith.constant 3 : i32
    %swap3A_598 = arith.index_cast %swap3A_597 : i32 to index
    %swap3A_599 = arith.constant 16 : index
    %swap3A_600 = tpu.vector_load %arg10[%swap3A_598, %swap3A_599] {strides = array<i32>} : memref<4x128xf32, #tpu.memory_space<vmem>>, vector<1x16xf32>,
    %swap3A_601 = vector.shape_cast %swap3A_600 : vector<1x16xf32> to vector<16xf32>
    %swap3A_602 = vector.shape_cast %scan3A_589#1 : vector<16xf32> to vector<1x16xf32>
    tpu.vector_store %arg10[%swap3A_598, %swap3A_599], %swap3A_602 {strides = array<i32>} : memref<4x128xf32, #tpu.memory_space<vmem>>, vector<1x16xf32>,
    %swap3A_603 = arith.constant 3 : i32
    %swap3A_604 = arith.index_cast %swap3A_603 : i32 to index
    %swap3A_605 = arith.constant 32 : index
    %swap3A_606 = tpu.vector_load %arg10[%swap3A_604, %swap3A_605] {strides = array<i32>} : memref<4x128xf32, #tpu.memory_space<vmem>>, vector<1x16xf32>,
    %swap3A_607 = vector.shape_cast %swap3A_606 : vector<1x16xf32> to vector<16xf32>
    %swap3A_608 = vector.shape_cast %scan3A_589#2 : vector<16xf32> to vector<1x16xf32>
    tpu.vector_store %arg10[%swap3A_604, %swap3A_605], %swap3A_608 {strides = array<i32>} : memref<4x128xf32, #tpu.memory_space<vmem>>, vector<1x16xf32>,
    %swap3A_609 = arith.constant 3 : i32
    %swap3A_610 = arith.index_cast %swap3A_609 : i32 to index
    %swap3A_611 = arith.constant 48 : index
    %swap3A_612 = tpu.vector_load %arg10[%swap3A_610, %swap3A_611] {strides = array<i32>} : memref<4x128xf32, #tpu.memory_space<vmem>>, vector<1x16xf32>,
    %swap3A_613 = vector.shape_cast %swap3A_612 : vector<1x16xf32> to vector<16xf32>
    %swap3A_614 = vector.shape_cast %scan3A_589#3 : vector<16xf32> to vector<1x16xf32>
    tpu.vector_store %arg10[%swap3A_610, %swap3A_611], %swap3A_614 {strides = array<i32>} : memref<4x128xf32, #tpu.memory_space<vmem>>, vector<1x16xf32>,
    %swap3A_615 = arith.constant 3 : i32
    %swap3A_616 = arith.index_cast %swap3A_615 : i32 to index
    %swap3A_617 = arith.constant 64 : index
    %swap3A_618 = tpu.vector_load %arg10[%swap3A_616, %swap3A_617] {strides = array<i32>} : memref<4x128xf32, #tpu.memory_space<vmem>>, vector<1x16xf32>,
    %swap3A_619 = vector.shape_cast %swap3A_618 : vector<1x16xf32> to vector<16xf32>
    %swap3A_620 = vector.shape_cast %scan3A_589#4 : vector<16xf32> to vector<1x16xf32>
    tpu.vector_store %arg10[%swap3A_616, %swap3A_617], %swap3A_620 {strides = array<i32>} : memref<4x128xf32, #tpu.memory_space<vmem>>, vector<1x16xf32>,
    %swap3A_621 = arith.constant 3 : i32
    %swap3A_622 = arith.index_cast %swap3A_621 : i32 to index
    %swap3A_623 = arith.constant 80 : index
    %swap3A_624 = tpu.vector_load %arg10[%swap3A_622, %swap3A_623] {strides = array<i32>} : memref<4x128xf32, #tpu.memory_space<vmem>>, vector<1x16xf32>,
    %swap3A_625 = vector.shape_cast %swap3A_624 : vector<1x16xf32> to vector<16xf32>
    %swap3A_626 = vector.shape_cast %scan3A_589#5 : vector<16xf32> to vector<1x16xf32>
    tpu.vector_store %arg10[%swap3A_622, %swap3A_623], %swap3A_626 {strides = array<i32>} : memref<4x128xf32, #tpu.memory_space<vmem>>, vector<1x16xf32>,
    %swap3A_627 = arith.constant 3 : i32
    %swap3A_628 = arith.index_cast %swap3A_627 : i32 to index
    %swap3A_629 = arith.constant 96 : index
    %swap3A_630 = tpu.vector_load %arg10[%swap3A_628, %swap3A_629] {strides = array<i32>} : memref<4x128xf32, #tpu.memory_space<vmem>>, vector<1x16xf32>,
    %swap3A_631 = vector.shape_cast %swap3A_630 : vector<1x16xf32> to vector<16xf32>
    %swap3A_632 = vector.shape_cast %scan3A_589#6 : vector<16xf32> to vector<1x16xf32>
    tpu.vector_store %arg10[%swap3A_628, %swap3A_629], %swap3A_632 {strides = array<i32>} : memref<4x128xf32, #tpu.memory_space<vmem>>, vector<1x16xf32>,
    %swap3A_633 = arith.constant 3 : i32
    %swap3A_634 = arith.index_cast %swap3A_633 : i32 to index
    %swap3A_635 = arith.constant 112 : index
    %swap3A_636 = tpu.vector_load %arg10[%swap3A_634, %swap3A_635] {strides = array<i32>} : memref<4x128xf32, #tpu.memory_space<vmem>>, vector<1x16xf32>,
    %swap3A_637 = vector.shape_cast %swap3A_636 : vector<1x16xf32> to vector<16xf32>
    %swap3A_638 = vector.shape_cast %scan3A_589#7 : vector<16xf32> to vector<1x16xf32>
    tpu.vector_store %arg10[%swap3A_634, %swap3A_635], %swap3A_638 {strides = array<i32>} : memref<4x128xf32, #tpu.memory_space<vmem>>, vector<1x16xf32>,
    %add3A_639 = arith.constant 4 : i32
    %add3A_640 = arith.addi %mul3A_2, %add3A_639 : i32
    %dma_start3A_641 = arith.constant 0 : i32
    %dma_start3A_642 = tpu.memref_slice %arg4[%add3A_640, %dma_start3A_641] : memref<10000x128xf32, #tpu.memory_space<hbm>> -> memref<4x128xf32, #tpu.memory_space<hbm>>
    %dma_start3A_643 = arith.constant 0 : i32
    %dma_start3A_644 = tpu.memref_slice %arg4[%add3A_640, %dma_start3A_643] : memref<10000x128xf32, #tpu.memory_space<hbm>> -> memref<4x128xf32, #tpu.memory_space<hbm>>
    tpu.enqueue_dma source(%arg10 : memref<4x128xf32, #tpu.memory_space<vmem>>) target(%dma_start3A_644 : memref<4x128xf32, #tpu.memory_space<hbm>>) target_semaphore(%arg14 : memref<!tpu.dma_semaphore, #tpu.memory_space<semaphore_mem>>)
    %dma_start3A_645 = arith.constant 3 : i32
    %dma_start3A_646 = arith.constant 0 : i32
    %dma_start3A_647 = tpu.memref_slice %arg6[%dma_start3A_645, %dma_start3A_646] : memref<80x128xi32, #tpu.memory_space<vmem>> -> memref<1x128xi32, #tpu.memory_space<vmem>>
    %dma_start3A_648 = tpu.memref_squeeze %dma_start3A_647 : memref<1x128xi32, #tpu.memory_space<vmem>> -> memref<128xi32, #tpu.memory_space<vmem>>
    %dma_start3A_649 = arith.constant 0 : i32
    %dma_start3A_650 = arith.constant 0 : i32
    %dma_start3A_651 = tpu.memref_slice %arg5[%dma_start3A_649, %dma_start3A_650] : memref<10000x128xf32, #tpu.memory_space<vmem_shared>> -> memref<10000x128xf32, #tpu.memory_space<vmem_shared>>
    tpu.enqueue_indirect_dma source(%dma_start3A_651 : memref<10000x128xf32, #tpu.memory_space<vmem_shared>>) target(%arg8 : memref<128x128xf32, #tpu.memory_space<vmem>>) offsets(%dma_start3A_648 : memref<128xi32, #tpu.memory_space<vmem>>) semaphore(%arg12 : memref<!tpu.dma_semaphore, #tpu.memory_space<semaphore_mem>>)
    %jit3A_652 = arith.constant 2 : i32
    %div3A_653 = arith.divsi %select_n3A, %jit3A_652 : i32
    %sign3A_654 = arith.constant 0 : i32
    %sign3A_655 = arith.cmpi sgt, %select_n3A, %sign3A_654 : i32
    %sign3A_656 = arith.extui %sign3A_655 : i1 to i32
    %sign3A_657 = arith.constant 0 : i32
    %sign3A_658 = arith.cmpi slt, %select_n3A, %sign3A_657 : i32
    %sign3A_659 = arith.extui %sign3A_658 : i1 to i32
    %sign3A_660 = arith.subi %sign3A_656, %sign3A_659 : i32
    %sign3A_661 = arith.constant 0 : i32
    %sign3A_662 = arith.cmpi sgt, %jit3A_652, %sign3A_661 : i32
    %sign3A_663 = arith.extui %sign3A_662 : i1 to i32
    %sign3A_664 = arith.constant 0 : i32
    %sign3A_665 = arith.cmpi slt, %jit3A_652, %sign3A_664 : i32
    %sign3A_666 = arith.extui %sign3A_665 : i1 to i32
    %sign3A_667 = arith.subi %sign3A_663, %sign3A_666 : i32
    %ne3A_668 = arith.cmpi ne, %sign3A_660, %sign3A_667 : i32
    %rem3A_669 = arith.remsi %select_n3A, %jit3A_652 : i32
    %ne3A_670 = arith.constant 0 : i32
    %ne3A_671 = arith.cmpi ne, %rem3A_669, %ne3A_670 : i32
    %and3A_672 = arith.andi %ne3A_668, %ne3A_671 : i1
    %sub3A_673 = arith.constant 1 : i32
    %sub3A_674 = arith.subi %div3A_653, %sub3A_673 : i32
    %select_n3A_675 = arith.select %and3A_672, %sub3A_674, %div3A_653 : i32
    %while3A = arith.constant 0 : i32
    %while3A_676 = arith.constant 1 : i32
    %while3A_677 = arith.subi %select_n3A_675, %while3A_676 : i32
    %while3A_678 = arith.addi %while3A_676, %while3A_677 : i32
    %while3A_679 = arith.constant 1 : i32
    %while3A_680 = arith.divsi %while3A_677, %while3A_679 : i32
    %while3A_681 = arith.muli %while3A_680, %while3A_679 : i32
    %while3A_682 = arith.addi %while3A_676, %while3A_681 : i32
    %while3A_683 = arith.constant 1 : i32
    scf.for %while3A_693 = %while3A_676 to %while3A_682 step %while3A_683  : i32 {
      %mul3A_694 = arith.constant 2 : i32
      %mul3A_695 = arith.muli %while3A_693, %mul3A_694 : i32
      %add3A_696 = arith.constant 0 : i32
      %add3A_697 = arith.addi %mul3A_695, %add3A_696 : i32
      %dma_wait3A_698 = arith.constant 0 : i32
      %dma_wait3A_699 = tpu.memref_slice %arg6[%add3A_697, %dma_wait3A_698] : memref<80x128xi32, #tpu.memory_space<vmem>> -> memref<1x128xi32, #tpu.memory_space<vmem>>
      %dma_wait3A_700 = tpu.memref_squeeze %dma_wait3A_699 : memref<1x128xi32, #tpu.memory_space<vmem>> -> memref<128xi32, #tpu.memory_space<vmem>>
      %dma_wait3A_701 = arith.constant 0 : i32
      %dma_wait3A_702 = arith.constant 0 : i32
      %dma_wait3A_703 = tpu.memref_slice %arg5[%dma_wait3A_701, %dma_wait3A_702] : memref<10000x128xf32, #tpu.memory_space<vmem_shared>> -> memref<10000x128xf32, #tpu.memory_space<vmem_shared>>
      tpu.wait_indirect_dma semaphore(%arg11 : memref<!tpu.dma_semaphore, #tpu.memory_space<semaphore_mem>>) src(%dma_wait3A_703 : memref<10000x128xf32, #tpu.memory_space<vmem_shared>>) dst(%arg7 : memref<128x128xf32, #tpu.memory_space<vmem>>)
      %gt3A = arith.constant 0 : i32
      %gt3A_704 = arith.cmpi sgt, %while3A_693, %gt3A : i32
      %convert_element_type3A_705 = arith.extui %gt3A_704 : i1 to i32
      %cond3A_706 = arith.constant 0 : i32
      %cond3A_707 = arith.cmpi ne, %convert_element_type3A_705, %cond3A_706 : i32
      scf.if %cond3A_707 {
        %dma_wait3A_1308 = arith.constant 0 : i32
        %dma_wait3A_1309 = tpu.memref_slice %arg4[%mul3A_2, %dma_wait3A_1308] : memref<10000x128xf32, #tpu.memory_space<hbm>> -> memref<4x128xf32, #tpu.memory_space<hbm>>
        %dma_wait3A_1310 = arith.constant 0 : i32
        %dma_wait3A_1311 = tpu.memref_slice %arg4[%mul3A_2, %dma_wait3A_1310] : memref<10000x128xf32, #tpu.memory_space<hbm>> -> memref<4x128xf32, #tpu.memory_space<hbm>>
        tpu.wait_dma2 semaphore(%arg13 : memref<!tpu.dma_semaphore, #tpu.memory_space<semaphore_mem>>) src(%arg9 : memref<4x128xf32, #tpu.memory_space<vmem>>) dst(%dma_wait3A_1311 : memref<4x128xf32, #tpu.memory_space<hbm>>)
      } else {
      }
      %broadcast_in_dim3A_708 = arith.constant 0.000000e+00 : f32
      %broadcast_in_dim3A_709 = vector.broadcast %broadcast_in_dim3A_708 : f32 to vector<16xf32>
      %broadcast_in_dim3A_710 = arith.constant 0.000000e+00 : f32
      %broadcast_in_dim3A_711 = vector.broadcast %broadcast_in_dim3A_710 : f32 to vector<16xf32>
      %broadcast_in_dim3A_712 = arith.constant 0.000000e+00 : f32
      %broadcast_in_dim3A_713 = vector.broadcast %broadcast_in_dim3A_712 : f32 to vector<16xf32>
      %broadcast_in_dim3A_714 = arith.constant 0.000000e+00 : f32
      %broadcast_in_dim3A_715 = vector.broadcast %broadcast_in_dim3A_714 : f32 to vector<16xf32>
      %broadcast_in_dim3A_716 = arith.constant 0.000000e+00 : f32
      %broadcast_in_dim3A_717 = vector.broadcast %broadcast_in_dim3A_716 : f32 to vector<16xf32>
      %broadcast_in_dim3A_718 = arith.constant 0.000000e+00 : f32
      %broadcast_in_dim3A_719 = vector.broadcast %broadcast_in_dim3A_718 : f32 to vector<16xf32>
      %broadcast_in_dim3A_720 = arith.constant 0.000000e+00 : f32
      %broadcast_in_dim3A_721 = vector.broadcast %broadcast_in_dim3A_720 : f32 to vector<16xf32>
      %broadcast_in_dim3A_722 = arith.constant 0.000000e+00 : f32
      %broadcast_in_dim3A_723 = vector.broadcast %broadcast_in_dim3A_722 : f32 to vector<16xf32>
      %scan3A_724 = arith.constant 0 : i32
      %scan3A_725 = arith.constant 32 : i32
      %scan3A_726 = arith.addi %scan3A_724, %scan3A_725 : i32
      %scan3A_727 = arith.constant 1 : i32
      %scan3A_728:8 = scf.for %scan3A_1308 = %scan3A_724 to %scan3A_726 step %scan3A_727 iter_args(%scan3A_1309 = %broadcast_in_dim3A_709, %scan3A_1310 = %broadcast_in_dim3A_711, %scan3A_1311 = %broadcast_in_dim3A_713, %scan3A_1312 = %broadcast_in_dim3A_715, %scan3A_1313 = %broadcast_in_dim3A_717, %scan3A_1314 = %broadcast_in_dim3A_719, %scan3A_1315 = %broadcast_in_dim3A_721, %scan3A_1316 = %broadcast_in_dim3A_723) -> (vector<16xf32>, vector<16xf32>, vector<16xf32>, vector<16xf32>, vector<16xf32>, vector<16xf32>, vector<16xf32>, vector<16xf32>)  : i32 {
        %add3A_1317 = arith.constant 0 : i32
        %add3A_1318 = arith.addi %add3A_1317, %scan3A_1308 : i32
        %get3A = arith.index_cast %add3A_1318 : i32 to index
        %get3A_1319 = arith.constant 0 : index
        %get3A_1320 = tpu.vector_load %arg7[%get3A, %get3A_1319] {strides = array<i32>} : memref<128x128xf32, #tpu.memory_space<vmem>>, vector<1x16xf32>,
        %get3A_1321 = vector.shape_cast %get3A_1320 : vector<1x16xf32> to vector<16xf32>
        %add3A_1322 = arith.addf %scan3A_1309, %get3A_1321 : vector<16xf32>
        %add3A_1323 = arith.constant 0 : i32
        %add3A_1324 = arith.addi %add3A_1323, %scan3A_1308 : i32
        %get3A_1325 = arith.index_cast %add3A_1324 : i32 to index
        %get3A_1326 = arith.constant 16 : index
        %get3A_1327 = tpu.vector_load %arg7[%get3A_1325, %get3A_1326] {strides = array<i32>} : memref<128x128xf32, #tpu.memory_space<vmem>>, vector<1x16xf32>,
        %get3A_1328 = vector.shape_cast %get3A_1327 : vector<1x16xf32> to vector<16xf32>
        %add3A_1329 = arith.addf %scan3A_1310, %get3A_1328 : vector<16xf32>
        %add3A_1330 = arith.constant 0 : i32
        %add3A_1331 = arith.addi %add3A_1330, %scan3A_1308 : i32
        %get3A_1332 = arith.index_cast %add3A_1331 : i32 to index
        %get3A_1333 = arith.constant 32 : index
        %get3A_1334 = tpu.vector_load %arg7[%get3A_1332, %get3A_1333] {strides = array<i32>} : memref<128x128xf32, #tpu.memory_space<vmem>>, vector<1x16xf32>,
        %get3A_1335 = vector.shape_cast %get3A_1334 : vector<1x16xf32> to vector<16xf32>
        %add3A_1336 = arith.addf %scan3A_1311, %get3A_1335 : vector<16xf32>
        %add3A_1337 = arith.constant 0 : i32
        %add3A_1338 = arith.addi %add3A_1337, %scan3A_1308 : i32
        %get3A_1339 = arith.index_cast %add3A_1338 : i32 to index
        %get3A_1340 = arith.constant 48 : index
        %get3A_1341 = tpu.vector_load %arg7[%get3A_1339, %get3A_1340] {strides = array<i32>} : memref<128x128xf32, #tpu.memory_space<vmem>>, vector<1x16xf32>,
        %get3A_1342 = vector.shape_cast %get3A_1341 : vector<1x16xf32> to vector<16xf32>
        %add3A_1343 = arith.addf %scan3A_1312, %get3A_1342 : vector<16xf32>
        %add3A_1344 = arith.constant 0 : i32
        %add3A_1345 = arith.addi %add3A_1344, %scan3A_1308 : i32
        %get3A_1346 = arith.index_cast %add3A_1345 : i32 to index
        %get3A_1347 = arith.constant 64 : index
        %get3A_1348 = tpu.vector_load %arg7[%get3A_1346, %get3A_1347] {strides = array<i32>} : memref<128x128xf32, #tpu.memory_space<vmem>>, vector<1x16xf32>,
        %get3A_1349 = vector.shape_cast %get3A_1348 : vector<1x16xf32> to vector<16xf32>
        %add3A_1350 = arith.addf %scan3A_1313, %get3A_1349 : vector<16xf32>
        %add3A_1351 = arith.constant 0 : i32
        %add3A_1352 = arith.addi %add3A_1351, %scan3A_1308 : i32
        %get3A_1353 = arith.index_cast %add3A_1352 : i32 to index
        %get3A_1354 = arith.constant 80 : index
        %get3A_1355 = tpu.vector_load %arg7[%get3A_1353, %get3A_1354] {strides = array<i32>} : memref<128x128xf32, #tpu.memory_space<vmem>>, vector<1x16xf32>,
        %get3A_1356 = vector.shape_cast %get3A_1355 : vector<1x16xf32> to vector<16xf32>
        %add3A_1357 = arith.addf %scan3A_1314, %get3A_1356 : vector<16xf32>
        %add3A_1358 = arith.constant 0 : i32
        %add3A_1359 = arith.addi %add3A_1358, %scan3A_1308 : i32
        %get3A_1360 = arith.index_cast %add3A_1359 : i32 to index
        %get3A_1361 = arith.constant 96 : index
        %get3A_1362 = tpu.vector_load %arg7[%get3A_1360, %get3A_1361] {strides = array<i32>} : memref<128x128xf32, #tpu.memory_space<vmem>>, vector<1x16xf32>,
        %get3A_1363 = vector.shape_cast %get3A_1362 : vector<1x16xf32> to vector<16xf32>
        %add3A_1364 = arith.addf %scan3A_1315, %get3A_1363 : vector<16xf32>
        %add3A_1365 = arith.constant 0 : i32
        %add3A_1366 = arith.addi %add3A_1365, %scan3A_1308 : i32
        %get3A_1367 = arith.index_cast %add3A_1366 : i32 to index
        %get3A_1368 = arith.constant 112 : index
        %get3A_1369 = tpu.vector_load %arg7[%get3A_1367, %get3A_1368] {strides = array<i32>} : memref<128x128xf32, #tpu.memory_space<vmem>>, vector<1x16xf32>,
        %get3A_1370 = vector.shape_cast %get3A_1369 : vector<1x16xf32> to vector<16xf32>
        %add3A_1371 = arith.addf %scan3A_1316, %get3A_1370 : vector<16xf32>
        scf.yield %add3A_1322, %add3A_1329, %add3A_1336, %add3A_1343, %add3A_1350, %add3A_1357, %add3A_1364, %add3A_1371 : vector<16xf32>, vector<16xf32>, vector<16xf32>, vector<16xf32>, vector<16xf32>, vector<16xf32>, vector<16xf32>, vector<16xf32>
      }
      %scan3A_729 = arith.constant 32 : i32
      %swap3A_730 = arith.constant 0 : i32
      %swap3A_731 = arith.index_cast %swap3A_730 : i32 to index
      %swap3A_732 = arith.constant 0 : index
      %swap3A_733 = tpu.vector_load %arg9[%swap3A_731, %swap3A_732] {strides = array<i32>} : memref<4x128xf32, #tpu.memory_space<vmem>>, vector<1x16xf32>,
      %swap3A_734 = vector.shape_cast %swap3A_733 : vector<1x16xf32> to vector<16xf32>
      %swap3A_735 = vector.shape_cast %scan3A_728#0 : vector<16xf32> to vector<1x16xf32>
      tpu.vector_store %arg9[%swap3A_731, %swap3A_732], %swap3A_735 {strides = array<i32>} : memref<4x128xf32, #tpu.memory_space<vmem>>, vector<1x16xf32>,
      %swap3A_736 = arith.constant 0 : i32
      %swap3A_737 = arith.index_cast %swap3A_736 : i32 to index
      %swap3A_738 = arith.constant 16 : index
      %swap3A_739 = tpu.vector_load %arg9[%swap3A_737, %swap3A_738] {strides = array<i32>} : memref<4x128xf32, #tpu.memory_space<vmem>>, vector<1x16xf32>,
      %swap3A_740 = vector.shape_cast %swap3A_739 : vector<1x16xf32> to vector<16xf32>
      %swap3A_741 = vector.shape_cast %scan3A_728#1 : vector<16xf32> to vector<1x16xf32>
      tpu.vector_store %arg9[%swap3A_737, %swap3A_738], %swap3A_741 {strides = array<i32>} : memref<4x128xf32, #tpu.memory_space<vmem>>, vector<1x16xf32>,
      %swap3A_742 = arith.constant 0 : i32
      %swap3A_743 = arith.index_cast %swap3A_742 : i32 to index
      %swap3A_744 = arith.constant 32 : index
      %swap3A_745 = tpu.vector_load %arg9[%swap3A_743, %swap3A_744] {strides = array<i32>} : memref<4x128xf32, #tpu.memory_space<vmem>>, vector<1x16xf32>,
      %swap3A_746 = vector.shape_cast %swap3A_745 : vector<1x16xf32> to vector<16xf32>
      %swap3A_747 = vector.shape_cast %scan3A_728#2 : vector<16xf32> to vector<1x16xf32>
      tpu.vector_store %arg9[%swap3A_743, %swap3A_744], %swap3A_747 {strides = array<i32>} : memref<4x128xf32, #tpu.memory_space<vmem>>, vector<1x16xf32>,
      %swap3A_748 = arith.constant 0 : i32
      %swap3A_749 = arith.index_cast %swap3A_748 : i32 to index
      %swap3A_750 = arith.constant 48 : index
      %swap3A_751 = tpu.vector_load %arg9[%swap3A_749, %swap3A_750] {strides = array<i32>} : memref<4x128xf32, #tpu.memory_space<vmem>>, vector<1x16xf32>,
      %swap3A_752 = vector.shape_cast %swap3A_751 : vector<1x16xf32> to vector<16xf32>
      %swap3A_753 = vector.shape_cast %scan3A_728#3 : vector<16xf32> to vector<1x16xf32>
      tpu.vector_store %arg9[%swap3A_749, %swap3A_750], %swap3A_753 {strides = array<i32>} : memref<4x128xf32, #tpu.memory_space<vmem>>, vector<1x16xf32>,
      %swap3A_754 = arith.constant 0 : i32
      %swap3A_755 = arith.index_cast %swap3A_754 : i32 to index
      %swap3A_756 = arith.constant 64 : index
      %swap3A_757 = tpu.vector_load %arg9[%swap3A_755, %swap3A_756] {strides = array<i32>} : memref<4x128xf32, #tpu.memory_space<vmem>>, vector<1x16xf32>,
      %swap3A_758 = vector.shape_cast %swap3A_757 : vector<1x16xf32> to vector<16xf32>
      %swap3A_759 = vector.shape_cast %scan3A_728#4 : vector<16xf32> to vector<1x16xf32>
      tpu.vector_store %arg9[%swap3A_755, %swap3A_756], %swap3A_759 {strides = array<i32>} : memref<4x128xf32, #tpu.memory_space<vmem>>, vector<1x16xf32>,
      %swap3A_760 = arith.constant 0 : i32
      %swap3A_761 = arith.index_cast %swap3A_760 : i32 to index
      %swap3A_762 = arith.constant 80 : index
      %swap3A_763 = tpu.vector_load %arg9[%swap3A_761, %swap3A_762] {strides = array<i32>} : memref<4x128xf32, #tpu.memory_space<vmem>>, vector<1x16xf32>,
      %swap3A_764 = vector.shape_cast %swap3A_763 : vector<1x16xf32> to vector<16xf32>
      %swap3A_765 = vector.shape_cast %scan3A_728#5 : vector<16xf32> to vector<1x16xf32>
      tpu.vector_store %arg9[%swap3A_761, %swap3A_762], %swap3A_765 {strides = array<i32>} : memref<4x128xf32, #tpu.memory_space<vmem>>, vector<1x16xf32>,
      %swap3A_766 = arith.constant 0 : i32
      %swap3A_767 = arith.index_cast %swap3A_766 : i32 to index
      %swap3A_768 = arith.constant 96 : index
      %swap3A_769 = tpu.vector_load %arg9[%swap3A_767, %swap3A_768] {strides = array<i32>} : memref<4x128xf32, #tpu.memory_space<vmem>>, vector<1x16xf32>,
      %swap3A_770 = vector.shape_cast %swap3A_769 : vector<1x16xf32> to vector<16xf32>
      %swap3A_771 = vector.shape_cast %scan3A_728#6 : vector<16xf32> to vector<1x16xf32>
      tpu.vector_store %arg9[%swap3A_767, %swap3A_768], %swap3A_771 {strides = array<i32>} : memref<4x128xf32, #tpu.memory_space<vmem>>, vector<1x16xf32>,
      %swap3A_772 = arith.constant 0 : i32
      %swap3A_773 = arith.index_cast %swap3A_772 : i32 to index
      %swap3A_774 = arith.constant 112 : index
      %swap3A_775 = tpu.vector_load %arg9[%swap3A_773, %swap3A_774] {strides = array<i32>} : memref<4x128xf32, #tpu.memory_space<vmem>>, vector<1x16xf32>,
      %swap3A_776 = vector.shape_cast %swap3A_775 : vector<1x16xf32> to vector<16xf32>
      %swap3A_777 = vector.shape_cast %scan3A_728#7 : vector<16xf32> to vector<1x16xf32>
      tpu.vector_store %arg9[%swap3A_773, %swap3A_774], %swap3A_777 {strides = array<i32>} : memref<4x128xf32, #tpu.memory_space<vmem>>, vector<1x16xf32>,
      %broadcast_in_dim3A_778 = arith.constant 0.000000e+00 : f32
      %broadcast_in_dim3A_779 = vector.broadcast %broadcast_in_dim3A_778 : f32 to vector<16xf32>
      %broadcast_in_dim3A_780 = arith.constant 0.000000e+00 : f32
      %broadcast_in_dim3A_781 = vector.broadcast %broadcast_in_dim3A_780 : f32 to vector<16xf32>
      %broadcast_in_dim3A_782 = arith.constant 0.000000e+00 : f32
      %broadcast_in_dim3A_783 = vector.broadcast %broadcast_in_dim3A_782 : f32 to vector<16xf32>
      %broadcast_in_dim3A_784 = arith.constant 0.000000e+00 : f32
      %broadcast_in_dim3A_785 = vector.broadcast %broadcast_in_dim3A_784 : f32 to vector<16xf32>
      %broadcast_in_dim3A_786 = arith.constant 0.000000e+00 : f32
      %broadcast_in_dim3A_787 = vector.broadcast %broadcast_in_dim3A_786 : f32 to vector<16xf32>
      %broadcast_in_dim3A_788 = arith.constant 0.000000e+00 : f32
      %broadcast_in_dim3A_789 = vector.broadcast %broadcast_in_dim3A_788 : f32 to vector<16xf32>
      %broadcast_in_dim3A_790 = arith.constant 0.000000e+00 : f32
      %broadcast_in_dim3A_791 = vector.broadcast %broadcast_in_dim3A_790 : f32 to vector<16xf32>
      %broadcast_in_dim3A_792 = arith.constant 0.000000e+00 : f32
      %broadcast_in_dim3A_793 = vector.broadcast %broadcast_in_dim3A_792 : f32 to vector<16xf32>
      %scan3A_794 = arith.constant 0 : i32
      %scan3A_795 = arith.constant 32 : i32
      %scan3A_796 = arith.addi %scan3A_794, %scan3A_795 : i32
      %scan3A_797 = arith.constant 1 : i32
      %scan3A_798:8 = scf.for %scan3A_1308 = %scan3A_794 to %scan3A_796 step %scan3A_797 iter_args(%scan3A_1309 = %broadcast_in_dim3A_779, %scan3A_1310 = %broadcast_in_dim3A_781, %scan3A_1311 = %broadcast_in_dim3A_783, %scan3A_1312 = %broadcast_in_dim3A_785, %scan3A_1313 = %broadcast_in_dim3A_787, %scan3A_1314 = %broadcast_in_dim3A_789, %scan3A_1315 = %broadcast_in_dim3A_791, %scan3A_1316 = %broadcast_in_dim3A_793) -> (vector<16xf32>, vector<16xf32>, vector<16xf32>, vector<16xf32>, vector<16xf32>, vector<16xf32>, vector<16xf32>, vector<16xf32>)  : i32 {
        %add3A_1317 = arith.constant 32 : i32
        %add3A_1318 = arith.addi %add3A_1317, %scan3A_1308 : i32
        %get3A = arith.index_cast %add3A_1318 : i32 to index
        %get3A_1319 = arith.constant 0 : index
        %get3A_1320 = tpu.vector_load %arg7[%get3A, %get3A_1319] {strides = array<i32>} : memref<128x128xf32, #tpu.memory_space<vmem>>, vector<1x16xf32>,
        %get3A_1321 = vector.shape_cast %get3A_1320 : vector<1x16xf32> to vector<16xf32>
        %add3A_1322 = arith.addf %scan3A_1309, %get3A_1321 : vector<16xf32>
        %add3A_1323 = arith.constant 32 : i32
        %add3A_1324 = arith.addi %add3A_1323, %scan3A_1308 : i32
        %get3A_1325 = arith.index_cast %add3A_1324 : i32 to index
        %get3A_1326 = arith.constant 16 : index
        %get3A_1327 = tpu.vector_load %arg7[%get3A_1325, %get3A_1326] {strides = array<i32>} : memref<128x128xf32, #tpu.memory_space<vmem>>, vector<1x16xf32>,
        %get3A_1328 = vector.shape_cast %get3A_1327 : vector<1x16xf32> to vector<16xf32>
        %add3A_1329 = arith.addf %scan3A_1310, %get3A_1328 : vector<16xf32>
        %add3A_1330 = arith.constant 32 : i32
        %add3A_1331 = arith.addi %add3A_1330, %scan3A_1308 : i32
        %get3A_1332 = arith.index_cast %add3A_1331 : i32 to index
        %get3A_1333 = arith.constant 32 : index
        %get3A_1334 = tpu.vector_load %arg7[%get3A_1332, %get3A_1333] {strides = array<i32>} : memref<128x128xf32, #tpu.memory_space<vmem>>, vector<1x16xf32>,
        %get3A_1335 = vector.shape_cast %get3A_1334 : vector<1x16xf32> to vector<16xf32>
        %add3A_1336 = arith.addf %scan3A_1311, %get3A_1335 : vector<16xf32>
        %add3A_1337 = arith.constant 32 : i32
        %add3A_1338 = arith.addi %add3A_1337, %scan3A_1308 : i32
        %get3A_1339 = arith.index_cast %add3A_1338 : i32 to index
        %get3A_1340 = arith.constant 48 : index
        %get3A_1341 = tpu.vector_load %arg7[%get3A_1339, %get3A_1340] {strides = array<i32>} : memref<128x128xf32, #tpu.memory_space<vmem>>, vector<1x16xf32>,
        %get3A_1342 = vector.shape_cast %get3A_1341 : vector<1x16xf32> to vector<16xf32>
        %add3A_1343 = arith.addf %scan3A_1312, %get3A_1342 : vector<16xf32>
        %add3A_1344 = arith.constant 32 : i32
        %add3A_1345 = arith.addi %add3A_1344, %scan3A_1308 : i32
        %get3A_1346 = arith.index_cast %add3A_1345 : i32 to index
        %get3A_1347 = arith.constant 64 : index
        %get3A_1348 = tpu.vector_load %arg7[%get3A_1346, %get3A_1347] {strides = array<i32>} : memref<128x128xf32, #tpu.memory_space<vmem>>, vector<1x16xf32>,
        %get3A_1349 = vector.shape_cast %get3A_1348 : vector<1x16xf32> to vector<16xf32>
        %add3A_1350 = arith.addf %scan3A_1313, %get3A_1349 : vector<16xf32>
        %add3A_1351 = arith.constant 32 : i32
        %add3A_1352 = arith.addi %add3A_1351, %scan3A_1308 : i32
        %get3A_1353 = arith.index_cast %add3A_1352 : i32 to index
        %get3A_1354 = arith.constant 80 : index
        %get3A_1355 = tpu.vector_load %arg7[%get3A_1353, %get3A_1354] {strides = array<i32>} : memref<128x128xf32, #tpu.memory_space<vmem>>, vector<1x16xf32>,
        %get3A_1356 = vector.shape_cast %get3A_1355 : vector<1x16xf32> to vector<16xf32>
        %add3A_1357 = arith.addf %scan3A_1314, %get3A_1356 : vector<16xf32>
        %add3A_1358 = arith.constant 32 : i32
        %add3A_1359 = arith.addi %add3A_1358, %scan3A_1308 : i32
        %get3A_1360 = arith.index_cast %add3A_1359 : i32 to index
        %get3A_1361 = arith.constant 96 : index
        %get3A_1362 = tpu.vector_load %arg7[%get3A_1360, %get3A_1361] {strides = array<i32>} : memref<128x128xf32, #tpu.memory_space<vmem>>, vector<1x16xf32>,
        %get3A_1363 = vector.shape_cast %get3A_1362 : vector<1x16xf32> to vector<16xf32>
        %add3A_1364 = arith.addf %scan3A_1315, %get3A_1363 : vector<16xf32>
        %add3A_1365 = arith.constant 32 : i32
        %add3A_1366 = arith.addi %add3A_1365, %scan3A_1308 : i32
        %get3A_1367 = arith.index_cast %add3A_1366 : i32 to index
        %get3A_1368 = arith.constant 112 : index
        %get3A_1369 = tpu.vector_load %arg7[%get3A_1367, %get3A_1368] {strides = array<i32>} : memref<128x128xf32, #tpu.memory_space<vmem>>, vector<1x16xf32>,
        %get3A_1370 = vector.shape_cast %get3A_1369 : vector<1x16xf32> to vector<16xf32>
        %add3A_1371 = arith.addf %scan3A_1316, %get3A_1370 : vector<16xf32>
        scf.yield %add3A_1322, %add3A_1329, %add3A_1336, %add3A_1343, %add3A_1350, %add3A_1357, %add3A_1364, %add3A_1371 : vector<16xf32>, vector<16xf32>, vector<16xf32>, vector<16xf32>, vector<16xf32>, vector<16xf32>, vector<16xf32>, vector<16xf32>
      }
      %scan3A_799 = arith.constant 32 : i32
      %swap3A_800 = arith.constant 1 : i32
      %swap3A_801 = arith.index_cast %swap3A_800 : i32 to index
      %swap3A_802 = arith.constant 0 : index
      %swap3A_803 = tpu.vector_load %arg9[%swap3A_801, %swap3A_802] {strides = array<i32>} : memref<4x128xf32, #tpu.memory_space<vmem>>, vector<1x16xf32>,
      %swap3A_804 = vector.shape_cast %swap3A_803 : vector<1x16xf32> to vector<16xf32>
      %swap3A_805 = vector.shape_cast %scan3A_798#0 : vector<16xf32> to vector<1x16xf32>
      tpu.vector_store %arg9[%swap3A_801, %swap3A_802], %swap3A_805 {strides = array<i32>} : memref<4x128xf32, #tpu.memory_space<vmem>>, vector<1x16xf32>,
      %swap3A_806 = arith.constant 1 : i32
      %swap3A_807 = arith.index_cast %swap3A_806 : i32 to index
      %swap3A_808 = arith.constant 16 : index
      %swap3A_809 = tpu.vector_load %arg9[%swap3A_807, %swap3A_808] {strides = array<i32>} : memref<4x128xf32, #tpu.memory_space<vmem>>, vector<1x16xf32>,
      %swap3A_810 = vector.shape_cast %swap3A_809 : vector<1x16xf32> to vector<16xf32>
      %swap3A_811 = vector.shape_cast %scan3A_798#1 : vector<16xf32> to vector<1x16xf32>
      tpu.vector_store %arg9[%swap3A_807, %swap3A_808], %swap3A_811 {strides = array<i32>} : memref<4x128xf32, #tpu.memory_space<vmem>>, vector<1x16xf32>,
      %swap3A_812 = arith.constant 1 : i32
      %swap3A_813 = arith.index_cast %swap3A_812 : i32 to index
      %swap3A_814 = arith.constant 32 : index
      %swap3A_815 = tpu.vector_load %arg9[%swap3A_813, %swap3A_814] {strides = array<i32>} : memref<4x128xf32, #tpu.memory_space<vmem>>, vector<1x16xf32>,
      %swap3A_816 = vector.shape_cast %swap3A_815 : vector<1x16xf32> to vector<16xf32>
      %swap3A_817 = vector.shape_cast %scan3A_798#2 : vector<16xf32> to vector<1x16xf32>
      tpu.vector_store %arg9[%swap3A_813, %swap3A_814], %swap3A_817 {strides = array<i32>} : memref<4x128xf32, #tpu.memory_space<vmem>>, vector<1x16xf32>,
      %swap3A_818 = arith.constant 1 : i32
      %swap3A_819 = arith.index_cast %swap3A_818 : i32 to index
      %swap3A_820 = arith.constant 48 : index
      %swap3A_821 = tpu.vector_load %arg9[%swap3A_819, %swap3A_820] {strides = array<i32>} : memref<4x128xf32, #tpu.memory_space<vmem>>, vector<1x16xf32>,
      %swap3A_822 = vector.shape_cast %swap3A_821 : vector<1x16xf32> to vector<16xf32>
      %swap3A_823 = vector.shape_cast %scan3A_798#3 : vector<16xf32> to vector<1x16xf32>
      tpu.vector_store %arg9[%swap3A_819, %swap3A_820], %swap3A_823 {strides = array<i32>} : memref<4x128xf32, #tpu.memory_space<vmem>>, vector<1x16xf32>,
      %swap3A_824 = arith.constant 1 : i32
      %swap3A_825 = arith.index_cast %swap3A_824 : i32 to index
      %swap3A_826 = arith.constant 64 : index
      %swap3A_827 = tpu.vector_load %arg9[%swap3A_825, %swap3A_826] {strides = array<i32>} : memref<4x128xf32, #tpu.memory_space<vmem>>, vector<1x16xf32>,
      %swap3A_828 = vector.shape_cast %swap3A_827 : vector<1x16xf32> to vector<16xf32>
      %swap3A_829 = vector.shape_cast %scan3A_798#4 : vector<16xf32> to vector<1x16xf32>
      tpu.vector_store %arg9[%swap3A_825, %swap3A_826], %swap3A_829 {strides = array<i32>} : memref<4x128xf32, #tpu.memory_space<vmem>>, vector<1x16xf32>,
      %swap3A_830 = arith.constant 1 : i32
      %swap3A_831 = arith.index_cast %swap3A_830 : i32 to index
      %swap3A_832 = arith.constant 80 : index
      %swap3A_833 = tpu.vector_load %arg9[%swap3A_831, %swap3A_832] {strides = array<i32>} : memref<4x128xf32, #tpu.memory_space<vmem>>, vector<1x16xf32>,
      %swap3A_834 = vector.shape_cast %swap3A_833 : vector<1x16xf32> to vector<16xf32>
      %swap3A_835 = vector.shape_cast %scan3A_798#5 : vector<16xf32> to vector<1x16xf32>
      tpu.vector_store %arg9[%swap3A_831, %swap3A_832], %swap3A_835 {strides = array<i32>} : memref<4x128xf32, #tpu.memory_space<vmem>>, vector<1x16xf32>,
      %swap3A_836 = arith.constant 1 : i32
      %swap3A_837 = arith.index_cast %swap3A_836 : i32 to index
      %swap3A_838 = arith.constant 96 : index
      %swap3A_839 = tpu.vector_load %arg9[%swap3A_837, %swap3A_838] {strides = array<i32>} : memref<4x128xf32, #tpu.memory_space<vmem>>, vector<1x16xf32>,
      %swap3A_840 = vector.shape_cast %swap3A_839 : vector<1x16xf32> to vector<16xf32>
      %swap3A_841 = vector.shape_cast %scan3A_798#6 : vector<16xf32> to vector<1x16xf32>
      tpu.vector_store %arg9[%swap3A_837, %swap3A_838], %swap3A_841 {strides = array<i32>} : memref<4x128xf32, #tpu.memory_space<vmem>>, vector<1x16xf32>,
      %swap3A_842 = arith.constant 1 : i32
      %swap3A_843 = arith.index_cast %swap3A_842 : i32 to index
      %swap3A_844 = arith.constant 112 : index
      %swap3A_845 = tpu.vector_load %arg9[%swap3A_843, %swap3A_844] {strides = array<i32>} : memref<4x128xf32, #tpu.memory_space<vmem>>, vector<1x16xf32>,
      %swap3A_846 = vector.shape_cast %swap3A_845 : vector<1x16xf32> to vector<16xf32>
      %swap3A_847 = vector.shape_cast %scan3A_798#7 : vector<16xf32> to vector<1x16xf32>
      tpu.vector_store %arg9[%swap3A_843, %swap3A_844], %swap3A_847 {strides = array<i32>} : memref<4x128xf32, #tpu.memory_space<vmem>>, vector<1x16xf32>,
      %broadcast_in_dim3A_848 = arith.constant 0.000000e+00 : f32
      %broadcast_in_dim3A_849 = vector.broadcast %broadcast_in_dim3A_848 : f32 to vector<16xf32>
      %broadcast_in_dim3A_850 = arith.constant 0.000000e+00 : f32
      %broadcast_in_dim3A_851 = vector.broadcast %broadcast_in_dim3A_850 : f32 to vector<16xf32>
      %broadcast_in_dim3A_852 = arith.constant 0.000000e+00 : f32
      %broadcast_in_dim3A_853 = vector.broadcast %broadcast_in_dim3A_852 : f32 to vector<16xf32>
      %broadcast_in_dim3A_854 = arith.constant 0.000000e+00 : f32
      %broadcast_in_dim3A_855 = vector.broadcast %broadcast_in_dim3A_854 : f32 to vector<16xf32>
      %broadcast_in_dim3A_856 = arith.constant 0.000000e+00 : f32
      %broadcast_in_dim3A_857 = vector.broadcast %broadcast_in_dim3A_856 : f32 to vector<16xf32>
      %broadcast_in_dim3A_858 = arith.constant 0.000000e+00 : f32
      %broadcast_in_dim3A_859 = vector.broadcast %broadcast_in_dim3A_858 : f32 to vector<16xf32>
      %broadcast_in_dim3A_860 = arith.constant 0.000000e+00 : f32
      %broadcast_in_dim3A_861 = vector.broadcast %broadcast_in_dim3A_860 : f32 to vector<16xf32>
      %broadcast_in_dim3A_862 = arith.constant 0.000000e+00 : f32
      %broadcast_in_dim3A_863 = vector.broadcast %broadcast_in_dim3A_862 : f32 to vector<16xf32>
      %scan3A_864 = arith.constant 0 : i32
      %scan3A_865 = arith.constant 32 : i32
      %scan3A_866 = arith.addi %scan3A_864, %scan3A_865 : i32
      %scan3A_867 = arith.constant 1 : i32
      %scan3A_868:8 = scf.for %scan3A_1308 = %scan3A_864 to %scan3A_866 step %scan3A_867 iter_args(%scan3A_1309 = %broadcast_in_dim3A_849, %scan3A_1310 = %broadcast_in_dim3A_851, %scan3A_1311 = %broadcast_in_dim3A_853, %scan3A_1312 = %broadcast_in_dim3A_855, %scan3A_1313 = %broadcast_in_dim3A_857, %scan3A_1314 = %broadcast_in_dim3A_859, %scan3A_1315 = %broadcast_in_dim3A_861, %scan3A_1316 = %broadcast_in_dim3A_863) -> (vector<16xf32>, vector<16xf32>, vector<16xf32>, vector<16xf32>, vector<16xf32>, vector<16xf32>, vector<16xf32>, vector<16xf32>)  : i32 {
        %add3A_1317 = arith.constant 64 : i32
        %add3A_1318 = arith.addi %add3A_1317, %scan3A_1308 : i32
        %get3A = arith.index_cast %add3A_1318 : i32 to index
        %get3A_1319 = arith.constant 0 : index
        %get3A_1320 = tpu.vector_load %arg7[%get3A, %get3A_1319] {strides = array<i32>} : memref<128x128xf32, #tpu.memory_space<vmem>>, vector<1x16xf32>,
        %get3A_1321 = vector.shape_cast %get3A_1320 : vector<1x16xf32> to vector<16xf32>
        %add3A_1322 = arith.addf %scan3A_1309, %get3A_1321 : vector<16xf32>
        %add3A_1323 = arith.constant 64 : i32
        %add3A_1324 = arith.addi %add3A_1323, %scan3A_1308 : i32
        %get3A_1325 = arith.index_cast %add3A_1324 : i32 to index
        %get3A_1326 = arith.constant 16 : index
        %get3A_1327 = tpu.vector_load %arg7[%get3A_1325, %get3A_1326] {strides = array<i32>} : memref<128x128xf32, #tpu.memory_space<vmem>>, vector<1x16xf32>,
        %get3A_1328 = vector.shape_cast %get3A_1327 : vector<1x16xf32> to vector<16xf32>
        %add3A_1329 = arith.addf %scan3A_1310, %get3A_1328 : vector<16xf32>
        %add3A_1330 = arith.constant 64 : i32
        %add3A_1331 = arith.addi %add3A_1330, %scan3A_1308 : i32
        %get3A_1332 = arith.index_cast %add3A_1331 : i32 to index
        %get3A_1333 = arith.constant 32 : index
        %get3A_1334 = tpu.vector_load %arg7[%get3A_1332, %get3A_1333] {strides = array<i32>} : memref<128x128xf32, #tpu.memory_space<vmem>>, vector<1x16xf32>,
        %get3A_1335 = vector.shape_cast %get3A_1334 : vector<1x16xf32> to vector<16xf32>
        %add3A_1336 = arith.addf %scan3A_1311, %get3A_1335 : vector<16xf32>
        %add3A_1337 = arith.constant 64 : i32
        %add3A_1338 = arith.addi %add3A_1337, %scan3A_1308 : i32
        %get3A_1339 = arith.index_cast %add3A_1338 : i32 to index
        %get3A_1340 = arith.constant 48 : index
        %get3A_1341 = tpu.vector_load %arg7[%get3A_1339, %get3A_1340] {strides = array<i32>} : memref<128x128xf32, #tpu.memory_space<vmem>>, vector<1x16xf32>,
        %get3A_1342 = vector.shape_cast %get3A_1341 : vector<1x16xf32> to vector<16xf32>
        %add3A_1343 = arith.addf %scan3A_1312, %get3A_1342 : vector<16xf32>
        %add3A_1344 = arith.constant 64 : i32
        %add3A_1345 = arith.addi %add3A_1344, %scan3A_1308 : i32
        %get3A_1346 = arith.index_cast %add3A_1345 : i32 to index
        %get3A_1347 = arith.constant 64 : index
        %get3A_1348 = tpu.vector_load %arg7[%get3A_1346, %get3A_1347] {strides = array<i32>} : memref<128x128xf32, #tpu.memory_space<vmem>>, vector<1x16xf32>,
        %get3A_1349 = vector.shape_cast %get3A_1348 : vector<1x16xf32> to vector<16xf32>
        %add3A_1350 = arith.addf %scan3A_1313, %get3A_1349 : vector<16xf32>
        %add3A_1351 = arith.constant 64 : i32
        %add3A_1352 = arith.addi %add3A_1351, %scan3A_1308 : i32
        %get3A_1353 = arith.index_cast %add3A_1352 : i32 to index
        %get3A_1354 = arith.constant 80 : index
        %get3A_1355 = tpu.vector_load %arg7[%get3A_1353, %get3A_1354] {strides = array<i32>} : memref<128x128xf32, #tpu.memory_space<vmem>>, vector<1x16xf32>,
        %get3A_1356 = vector.shape_cast %get3A_1355 : vector<1x16xf32> to vector<16xf32>
        %add3A_1357 = arith.addf %scan3A_1314, %get3A_1356 : vector<16xf32>
        %add3A_1358 = arith.constant 64 : i32
        %add3A_1359 = arith.addi %add3A_1358, %scan3A_1308 : i32
        %get3A_1360 = arith.index_cast %add3A_1359 : i32 to index
        %get3A_1361 = arith.constant 96 : index
        %get3A_1362 = tpu.vector_load %arg7[%get3A_1360, %get3A_1361] {strides = array<i32>} : memref<128x128xf32, #tpu.memory_space<vmem>>, vector<1x16xf32>,
        %get3A_1363 = vector.shape_cast %get3A_1362 : vector<1x16xf32> to vector<16xf32>
        %add3A_1364 = arith.addf %scan3A_1315, %get3A_1363 : vector<16xf32>
        %add3A_1365 = arith.constant 64 : i32
        %add3A_1366 = arith.addi %add3A_1365, %scan3A_1308 : i32
        %get3A_1367 = arith.index_cast %add3A_1366 : i32 to index
        %get3A_1368 = arith.constant 112 : index
        %get3A_1369 = tpu.vector_load %arg7[%get3A_1367, %get3A_1368] {strides = array<i32>} : memref<128x128xf32, #tpu.memory_space<vmem>>, vector<1x16xf32>,
        %get3A_1370 = vector.shape_cast %get3A_1369 : vector<1x16xf32> to vector<16xf32>
        %add3A_1371 = arith.addf %scan3A_1316, %get3A_1370 : vector<16xf32>
        scf.yield %add3A_1322, %add3A_1329, %add3A_1336, %add3A_1343, %add3A_1350, %add3A_1357, %add3A_1364, %add3A_1371 : vector<16xf32>, vector<16xf32>, vector<16xf32>, vector<16xf32>, vector<16xf32>, vector<16xf32>, vector<16xf32>, vector<16xf32>
      }
      %scan3A_869 = arith.constant 32 : i32
      %swap3A_870 = arith.constant 2 : i32
      %swap3A_871 = arith.index_cast %swap3A_870 : i32 to index
      %swap3A_872 = arith.constant 0 : index
      %swap3A_873 = tpu.vector_load %arg9[%swap3A_871, %swap3A_872] {strides = array<i32>} : memref<4x128xf32, #tpu.memory_space<vmem>>, vector<1x16xf32>,
      %swap3A_874 = vector.shape_cast %swap3A_873 : vector<1x16xf32> to vector<16xf32>
      %swap3A_875 = vector.shape_cast %scan3A_868#0 : vector<16xf32> to vector<1x16xf32>
      tpu.vector_store %arg9[%swap3A_871, %swap3A_872], %swap3A_875 {strides = array<i32>} : memref<4x128xf32, #tpu.memory_space<vmem>>, vector<1x16xf32>,
      %swap3A_876 = arith.constant 2 : i32
      %swap3A_877 = arith.index_cast %swap3A_876 : i32 to index
      %swap3A_878 = arith.constant 16 : index
      %swap3A_879 = tpu.vector_load %arg9[%swap3A_877, %swap3A_878] {strides = array<i32>} : memref<4x128xf32, #tpu.memory_space<vmem>>, vector<1x16xf32>,
      %swap3A_880 = vector.shape_cast %swap3A_879 : vector<1x16xf32> to vector<16xf32>
      %swap3A_881 = vector.shape_cast %scan3A_868#1 : vector<16xf32> to vector<1x16xf32>
      tpu.vector_store %arg9[%swap3A_877, %swap3A_878], %swap3A_881 {strides = array<i32>} : memref<4x128xf32, #tpu.memory_space<vmem>>, vector<1x16xf32>,
      %swap3A_882 = arith.constant 2 : i32
      %swap3A_883 = arith.index_cast %swap3A_882 : i32 to index
      %swap3A_884 = arith.constant 32 : index
      %swap3A_885 = tpu.vector_load %arg9[%swap3A_883, %swap3A_884] {strides = array<i32>} : memref<4x128xf32, #tpu.memory_space<vmem>>, vector<1x16xf32>,
      %swap3A_886 = vector.shape_cast %swap3A_885 : vector<1x16xf32> to vector<16xf32>
      %swap3A_887 = vector.shape_cast %scan3A_868#2 : vector<16xf32> to vector<1x16xf32>
      tpu.vector_store %arg9[%swap3A_883, %swap3A_884], %swap3A_887 {strides = array<i32>} : memref<4x128xf32, #tpu.memory_space<vmem>>, vector<1x16xf32>,
      %swap3A_888 = arith.constant 2 : i32
      %swap3A_889 = arith.index_cast %swap3A_888 : i32 to index
      %swap3A_890 = arith.constant 48 : index
      %swap3A_891 = tpu.vector_load %arg9[%swap3A_889, %swap3A_890] {strides = array<i32>} : memref<4x128xf32, #tpu.memory_space<vmem>>, vector<1x16xf32>,
      %swap3A_892 = vector.shape_cast %swap3A_891 : vector<1x16xf32> to vector<16xf32>
      %swap3A_893 = vector.shape_cast %scan3A_868#3 : vector<16xf32> to vector<1x16xf32>
      tpu.vector_store %arg9[%swap3A_889, %swap3A_890], %swap3A_893 {strides = array<i32>} : memref<4x128xf32, #tpu.memory_space<vmem>>, vector<1x16xf32>,
      %swap3A_894 = arith.constant 2 : i32
      %swap3A_895 = arith.index_cast %swap3A_894 : i32 to index
      %swap3A_896 = arith.constant 64 : index
      %swap3A_897 = tpu.vector_load %arg9[%swap3A_895, %swap3A_896] {strides = array<i32>} : memref<4x128xf32, #tpu.memory_space<vmem>>, vector<1x16xf32>,
      %swap3A_898 = vector.shape_cast %swap3A_897 : vector<1x16xf32> to vector<16xf32>
      %swap3A_899 = vector.shape_cast %scan3A_868#4 : vector<16xf32> to vector<1x16xf32>
      tpu.vector_store %arg9[%swap3A_895, %swap3A_896], %swap3A_899 {strides = array<i32>} : memref<4x128xf32, #tpu.memory_space<vmem>>, vector<1x16xf32>,
      %swap3A_900 = arith.constant 2 : i32
      %swap3A_901 = arith.index_cast %swap3A_900 : i32 to index
      %swap3A_902 = arith.constant 80 : index
      %swap3A_903 = tpu.vector_load %arg9[%swap3A_901, %swap3A_902] {strides = array<i32>} : memref<4x128xf32, #tpu.memory_space<vmem>>, vector<1x16xf32>,
      %swap3A_904 = vector.shape_cast %swap3A_903 : vector<1x16xf32> to vector<16xf32>
      %swap3A_905 = vector.shape_cast %scan3A_868#5 : vector<16xf32> to vector<1x16xf32>
      tpu.vector_store %arg9[%swap3A_901, %swap3A_902], %swap3A_905 {strides = array<i32>} : memref<4x128xf32, #tpu.memory_space<vmem>>, vector<1x16xf32>,
      %swap3A_906 = arith.constant 2 : i32
      %swap3A_907 = arith.index_cast %swap3A_906 : i32 to index
      %swap3A_908 = arith.constant 96 : index
      %swap3A_909 = tpu.vector_load %arg9[%swap3A_907, %swap3A_908] {strides = array<i32>} : memref<4x128xf32, #tpu.memory_space<vmem>>, vector<1x16xf32>,
      %swap3A_910 = vector.shape_cast %swap3A_909 : vector<1x16xf32> to vector<16xf32>
      %swap3A_911 = vector.shape_cast %scan3A_868#6 : vector<16xf32> to vector<1x16xf32>
      tpu.vector_store %arg9[%swap3A_907, %swap3A_908], %swap3A_911 {strides = array<i32>} : memref<4x128xf32, #tpu.memory_space<vmem>>, vector<1x16xf32>,
      %swap3A_912 = arith.constant 2 : i32
      %swap3A_913 = arith.index_cast %swap3A_912 : i32 to index
      %swap3A_914 = arith.constant 112 : index
      %swap3A_915 = tpu.vector_load %arg9[%swap3A_913, %swap3A_914] {strides = array<i32>} : memref<4x128xf32, #tpu.memory_space<vmem>>, vector<1x16xf32>,
      %swap3A_916 = vector.shape_cast %swap3A_915 : vector<1x16xf32> to vector<16xf32>
      %swap3A_917 = vector.shape_cast %scan3A_868#7 : vector<16xf32> to vector<1x16xf32>
      tpu.vector_store %arg9[%swap3A_913, %swap3A_914], %swap3A_917 {strides = array<i32>} : memref<4x128xf32, #tpu.memory_space<vmem>>, vector<1x16xf32>,
      %broadcast_in_dim3A_918 = arith.constant 0.000000e+00 : f32
      %broadcast_in_dim3A_919 = vector.broadcast %broadcast_in_dim3A_918 : f32 to vector<16xf32>
      %broadcast_in_dim3A_920 = arith.constant 0.000000e+00 : f32
      %broadcast_in_dim3A_921 = vector.broadcast %broadcast_in_dim3A_920 : f32 to vector<16xf32>
      %broadcast_in_dim3A_922 = arith.constant 0.000000e+00 : f32
      %broadcast_in_dim3A_923 = vector.broadcast %broadcast_in_dim3A_922 : f32 to vector<16xf32>
      %broadcast_in_dim3A_924 = arith.constant 0.000000e+00 : f32
      %broadcast_in_dim3A_925 = vector.broadcast %broadcast_in_dim3A_924 : f32 to vector<16xf32>
      %broadcast_in_dim3A_926 = arith.constant 0.000000e+00 : f32
      %broadcast_in_dim3A_927 = vector.broadcast %broadcast_in_dim3A_926 : f32 to vector<16xf32>
      %broadcast_in_dim3A_928 = arith.constant 0.000000e+00 : f32
      %broadcast_in_dim3A_929 = vector.broadcast %broadcast_in_dim3A_928 : f32 to vector<16xf32>
      %broadcast_in_dim3A_930 = arith.constant 0.000000e+00 : f32
      %broadcast_in_dim3A_931 = vector.broadcast %broadcast_in_dim3A_930 : f32 to vector<16xf32>
      %broadcast_in_dim3A_932 = arith.constant 0.000000e+00 : f32
      %broadcast_in_dim3A_933 = vector.broadcast %broadcast_in_dim3A_932 : f32 to vector<16xf32>
      %scan3A_934 = arith.constant 0 : i32
      %scan3A_935 = arith.constant 32 : i32
      %scan3A_936 = arith.addi %scan3A_934, %scan3A_935 : i32
      %scan3A_937 = arith.constant 1 : i32
      %scan3A_938:8 = scf.for %scan3A_1308 = %scan3A_934 to %scan3A_936 step %scan3A_937 iter_args(%scan3A_1309 = %broadcast_in_dim3A_919, %scan3A_1310 = %broadcast_in_dim3A_921, %scan3A_1311 = %broadcast_in_dim3A_923, %scan3A_1312 = %broadcast_in_dim3A_925, %scan3A_1313 = %broadcast_in_dim3A_927, %scan3A_1314 = %broadcast_in_dim3A_929, %scan3A_1315 = %broadcast_in_dim3A_931, %scan3A_1316 = %broadcast_in_dim3A_933) -> (vector<16xf32>, vector<16xf32>, vector<16xf32>, vector<16xf32>, vector<16xf32>, vector<16xf32>, vector<16xf32>, vector<16xf32>)  : i32 {
        %add3A_1317 = arith.constant 96 : i32
        %add3A_1318 = arith.addi %add3A_1317, %scan3A_1308 : i32
        %get3A = arith.index_cast %add3A_1318 : i32 to index
        %get3A_1319 = arith.constant 0 : index
        %get3A_1320 = tpu.vector_load %arg7[%get3A, %get3A_1319] {strides = array<i32>} : memref<128x128xf32, #tpu.memory_space<vmem>>, vector<1x16xf32>,
        %get3A_1321 = vector.shape_cast %get3A_1320 : vector<1x16xf32> to vector<16xf32>
        %add3A_1322 = arith.addf %scan3A_1309, %get3A_1321 : vector<16xf32>
        %add3A_1323 = arith.constant 96 : i32
        %add3A_1324 = arith.addi %add3A_1323, %scan3A_1308 : i32
        %get3A_1325 = arith.index_cast %add3A_1324 : i32 to index
        %get3A_1326 = arith.constant 16 : index
        %get3A_1327 = tpu.vector_load %arg7[%get3A_1325, %get3A_1326] {strides = array<i32>} : memref<128x128xf32, #tpu.memory_space<vmem>>, vector<1x16xf32>,
        %get3A_1328 = vector.shape_cast %get3A_1327 : vector<1x16xf32> to vector<16xf32>
        %add3A_1329 = arith.addf %scan3A_1310, %get3A_1328 : vector<16xf32>
        %add3A_1330 = arith.constant 96 : i32
        %add3A_1331 = arith.addi %add3A_1330, %scan3A_1308 : i32
        %get3A_1332 = arith.index_cast %add3A_1331 : i32 to index
        %get3A_1333 = arith.constant 32 : index
        %get3A_1334 = tpu.vector_load %arg7[%get3A_1332, %get3A_1333] {strides = array<i32>} : memref<128x128xf32, #tpu.memory_space<vmem>>, vector<1x16xf32>,
        %get3A_1335 = vector.shape_cast %get3A_1334 : vector<1x16xf32> to vector<16xf32>
        %add3A_1336 = arith.addf %scan3A_1311, %get3A_1335 : vector<16xf32>
        %add3A_1337 = arith.constant 96 : i32
        %add3A_1338 = arith.addi %add3A_1337, %scan3A_1308 : i32
        %get3A_1339 = arith.index_cast %add3A_1338 : i32 to index
        %get3A_1340 = arith.constant 48 : index
        %get3A_1341 = tpu.vector_load %arg7[%get3A_1339, %get3A_1340] {strides = array<i32>} : memref<128x128xf32, #tpu.memory_space<vmem>>, vector<1x16xf32>,
        %get3A_1342 = vector.shape_cast %get3A_1341 : vector<1x16xf32> to vector<16xf32>
        %add3A_1343 = arith.addf %scan3A_1312, %get3A_1342 : vector<16xf32>
        %add3A_1344 = arith.constant 96 : i32
        %add3A_1345 = arith.addi %add3A_1344, %scan3A_1308 : i32
        %get3A_1346 = arith.index_cast %add3A_1345 : i32 to index
        %get3A_1347 = arith.constant 64 : index
        %get3A_1348 = tpu.vector_load %arg7[%get3A_1346, %get3A_1347] {strides = array<i32>} : memref<128x128xf32, #tpu.memory_space<vmem>>, vector<1x16xf32>,
        %get3A_1349 = vector.shape_cast %get3A_1348 : vector<1x16xf32> to vector<16xf32>
        %add3A_1350 = arith.addf %scan3A_1313, %get3A_1349 : vector<16xf32>
        %add3A_1351 = arith.constant 96 : i32
        %add3A_1352 = arith.addi %add3A_1351, %scan3A_1308 : i32
        %get3A_1353 = arith.index_cast %add3A_1352 : i32 to index
        %get3A_1354 = arith.constant 80 : index
        %get3A_1355 = tpu.vector_load %arg7[%get3A_1353, %get3A_1354] {strides = array<i32>} : memref<128x128xf32, #tpu.memory_space<vmem>>, vector<1x16xf32>,
        %get3A_1356 = vector.shape_cast %get3A_1355 : vector<1x16xf32> to vector<16xf32>
        %add3A_1357 = arith.addf %scan3A_1314, %get3A_1356 : vector<16xf32>
        %add3A_1358 = arith.constant 96 : i32
        %add3A_1359 = arith.addi %add3A_1358, %scan3A_1308 : i32
        %get3A_1360 = arith.index_cast %add3A_1359 : i32 to index
        %get3A_1361 = arith.constant 96 : index
        %get3A_1362 = tpu.vector_load %arg7[%get3A_1360, %get3A_1361] {strides = array<i32>} : memref<128x128xf32, #tpu.memory_space<vmem>>, vector<1x16xf32>,
        %get3A_1363 = vector.shape_cast %get3A_1362 : vector<1x16xf32> to vector<16xf32>
        %add3A_1364 = arith.addf %scan3A_1315, %get3A_1363 : vector<16xf32>
        %add3A_1365 = arith.constant 96 : i32
        %add3A_1366 = arith.addi %add3A_1365, %scan3A_1308 : i32
        %get3A_1367 = arith.index_cast %add3A_1366 : i32 to index
        %get3A_1368 = arith.constant 112 : index
        %get3A_1369 = tpu.vector_load %arg7[%get3A_1367, %get3A_1368] {strides = array<i32>} : memref<128x128xf32, #tpu.memory_space<vmem>>, vector<1x16xf32>,
        %get3A_1370 = vector.shape_cast %get3A_1369 : vector<1x16xf32> to vector<16xf32>
        %add3A_1371 = arith.addf %scan3A_1316, %get3A_1370 : vector<16xf32>
        scf.yield %add3A_1322, %add3A_1329, %add3A_1336, %add3A_1343, %add3A_1350, %add3A_1357, %add3A_1364, %add3A_1371 : vector<16xf32>, vector<16xf32>, vector<16xf32>, vector<16xf32>, vector<16xf32>, vector<16xf32>, vector<16xf32>, vector<16xf32>
      }
      %scan3A_939 = arith.constant 32 : i32
      %swap3A_940 = arith.constant 3 : i32
      %swap3A_941 = arith.index_cast %swap3A_940 : i32 to index
      %swap3A_942 = arith.constant 0 : index
      %swap3A_943 = tpu.vector_load %arg9[%swap3A_941, %swap3A_942] {strides = array<i32>} : memref<4x128xf32, #tpu.memory_space<vmem>>, vector<1x16xf32>,
      %swap3A_944 = vector.shape_cast %swap3A_943 : vector<1x16xf32> to vector<16xf32>
      %swap3A_945 = vector.shape_cast %scan3A_938#0 : vector<16xf32> to vector<1x16xf32>
      tpu.vector_store %arg9[%swap3A_941, %swap3A_942], %swap3A_945 {strides = array<i32>} : memref<4x128xf32, #tpu.memory_space<vmem>>, vector<1x16xf32>,
      %swap3A_946 = arith.constant 3 : i32
      %swap3A_947 = arith.index_cast %swap3A_946 : i32 to index
      %swap3A_948 = arith.constant 16 : index
      %swap3A_949 = tpu.vector_load %arg9[%swap3A_947, %swap3A_948] {strides = array<i32>} : memref<4x128xf32, #tpu.memory_space<vmem>>, vector<1x16xf32>,
      %swap3A_950 = vector.shape_cast %swap3A_949 : vector<1x16xf32> to vector<16xf32>
      %swap3A_951 = vector.shape_cast %scan3A_938#1 : vector<16xf32> to vector<1x16xf32>
      tpu.vector_store %arg9[%swap3A_947, %swap3A_948], %swap3A_951 {strides = array<i32>} : memref<4x128xf32, #tpu.memory_space<vmem>>, vector<1x16xf32>,
      %swap3A_952 = arith.constant 3 : i32
      %swap3A_953 = arith.index_cast %swap3A_952 : i32 to index
      %swap3A_954 = arith.constant 32 : index
      %swap3A_955 = tpu.vector_load %arg9[%swap3A_953, %swap3A_954] {strides = array<i32>} : memref<4x128xf32, #tpu.memory_space<vmem>>, vector<1x16xf32>,
      %swap3A_956 = vector.shape_cast %swap3A_955 : vector<1x16xf32> to vector<16xf32>
      %swap3A_957 = vector.shape_cast %scan3A_938#2 : vector<16xf32> to vector<1x16xf32>
      tpu.vector_store %arg9[%swap3A_953, %swap3A_954], %swap3A_957 {strides = array<i32>} : memref<4x128xf32, #tpu.memory_space<vmem>>, vector<1x16xf32>,
      %swap3A_958 = arith.constant 3 : i32
      %swap3A_959 = arith.index_cast %swap3A_958 : i32 to index
      %swap3A_960 = arith.constant 48 : index
      %swap3A_961 = tpu.vector_load %arg9[%swap3A_959, %swap3A_960] {strides = array<i32>} : memref<4x128xf32, #tpu.memory_space<vmem>>, vector<1x16xf32>,
      %swap3A_962 = vector.shape_cast %swap3A_961 : vector<1x16xf32> to vector<16xf32>
      %swap3A_963 = vector.shape_cast %scan3A_938#3 : vector<16xf32> to vector<1x16xf32>
      tpu.vector_store %arg9[%swap3A_959, %swap3A_960], %swap3A_963 {strides = array<i32>} : memref<4x128xf32, #tpu.memory_space<vmem>>, vector<1x16xf32>,
      %swap3A_964 = arith.constant 3 : i32
      %swap3A_965 = arith.index_cast %swap3A_964 : i32 to index
      %swap3A_966 = arith.constant 64 : index
      %swap3A_967 = tpu.vector_load %arg9[%swap3A_965, %swap3A_966] {strides = array<i32>} : memref<4x128xf32, #tpu.memory_space<vmem>>, vector<1x16xf32>,
      %swap3A_968 = vector.shape_cast %swap3A_967 : vector<1x16xf32> to vector<16xf32>
      %swap3A_969 = vector.shape_cast %scan3A_938#4 : vector<16xf32> to vector<1x16xf32>
      tpu.vector_store %arg9[%swap3A_965, %swap3A_966], %swap3A_969 {strides = array<i32>} : memref<4x128xf32, #tpu.memory_space<vmem>>, vector<1x16xf32>,
      %swap3A_970 = arith.constant 3 : i32
      %swap3A_971 = arith.index_cast %swap3A_970 : i32 to index
      %swap3A_972 = arith.constant 80 : index
      %swap3A_973 = tpu.vector_load %arg9[%swap3A_971, %swap3A_972] {strides = array<i32>} : memref<4x128xf32, #tpu.memory_space<vmem>>, vector<1x16xf32>,
      %swap3A_974 = vector.shape_cast %swap3A_973 : vector<1x16xf32> to vector<16xf32>
      %swap3A_975 = vector.shape_cast %scan3A_938#5 : vector<16xf32> to vector<1x16xf32>
      tpu.vector_store %arg9[%swap3A_971, %swap3A_972], %swap3A_975 {strides = array<i32>} : memref<4x128xf32, #tpu.memory_space<vmem>>, vector<1x16xf32>,
      %swap3A_976 = arith.constant 3 : i32
      %swap3A_977 = arith.index_cast %swap3A_976 : i32 to index
      %swap3A_978 = arith.constant 96 : index
      %swap3A_979 = tpu.vector_load %arg9[%swap3A_977, %swap3A_978] {strides = array<i32>} : memref<4x128xf32, #tpu.memory_space<vmem>>, vector<1x16xf32>,
      %swap3A_980 = vector.shape_cast %swap3A_979 : vector<1x16xf32> to vector<16xf32>
      %swap3A_981 = vector.shape_cast %scan3A_938#6 : vector<16xf32> to vector<1x16xf32>
      tpu.vector_store %arg9[%swap3A_977, %swap3A_978], %swap3A_981 {strides = array<i32>} : memref<4x128xf32, #tpu.memory_space<vmem>>, vector<1x16xf32>,
      %swap3A_982 = arith.constant 3 : i32
      %swap3A_983 = arith.index_cast %swap3A_982 : i32 to index
      %swap3A_984 = arith.constant 112 : index
      %swap3A_985 = tpu.vector_load %arg9[%swap3A_983, %swap3A_984] {strides = array<i32>} : memref<4x128xf32, #tpu.memory_space<vmem>>, vector<1x16xf32>,
      %swap3A_986 = vector.shape_cast %swap3A_985 : vector<1x16xf32> to vector<16xf32>
      %swap3A_987 = vector.shape_cast %scan3A_938#7 : vector<16xf32> to vector<1x16xf32>
      tpu.vector_store %arg9[%swap3A_983, %swap3A_984], %swap3A_987 {strides = array<i32>} : memref<4x128xf32, #tpu.memory_space<vmem>>, vector<1x16xf32>,
      %add3A_988 = arith.constant 2 : i32
      %add3A_989 = arith.addi %add3A_697, %add3A_988 : i32
      %lt3A = arith.cmpi slt, %add3A_989, %select_n3A : i32
      %convert_element_type3A_990 = arith.extui %lt3A : i1 to i32
      %cond3A_991 = arith.constant 0 : i32
      %cond3A_992 = arith.cmpi ne, %convert_element_type3A_990, %cond3A_991 : i32
      scf.if %cond3A_992 {
        %add3A_1308 = arith.constant 2 : i32
        %add3A_1309 = arith.addi %add3A_697, %add3A_1308 : i32
        %dma_start3A_1310 = arith.constant 0 : i32
        %dma_start3A_1311 = tpu.memref_slice %arg6[%add3A_1309, %dma_start3A_1310] : memref<80x128xi32, #tpu.memory_space<vmem>> -> memref<1x128xi32, #tpu.memory_space<vmem>>
        %dma_start3A_1312 = tpu.memref_squeeze %dma_start3A_1311 : memref<1x128xi32, #tpu.memory_space<vmem>> -> memref<128xi32, #tpu.memory_space<vmem>>
        %dma_start3A_1313 = arith.constant 0 : i32
        %dma_start3A_1314 = arith.constant 0 : i32
        %dma_start3A_1315 = tpu.memref_slice %arg5[%dma_start3A_1313, %dma_start3A_1314] : memref<10000x128xf32, #tpu.memory_space<vmem_shared>> -> memref<10000x128xf32, #tpu.memory_space<vmem_shared>>
        tpu.enqueue_indirect_dma source(%dma_start3A_1315 : memref<10000x128xf32, #tpu.memory_space<vmem_shared>>) target(%arg7 : memref<128x128xf32, #tpu.memory_space<vmem>>) offsets(%dma_start3A_1312 : memref<128xi32, #tpu.memory_space<vmem>>) semaphore(%arg11 : memref<!tpu.dma_semaphore, #tpu.memory_space<semaphore_mem>>)
      } else {
      }
      %mul3A_993 = arith.constant 4 : i32
      %mul3A_994 = arith.muli %add3A_697, %mul3A_993 : i32
      %add3A_995 = arith.addi %mul3A_2, %mul3A_994 : i32
      %dma_start3A_996 = arith.constant 0 : i32
      %dma_start3A_997 = tpu.memref_slice %arg4[%add3A_995, %dma_start3A_996] : memref<10000x128xf32, #tpu.memory_space<hbm>> -> memref<4x128xf32, #tpu.memory_space<hbm>>
      %dma_start3A_998 = arith.constant 0 : i32
      %dma_start3A_999 = tpu.memref_slice %arg4[%add3A_995, %dma_start3A_998] : memref<10000x128xf32, #tpu.memory_space<hbm>> -> memref<4x128xf32, #tpu.memory_space<hbm>>
      tpu.enqueue_dma source(%arg9 : memref<4x128xf32, #tpu.memory_space<vmem>>) target(%dma_start3A_999 : memref<4x128xf32, #tpu.memory_space<hbm>>) target_semaphore(%arg13 : memref<!tpu.dma_semaphore, #tpu.memory_space<semaphore_mem>>)
      %mul3A_1000 = arith.constant 2 : i32
      %mul3A_1001 = arith.muli %while3A_693, %mul3A_1000 : i32
      %add3A_1002 = arith.constant 1 : i32
      %add3A_1003 = arith.addi %mul3A_1001, %add3A_1002 : i32
      %dma_wait3A_1004 = arith.constant 0 : i32
      %dma_wait3A_1005 = tpu.memref_slice %arg6[%add3A_1003, %dma_wait3A_1004] : memref<80x128xi32, #tpu.memory_space<vmem>> -> memref<1x128xi32, #tpu.memory_space<vmem>>
      %dma_wait3A_1006 = tpu.memref_squeeze %dma_wait3A_1005 : memref<1x128xi32, #tpu.memory_space<vmem>> -> memref<128xi32, #tpu.memory_space<vmem>>
      %dma_wait3A_1007 = arith.constant 0 : i32
      %dma_wait3A_1008 = arith.constant 0 : i32
      %dma_wait3A_1009 = tpu.memref_slice %arg5[%dma_wait3A_1007, %dma_wait3A_1008] : memref<10000x128xf32, #tpu.memory_space<vmem_shared>> -> memref<10000x128xf32, #tpu.memory_space<vmem_shared>>
      tpu.wait_indirect_dma semaphore(%arg12 : memref<!tpu.dma_semaphore, #tpu.memory_space<semaphore_mem>>) src(%dma_wait3A_1009 : memref<10000x128xf32, #tpu.memory_space<vmem_shared>>) dst(%arg8 : memref<128x128xf32, #tpu.memory_space<vmem>>)
      %gt3A_1010 = arith.constant 0 : i32
      %gt3A_1011 = arith.cmpi sgt, %while3A_693, %gt3A_1010 : i32
      %convert_element_type3A_1012 = arith.extui %gt3A_1011 : i1 to i32
      %cond3A_1013 = arith.constant 0 : i32
      %cond3A_1014 = arith.cmpi ne, %convert_element_type3A_1012, %cond3A_1013 : i32
      scf.if %cond3A_1014 {
        %dma_wait3A_1308 = arith.constant 0 : i32
        %dma_wait3A_1309 = tpu.memref_slice %arg4[%mul3A_2, %dma_wait3A_1308] : memref<10000x128xf32, #tpu.memory_space<hbm>> -> memref<4x128xf32, #tpu.memory_space<hbm>>
        %dma_wait3A_1310 = arith.constant 0 : i32
        %dma_wait3A_1311 = tpu.memref_slice %arg4[%mul3A_2, %dma_wait3A_1310] : memref<10000x128xf32, #tpu.memory_space<hbm>> -> memref<4x128xf32, #tpu.memory_space<hbm>>
        tpu.wait_dma2 semaphore(%arg14 : memref<!tpu.dma_semaphore, #tpu.memory_space<semaphore_mem>>) src(%arg10 : memref<4x128xf32, #tpu.memory_space<vmem>>) dst(%dma_wait3A_1311 : memref<4x128xf32, #tpu.memory_space<hbm>>)
      } else {
      }
      %broadcast_in_dim3A_1015 = arith.constant 0.000000e+00 : f32
      %broadcast_in_dim3A_1016 = vector.broadcast %broadcast_in_dim3A_1015 : f32 to vector<16xf32>
      %broadcast_in_dim3A_1017 = arith.constant 0.000000e+00 : f32
      %broadcast_in_dim3A_1018 = vector.broadcast %broadcast_in_dim3A_1017 : f32 to vector<16xf32>
      %broadcast_in_dim3A_1019 = arith.constant 0.000000e+00 : f32
      %broadcast_in_dim3A_1020 = vector.broadcast %broadcast_in_dim3A_1019 : f32 to vector<16xf32>
      %broadcast_in_dim3A_1021 = arith.constant 0.000000e+00 : f32
      %broadcast_in_dim3A_1022 = vector.broadcast %broadcast_in_dim3A_1021 : f32 to vector<16xf32>
      %broadcast_in_dim3A_1023 = arith.constant 0.000000e+00 : f32
      %broadcast_in_dim3A_1024 = vector.broadcast %broadcast_in_dim3A_1023 : f32 to vector<16xf32>
      %broadcast_in_dim3A_1025 = arith.constant 0.000000e+00 : f32
      %broadcast_in_dim3A_1026 = vector.broadcast %broadcast_in_dim3A_1025 : f32 to vector<16xf32>
      %broadcast_in_dim3A_1027 = arith.constant 0.000000e+00 : f32
      %broadcast_in_dim3A_1028 = vector.broadcast %broadcast_in_dim3A_1027 : f32 to vector<16xf32>
      %broadcast_in_dim3A_1029 = arith.constant 0.000000e+00 : f32
      %broadcast_in_dim3A_1030 = vector.broadcast %broadcast_in_dim3A_1029 : f32 to vector<16xf32>
      %scan3A_1031 = arith.constant 0 : i32
      %scan3A_1032 = arith.constant 32 : i32
      %scan3A_1033 = arith.addi %scan3A_1031, %scan3A_1032 : i32
      %scan3A_1034 = arith.constant 1 : i32
      %scan3A_1035:8 = scf.for %scan3A_1308 = %scan3A_1031 to %scan3A_1033 step %scan3A_1034 iter_args(%scan3A_1309 = %broadcast_in_dim3A_1016, %scan3A_1310 = %broadcast_in_dim3A_1018, %scan3A_1311 = %broadcast_in_dim3A_1020, %scan3A_1312 = %broadcast_in_dim3A_1022, %scan3A_1313 = %broadcast_in_dim3A_1024, %scan3A_1314 = %broadcast_in_dim3A_1026, %scan3A_1315 = %broadcast_in_dim3A_1028, %scan3A_1316 = %broadcast_in_dim3A_1030) -> (vector<16xf32>, vector<16xf32>, vector<16xf32>, vector<16xf32>, vector<16xf32>, vector<16xf32>, vector<16xf32>, vector<16xf32>)  : i32 {
        %add3A_1317 = arith.constant 0 : i32
        %add3A_1318 = arith.addi %add3A_1317, %scan3A_1308 : i32
        %get3A = arith.index_cast %add3A_1318 : i32 to index
        %get3A_1319 = arith.constant 0 : index
        %get3A_1320 = tpu.vector_load %arg8[%get3A, %get3A_1319] {strides = array<i32>} : memref<128x128xf32, #tpu.memory_space<vmem>>, vector<1x16xf32>,
        %get3A_1321 = vector.shape_cast %get3A_1320 : vector<1x16xf32> to vector<16xf32>
        %add3A_1322 = arith.addf %scan3A_1309, %get3A_1321 : vector<16xf32>
        %add3A_1323 = arith.constant 0 : i32
        %add3A_1324 = arith.addi %add3A_1323, %scan3A_1308 : i32
        %get3A_1325 = arith.index_cast %add3A_1324 : i32 to index
        %get3A_1326 = arith.constant 16 : index
        %get3A_1327 = tpu.vector_load %arg8[%get3A_1325, %get3A_1326] {strides = array<i32>} : memref<128x128xf32, #tpu.memory_space<vmem>>, vector<1x16xf32>,
        %get3A_1328 = vector.shape_cast %get3A_1327 : vector<1x16xf32> to vector<16xf32>
        %add3A_1329 = arith.addf %scan3A_1310, %get3A_1328 : vector<16xf32>
        %add3A_1330 = arith.constant 0 : i32
        %add3A_1331 = arith.addi %add3A_1330, %scan3A_1308 : i32
        %get3A_1332 = arith.index_cast %add3A_1331 : i32 to index
        %get3A_1333 = arith.constant 32 : index
        %get3A_1334 = tpu.vector_load %arg8[%get3A_1332, %get3A_1333] {strides = array<i32>} : memref<128x128xf32, #tpu.memory_space<vmem>>, vector<1x16xf32>,
        %get3A_1335 = vector.shape_cast %get3A_1334 : vector<1x16xf32> to vector<16xf32>
        %add3A_1336 = arith.addf %scan3A_1311, %get3A_1335 : vector<16xf32>
        %add3A_1337 = arith.constant 0 : i32
        %add3A_1338 = arith.addi %add3A_1337, %scan3A_1308 : i32
        %get3A_1339 = arith.index_cast %add3A_1338 : i32 to index
        %get3A_1340 = arith.constant 48 : index
        %get3A_1341 = tpu.vector_load %arg8[%get3A_1339, %get3A_1340] {strides = array<i32>} : memref<128x128xf32, #tpu.memory_space<vmem>>, vector<1x16xf32>,
        %get3A_1342 = vector.shape_cast %get3A_1341 : vector<1x16xf32> to vector<16xf32>
        %add3A_1343 = arith.addf %scan3A_1312, %get3A_1342 : vector<16xf32>
        %add3A_1344 = arith.constant 0 : i32
        %add3A_1345 = arith.addi %add3A_1344, %scan3A_1308 : i32
        %get3A_1346 = arith.index_cast %add3A_1345 : i32 to index
        %get3A_1347 = arith.constant 64 : index
        %get3A_1348 = tpu.vector_load %arg8[%get3A_1346, %get3A_1347] {strides = array<i32>} : memref<128x128xf32, #tpu.memory_space<vmem>>, vector<1x16xf32>,
        %get3A_1349 = vector.shape_cast %get3A_1348 : vector<1x16xf32> to vector<16xf32>
        %add3A_1350 = arith.addf %scan3A_1313, %get3A_1349 : vector<16xf32>
        %add3A_1351 = arith.constant 0 : i32
        %add3A_1352 = arith.addi %add3A_1351, %scan3A_1308 : i32
        %get3A_1353 = arith.index_cast %add3A_1352 : i32 to index
        %get3A_1354 = arith.constant 80 : index
        %get3A_1355 = tpu.vector_load %arg8[%get3A_1353, %get3A_1354] {strides = array<i32>} : memref<128x128xf32, #tpu.memory_space<vmem>>, vector<1x16xf32>,
        %get3A_1356 = vector.shape_cast %get3A_1355 : vector<1x16xf32> to vector<16xf32>
        %add3A_1357 = arith.addf %scan3A_1314, %get3A_1356 : vector<16xf32>
        %add3A_1358 = arith.constant 0 : i32
        %add3A_1359 = arith.addi %add3A_1358, %scan3A_1308 : i32
        %get3A_1360 = arith.index_cast %add3A_1359 : i32 to index
        %get3A_1361 = arith.constant 96 : index
        %get3A_1362 = tpu.vector_load %arg8[%get3A_1360, %get3A_1361] {strides = array<i32>} : memref<128x128xf32, #tpu.memory_space<vmem>>, vector<1x16xf32>,
        %get3A_1363 = vector.shape_cast %get3A_1362 : vector<1x16xf32> to vector<16xf32>
        %add3A_1364 = arith.addf %scan3A_1315, %get3A_1363 : vector<16xf32>
        %add3A_1365 = arith.constant 0 : i32
        %add3A_1366 = arith.addi %add3A_1365, %scan3A_1308 : i32
        %get3A_1367 = arith.index_cast %add3A_1366 : i32 to index
        %get3A_1368 = arith.constant 112 : index
        %get3A_1369 = tpu.vector_load %arg8[%get3A_1367, %get3A_1368] {strides = array<i32>} : memref<128x128xf32, #tpu.memory_space<vmem>>, vector<1x16xf32>,
        %get3A_1370 = vector.shape_cast %get3A_1369 : vector<1x16xf32> to vector<16xf32>
        %add3A_1371 = arith.addf %scan3A_1316, %get3A_1370 : vector<16xf32>
        scf.yield %add3A_1322, %add3A_1329, %add3A_1336, %add3A_1343, %add3A_1350, %add3A_1357, %add3A_1364, %add3A_1371 : vector<16xf32>, vector<16xf32>, vector<16xf32>, vector<16xf32>, vector<16xf32>, vector<16xf32>, vector<16xf32>, vector<16xf32>
      }
      %scan3A_1036 = arith.constant 32 : i32
      %swap3A_1037 = arith.constant 0 : i32
      %swap3A_1038 = arith.index_cast %swap3A_1037 : i32 to index
      %swap3A_1039 = arith.constant 0 : index
      %swap3A_1040 = tpu.vector_load %arg10[%swap3A_1038, %swap3A_1039] {strides = array<i32>} : memref<4x128xf32, #tpu.memory_space<vmem>>, vector<1x16xf32>,
      %swap3A_1041 = vector.shape_cast %swap3A_1040 : vector<1x16xf32> to vector<16xf32>
      %swap3A_1042 = vector.shape_cast %scan3A_1035#0 : vector<16xf32> to vector<1x16xf32>
      tpu.vector_store %arg10[%swap3A_1038, %swap3A_1039], %swap3A_1042 {strides = array<i32>} : memref<4x128xf32, #tpu.memory_space<vmem>>, vector<1x16xf32>,
      %swap3A_1043 = arith.constant 0 : i32
      %swap3A_1044 = arith.index_cast %swap3A_1043 : i32 to index
      %swap3A_1045 = arith.constant 16 : index
      %swap3A_1046 = tpu.vector_load %arg10[%swap3A_1044, %swap3A_1045] {strides = array<i32>} : memref<4x128xf32, #tpu.memory_space<vmem>>, vector<1x16xf32>,
      %swap3A_1047 = vector.shape_cast %swap3A_1046 : vector<1x16xf32> to vector<16xf32>
      %swap3A_1048 = vector.shape_cast %scan3A_1035#1 : vector<16xf32> to vector<1x16xf32>
      tpu.vector_store %arg10[%swap3A_1044, %swap3A_1045], %swap3A_1048 {strides = array<i32>} : memref<4x128xf32, #tpu.memory_space<vmem>>, vector<1x16xf32>,
      %swap3A_1049 = arith.constant 0 : i32
      %swap3A_1050 = arith.index_cast %swap3A_1049 : i32 to index
      %swap3A_1051 = arith.constant 32 : index
      %swap3A_1052 = tpu.vector_load %arg10[%swap3A_1050, %swap3A_1051] {strides = array<i32>} : memref<4x128xf32, #tpu.memory_space<vmem>>, vector<1x16xf32>,
      %swap3A_1053 = vector.shape_cast %swap3A_1052 : vector<1x16xf32> to vector<16xf32>
      %swap3A_1054 = vector.shape_cast %scan3A_1035#2 : vector<16xf32> to vector<1x16xf32>
      tpu.vector_store %arg10[%swap3A_1050, %swap3A_1051], %swap3A_1054 {strides = array<i32>} : memref<4x128xf32, #tpu.memory_space<vmem>>, vector<1x16xf32>,
      %swap3A_1055 = arith.constant 0 : i32
      %swap3A_1056 = arith.index_cast %swap3A_1055 : i32 to index
      %swap3A_1057 = arith.constant 48 : index
      %swap3A_1058 = tpu.vector_load %arg10[%swap3A_1056, %swap3A_1057] {strides = array<i32>} : memref<4x128xf32, #tpu.memory_space<vmem>>, vector<1x16xf32>,
      %swap3A_1059 = vector.shape_cast %swap3A_1058 : vector<1x16xf32> to vector<16xf32>
      %swap3A_1060 = vector.shape_cast %scan3A_1035#3 : vector<16xf32> to vector<1x16xf32>
      tpu.vector_store %arg10[%swap3A_1056, %swap3A_1057], %swap3A_1060 {strides = array<i32>} : memref<4x128xf32, #tpu.memory_space<vmem>>, vector<1x16xf32>,
      %swap3A_1061 = arith.constant 0 : i32
      %swap3A_1062 = arith.index_cast %swap3A_1061 : i32 to index
      %swap3A_1063 = arith.constant 64 : index
      %swap3A_1064 = tpu.vector_load %arg10[%swap3A_1062, %swap3A_1063] {strides = array<i32>} : memref<4x128xf32, #tpu.memory_space<vmem>>, vector<1x16xf32>,
      %swap3A_1065 = vector.shape_cast %swap3A_1064 : vector<1x16xf32> to vector<16xf32>
      %swap3A_1066 = vector.shape_cast %scan3A_1035#4 : vector<16xf32> to vector<1x16xf32>
      tpu.vector_store %arg10[%swap3A_1062, %swap3A_1063], %swap3A_1066 {strides = array<i32>} : memref<4x128xf32, #tpu.memory_space<vmem>>, vector<1x16xf32>,
      %swap3A_1067 = arith.constant 0 : i32
      %swap3A_1068 = arith.index_cast %swap3A_1067 : i32 to index
      %swap3A_1069 = arith.constant 80 : index
      %swap3A_1070 = tpu.vector_load %arg10[%swap3A_1068, %swap3A_1069] {strides = array<i32>} : memref<4x128xf32, #tpu.memory_space<vmem>>, vector<1x16xf32>,
      %swap3A_1071 = vector.shape_cast %swap3A_1070 : vector<1x16xf32> to vector<16xf32>
      %swap3A_1072 = vector.shape_cast %scan3A_1035#5 : vector<16xf32> to vector<1x16xf32>
      tpu.vector_store %arg10[%swap3A_1068, %swap3A_1069], %swap3A_1072 {strides = array<i32>} : memref<4x128xf32, #tpu.memory_space<vmem>>, vector<1x16xf32>,
      %swap3A_1073 = arith.constant 0 : i32
      %swap3A_1074 = arith.index_cast %swap3A_1073 : i32 to index
      %swap3A_1075 = arith.constant 96 : index
      %swap3A_1076 = tpu.vector_load %arg10[%swap3A_1074, %swap3A_1075] {strides = array<i32>} : memref<4x128xf32, #tpu.memory_space<vmem>>, vector<1x16xf32>,
      %swap3A_1077 = vector.shape_cast %swap3A_1076 : vector<1x16xf32> to vector<16xf32>
      %swap3A_1078 = vector.shape_cast %scan3A_1035#6 : vector<16xf32> to vector<1x16xf32>
      tpu.vector_store %arg10[%swap3A_1074, %swap3A_1075], %swap3A_1078 {strides = array<i32>} : memref<4x128xf32, #tpu.memory_space<vmem>>, vector<1x16xf32>,
      %swap3A_1079 = arith.constant 0 : i32
      %swap3A_1080 = arith.index_cast %swap3A_1079 : i32 to index
      %swap3A_1081 = arith.constant 112 : index
      %swap3A_1082 = tpu.vector_load %arg10[%swap3A_1080, %swap3A_1081] {strides = array<i32>} : memref<4x128xf32, #tpu.memory_space<vmem>>, vector<1x16xf32>,
      %swap3A_1083 = vector.shape_cast %swap3A_1082 : vector<1x16xf32> to vector<16xf32>
      %swap3A_1084 = vector.shape_cast %scan3A_1035#7 : vector<16xf32> to vector<1x16xf32>
      tpu.vector_store %arg10[%swap3A_1080, %swap3A_1081], %swap3A_1084 {strides = array<i32>} : memref<4x128xf32, #tpu.memory_space<vmem>>, vector<1x16xf32>,
      %broadcast_in_dim3A_1085 = arith.constant 0.000000e+00 : f32
      %broadcast_in_dim3A_1086 = vector.broadcast %broadcast_in_dim3A_1085 : f32 to vector<16xf32>
      %broadcast_in_dim3A_1087 = arith.constant 0.000000e+00 : f32
      %broadcast_in_dim3A_1088 = vector.broadcast %broadcast_in_dim3A_1087 : f32 to vector<16xf32>
      %broadcast_in_dim3A_1089 = arith.constant 0.000000e+00 : f32
      %broadcast_in_dim3A_1090 = vector.broadcast %broadcast_in_dim3A_1089 : f32 to vector<16xf32>
      %broadcast_in_dim3A_1091 = arith.constant 0.000000e+00 : f32
      %broadcast_in_dim3A_1092 = vector.broadcast %broadcast_in_dim3A_1091 : f32 to vector<16xf32>
      %broadcast_in_dim3A_1093 = arith.constant 0.000000e+00 : f32
      %broadcast_in_dim3A_1094 = vector.broadcast %broadcast_in_dim3A_1093 : f32 to vector<16xf32>
      %broadcast_in_dim3A_1095 = arith.constant 0.000000e+00 : f32
      %broadcast_in_dim3A_1096 = vector.broadcast %broadcast_in_dim3A_1095 : f32 to vector<16xf32>
      %broadcast_in_dim3A_1097 = arith.constant 0.000000e+00 : f32
      %broadcast_in_dim3A_1098 = vector.broadcast %broadcast_in_dim3A_1097 : f32 to vector<16xf32>
      %broadcast_in_dim3A_1099 = arith.constant 0.000000e+00 : f32
      %broadcast_in_dim3A_1100 = vector.broadcast %broadcast_in_dim3A_1099 : f32 to vector<16xf32>
      %scan3A_1101 = arith.constant 0 : i32
      %scan3A_1102 = arith.constant 32 : i32
      %scan3A_1103 = arith.addi %scan3A_1101, %scan3A_1102 : i32
      %scan3A_1104 = arith.constant 1 : i32
      %scan3A_1105:8 = scf.for %scan3A_1308 = %scan3A_1101 to %scan3A_1103 step %scan3A_1104 iter_args(%scan3A_1309 = %broadcast_in_dim3A_1086, %scan3A_1310 = %broadcast_in_dim3A_1088, %scan3A_1311 = %broadcast_in_dim3A_1090, %scan3A_1312 = %broadcast_in_dim3A_1092, %scan3A_1313 = %broadcast_in_dim3A_1094, %scan3A_1314 = %broadcast_in_dim3A_1096, %scan3A_1315 = %broadcast_in_dim3A_1098, %scan3A_1316 = %broadcast_in_dim3A_1100) -> (vector<16xf32>, vector<16xf32>, vector<16xf32>, vector<16xf32>, vector<16xf32>, vector<16xf32>, vector<16xf32>, vector<16xf32>)  : i32 {
        %add3A_1317 = arith.constant 32 : i32
        %add3A_1318 = arith.addi %add3A_1317, %scan3A_1308 : i32
        %get3A = arith.index_cast %add3A_1318 : i32 to index
        %get3A_1319 = arith.constant 0 : index
        %get3A_1320 = tpu.vector_load %arg8[%get3A, %get3A_1319] {strides = array<i32>} : memref<128x128xf32, #tpu.memory_space<vmem>>, vector<1x16xf32>,
        %get3A_1321 = vector.shape_cast %get3A_1320 : vector<1x16xf32> to vector<16xf32>
        %add3A_1322 = arith.addf %scan3A_1309, %get3A_1321 : vector<16xf32>
        %add3A_1323 = arith.constant 32 : i32
        %add3A_1324 = arith.addi %add3A_1323, %scan3A_1308 : i32
        %get3A_1325 = arith.index_cast %add3A_1324 : i32 to index
        %get3A_1326 = arith.constant 16 : index
        %get3A_1327 = tpu.vector_load %arg8[%get3A_1325, %get3A_1326] {strides = array<i32>} : memref<128x128xf32, #tpu.memory_space<vmem>>, vector<1x16xf32>,
        %get3A_1328 = vector.shape_cast %get3A_1327 : vector<1x16xf32> to vector<16xf32>
        %add3A_1329 = arith.addf %scan3A_1310, %get3A_1328 : vector<16xf32>
        %add3A_1330 = arith.constant 32 : i32
        %add3A_1331 = arith.addi %add3A_1330, %scan3A_1308 : i32
        %get3A_1332 = arith.index_cast %add3A_1331 : i32 to index
        %get3A_1333 = arith.constant 32 : index
        %get3A_1334 = tpu.vector_load %arg8[%get3A_1332, %get3A_1333] {strides = array<i32>} : memref<128x128xf32, #tpu.memory_space<vmem>>, vector<1x16xf32>,
        %get3A_1335 = vector.shape_cast %get3A_1334 : vector<1x16xf32> to vector<16xf32>
        %add3A_1336 = arith.addf %scan3A_1311, %get3A_1335 : vector<16xf32>
        %add3A_1337 = arith.constant 32 : i32
        %add3A_1338 = arith.addi %add3A_1337, %scan3A_1308 : i32
        %get3A_1339 = arith.index_cast %add3A_1338 : i32 to index
        %get3A_1340 = arith.constant 48 : index
        %get3A_1341 = tpu.vector_load %arg8[%get3A_1339, %get3A_1340] {strides = array<i32>} : memref<128x128xf32, #tpu.memory_space<vmem>>, vector<1x16xf32>,
        %get3A_1342 = vector.shape_cast %get3A_1341 : vector<1x16xf32> to vector<16xf32>
        %add3A_1343 = arith.addf %scan3A_1312, %get3A_1342 : vector<16xf32>
        %add3A_1344 = arith.constant 32 : i32
        %add3A_1345 = arith.addi %add3A_1344, %scan3A_1308 : i32
        %get3A_1346 = arith.index_cast %add3A_1345 : i32 to index
        %get3A_1347 = arith.constant 64 : index
        %get3A_1348 = tpu.vector_load %arg8[%get3A_1346, %get3A_1347] {strides = array<i32>} : memref<128x128xf32, #tpu.memory_space<vmem>>, vector<1x16xf32>,
        %get3A_1349 = vector.shape_cast %get3A_1348 : vector<1x16xf32> to vector<16xf32>
        %add3A_1350 = arith.addf %scan3A_1313, %get3A_1349 : vector<16xf32>
        %add3A_1351 = arith.constant 32 : i32
        %add3A_1352 = arith.addi %add3A_1351, %scan3A_1308 : i32
        %get3A_1353 = arith.index_cast %add3A_1352 : i32 to index
        %get3A_1354 = arith.constant 80 : index
        %get3A_1355 = tpu.vector_load %arg8[%get3A_1353, %get3A_1354] {strides = array<i32>} : memref<128x128xf32, #tpu.memory_space<vmem>>, vector<1x16xf32>,
        %get3A_1356 = vector.shape_cast %get3A_1355 : vector<1x16xf32> to vector<16xf32>
        %add3A_1357 = arith.addf %scan3A_1314, %get3A_1356 : vector<16xf32>
        %add3A_1358 = arith.constant 32 : i32
        %add3A_1359 = arith.addi %add3A_1358, %scan3A_1308 : i32
        %get3A_1360 = arith.index_cast %add3A_1359 : i32 to index
        %get3A_1361 = arith.constant 96 : index
        %get3A_1362 = tpu.vector_load %arg8[%get3A_1360, %get3A_1361] {strides = array<i32>} : memref<128x128xf32, #tpu.memory_space<vmem>>, vector<1x16xf32>,
        %get3A_1363 = vector.shape_cast %get3A_1362 : vector<1x16xf32> to vector<16xf32>
        %add3A_1364 = arith.addf %scan3A_1315, %get3A_1363 : vector<16xf32>
        %add3A_1365 = arith.constant 32 : i32
        %add3A_1366 = arith.addi %add3A_1365, %scan3A_1308 : i32
        %get3A_1367 = arith.index_cast %add3A_1366 : i32 to index
        %get3A_1368 = arith.constant 112 : index
        %get3A_1369 = tpu.vector_load %arg8[%get3A_1367, %get3A_1368] {strides = array<i32>} : memref<128x128xf32, #tpu.memory_space<vmem>>, vector<1x16xf32>,
        %get3A_1370 = vector.shape_cast %get3A_1369 : vector<1x16xf32> to vector<16xf32>
        %add3A_1371 = arith.addf %scan3A_1316, %get3A_1370 : vector<16xf32>
        scf.yield %add3A_1322, %add3A_1329, %add3A_1336, %add3A_1343, %add3A_1350, %add3A_1357, %add3A_1364, %add3A_1371 : vector<16xf32>, vector<16xf32>, vector<16xf32>, vector<16xf32>, vector<16xf32>, vector<16xf32>, vector<16xf32>, vector<16xf32>
      }
      %scan3A_1106 = arith.constant 32 : i32
      %swap3A_1107 = arith.constant 1 : i32
      %swap3A_1108 = arith.index_cast %swap3A_1107 : i32 to index
      %swap3A_1109 = arith.constant 0 : index
      %swap3A_1110 = tpu.vector_load %arg10[%swap3A_1108, %swap3A_1109] {strides = array<i32>} : memref<4x128xf32, #tpu.memory_space<vmem>>, vector<1x16xf32>,
      %swap3A_1111 = vector.shape_cast %swap3A_1110 : vector<1x16xf32> to vector<16xf32>
      %swap3A_1112 = vector.shape_cast %scan3A_1105#0 : vector<16xf32> to vector<1x16xf32>
      tpu.vector_store %arg10[%swap3A_1108, %swap3A_1109], %swap3A_1112 {strides = array<i32>} : memref<4x128xf32, #tpu.memory_space<vmem>>, vector<1x16xf32>,
      %swap3A_1113 = arith.constant 1 : i32
      %swap3A_1114 = arith.index_cast %swap3A_1113 : i32 to index
      %swap3A_1115 = arith.constant 16 : index
      %swap3A_1116 = tpu.vector_load %arg10[%swap3A_1114, %swap3A_1115] {strides = array<i32>} : memref<4x128xf32, #tpu.memory_space<vmem>>, vector<1x16xf32>,
      %swap3A_1117 = vector.shape_cast %swap3A_1116 : vector<1x16xf32> to vector<16xf32>
      %swap3A_1118 = vector.shape_cast %scan3A_1105#1 : vector<16xf32> to vector<1x16xf32>
      tpu.vector_store %arg10[%swap3A_1114, %swap3A_1115], %swap3A_1118 {strides = array<i32>} : memref<4x128xf32, #tpu.memory_space<vmem>>, vector<1x16xf32>,
      %swap3A_1119 = arith.constant 1 : i32
      %swap3A_1120 = arith.index_cast %swap3A_1119 : i32 to index
      %swap3A_1121 = arith.constant 32 : index
      %swap3A_1122 = tpu.vector_load %arg10[%swap3A_1120, %swap3A_1121] {strides = array<i32>} : memref<4x128xf32, #tpu.memory_space<vmem>>, vector<1x16xf32>,
      %swap3A_1123 = vector.shape_cast %swap3A_1122 : vector<1x16xf32> to vector<16xf32>
      %swap3A_1124 = vector.shape_cast %scan3A_1105#2 : vector<16xf32> to vector<1x16xf32>
      tpu.vector_store %arg10[%swap3A_1120, %swap3A_1121], %swap3A_1124 {strides = array<i32>} : memref<4x128xf32, #tpu.memory_space<vmem>>, vector<1x16xf32>,
      %swap3A_1125 = arith.constant 1 : i32
      %swap3A_1126 = arith.index_cast %swap3A_1125 : i32 to index
      %swap3A_1127 = arith.constant 48 : index
      %swap3A_1128 = tpu.vector_load %arg10[%swap3A_1126, %swap3A_1127] {strides = array<i32>} : memref<4x128xf32, #tpu.memory_space<vmem>>, vector<1x16xf32>,
      %swap3A_1129 = vector.shape_cast %swap3A_1128 : vector<1x16xf32> to vector<16xf32>
      %swap3A_1130 = vector.shape_cast %scan3A_1105#3 : vector<16xf32> to vector<1x16xf32>
      tpu.vector_store %arg10[%swap3A_1126, %swap3A_1127], %swap3A_1130 {strides = array<i32>} : memref<4x128xf32, #tpu.memory_space<vmem>>, vector<1x16xf32>,
      %swap3A_1131 = arith.constant 1 : i32
      %swap3A_1132 = arith.index_cast %swap3A_1131 : i32 to index
      %swap3A_1133 = arith.constant 64 : index
      %swap3A_1134 = tpu.vector_load %arg10[%swap3A_1132, %swap3A_1133] {strides = array<i32>} : memref<4x128xf32, #tpu.memory_space<vmem>>, vector<1x16xf32>,
      %swap3A_1135 = vector.shape_cast %swap3A_1134 : vector<1x16xf32> to vector<16xf32>
      %swap3A_1136 = vector.shape_cast %scan3A_1105#4 : vector<16xf32> to vector<1x16xf32>
      tpu.vector_store %arg10[%swap3A_1132, %swap3A_1133], %swap3A_1136 {strides = array<i32>} : memref<4x128xf32, #tpu.memory_space<vmem>>, vector<1x16xf32>,
      %swap3A_1137 = arith.constant 1 : i32
      %swap3A_1138 = arith.index_cast %swap3A_1137 : i32 to index
      %swap3A_1139 = arith.constant 80 : index
      %swap3A_1140 = tpu.vector_load %arg10[%swap3A_1138, %swap3A_1139] {strides = array<i32>} : memref<4x128xf32, #tpu.memory_space<vmem>>, vector<1x16xf32>,
      %swap3A_1141 = vector.shape_cast %swap3A_1140 : vector<1x16xf32> to vector<16xf32>
      %swap3A_1142 = vector.shape_cast %scan3A_1105#5 : vector<16xf32> to vector<1x16xf32>
      tpu.vector_store %arg10[%swap3A_1138, %swap3A_1139], %swap3A_1142 {strides = array<i32>} : memref<4x128xf32, #tpu.memory_space<vmem>>, vector<1x16xf32>,
      %swap3A_1143 = arith.constant 1 : i32
      %swap3A_1144 = arith.index_cast %swap3A_1143 : i32 to index
      %swap3A_1145 = arith.constant 96 : index
      %swap3A_1146 = tpu.vector_load %arg10[%swap3A_1144, %swap3A_1145] {strides = array<i32>} : memref<4x128xf32, #tpu.memory_space<vmem>>, vector<1x16xf32>,
      %swap3A_1147 = vector.shape_cast %swap3A_1146 : vector<1x16xf32> to vector<16xf32>
      %swap3A_1148 = vector.shape_cast %scan3A_1105#6 : vector<16xf32> to vector<1x16xf32>
      tpu.vector_store %arg10[%swap3A_1144, %swap3A_1145], %swap3A_1148 {strides = array<i32>} : memref<4x128xf32, #tpu.memory_space<vmem>>, vector<1x16xf32>,
      %swap3A_1149 = arith.constant 1 : i32
      %swap3A_1150 = arith.index_cast %swap3A_1149 : i32 to index
      %swap3A_1151 = arith.constant 112 : index
      %swap3A_1152 = tpu.vector_load %arg10[%swap3A_1150, %swap3A_1151] {strides = array<i32>} : memref<4x128xf32, #tpu.memory_space<vmem>>, vector<1x16xf32>,
      %swap3A_1153 = vector.shape_cast %swap3A_1152 : vector<1x16xf32> to vector<16xf32>
      %swap3A_1154 = vector.shape_cast %scan3A_1105#7 : vector<16xf32> to vector<1x16xf32>
      tpu.vector_store %arg10[%swap3A_1150, %swap3A_1151], %swap3A_1154 {strides = array<i32>} : memref<4x128xf32, #tpu.memory_space<vmem>>, vector<1x16xf32>,
      %broadcast_in_dim3A_1155 = arith.constant 0.000000e+00 : f32
      %broadcast_in_dim3A_1156 = vector.broadcast %broadcast_in_dim3A_1155 : f32 to vector<16xf32>
      %broadcast_in_dim3A_1157 = arith.constant 0.000000e+00 : f32
      %broadcast_in_dim3A_1158 = vector.broadcast %broadcast_in_dim3A_1157 : f32 to vector<16xf32>
      %broadcast_in_dim3A_1159 = arith.constant 0.000000e+00 : f32
      %broadcast_in_dim3A_1160 = vector.broadcast %broadcast_in_dim3A_1159 : f32 to vector<16xf32>
      %broadcast_in_dim3A_1161 = arith.constant 0.000000e+00 : f32
      %broadcast_in_dim3A_1162 = vector.broadcast %broadcast_in_dim3A_1161 : f32 to vector<16xf32>
      %broadcast_in_dim3A_1163 = arith.constant 0.000000e+00 : f32
      %broadcast_in_dim3A_1164 = vector.broadcast %broadcast_in_dim3A_1163 : f32 to vector<16xf32>
      %broadcast_in_dim3A_1165 = arith.constant 0.000000e+00 : f32
      %broadcast_in_dim3A_1166 = vector.broadcast %broadcast_in_dim3A_1165 : f32 to vector<16xf32>
      %broadcast_in_dim3A_1167 = arith.constant 0.000000e+00 : f32
      %broadcast_in_dim3A_1168 = vector.broadcast %broadcast_in_dim3A_1167 : f32 to vector<16xf32>
      %broadcast_in_dim3A_1169 = arith.constant 0.000000e+00 : f32
      %broadcast_in_dim3A_1170 = vector.broadcast %broadcast_in_dim3A_1169 : f32 to vector<16xf32>
      %scan3A_1171 = arith.constant 0 : i32
      %scan3A_1172 = arith.constant 32 : i32
      %scan3A_1173 = arith.addi %scan3A_1171, %scan3A_1172 : i32
      %scan3A_1174 = arith.constant 1 : i32
      %scan3A_1175:8 = scf.for %scan3A_1308 = %scan3A_1171 to %scan3A_1173 step %scan3A_1174 iter_args(%scan3A_1309 = %broadcast_in_dim3A_1156, %scan3A_1310 = %broadcast_in_dim3A_1158, %scan3A_1311 = %broadcast_in_dim3A_1160, %scan3A_1312 = %broadcast_in_dim3A_1162, %scan3A_1313 = %broadcast_in_dim3A_1164, %scan3A_1314 = %broadcast_in_dim3A_1166, %scan3A_1315 = %broadcast_in_dim3A_1168, %scan3A_1316 = %broadcast_in_dim3A_1170) -> (vector<16xf32>, vector<16xf32>, vector<16xf32>, vector<16xf32>, vector<16xf32>, vector<16xf32>, vector<16xf32>, vector<16xf32>)  : i32 {
        %add3A_1317 = arith.constant 64 : i32
        %add3A_1318 = arith.addi %add3A_1317, %scan3A_1308 : i32
        %get3A = arith.index_cast %add3A_1318 : i32 to index
        %get3A_1319 = arith.constant 0 : index
        %get3A_1320 = tpu.vector_load %arg8[%get3A, %get3A_1319] {strides = array<i32>} : memref<128x128xf32, #tpu.memory_space<vmem>>, vector<1x16xf32>,
        %get3A_1321 = vector.shape_cast %get3A_1320 : vector<1x16xf32> to vector<16xf32>
        %add3A_1322 = arith.addf %scan3A_1309, %get3A_1321 : vector<16xf32>
        %add3A_1323 = arith.constant 64 : i32
        %add3A_1324 = arith.addi %add3A_1323, %scan3A_1308 : i32
        %get3A_1325 = arith.index_cast %add3A_1324 : i32 to index
        %get3A_1326 = arith.constant 16 : index
        %get3A_1327 = tpu.vector_load %arg8[%get3A_1325, %get3A_1326] {strides = array<i32>} : memref<128x128xf32, #tpu.memory_space<vmem>>, vector<1x16xf32>,
        %get3A_1328 = vector.shape_cast %get3A_1327 : vector<1x16xf32> to vector<16xf32>
        %add3A_1329 = arith.addf %scan3A_1310, %get3A_1328 : vector<16xf32>
        %add3A_1330 = arith.constant 64 : i32
        %add3A_1331 = arith.addi %add3A_1330, %scan3A_1308 : i32
        %get3A_1332 = arith.index_cast %add3A_1331 : i32 to index
        %get3A_1333 = arith.constant 32 : index
        %get3A_1334 = tpu.vector_load %arg8[%get3A_1332, %get3A_1333] {strides = array<i32>} : memref<128x128xf32, #tpu.memory_space<vmem>>, vector<1x16xf32>,
        %get3A_1335 = vector.shape_cast %get3A_1334 : vector<1x16xf32> to vector<16xf32>
        %add3A_1336 = arith.addf %scan3A_1311, %get3A_1335 : vector<16xf32>
        %add3A_1337 = arith.constant 64 : i32
        %add3A_1338 = arith.addi %add3A_1337, %scan3A_1308 : i32
        %get3A_1339 = arith.index_cast %add3A_1338 : i32 to index
        %get3A_1340 = arith.constant 48 : index
        %get3A_1341 = tpu.vector_load %arg8[%get3A_1339, %get3A_1340] {strides = array<i32>} : memref<128x128xf32, #tpu.memory_space<vmem>>, vector<1x16xf32>,
        %get3A_1342 = vector.shape_cast %get3A_1341 : vector<1x16xf32> to vector<16xf32>
        %add3A_1343 = arith.addf %scan3A_1312, %get3A_1342 : vector<16xf32>
        %add3A_1344 = arith.constant 64 : i32
        %add3A_1345 = arith.addi %add3A_1344, %scan3A_1308 : i32
        %get3A_1346 = arith.index_cast %add3A_1345 : i32 to index
        %get3A_1347 = arith.constant 64 : index
        %get3A_1348 = tpu.vector_load %arg8[%get3A_1346, %get3A_1347] {strides = array<i32>} : memref<128x128xf32, #tpu.memory_space<vmem>>, vector<1x16xf32>,
        %get3A_1349 = vector.shape_cast %get3A_1348 : vector<1x16xf32> to vector<16xf32>
        %add3A_1350 = arith.addf %scan3A_1313, %get3A_1349 : vector<16xf32>
        %add3A_1351 = arith.constant 64 : i32
        %add3A_1352 = arith.addi %add3A_1351, %scan3A_1308 : i32
        %get3A_1353 = arith.index_cast %add3A_1352 : i32 to index
        %get3A_1354 = arith.constant 80 : index
        %get3A_1355 = tpu.vector_load %arg8[%get3A_1353, %get3A_1354] {strides = array<i32>} : memref<128x128xf32, #tpu.memory_space<vmem>>, vector<1x16xf32>,
        %get3A_1356 = vector.shape_cast %get3A_1355 : vector<1x16xf32> to vector<16xf32>
        %add3A_1357 = arith.addf %scan3A_1314, %get3A_1356 : vector<16xf32>
        %add3A_1358 = arith.constant 64 : i32
        %add3A_1359 = arith.addi %add3A_1358, %scan3A_1308 : i32
        %get3A_1360 = arith.index_cast %add3A_1359 : i32 to index
        %get3A_1361 = arith.constant 96 : index
        %get3A_1362 = tpu.vector_load %arg8[%get3A_1360, %get3A_1361] {strides = array<i32>} : memref<128x128xf32, #tpu.memory_space<vmem>>, vector<1x16xf32>,
        %get3A_1363 = vector.shape_cast %get3A_1362 : vector<1x16xf32> to vector<16xf32>
        %add3A_1364 = arith.addf %scan3A_1315, %get3A_1363 : vector<16xf32>
        %add3A_1365 = arith.constant 64 : i32
        %add3A_1366 = arith.addi %add3A_1365, %scan3A_1308 : i32
        %get3A_1367 = arith.index_cast %add3A_1366 : i32 to index
        %get3A_1368 = arith.constant 112 : index
        %get3A_1369 = tpu.vector_load %arg8[%get3A_1367, %get3A_1368] {strides = array<i32>} : memref<128x128xf32, #tpu.memory_space<vmem>>, vector<1x16xf32>,
        %get3A_1370 = vector.shape_cast %get3A_1369 : vector<1x16xf32> to vector<16xf32>
        %add3A_1371 = arith.addf %scan3A_1316, %get3A_1370 : vector<16xf32>
        scf.yield %add3A_1322, %add3A_1329, %add3A_1336, %add3A_1343, %add3A_1350, %add3A_1357, %add3A_1364, %add3A_1371 : vector<16xf32>, vector<16xf32>, vector<16xf32>, vector<16xf32>, vector<16xf32>, vector<16xf32>, vector<16xf32>, vector<16xf32>
      }
      %scan3A_1176 = arith.constant 32 : i32
      %swap3A_1177 = arith.constant 2 : i32
      %swap3A_1178 = arith.index_cast %swap3A_1177 : i32 to index
      %swap3A_1179 = arith.constant 0 : index
      %swap3A_1180 = tpu.vector_load %arg10[%swap3A_1178, %swap3A_1179] {strides = array<i32>} : memref<4x128xf32, #tpu.memory_space<vmem>>, vector<1x16xf32>,
      %swap3A_1181 = vector.shape_cast %swap3A_1180 : vector<1x16xf32> to vector<16xf32>
      %swap3A_1182 = vector.shape_cast %scan3A_1175#0 : vector<16xf32> to vector<1x16xf32>
      tpu.vector_store %arg10[%swap3A_1178, %swap3A_1179], %swap3A_1182 {strides = array<i32>} : memref<4x128xf32, #tpu.memory_space<vmem>>, vector<1x16xf32>,
      %swap3A_1183 = arith.constant 2 : i32
      %swap3A_1184 = arith.index_cast %swap3A_1183 : i32 to index
      %swap3A_1185 = arith.constant 16 : index
      %swap3A_1186 = tpu.vector_load %arg10[%swap3A_1184, %swap3A_1185] {strides = array<i32>} : memref<4x128xf32, #tpu.memory_space<vmem>>, vector<1x16xf32>,
      %swap3A_1187 = vector.shape_cast %swap3A_1186 : vector<1x16xf32> to vector<16xf32>
      %swap3A_1188 = vector.shape_cast %scan3A_1175#1 : vector<16xf32> to vector<1x16xf32>
      tpu.vector_store %arg10[%swap3A_1184, %swap3A_1185], %swap3A_1188 {strides = array<i32>} : memref<4x128xf32, #tpu.memory_space<vmem>>, vector<1x16xf32>,
      %swap3A_1189 = arith.constant 2 : i32
      %swap3A_1190 = arith.index_cast %swap3A_1189 : i32 to index
      %swap3A_1191 = arith.constant 32 : index
      %swap3A_1192 = tpu.vector_load %arg10[%swap3A_1190, %swap3A_1191] {strides = array<i32>} : memref<4x128xf32, #tpu.memory_space<vmem>>, vector<1x16xf32>,
      %swap3A_1193 = vector.shape_cast %swap3A_1192 : vector<1x16xf32> to vector<16xf32>
      %swap3A_1194 = vector.shape_cast %scan3A_1175#2 : vector<16xf32> to vector<1x16xf32>
      tpu.vector_store %arg10[%swap3A_1190, %swap3A_1191], %swap3A_1194 {strides = array<i32>} : memref<4x128xf32, #tpu.memory_space<vmem>>, vector<1x16xf32>,
      %swap3A_1195 = arith.constant 2 : i32
      %swap3A_1196 = arith.index_cast %swap3A_1195 : i32 to index
      %swap3A_1197 = arith.constant 48 : index
      %swap3A_1198 = tpu.vector_load %arg10[%swap3A_1196, %swap3A_1197] {strides = array<i32>} : memref<4x128xf32, #tpu.memory_space<vmem>>, vector<1x16xf32>,
      %swap3A_1199 = vector.shape_cast %swap3A_1198 : vector<1x16xf32> to vector<16xf32>
      %swap3A_1200 = vector.shape_cast %scan3A_1175#3 : vector<16xf32> to vector<1x16xf32>
      tpu.vector_store %arg10[%swap3A_1196, %swap3A_1197], %swap3A_1200 {strides = array<i32>} : memref<4x128xf32, #tpu.memory_space<vmem>>, vector<1x16xf32>,
      %swap3A_1201 = arith.constant 2 : i32
      %swap3A_1202 = arith.index_cast %swap3A_1201 : i32 to index
      %swap3A_1203 = arith.constant 64 : index
      %swap3A_1204 = tpu.vector_load %arg10[%swap3A_1202, %swap3A_1203] {strides = array<i32>} : memref<4x128xf32, #tpu.memory_space<vmem>>, vector<1x16xf32>,
      %swap3A_1205 = vector.shape_cast %swap3A_1204 : vector<1x16xf32> to vector<16xf32>
      %swap3A_1206 = vector.shape_cast %scan3A_1175#4 : vector<16xf32> to vector<1x16xf32>
      tpu.vector_store %arg10[%swap3A_1202, %swap3A_1203], %swap3A_1206 {strides = array<i32>} : memref<4x128xf32, #tpu.memory_space<vmem>>, vector<1x16xf32>,
      %swap3A_1207 = arith.constant 2 : i32
      %swap3A_1208 = arith.index_cast %swap3A_1207 : i32 to index
      %swap3A_1209 = arith.constant 80 : index
      %swap3A_1210 = tpu.vector_load %arg10[%swap3A_1208, %swap3A_1209] {strides = array<i32>} : memref<4x128xf32, #tpu.memory_space<vmem>>, vector<1x16xf32>,
      %swap3A_1211 = vector.shape_cast %swap3A_1210 : vector<1x16xf32> to vector<16xf32>
      %swap3A_1212 = vector.shape_cast %scan3A_1175#5 : vector<16xf32> to vector<1x16xf32>
      tpu.vector_store %arg10[%swap3A_1208, %swap3A_1209], %swap3A_1212 {strides = array<i32>} : memref<4x128xf32, #tpu.memory_space<vmem>>, vector<1x16xf32>,
      %swap3A_1213 = arith.constant 2 : i32
      %swap3A_1214 = arith.index_cast %swap3A_1213 : i32 to index
      %swap3A_1215 = arith.constant 96 : index
      %swap3A_1216 = tpu.vector_load %arg10[%swap3A_1214, %swap3A_1215] {strides = array<i32>} : memref<4x128xf32, #tpu.memory_space<vmem>>, vector<1x16xf32>,
      %swap3A_1217 = vector.shape_cast %swap3A_1216 : vector<1x16xf32> to vector<16xf32>
      %swap3A_1218 = vector.shape_cast %scan3A_1175#6 : vector<16xf32> to vector<1x16xf32>
      tpu.vector_store %arg10[%swap3A_1214, %swap3A_1215], %swap3A_1218 {strides = array<i32>} : memref<4x128xf32, #tpu.memory_space<vmem>>, vector<1x16xf32>,
      %swap3A_1219 = arith.constant 2 : i32
      %swap3A_1220 = arith.index_cast %swap3A_1219 : i32 to index
      %swap3A_1221 = arith.constant 112 : index
      %swap3A_1222 = tpu.vector_load %arg10[%swap3A_1220, %swap3A_1221] {strides = array<i32>} : memref<4x128xf32, #tpu.memory_space<vmem>>, vector<1x16xf32>,
      %swap3A_1223 = vector.shape_cast %swap3A_1222 : vector<1x16xf32> to vector<16xf32>
      %swap3A_1224 = vector.shape_cast %scan3A_1175#7 : vector<16xf32> to vector<1x16xf32>
      tpu.vector_store %arg10[%swap3A_1220, %swap3A_1221], %swap3A_1224 {strides = array<i32>} : memref<4x128xf32, #tpu.memory_space<vmem>>, vector<1x16xf32>,
      %broadcast_in_dim3A_1225 = arith.constant 0.000000e+00 : f32
      %broadcast_in_dim3A_1226 = vector.broadcast %broadcast_in_dim3A_1225 : f32 to vector<16xf32>
      %broadcast_in_dim3A_1227 = arith.constant 0.000000e+00 : f32
      %broadcast_in_dim3A_1228 = vector.broadcast %broadcast_in_dim3A_1227 : f32 to vector<16xf32>
      %broadcast_in_dim3A_1229 = arith.constant 0.000000e+00 : f32
      %broadcast_in_dim3A_1230 = vector.broadcast %broadcast_in_dim3A_1229 : f32 to vector<16xf32>
      %broadcast_in_dim3A_1231 = arith.constant 0.000000e+00 : f32
      %broadcast_in_dim3A_1232 = vector.broadcast %broadcast_in_dim3A_1231 : f32 to vector<16xf32>
      %broadcast_in_dim3A_1233 = arith.constant 0.000000e+00 : f32
      %broadcast_in_dim3A_1234 = vector.broadcast %broadcast_in_dim3A_1233 : f32 to vector<16xf32>
      %broadcast_in_dim3A_1235 = arith.constant 0.000000e+00 : f32
      %broadcast_in_dim3A_1236 = vector.broadcast %broadcast_in_dim3A_1235 : f32 to vector<16xf32>
      %broadcast_in_dim3A_1237 = arith.constant 0.000000e+00 : f32
      %broadcast_in_dim3A_1238 = vector.broadcast %broadcast_in_dim3A_1237 : f32 to vector<16xf32>
      %broadcast_in_dim3A_1239 = arith.constant 0.000000e+00 : f32
      %broadcast_in_dim3A_1240 = vector.broadcast %broadcast_in_dim3A_1239 : f32 to vector<16xf32>
      %scan3A_1241 = arith.constant 0 : i32
      %scan3A_1242 = arith.constant 32 : i32
      %scan3A_1243 = arith.addi %scan3A_1241, %scan3A_1242 : i32
      %scan3A_1244 = arith.constant 1 : i32
      %scan3A_1245:8 = scf.for %scan3A_1308 = %scan3A_1241 to %scan3A_1243 step %scan3A_1244 iter_args(%scan3A_1309 = %broadcast_in_dim3A_1226, %scan3A_1310 = %broadcast_in_dim3A_1228, %scan3A_1311 = %broadcast_in_dim3A_1230, %scan3A_1312 = %broadcast_in_dim3A_1232, %scan3A_1313 = %broadcast_in_dim3A_1234, %scan3A_1314 = %broadcast_in_dim3A_1236, %scan3A_1315 = %broadcast_in_dim3A_1238, %scan3A_1316 = %broadcast_in_dim3A_1240) -> (vector<16xf32>, vector<16xf32>, vector<16xf32>, vector<16xf32>, vector<16xf32>, vector<16xf32>, vector<16xf32>, vector<16xf32>)  : i32 {
        %add3A_1317 = arith.constant 96 : i32
        %add3A_1318 = arith.addi %add3A_1317, %scan3A_1308 : i32
        %get3A = arith.index_cast %add3A_1318 : i32 to index
        %get3A_1319 = arith.constant 0 : index
        %get3A_1320 = tpu.vector_load %arg8[%get3A, %get3A_1319] {strides = array<i32>} : memref<128x128xf32, #tpu.memory_space<vmem>>, vector<1x16xf32>,
        %get3A_1321 = vector.shape_cast %get3A_1320 : vector<1x16xf32> to vector<16xf32>
        %add3A_1322 = arith.addf %scan3A_1309, %get3A_1321 : vector<16xf32>
        %add3A_1323 = arith.constant 96 : i32
        %add3A_1324 = arith.addi %add3A_1323, %scan3A_1308 : i32
        %get3A_1325 = arith.index_cast %add3A_1324 : i32 to index
        %get3A_1326 = arith.constant 16 : index
        %get3A_1327 = tpu.vector_load %arg8[%get3A_1325, %get3A_1326] {strides = array<i32>} : memref<128x128xf32, #tpu.memory_space<vmem>>, vector<1x16xf32>,
        %get3A_1328 = vector.shape_cast %get3A_1327 : vector<1x16xf32> to vector<16xf32>
        %add3A_1329 = arith.addf %scan3A_1310, %get3A_1328 : vector<16xf32>
        %add3A_1330 = arith.constant 96 : i32
        %add3A_1331 = arith.addi %add3A_1330, %scan3A_1308 : i32
        %get3A_1332 = arith.index_cast %add3A_1331 : i32 to index
        %get3A_1333 = arith.constant 32 : index
        %get3A_1334 = tpu.vector_load %arg8[%get3A_1332, %get3A_1333] {strides = array<i32>} : memref<128x128xf32, #tpu.memory_space<vmem>>, vector<1x16xf32>,
        %get3A_1335 = vector.shape_cast %get3A_1334 : vector<1x16xf32> to vector<16xf32>
        %add3A_1336 = arith.addf %scan3A_1311, %get3A_1335 : vector<16xf32>
        %add3A_1337 = arith.constant 96 : i32
        %add3A_1338 = arith.addi %add3A_1337, %scan3A_1308 : i32
        %get3A_1339 = arith.index_cast %add3A_1338 : i32 to index
        %get3A_1340 = arith.constant 48 : index
        %get3A_1341 = tpu.vector_load %arg8[%get3A_1339, %get3A_1340] {strides = array<i32>} : memref<128x128xf32, #tpu.memory_space<vmem>>, vector<1x16xf32>,
        %get3A_1342 = vector.shape_cast %get3A_1341 : vector<1x16xf32> to vector<16xf32>
        %add3A_1343 = arith.addf %scan3A_1312, %get3A_1342 : vector<16xf32>
        %add3A_1344 = arith.constant 96 : i32
        %add3A_1345 = arith.addi %add3A_1344, %scan3A_1308 : i32
        %get3A_1346 = arith.index_cast %add3A_1345 : i32 to index
        %get3A_1347 = arith.constant 64 : index
        %get3A_1348 = tpu.vector_load %arg8[%get3A_1346, %get3A_1347] {strides = array<i32>} : memref<128x128xf32, #tpu.memory_space<vmem>>, vector<1x16xf32>,
        %get3A_1349 = vector.shape_cast %get3A_1348 : vector<1x16xf32> to vector<16xf32>
        %add3A_1350 = arith.addf %scan3A_1313, %get3A_1349 : vector<16xf32>
        %add3A_1351 = arith.constant 96 : i32
        %add3A_1352 = arith.addi %add3A_1351, %scan3A_1308 : i32
        %get3A_1353 = arith.index_cast %add3A_1352 : i32 to index
        %get3A_1354 = arith.constant 80 : index
        %get3A_1355 = tpu.vector_load %arg8[%get3A_1353, %get3A_1354] {strides = array<i32>} : memref<128x128xf32, #tpu.memory_space<vmem>>, vector<1x16xf32>,
        %get3A_1356 = vector.shape_cast %get3A_1355 : vector<1x16xf32> to vector<16xf32>
        %add3A_1357 = arith.addf %scan3A_1314, %get3A_1356 : vector<16xf32>
        %add3A_1358 = arith.constant 96 : i32
        %add3A_1359 = arith.addi %add3A_1358, %scan3A_1308 : i32
        %get3A_1360 = arith.index_cast %add3A_1359 : i32 to index
        %get3A_1361 = arith.constant 96 : index
        %get3A_1362 = tpu.vector_load %arg8[%get3A_1360, %get3A_1361] {strides = array<i32>} : memref<128x128xf32, #tpu.memory_space<vmem>>, vector<1x16xf32>,
        %get3A_1363 = vector.shape_cast %get3A_1362 : vector<1x16xf32> to vector<16xf32>
        %add3A_1364 = arith.addf %scan3A_1315, %get3A_1363 : vector<16xf32>
        %add3A_1365 = arith.constant 96 : i32
        %add3A_1366 = arith.addi %add3A_1365, %scan3A_1308 : i32
        %get3A_1367 = arith.index_cast %add3A_1366 : i32 to index
        %get3A_1368 = arith.constant 112 : index
        %get3A_1369 = tpu.vector_load %arg8[%get3A_1367, %get3A_1368] {strides = array<i32>} : memref<128x128xf32, #tpu.memory_space<vmem>>, vector<1x16xf32>,
        %get3A_1370 = vector.shape_cast %get3A_1369 : vector<1x16xf32> to vector<16xf32>
        %add3A_1371 = arith.addf %scan3A_1316, %get3A_1370 : vector<16xf32>
        scf.yield %add3A_1322, %add3A_1329, %add3A_1336, %add3A_1343, %add3A_1350, %add3A_1357, %add3A_1364, %add3A_1371 : vector<16xf32>, vector<16xf32>, vector<16xf32>, vector<16xf32>, vector<16xf32>, vector<16xf32>, vector<16xf32>, vector<16xf32>
      }
      %scan3A_1246 = arith.constant 32 : i32
      %swap3A_1247 = arith.constant 3 : i32
      %swap3A_1248 = arith.index_cast %swap3A_1247 : i32 to index
      %swap3A_1249 = arith.constant 0 : index
      %swap3A_1250 = tpu.vector_load %arg10[%swap3A_1248, %swap3A_1249] {strides = array<i32>} : memref<4x128xf32, #tpu.memory_space<vmem>>, vector<1x16xf32>,
      %swap3A_1251 = vector.shape_cast %swap3A_1250 : vector<1x16xf32> to vector<16xf32>
      %swap3A_1252 = vector.shape_cast %scan3A_1245#0 : vector<16xf32> to vector<1x16xf32>
      tpu.vector_store %arg10[%swap3A_1248, %swap3A_1249], %swap3A_1252 {strides = array<i32>} : memref<4x128xf32, #tpu.memory_space<vmem>>, vector<1x16xf32>,
      %swap3A_1253 = arith.constant 3 : i32
      %swap3A_1254 = arith.index_cast %swap3A_1253 : i32 to index
      %swap3A_1255 = arith.constant 16 : index
      %swap3A_1256 = tpu.vector_load %arg10[%swap3A_1254, %swap3A_1255] {strides = array<i32>} : memref<4x128xf32, #tpu.memory_space<vmem>>, vector<1x16xf32>,
      %swap3A_1257 = vector.shape_cast %swap3A_1256 : vector<1x16xf32> to vector<16xf32>
      %swap3A_1258 = vector.shape_cast %scan3A_1245#1 : vector<16xf32> to vector<1x16xf32>
      tpu.vector_store %arg10[%swap3A_1254, %swap3A_1255], %swap3A_1258 {strides = array<i32>} : memref<4x128xf32, #tpu.memory_space<vmem>>, vector<1x16xf32>,
      %swap3A_1259 = arith.constant 3 : i32
      %swap3A_1260 = arith.index_cast %swap3A_1259 : i32 to index
      %swap3A_1261 = arith.constant 32 : index
      %swap3A_1262 = tpu.vector_load %arg10[%swap3A_1260, %swap3A_1261] {strides = array<i32>} : memref<4x128xf32, #tpu.memory_space<vmem>>, vector<1x16xf32>,
      %swap3A_1263 = vector.shape_cast %swap3A_1262 : vector<1x16xf32> to vector<16xf32>
      %swap3A_1264 = vector.shape_cast %scan3A_1245#2 : vector<16xf32> to vector<1x16xf32>
      tpu.vector_store %arg10[%swap3A_1260, %swap3A_1261], %swap3A_1264 {strides = array<i32>} : memref<4x128xf32, #tpu.memory_space<vmem>>, vector<1x16xf32>,
      %swap3A_1265 = arith.constant 3 : i32
      %swap3A_1266 = arith.index_cast %swap3A_1265 : i32 to index
      %swap3A_1267 = arith.constant 48 : index
      %swap3A_1268 = tpu.vector_load %arg10[%swap3A_1266, %swap3A_1267] {strides = array<i32>} : memref<4x128xf32, #tpu.memory_space<vmem>>, vector<1x16xf32>,
      %swap3A_1269 = vector.shape_cast %swap3A_1268 : vector<1x16xf32> to vector<16xf32>
      %swap3A_1270 = vector.shape_cast %scan3A_1245#3 : vector<16xf32> to vector<1x16xf32>
      tpu.vector_store %arg10[%swap3A_1266, %swap3A_1267], %swap3A_1270 {strides = array<i32>} : memref<4x128xf32, #tpu.memory_space<vmem>>, vector<1x16xf32>,
      %swap3A_1271 = arith.constant 3 : i32
      %swap3A_1272 = arith.index_cast %swap3A_1271 : i32 to index
      %swap3A_1273 = arith.constant 64 : index
      %swap3A_1274 = tpu.vector_load %arg10[%swap3A_1272, %swap3A_1273] {strides = array<i32>} : memref<4x128xf32, #tpu.memory_space<vmem>>, vector<1x16xf32>,
      %swap3A_1275 = vector.shape_cast %swap3A_1274 : vector<1x16xf32> to vector<16xf32>
      %swap3A_1276 = vector.shape_cast %scan3A_1245#4 : vector<16xf32> to vector<1x16xf32>
      tpu.vector_store %arg10[%swap3A_1272, %swap3A_1273], %swap3A_1276 {strides = array<i32>} : memref<4x128xf32, #tpu.memory_space<vmem>>, vector<1x16xf32>,
      %swap3A_1277 = arith.constant 3 : i32
      %swap3A_1278 = arith.index_cast %swap3A_1277 : i32 to index
      %swap3A_1279 = arith.constant 80 : index
      %swap3A_1280 = tpu.vector_load %arg10[%swap3A_1278, %swap3A_1279] {strides = array<i32>} : memref<4x128xf32, #tpu.memory_space<vmem>>, vector<1x16xf32>,
      %swap3A_1281 = vector.shape_cast %swap3A_1280 : vector<1x16xf32> to vector<16xf32>
      %swap3A_1282 = vector.shape_cast %scan3A_1245#5 : vector<16xf32> to vector<1x16xf32>
      tpu.vector_store %arg10[%swap3A_1278, %swap3A_1279], %swap3A_1282 {strides = array<i32>} : memref<4x128xf32, #tpu.memory_space<vmem>>, vector<1x16xf32>,
      %swap3A_1283 = arith.constant 3 : i32
      %swap3A_1284 = arith.index_cast %swap3A_1283 : i32 to index
      %swap3A_1285 = arith.constant 96 : index
      %swap3A_1286 = tpu.vector_load %arg10[%swap3A_1284, %swap3A_1285] {strides = array<i32>} : memref<4x128xf32, #tpu.memory_space<vmem>>, vector<1x16xf32>,
      %swap3A_1287 = vector.shape_cast %swap3A_1286 : vector<1x16xf32> to vector<16xf32>
      %swap3A_1288 = vector.shape_cast %scan3A_1245#6 : vector<16xf32> to vector<1x16xf32>
      tpu.vector_store %arg10[%swap3A_1284, %swap3A_1285], %swap3A_1288 {strides = array<i32>} : memref<4x128xf32, #tpu.memory_space<vmem>>, vector<1x16xf32>,
      %swap3A_1289 = arith.constant 3 : i32
      %swap3A_1290 = arith.index_cast %swap3A_1289 : i32 to index
      %swap3A_1291 = arith.constant 112 : index
      %swap3A_1292 = tpu.vector_load %arg10[%swap3A_1290, %swap3A_1291] {strides = array<i32>} : memref<4x128xf32, #tpu.memory_space<vmem>>, vector<1x16xf32>,
      %swap3A_1293 = vector.shape_cast %swap3A_1292 : vector<1x16xf32> to vector<16xf32>
      %swap3A_1294 = vector.shape_cast %scan3A_1245#7 : vector<16xf32> to vector<1x16xf32>
      tpu.vector_store %arg10[%swap3A_1290, %swap3A_1291], %swap3A_1294 {strides = array<i32>} : memref<4x128xf32, #tpu.memory_space<vmem>>, vector<1x16xf32>,
      %add3A_1295 = arith.constant 2 : i32
      %add3A_1296 = arith.addi %add3A_1003, %add3A_1295 : i32
      %lt3A_1297 = arith.cmpi slt, %add3A_1296, %select_n3A : i32
      %convert_element_type3A_1298 = arith.extui %lt3A_1297 : i1 to i32
      %cond3A_1299 = arith.constant 0 : i32
      %cond3A_1300 = arith.cmpi ne, %convert_element_type3A_1298, %cond3A_1299 : i32
      scf.if %cond3A_1300 {
        %add3A_1308 = arith.constant 2 : i32
        %add3A_1309 = arith.addi %add3A_1003, %add3A_1308 : i32
        %dma_start3A_1310 = arith.constant 0 : i32
        %dma_start3A_1311 = tpu.memref_slice %arg6[%add3A_1309, %dma_start3A_1310] : memref<80x128xi32, #tpu.memory_space<vmem>> -> memref<1x128xi32, #tpu.memory_space<vmem>>
        %dma_start3A_1312 = tpu.memref_squeeze %dma_start3A_1311 : memref<1x128xi32, #tpu.memory_space<vmem>> -> memref<128xi32, #tpu.memory_space<vmem>>
        %dma_start3A_1313 = arith.constant 0 : i32
        %dma_start3A_1314 = arith.constant 0 : i32
        %dma_start3A_1315 = tpu.memref_slice %arg5[%dma_start3A_1313, %dma_start3A_1314] : memref<10000x128xf32, #tpu.memory_space<vmem_shared>> -> memref<10000x128xf32, #tpu.memory_space<vmem_shared>>
        tpu.enqueue_indirect_dma source(%dma_start3A_1315 : memref<10000x128xf32, #tpu.memory_space<vmem_shared>>) target(%arg8 : memref<128x128xf32, #tpu.memory_space<vmem>>) offsets(%dma_start3A_1312 : memref<128xi32, #tpu.memory_space<vmem>>) semaphore(%arg12 : memref<!tpu.dma_semaphore, #tpu.memory_space<semaphore_mem>>)
      } else {
      }
      %mul3A_1301 = arith.constant 4 : i32
      %mul3A_1302 = arith.muli %add3A_1003, %mul3A_1301 : i32
      %add3A_1303 = arith.addi %mul3A_2, %mul3A_1302 : i32
      %dma_start3A_1304 = arith.constant 0 : i32
      %dma_start3A_1305 = tpu.memref_slice %arg4[%add3A_1303, %dma_start3A_1304] : memref<10000x128xf32, #tpu.memory_space<hbm>> -> memref<4x128xf32, #tpu.memory_space<hbm>>
      %dma_start3A_1306 = arith.constant 0 : i32
      %dma_start3A_1307 = tpu.memref_slice %arg4[%add3A_1303, %dma_start3A_1306] : memref<10000x128xf32, #tpu.memory_space<hbm>> -> memref<4x128xf32, #tpu.memory_space<hbm>>
      tpu.enqueue_dma source(%arg10 : memref<4x128xf32, #tpu.memory_space<vmem>>) target(%dma_start3A_1307 : memref<4x128xf32, #tpu.memory_space<hbm>>) target_semaphore(%arg14 : memref<!tpu.dma_semaphore, #tpu.memory_space<semaphore_mem>>)
    }
    %while3A_684 = arith.constant 1 : i32
    scf.for %while3A_693 = %while3A_682 to %while3A_678 step %while3A_684  : i32 {
      %mul3A_694 = arith.constant 2 : i32
      %mul3A_695 = arith.muli %while3A_693, %mul3A_694 : i32
      %add3A_696 = arith.constant 0 : i32
      %add3A_697 = arith.addi %mul3A_695, %add3A_696 : i32
      %dma_wait3A_698 = arith.constant 0 : i32
      %dma_wait3A_699 = tpu.memref_slice %arg6[%add3A_697, %dma_wait3A_698] : memref<80x128xi32, #tpu.memory_space<vmem>> -> memref<1x128xi32, #tpu.memory_space<vmem>>
      %dma_wait3A_700 = tpu.memref_squeeze %dma_wait3A_699 : memref<1x128xi32, #tpu.memory_space<vmem>> -> memref<128xi32, #tpu.memory_space<vmem>>
      %dma_wait3A_701 = arith.constant 0 : i32
      %dma_wait3A_702 = arith.constant 0 : i32
      %dma_wait3A_703 = tpu.memref_slice %arg5[%dma_wait3A_701, %dma_wait3A_702] : memref<10000x128xf32, #tpu.memory_space<vmem_shared>> -> memref<10000x128xf32, #tpu.memory_space<vmem_shared>>
      tpu.wait_indirect_dma semaphore(%arg11 : memref<!tpu.dma_semaphore, #tpu.memory_space<semaphore_mem>>) src(%dma_wait3A_703 : memref<10000x128xf32, #tpu.memory_space<vmem_shared>>) dst(%arg7 : memref<128x128xf32, #tpu.memory_space<vmem>>)
      %gt3A = arith.constant 0 : i32
      %gt3A_704 = arith.cmpi sgt, %while3A_693, %gt3A : i32
      %convert_element_type3A_705 = arith.extui %gt3A_704 : i1 to i32
      %cond3A_706 = arith.constant 0 : i32
      %cond3A_707 = arith.cmpi ne, %convert_element_type3A_705, %cond3A_706 : i32
      scf.if %cond3A_707 {
        %dma_wait3A_1308 = arith.constant 0 : i32
        %dma_wait3A_1309 = tpu.memref_slice %arg4[%mul3A_2, %dma_wait3A_1308] : memref<10000x128xf32, #tpu.memory_space<hbm>> -> memref<4x128xf32, #tpu.memory_space<hbm>>
        %dma_wait3A_1310 = arith.constant 0 : i32
        %dma_wait3A_1311 = tpu.memref_slice %arg4[%mul3A_2, %dma_wait3A_1310] : memref<10000x128xf32, #tpu.memory_space<hbm>> -> memref<4x128xf32, #tpu.memory_space<hbm>>
        tpu.wait_dma2 semaphore(%arg13 : memref<!tpu.dma_semaphore, #tpu.memory_space<semaphore_mem>>) src(%arg9 : memref<4x128xf32, #tpu.memory_space<vmem>>) dst(%dma_wait3A_1311 : memref<4x128xf32, #tpu.memory_space<hbm>>)
      } else {
      }
      %broadcast_in_dim3A_708 = arith.constant 0.000000e+00 : f32
      %broadcast_in_dim3A_709 = vector.broadcast %broadcast_in_dim3A_708 : f32 to vector<16xf32>
      %broadcast_in_dim3A_710 = arith.constant 0.000000e+00 : f32
      %broadcast_in_dim3A_711 = vector.broadcast %broadcast_in_dim3A_710 : f32 to vector<16xf32>
      %broadcast_in_dim3A_712 = arith.constant 0.000000e+00 : f32
      %broadcast_in_dim3A_713 = vector.broadcast %broadcast_in_dim3A_712 : f32 to vector<16xf32>
      %broadcast_in_dim3A_714 = arith.constant 0.000000e+00 : f32
      %broadcast_in_dim3A_715 = vector.broadcast %broadcast_in_dim3A_714 : f32 to vector<16xf32>
      %broadcast_in_dim3A_716 = arith.constant 0.000000e+00 : f32
      %broadcast_in_dim3A_717 = vector.broadcast %broadcast_in_dim3A_716 : f32 to vector<16xf32>
      %broadcast_in_dim3A_718 = arith.constant 0.000000e+00 : f32
      %broadcast_in_dim3A_719 = vector.broadcast %broadcast_in_dim3A_718 : f32 to vector<16xf32>
      %broadcast_in_dim3A_720 = arith.constant 0.000000e+00 : f32
      %broadcast_in_dim3A_721 = vector.broadcast %broadcast_in_dim3A_720 : f32 to vector<16xf32>
      %broadcast_in_dim3A_722 = arith.constant 0.000000e+00 : f32
      %broadcast_in_dim3A_723 = vector.broadcast %broadcast_in_dim3A_722 : f32 to vector<16xf32>
      %scan3A_724 = arith.constant 0 : i32
      %scan3A_725 = arith.constant 32 : i32
      %scan3A_726 = arith.addi %scan3A_724, %scan3A_725 : i32
      %scan3A_727 = arith.constant 1 : i32
      %scan3A_728:8 = scf.for %scan3A_1308 = %scan3A_724 to %scan3A_726 step %scan3A_727 iter_args(%scan3A_1309 = %broadcast_in_dim3A_709, %scan3A_1310 = %broadcast_in_dim3A_711, %scan3A_1311 = %broadcast_in_dim3A_713, %scan3A_1312 = %broadcast_in_dim3A_715, %scan3A_1313 = %broadcast_in_dim3A_717, %scan3A_1314 = %broadcast_in_dim3A_719, %scan3A_1315 = %broadcast_in_dim3A_721, %scan3A_1316 = %broadcast_in_dim3A_723) -> (vector<16xf32>, vector<16xf32>, vector<16xf32>, vector<16xf32>, vector<16xf32>, vector<16xf32>, vector<16xf32>, vector<16xf32>)  : i32 {
        %add3A_1317 = arith.constant 0 : i32
        %add3A_1318 = arith.addi %add3A_1317, %scan3A_1308 : i32
        %get3A = arith.index_cast %add3A_1318 : i32 to index
        %get3A_1319 = arith.constant 0 : index
        %get3A_1320 = tpu.vector_load %arg7[%get3A, %get3A_1319] {strides = array<i32>} : memref<128x128xf32, #tpu.memory_space<vmem>>, vector<1x16xf32>,
        %get3A_1321 = vector.shape_cast %get3A_1320 : vector<1x16xf32> to vector<16xf32>
        %add3A_1322 = arith.addf %scan3A_1309, %get3A_1321 : vector<16xf32>
        %add3A_1323 = arith.constant 0 : i32
        %add3A_1324 = arith.addi %add3A_1323, %scan3A_1308 : i32
        %get3A_1325 = arith.index_cast %add3A_1324 : i32 to index
        %get3A_1326 = arith.constant 16 : index
        %get3A_1327 = tpu.vector_load %arg7[%get3A_1325, %get3A_1326] {strides = array<i32>} : memref<128x128xf32, #tpu.memory_space<vmem>>, vector<1x16xf32>,
        %get3A_1328 = vector.shape_cast %get3A_1327 : vector<1x16xf32> to vector<16xf32>
        %add3A_1329 = arith.addf %scan3A_1310, %get3A_1328 : vector<16xf32>
        %add3A_1330 = arith.constant 0 : i32
        %add3A_1331 = arith.addi %add3A_1330, %scan3A_1308 : i32
        %get3A_1332 = arith.index_cast %add3A_1331 : i32 to index
        %get3A_1333 = arith.constant 32 : index
        %get3A_1334 = tpu.vector_load %arg7[%get3A_1332, %get3A_1333] {strides = array<i32>} : memref<128x128xf32, #tpu.memory_space<vmem>>, vector<1x16xf32>,
        %get3A_1335 = vector.shape_cast %get3A_1334 : vector<1x16xf32> to vector<16xf32>
        %add3A_1336 = arith.addf %scan3A_1311, %get3A_1335 : vector<16xf32>
        %add3A_1337 = arith.constant 0 : i32
        %add3A_1338 = arith.addi %add3A_1337, %scan3A_1308 : i32
        %get3A_1339 = arith.index_cast %add3A_1338 : i32 to index
        %get3A_1340 = arith.constant 48 : index
        %get3A_1341 = tpu.vector_load %arg7[%get3A_1339, %get3A_1340] {strides = array<i32>} : memref<128x128xf32, #tpu.memory_space<vmem>>, vector<1x16xf32>,
        %get3A_1342 = vector.shape_cast %get3A_1341 : vector<1x16xf32> to vector<16xf32>
        %add3A_1343 = arith.addf %scan3A_1312, %get3A_1342 : vector<16xf32>
        %add3A_1344 = arith.constant 0 : i32
        %add3A_1345 = arith.addi %add3A_1344, %scan3A_1308 : i32
        %get3A_1346 = arith.index_cast %add3A_1345 : i32 to index
        %get3A_1347 = arith.constant 64 : index
        %get3A_1348 = tpu.vector_load %arg7[%get3A_1346, %get3A_1347] {strides = array<i32>} : memref<128x128xf32, #tpu.memory_space<vmem>>, vector<1x16xf32>,
        %get3A_1349 = vector.shape_cast %get3A_1348 : vector<1x16xf32> to vector<16xf32>
        %add3A_1350 = arith.addf %scan3A_1313, %get3A_1349 : vector<16xf32>
        %add3A_1351 = arith.constant 0 : i32
        %add3A_1352 = arith.addi %add3A_1351, %scan3A_1308 : i32
        %get3A_1353 = arith.index_cast %add3A_1352 : i32 to index
        %get3A_1354 = arith.constant 80 : index
        %get3A_1355 = tpu.vector_load %arg7[%get3A_1353, %get3A_1354] {strides = array<i32>} : memref<128x128xf32, #tpu.memory_space<vmem>>, vector<1x16xf32>,
        %get3A_1356 = vector.shape_cast %get3A_1355 : vector<1x16xf32> to vector<16xf32>
        %add3A_1357 = arith.addf %scan3A_1314, %get3A_1356 : vector<16xf32>
        %add3A_1358 = arith.constant 0 : i32
        %add3A_1359 = arith.addi %add3A_1358, %scan3A_1308 : i32
        %get3A_1360 = arith.index_cast %add3A_1359 : i32 to index
        %get3A_1361 = arith.constant 96 : index
        %get3A_1362 = tpu.vector_load %arg7[%get3A_1360, %get3A_1361] {strides = array<i32>} : memref<128x128xf32, #tpu.memory_space<vmem>>, vector<1x16xf32>,
        %get3A_1363 = vector.shape_cast %get3A_1362 : vector<1x16xf32> to vector<16xf32>
        %add3A_1364 = arith.addf %scan3A_1315, %get3A_1363 : vector<16xf32>
        %add3A_1365 = arith.constant 0 : i32
        %add3A_1366 = arith.addi %add3A_1365, %scan3A_1308 : i32
        %get3A_1367 = arith.index_cast %add3A_1366 : i32 to index
        %get3A_1368 = arith.constant 112 : index
        %get3A_1369 = tpu.vector_load %arg7[%get3A_1367, %get3A_1368] {strides = array<i32>} : memref<128x128xf32, #tpu.memory_space<vmem>>, vector<1x16xf32>,
        %get3A_1370 = vector.shape_cast %get3A_1369 : vector<1x16xf32> to vector<16xf32>
        %add3A_1371 = arith.addf %scan3A_1316, %get3A_1370 : vector<16xf32>
        scf.yield %add3A_1322, %add3A_1329, %add3A_1336, %add3A_1343, %add3A_1350, %add3A_1357, %add3A_1364, %add3A_1371 : vector<16xf32>, vector<16xf32>, vector<16xf32>, vector<16xf32>, vector<16xf32>, vector<16xf32>, vector<16xf32>, vector<16xf32>
      }
      %scan3A_729 = arith.constant 32 : i32
      %swap3A_730 = arith.constant 0 : i32
      %swap3A_731 = arith.index_cast %swap3A_730 : i32 to index
      %swap3A_732 = arith.constant 0 : index
      %swap3A_733 = tpu.vector_load %arg9[%swap3A_731, %swap3A_732] {strides = array<i32>} : memref<4x128xf32, #tpu.memory_space<vmem>>, vector<1x16xf32>,
      %swap3A_734 = vector.shape_cast %swap3A_733 : vector<1x16xf32> to vector<16xf32>
      %swap3A_735 = vector.shape_cast %scan3A_728#0 : vector<16xf32> to vector<1x16xf32>
      tpu.vector_store %arg9[%swap3A_731, %swap3A_732], %swap3A_735 {strides = array<i32>} : memref<4x128xf32, #tpu.memory_space<vmem>>, vector<1x16xf32>,
      %swap3A_736 = arith.constant 0 : i32
      %swap3A_737 = arith.index_cast %swap3A_736 : i32 to index
      %swap3A_738 = arith.constant 16 : index
      %swap3A_739 = tpu.vector_load %arg9[%swap3A_737, %swap3A_738] {strides = array<i32>} : memref<4x128xf32, #tpu.memory_space<vmem>>, vector<1x16xf32>,
      %swap3A_740 = vector.shape_cast %swap3A_739 : vector<1x16xf32> to vector<16xf32>
      %swap3A_741 = vector.shape_cast %scan3A_728#1 : vector<16xf32> to vector<1x16xf32>
      tpu.vector_store %arg9[%swap3A_737, %swap3A_738], %swap3A_741 {strides = array<i32>} : memref<4x128xf32, #tpu.memory_space<vmem>>, vector<1x16xf32>,
      %swap3A_742 = arith.constant 0 : i32
      %swap3A_743 = arith.index_cast %swap3A_742 : i32 to index
      %swap3A_744 = arith.constant 32 : index
      %swap3A_745 = tpu.vector_load %arg9[%swap3A_743, %swap3A_744] {strides = array<i32>} : memref<4x128xf32, #tpu.memory_space<vmem>>, vector<1x16xf32>,
      %swap3A_746 = vector.shape_cast %swap3A_745 : vector<1x16xf32> to vector<16xf32>
      %swap3A_747 = vector.shape_cast %scan3A_728#2 : vector<16xf32> to vector<1x16xf32>
      tpu.vector_store %arg9[%swap3A_743, %swap3A_744], %swap3A_747 {strides = array<i32>} : memref<4x128xf32, #tpu.memory_space<vmem>>, vector<1x16xf32>,
      %swap3A_748 = arith.constant 0 : i32
      %swap3A_749 = arith.index_cast %swap3A_748 : i32 to index
      %swap3A_750 = arith.constant 48 : index
      %swap3A_751 = tpu.vector_load %arg9[%swap3A_749, %swap3A_750] {strides = array<i32>} : memref<4x128xf32, #tpu.memory_space<vmem>>, vector<1x16xf32>,
      %swap3A_752 = vector.shape_cast %swap3A_751 : vector<1x16xf32> to vector<16xf32>
      %swap3A_753 = vector.shape_cast %scan3A_728#3 : vector<16xf32> to vector<1x16xf32>
      tpu.vector_store %arg9[%swap3A_749, %swap3A_750], %swap3A_753 {strides = array<i32>} : memref<4x128xf32, #tpu.memory_space<vmem>>, vector<1x16xf32>,
      %swap3A_754 = arith.constant 0 : i32
      %swap3A_755 = arith.index_cast %swap3A_754 : i32 to index
      %swap3A_756 = arith.constant 64 : index
      %swap3A_757 = tpu.vector_load %arg9[%swap3A_755, %swap3A_756] {strides = array<i32>} : memref<4x128xf32, #tpu.memory_space<vmem>>, vector<1x16xf32>,
      %swap3A_758 = vector.shape_cast %swap3A_757 : vector<1x16xf32> to vector<16xf32>
      %swap3A_759 = vector.shape_cast %scan3A_728#4 : vector<16xf32> to vector<1x16xf32>
      tpu.vector_store %arg9[%swap3A_755, %swap3A_756], %swap3A_759 {strides = array<i32>} : memref<4x128xf32, #tpu.memory_space<vmem>>, vector<1x16xf32>,
      %swap3A_760 = arith.constant 0 : i32
      %swap3A_761 = arith.index_cast %swap3A_760 : i32 to index
      %swap3A_762 = arith.constant 80 : index
      %swap3A_763 = tpu.vector_load %arg9[%swap3A_761, %swap3A_762] {strides = array<i32>} : memref<4x128xf32, #tpu.memory_space<vmem>>, vector<1x16xf32>,
      %swap3A_764 = vector.shape_cast %swap3A_763 : vector<1x16xf32> to vector<16xf32>
      %swap3A_765 = vector.shape_cast %scan3A_728#5 : vector<16xf32> to vector<1x16xf32>
      tpu.vector_store %arg9[%swap3A_761, %swap3A_762], %swap3A_765 {strides = array<i32>} : memref<4x128xf32, #tpu.memory_space<vmem>>, vector<1x16xf32>,
      %swap3A_766 = arith.constant 0 : i32
      %swap3A_767 = arith.index_cast %swap3A_766 : i32 to index
      %swap3A_768 = arith.constant 96 : index
      %swap3A_769 = tpu.vector_load %arg9[%swap3A_767, %swap3A_768] {strides = array<i32>} : memref<4x128xf32, #tpu.memory_space<vmem>>, vector<1x16xf32>,
      %swap3A_770 = vector.shape_cast %swap3A_769 : vector<1x16xf32> to vector<16xf32>
      %swap3A_771 = vector.shape_cast %scan3A_728#6 : vector<16xf32> to vector<1x16xf32>
      tpu.vector_store %arg9[%swap3A_767, %swap3A_768], %swap3A_771 {strides = array<i32>} : memref<4x128xf32, #tpu.memory_space<vmem>>, vector<1x16xf32>,
      %swap3A_772 = arith.constant 0 : i32
      %swap3A_773 = arith.index_cast %swap3A_772 : i32 to index
      %swap3A_774 = arith.constant 112 : index
      %swap3A_775 = tpu.vector_load %arg9[%swap3A_773, %swap3A_774] {strides = array<i32>} : memref<4x128xf32, #tpu.memory_space<vmem>>, vector<1x16xf32>,
      %swap3A_776 = vector.shape_cast %swap3A_775 : vector<1x16xf32> to vector<16xf32>
      %swap3A_777 = vector.shape_cast %scan3A_728#7 : vector<16xf32> to vector<1x16xf32>
      tpu.vector_store %arg9[%swap3A_773, %swap3A_774], %swap3A_777 {strides = array<i32>} : memref<4x128xf32, #tpu.memory_space<vmem>>, vector<1x16xf32>,
      %broadcast_in_dim3A_778 = arith.constant 0.000000e+00 : f32
      %broadcast_in_dim3A_779 = vector.broadcast %broadcast_in_dim3A_778 : f32 to vector<16xf32>
      %broadcast_in_dim3A_780 = arith.constant 0.000000e+00 : f32
      %broadcast_in_dim3A_781 = vector.broadcast %broadcast_in_dim3A_780 : f32 to vector<16xf32>
      %broadcast_in_dim3A_782 = arith.constant 0.000000e+00 : f32
      %broadcast_in_dim3A_783 = vector.broadcast %broadcast_in_dim3A_782 : f32 to vector<16xf32>
      %broadcast_in_dim3A_784 = arith.constant 0.000000e+00 : f32
      %broadcast_in_dim3A_785 = vector.broadcast %broadcast_in_dim3A_784 : f32 to vector<16xf32>
      %broadcast_in_dim3A_786 = arith.constant 0.000000e+00 : f32
      %broadcast_in_dim3A_787 = vector.broadcast %broadcast_in_dim3A_786 : f32 to vector<16xf32>
      %broadcast_in_dim3A_788 = arith.constant 0.000000e+00 : f32
      %broadcast_in_dim3A_789 = vector.broadcast %broadcast_in_dim3A_788 : f32 to vector<16xf32>
      %broadcast_in_dim3A_790 = arith.constant 0.000000e+00 : f32
      %broadcast_in_dim3A_791 = vector.broadcast %broadcast_in_dim3A_790 : f32 to vector<16xf32>
      %broadcast_in_dim3A_792 = arith.constant 0.000000e+00 : f32
      %broadcast_in_dim3A_793 = vector.broadcast %broadcast_in_dim3A_792 : f32 to vector<16xf32>
      %scan3A_794 = arith.constant 0 : i32
      %scan3A_795 = arith.constant 32 : i32
      %scan3A_796 = arith.addi %scan3A_794, %scan3A_795 : i32
      %scan3A_797 = arith.constant 1 : i32
      %scan3A_798:8 = scf.for %scan3A_1308 = %scan3A_794 to %scan3A_796 step %scan3A_797 iter_args(%scan3A_1309 = %broadcast_in_dim3A_779, %scan3A_1310 = %broadcast_in_dim3A_781, %scan3A_1311 = %broadcast_in_dim3A_783, %scan3A_1312 = %broadcast_in_dim3A_785, %scan3A_1313 = %broadcast_in_dim3A_787, %scan3A_1314 = %broadcast_in_dim3A_789, %scan3A_1315 = %broadcast_in_dim3A_791, %scan3A_1316 = %broadcast_in_dim3A_793) -> (vector<16xf32>, vector<16xf32>, vector<16xf32>, vector<16xf32>, vector<16xf32>, vector<16xf32>, vector<16xf32>, vector<16xf32>)  : i32 {
        %add3A_1317 = arith.constant 32 : i32
        %add3A_1318 = arith.addi %add3A_1317, %scan3A_1308 : i32
        %get3A = arith.index_cast %add3A_1318 : i32 to index
        %get3A_1319 = arith.constant 0 : index
        %get3A_1320 = tpu.vector_load %arg7[%get3A, %get3A_1319] {strides = array<i32>} : memref<128x128xf32, #tpu.memory_space<vmem>>, vector<1x16xf32>,
        %get3A_1321 = vector.shape_cast %get3A_1320 : vector<1x16xf32> to vector<16xf32>
        %add3A_1322 = arith.addf %scan3A_1309, %get3A_1321 : vector<16xf32>
        %add3A_1323 = arith.constant 32 : i32
        %add3A_1324 = arith.addi %add3A_1323, %scan3A_1308 : i32
        %get3A_1325 = arith.index_cast %add3A_1324 : i32 to index
        %get3A_1326 = arith.constant 16 : index
        %get3A_1327 = tpu.vector_load %arg7[%get3A_1325, %get3A_1326] {strides = array<i32>} : memref<128x128xf32, #tpu.memory_space<vmem>>, vector<1x16xf32>,
        %get3A_1328 = vector.shape_cast %get3A_1327 : vector<1x16xf32> to vector<16xf32>
        %add3A_1329 = arith.addf %scan3A_1310, %get3A_1328 : vector<16xf32>
        %add3A_1330 = arith.constant 32 : i32
        %add3A_1331 = arith.addi %add3A_1330, %scan3A_1308 : i32
        %get3A_1332 = arith.index_cast %add3A_1331 : i32 to index
        %get3A_1333 = arith.constant 32 : index
        %get3A_1334 = tpu.vector_load %arg7[%get3A_1332, %get3A_1333] {strides = array<i32>} : memref<128x128xf32, #tpu.memory_space<vmem>>, vector<1x16xf32>,
        %get3A_1335 = vector.shape_cast %get3A_1334 : vector<1x16xf32> to vector<16xf32>
        %add3A_1336 = arith.addf %scan3A_1311, %get3A_1335 : vector<16xf32>
        %add3A_1337 = arith.constant 32 : i32
        %add3A_1338 = arith.addi %add3A_1337, %scan3A_1308 : i32
        %get3A_1339 = arith.index_cast %add3A_1338 : i32 to index
        %get3A_1340 = arith.constant 48 : index
        %get3A_1341 = tpu.vector_load %arg7[%get3A_1339, %get3A_1340] {strides = array<i32>} : memref<128x128xf32, #tpu.memory_space<vmem>>, vector<1x16xf32>,
        %get3A_1342 = vector.shape_cast %get3A_1341 : vector<1x16xf32> to vector<16xf32>
        %add3A_1343 = arith.addf %scan3A_1312, %get3A_1342 : vector<16xf32>
        %add3A_1344 = arith.constant 32 : i32
        %add3A_1345 = arith.addi %add3A_1344, %scan3A_1308 : i32
        %get3A_1346 = arith.index_cast %add3A_1345 : i32 to index
        %get3A_1347 = arith.constant 64 : index
        %get3A_1348 = tpu.vector_load %arg7[%get3A_1346, %get3A_1347] {strides = array<i32>} : memref<128x128xf32, #tpu.memory_space<vmem>>, vector<1x16xf32>,
        %get3A_1349 = vector.shape_cast %get3A_1348 : vector<1x16xf32> to vector<16xf32>
        %add3A_1350 = arith.addf %scan3A_1313, %get3A_1349 : vector<16xf32>
        %add3A_1351 = arith.constant 32 : i32
        %add3A_1352 = arith.addi %add3A_1351, %scan3A_1308 : i32
        %get3A_1353 = arith.index_cast %add3A_1352 : i32 to index
        %get3A_1354 = arith.constant 80 : index
        %get3A_1355 = tpu.vector_load %arg7[%get3A_1353, %get3A_1354] {strides = array<i32>} : memref<128x128xf32, #tpu.memory_space<vmem>>, vector<1x16xf32>,
        %get3A_1356 = vector.shape_cast %get3A_1355 : vector<1x16xf32> to vector<16xf32>
        %add3A_1357 = arith.addf %scan3A_1314, %get3A_1356 : vector<16xf32>
        %add3A_1358 = arith.constant 32 : i32
        %add3A_1359 = arith.addi %add3A_1358, %scan3A_1308 : i32
        %get3A_1360 = arith.index_cast %add3A_1359 : i32 to index
        %get3A_1361 = arith.constant 96 : index
        %get3A_1362 = tpu.vector_load %arg7[%get3A_1360, %get3A_1361] {strides = array<i32>} : memref<128x128xf32, #tpu.memory_space<vmem>>, vector<1x16xf32>,
        %get3A_1363 = vector.shape_cast %get3A_1362 : vector<1x16xf32> to vector<16xf32>
        %add3A_1364 = arith.addf %scan3A_1315, %get3A_1363 : vector<16xf32>
        %add3A_1365 = arith.constant 32 : i32
        %add3A_1366 = arith.addi %add3A_1365, %scan3A_1308 : i32
        %get3A_1367 = arith.index_cast %add3A_1366 : i32 to index
        %get3A_1368 = arith.constant 112 : index
        %get3A_1369 = tpu.vector_load %arg7[%get3A_1367, %get3A_1368] {strides = array<i32>} : memref<128x128xf32, #tpu.memory_space<vmem>>, vector<1x16xf32>,
        %get3A_1370 = vector.shape_cast %get3A_1369 : vector<1x16xf32> to vector<16xf32>
        %add3A_1371 = arith.addf %scan3A_1316, %get3A_1370 : vector<16xf32>
        scf.yield %add3A_1322, %add3A_1329, %add3A_1336, %add3A_1343, %add3A_1350, %add3A_1357, %add3A_1364, %add3A_1371 : vector<16xf32>, vector<16xf32>, vector<16xf32>, vector<16xf32>, vector<16xf32>, vector<16xf32>, vector<16xf32>, vector<16xf32>
      }
      %scan3A_799 = arith.constant 32 : i32
      %swap3A_800 = arith.constant 1 : i32
      %swap3A_801 = arith.index_cast %swap3A_800 : i32 to index
      %swap3A_802 = arith.constant 0 : index
      %swap3A_803 = tpu.vector_load %arg9[%swap3A_801, %swap3A_802] {strides = array<i32>} : memref<4x128xf32, #tpu.memory_space<vmem>>, vector<1x16xf32>,
      %swap3A_804 = vector.shape_cast %swap3A_803 : vector<1x16xf32> to vector<16xf32>
      %swap3A_805 = vector.shape_cast %scan3A_798#0 : vector<16xf32> to vector<1x16xf32>
      tpu.vector_store %arg9[%swap3A_801, %swap3A_802], %swap3A_805 {strides = array<i32>} : memref<4x128xf32, #tpu.memory_space<vmem>>, vector<1x16xf32>,
      %swap3A_806 = arith.constant 1 : i32
      %swap3A_807 = arith.index_cast %swap3A_806 : i32 to index
      %swap3A_808 = arith.constant 16 : index
      %swap3A_809 = tpu.vector_load %arg9[%swap3A_807, %swap3A_808] {strides = array<i32>} : memref<4x128xf32, #tpu.memory_space<vmem>>, vector<1x16xf32>,
      %swap3A_810 = vector.shape_cast %swap3A_809 : vector<1x16xf32> to vector<16xf32>
      %swap3A_811 = vector.shape_cast %scan3A_798#1 : vector<16xf32> to vector<1x16xf32>
      tpu.vector_store %arg9[%swap3A_807, %swap3A_808], %swap3A_811 {strides = array<i32>} : memref<4x128xf32, #tpu.memory_space<vmem>>, vector<1x16xf32>,
      %swap3A_812 = arith.constant 1 : i32
      %swap3A_813 = arith.index_cast %swap3A_812 : i32 to index
      %swap3A_814 = arith.constant 32 : index
      %swap3A_815 = tpu.vector_load %arg9[%swap3A_813, %swap3A_814] {strides = array<i32>} : memref<4x128xf32, #tpu.memory_space<vmem>>, vector<1x16xf32>,
      %swap3A_816 = vector.shape_cast %swap3A_815 : vector<1x16xf32> to vector<16xf32>
      %swap3A_817 = vector.shape_cast %scan3A_798#2 : vector<16xf32> to vector<1x16xf32>
      tpu.vector_store %arg9[%swap3A_813, %swap3A_814], %swap3A_817 {strides = array<i32>} : memref<4x128xf32, #tpu.memory_space<vmem>>, vector<1x16xf32>,
      %swap3A_818 = arith.constant 1 : i32
      %swap3A_819 = arith.index_cast %swap3A_818 : i32 to index
      %swap3A_820 = arith.constant 48 : index
      %swap3A_821 = tpu.vector_load %arg9[%swap3A_819, %swap3A_820] {strides = array<i32>} : memref<4x128xf32, #tpu.memory_space<vmem>>, vector<1x16xf32>,
      %swap3A_822 = vector.shape_cast %swap3A_821 : vector<1x16xf32> to vector<16xf32>
      %swap3A_823 = vector.shape_cast %scan3A_798#3 : vector<16xf32> to vector<1x16xf32>
      tpu.vector_store %arg9[%swap3A_819, %swap3A_820], %swap3A_823 {strides = array<i32>} : memref<4x128xf32, #tpu.memory_space<vmem>>, vector<1x16xf32>,
      %swap3A_824 = arith.constant 1 : i32
      %swap3A_825 = arith.index_cast %swap3A_824 : i32 to index
      %swap3A_826 = arith.constant 64 : index
      %swap3A_827 = tpu.vector_load %arg9[%swap3A_825, %swap3A_826] {strides = array<i32>} : memref<4x128xf32, #tpu.memory_space<vmem>>, vector<1x16xf32>,
      %swap3A_828 = vector.shape_cast %swap3A_827 : vector<1x16xf32> to vector<16xf32>
      %swap3A_829 = vector.shape_cast %scan3A_798#4 : vector<16xf32> to vector<1x16xf32>
      tpu.vector_store %arg9[%swap3A_825, %swap3A_826], %swap3A_829 {strides = array<i32>} : memref<4x128xf32, #tpu.memory_space<vmem>>, vector<1x16xf32>,
      %swap3A_830 = arith.constant 1 : i32
      %swap3A_831 = arith.index_cast %swap3A_830 : i32 to index
      %swap3A_832 = arith.constant 80 : index
      %swap3A_833 = tpu.vector_load %arg9[%swap3A_831, %swap3A_832] {strides = array<i32>} : memref<4x128xf32, #tpu.memory_space<vmem>>, vector<1x16xf32>,
      %swap3A_834 = vector.shape_cast %swap3A_833 : vector<1x16xf32> to vector<16xf32>
      %swap3A_835 = vector.shape_cast %scan3A_798#5 : vector<16xf32> to vector<1x16xf32>
      tpu.vector_store %arg9[%swap3A_831, %swap3A_832], %swap3A_835 {strides = array<i32>} : memref<4x128xf32, #tpu.memory_space<vmem>>, vector<1x16xf32>,
      %swap3A_836 = arith.constant 1 : i32
      %swap3A_837 = arith.index_cast %swap3A_836 : i32 to index
      %swap3A_838 = arith.constant 96 : index
      %swap3A_839 = tpu.vector_load %arg9[%swap3A_837, %swap3A_838] {strides = array<i32>} : memref<4x128xf32, #tpu.memory_space<vmem>>, vector<1x16xf32>,
      %swap3A_840 = vector.shape_cast %swap3A_839 : vector<1x16xf32> to vector<16xf32>
      %swap3A_841 = vector.shape_cast %scan3A_798#6 : vector<16xf32> to vector<1x16xf32>
      tpu.vector_store %arg9[%swap3A_837, %swap3A_838], %swap3A_841 {strides = array<i32>} : memref<4x128xf32, #tpu.memory_space<vmem>>, vector<1x16xf32>,
      %swap3A_842 = arith.constant 1 : i32
      %swap3A_843 = arith.index_cast %swap3A_842 : i32 to index
      %swap3A_844 = arith.constant 112 : index
      %swap3A_845 = tpu.vector_load %arg9[%swap3A_843, %swap3A_844] {strides = array<i32>} : memref<4x128xf32, #tpu.memory_space<vmem>>, vector<1x16xf32>,
      %swap3A_846 = vector.shape_cast %swap3A_845 : vector<1x16xf32> to vector<16xf32>
      %swap3A_847 = vector.shape_cast %scan3A_798#7 : vector<16xf32> to vector<1x16xf32>
      tpu.vector_store %arg9[%swap3A_843, %swap3A_844], %swap3A_847 {strides = array<i32>} : memref<4x128xf32, #tpu.memory_space<vmem>>, vector<1x16xf32>,
      %broadcast_in_dim3A_848 = arith.constant 0.000000e+00 : f32
      %broadcast_in_dim3A_849 = vector.broadcast %broadcast_in_dim3A_848 : f32 to vector<16xf32>
      %broadcast_in_dim3A_850 = arith.constant 0.000000e+00 : f32
      %broadcast_in_dim3A_851 = vector.broadcast %broadcast_in_dim3A_850 : f32 to vector<16xf32>
      %broadcast_in_dim3A_852 = arith.constant 0.000000e+00 : f32
      %broadcast_in_dim3A_853 = vector.broadcast %broadcast_in_dim3A_852 : f32 to vector<16xf32>
      %broadcast_in_dim3A_854 = arith.constant 0.000000e+00 : f32
      %broadcast_in_dim3A_855 = vector.broadcast %broadcast_in_dim3A_854 : f32 to vector<16xf32>
      %broadcast_in_dim3A_856 = arith.constant 0.000000e+00 : f32
      %broadcast_in_dim3A_857 = vector.broadcast %broadcast_in_dim3A_856 : f32 to vector<16xf32>
      %broadcast_in_dim3A_858 = arith.constant 0.000000e+00 : f32
      %broadcast_in_dim3A_859 = vector.broadcast %broadcast_in_dim3A_858 : f32 to vector<16xf32>
      %broadcast_in_dim3A_860 = arith.constant 0.000000e+00 : f32
      %broadcast_in_dim3A_861 = vector.broadcast %broadcast_in_dim3A_860 : f32 to vector<16xf32>
      %broadcast_in_dim3A_862 = arith.constant 0.000000e+00 : f32
      %broadcast_in_dim3A_863 = vector.broadcast %broadcast_in_dim3A_862 : f32 to vector<16xf32>
      %scan3A_864 = arith.constant 0 : i32
      %scan3A_865 = arith.constant 32 : i32
      %scan3A_866 = arith.addi %scan3A_864, %scan3A_865 : i32
      %scan3A_867 = arith.constant 1 : i32
      %scan3A_868:8 = scf.for %scan3A_1308 = %scan3A_864 to %scan3A_866 step %scan3A_867 iter_args(%scan3A_1309 = %broadcast_in_dim3A_849, %scan3A_1310 = %broadcast_in_dim3A_851, %scan3A_1311 = %broadcast_in_dim3A_853, %scan3A_1312 = %broadcast_in_dim3A_855, %scan3A_1313 = %broadcast_in_dim3A_857, %scan3A_1314 = %broadcast_in_dim3A_859, %scan3A_1315 = %broadcast_in_dim3A_861, %scan3A_1316 = %broadcast_in_dim3A_863) -> (vector<16xf32>, vector<16xf32>, vector<16xf32>, vector<16xf32>, vector<16xf32>, vector<16xf32>, vector<16xf32>, vector<16xf32>)  : i32 {
        %add3A_1317 = arith.constant 64 : i32
        %add3A_1318 = arith.addi %add3A_1317, %scan3A_1308 : i32
        %get3A = arith.index_cast %add3A_1318 : i32 to index
        %get3A_1319 = arith.constant 0 : index
        %get3A_1320 = tpu.vector_load %arg7[%get3A, %get3A_1319] {strides = array<i32>} : memref<128x128xf32, #tpu.memory_space<vmem>>, vector<1x16xf32>,
        %get3A_1321 = vector.shape_cast %get3A_1320 : vector<1x16xf32> to vector<16xf32>
        %add3A_1322 = arith.addf %scan3A_1309, %get3A_1321 : vector<16xf32>
        %add3A_1323 = arith.constant 64 : i32
        %add3A_1324 = arith.addi %add3A_1323, %scan3A_1308 : i32
        %get3A_1325 = arith.index_cast %add3A_1324 : i32 to index
        %get3A_1326 = arith.constant 16 : index
        %get3A_1327 = tpu.vector_load %arg7[%get3A_1325, %get3A_1326] {strides = array<i32>} : memref<128x128xf32, #tpu.memory_space<vmem>>, vector<1x16xf32>,
        %get3A_1328 = vector.shape_cast %get3A_1327 : vector<1x16xf32> to vector<16xf32>
        %add3A_1329 = arith.addf %scan3A_1310, %get3A_1328 : vector<16xf32>
        %add3A_1330 = arith.constant 64 : i32
        %add3A_1331 = arith.addi %add3A_1330, %scan3A_1308 : i32
        %get3A_1332 = arith.index_cast %add3A_1331 : i32 to index
        %get3A_1333 = arith.constant 32 : index
        %get3A_1334 = tpu.vector_load %arg7[%get3A_1332, %get3A_1333] {strides = array<i32>} : memref<128x128xf32, #tpu.memory_space<vmem>>, vector<1x16xf32>,
        %get3A_1335 = vector.shape_cast %get3A_1334 : vector<1x16xf32> to vector<16xf32>
        %add3A_1336 = arith.addf %scan3A_1311, %get3A_1335 : vector<16xf32>
        %add3A_1337 = arith.constant 64 : i32
        %add3A_1338 = arith.addi %add3A_1337, %scan3A_1308 : i32
        %get3A_1339 = arith.index_cast %add3A_1338 : i32 to index
        %get3A_1340 = arith.constant 48 : index
        %get3A_1341 = tpu.vector_load %arg7[%get3A_1339, %get3A_1340] {strides = array<i32>} : memref<128x128xf32, #tpu.memory_space<vmem>>, vector<1x16xf32>,
        %get3A_1342 = vector.shape_cast %get3A_1341 : vector<1x16xf32> to vector<16xf32>
        %add3A_1343 = arith.addf %scan3A_1312, %get3A_1342 : vector<16xf32>
        %add3A_1344 = arith.constant 64 : i32
        %add3A_1345 = arith.addi %add3A_1344, %scan3A_1308 : i32
        %get3A_1346 = arith.index_cast %add3A_1345 : i32 to index
        %get3A_1347 = arith.constant 64 : index
        %get3A_1348 = tpu.vector_load %arg7[%get3A_1346, %get3A_1347] {strides = array<i32>} : memref<128x128xf32, #tpu.memory_space<vmem>>, vector<1x16xf32>,
        %get3A_1349 = vector.shape_cast %get3A_1348 : vector<1x16xf32> to vector<16xf32>
        %add3A_1350 = arith.addf %scan3A_1313, %get3A_1349 : vector<16xf32>
        %add3A_1351 = arith.constant 64 : i32
        %add3A_1352 = arith.addi %add3A_1351, %scan3A_1308 : i32
        %get3A_1353 = arith.index_cast %add3A_1352 : i32 to index
        %get3A_1354 = arith.constant 80 : index
        %get3A_1355 = tpu.vector_load %arg7[%get3A_1353, %get3A_1354] {strides = array<i32>} : memref<128x128xf32, #tpu.memory_space<vmem>>, vector<1x16xf32>,
        %get3A_1356 = vector.shape_cast %get3A_1355 : vector<1x16xf32> to vector<16xf32>
        %add3A_1357 = arith.addf %scan3A_1314, %get3A_1356 : vector<16xf32>
        %add3A_1358 = arith.constant 64 : i32
        %add3A_1359 = arith.addi %add3A_1358, %scan3A_1308 : i32
        %get3A_1360 = arith.index_cast %add3A_1359 : i32 to index
        %get3A_1361 = arith.constant 96 : index
        %get3A_1362 = tpu.vector_load %arg7[%get3A_1360, %get3A_1361] {strides = array<i32>} : memref<128x128xf32, #tpu.memory_space<vmem>>, vector<1x16xf32>,
        %get3A_1363 = vector.shape_cast %get3A_1362 : vector<1x16xf32> to vector<16xf32>
        %add3A_1364 = arith.addf %scan3A_1315, %get3A_1363 : vector<16xf32>
        %add3A_1365 = arith.constant 64 : i32
        %add3A_1366 = arith.addi %add3A_1365, %scan3A_1308 : i32
        %get3A_1367 = arith.index_cast %add3A_1366 : i32 to index
        %get3A_1368 = arith.constant 112 : index
        %get3A_1369 = tpu.vector_load %arg7[%get3A_1367, %get3A_1368] {strides = array<i32>} : memref<128x128xf32, #tpu.memory_space<vmem>>, vector<1x16xf32>,
        %get3A_1370 = vector.shape_cast %get3A_1369 : vector<1x16xf32> to vector<16xf32>
        %add3A_1371 = arith.addf %scan3A_1316, %get3A_1370 : vector<16xf32>
        scf.yield %add3A_1322, %add3A_1329, %add3A_1336, %add3A_1343, %add3A_1350, %add3A_1357, %add3A_1364, %add3A_1371 : vector<16xf32>, vector<16xf32>, vector<16xf32>, vector<16xf32>, vector<16xf32>, vector<16xf32>, vector<16xf32>, vector<16xf32>
      }
      %scan3A_869 = arith.constant 32 : i32
      %swap3A_870 = arith.constant 2 : i32
      %swap3A_871 = arith.index_cast %swap3A_870 : i32 to index
      %swap3A_872 = arith.constant 0 : index
      %swap3A_873 = tpu.vector_load %arg9[%swap3A_871, %swap3A_872] {strides = array<i32>} : memref<4x128xf32, #tpu.memory_space<vmem>>, vector<1x16xf32>,
      %swap3A_874 = vector.shape_cast %swap3A_873 : vector<1x16xf32> to vector<16xf32>
      %swap3A_875 = vector.shape_cast %scan3A_868#0 : vector<16xf32> to vector<1x16xf32>
      tpu.vector_store %arg9[%swap3A_871, %swap3A_872], %swap3A_875 {strides = array<i32>} : memref<4x128xf32, #tpu.memory_space<vmem>>, vector<1x16xf32>,
      %swap3A_876 = arith.constant 2 : i32
      %swap3A_877 = arith.index_cast %swap3A_876 : i32 to index
      %swap3A_878 = arith.constant 16 : index
      %swap3A_879 = tpu.vector_load %arg9[%swap3A_877, %swap3A_878] {strides = array<i32>} : memref<4x128xf32, #tpu.memory_space<vmem>>, vector<1x16xf32>,
      %swap3A_880 = vector.shape_cast %swap3A_879 : vector<1x16xf32> to vector<16xf32>
      %swap3A_881 = vector.shape_cast %scan3A_868#1 : vector<16xf32> to vector<1x16xf32>
      tpu.vector_store %arg9[%swap3A_877, %swap3A_878], %swap3A_881 {strides = array<i32>} : memref<4x128xf32, #tpu.memory_space<vmem>>, vector<1x16xf32>,
      %swap3A_882 = arith.constant 2 : i32
      %swap3A_883 = arith.index_cast %swap3A_882 : i32 to index
      %swap3A_884 = arith.constant 32 : index
      %swap3A_885 = tpu.vector_load %arg9[%swap3A_883, %swap3A_884] {strides = array<i32>} : memref<4x128xf32, #tpu.memory_space<vmem>>, vector<1x16xf32>,
      %swap3A_886 = vector.shape_cast %swap3A_885 : vector<1x16xf32> to vector<16xf32>
      %swap3A_887 = vector.shape_cast %scan3A_868#2 : vector<16xf32> to vector<1x16xf32>
      tpu.vector_store %arg9[%swap3A_883, %swap3A_884], %swap3A_887 {strides = array<i32>} : memref<4x128xf32, #tpu.memory_space<vmem>>, vector<1x16xf32>,
      %swap3A_888 = arith.constant 2 : i32
      %swap3A_889 = arith.index_cast %swap3A_888 : i32 to index
      %swap3A_890 = arith.constant 48 : index
      %swap3A_891 = tpu.vector_load %arg9[%swap3A_889, %swap3A_890] {strides = array<i32>} : memref<4x128xf32, #tpu.memory_space<vmem>>, vector<1x16xf32>,
      %swap3A_892 = vector.shape_cast %swap3A_891 : vector<1x16xf32> to vector<16xf32>
      %swap3A_893 = vector.shape_cast %scan3A_868#3 : vector<16xf32> to vector<1x16xf32>
      tpu.vector_store %arg9[%swap3A_889, %swap3A_890], %swap3A_893 {strides = array<i32>} : memref<4x128xf32, #tpu.memory_space<vmem>>, vector<1x16xf32>,
      %swap3A_894 = arith.constant 2 : i32
      %swap3A_895 = arith.index_cast %swap3A_894 : i32 to index
      %swap3A_896 = arith.constant 64 : index
      %swap3A_897 = tpu.vector_load %arg9[%swap3A_895, %swap3A_896] {strides = array<i32>} : memref<4x128xf32, #tpu.memory_space<vmem>>, vector<1x16xf32>,
      %swap3A_898 = vector.shape_cast %swap3A_897 : vector<1x16xf32> to vector<16xf32>
      %swap3A_899 = vector.shape_cast %scan3A_868#4 : vector<16xf32> to vector<1x16xf32>
      tpu.vector_store %arg9[%swap3A_895, %swap3A_896], %swap3A_899 {strides = array<i32>} : memref<4x128xf32, #tpu.memory_space<vmem>>, vector<1x16xf32>,
      %swap3A_900 = arith.constant 2 : i32
      %swap3A_901 = arith.index_cast %swap3A_900 : i32 to index
      %swap3A_902 = arith.constant 80 : index
      %swap3A_903 = tpu.vector_load %arg9[%swap3A_901, %swap3A_902] {strides = array<i32>} : memref<4x128xf32, #tpu.memory_space<vmem>>, vector<1x16xf32>,
      %swap3A_904 = vector.shape_cast %swap3A_903 : vector<1x16xf32> to vector<16xf32>
      %swap3A_905 = vector.shape_cast %scan3A_868#5 : vector<16xf32> to vector<1x16xf32>
      tpu.vector_store %arg9[%swap3A_901, %swap3A_902], %swap3A_905 {strides = array<i32>} : memref<4x128xf32, #tpu.memory_space<vmem>>, vector<1x16xf32>,
      %swap3A_906 = arith.constant 2 : i32
      %swap3A_907 = arith.index_cast %swap3A_906 : i32 to index
      %swap3A_908 = arith.constant 96 : index
      %swap3A_909 = tpu.vector_load %arg9[%swap3A_907, %swap3A_908] {strides = array<i32>} : memref<4x128xf32, #tpu.memory_space<vmem>>, vector<1x16xf32>,
      %swap3A_910 = vector.shape_cast %swap3A_909 : vector<1x16xf32> to vector<16xf32>
      %swap3A_911 = vector.shape_cast %scan3A_868#6 : vector<16xf32> to vector<1x16xf32>
      tpu.vector_store %arg9[%swap3A_907, %swap3A_908], %swap3A_911 {strides = array<i32>} : memref<4x128xf32, #tpu.memory_space<vmem>>, vector<1x16xf32>,
      %swap3A_912 = arith.constant 2 : i32
      %swap3A_913 = arith.index_cast %swap3A_912 : i32 to index
      %swap3A_914 = arith.constant 112 : index
      %swap3A_915 = tpu.vector_load %arg9[%swap3A_913, %swap3A_914] {strides = array<i32>} : memref<4x128xf32, #tpu.memory_space<vmem>>, vector<1x16xf32>,
      %swap3A_916 = vector.shape_cast %swap3A_915 : vector<1x16xf32> to vector<16xf32>
      %swap3A_917 = vector.shape_cast %scan3A_868#7 : vector<16xf32> to vector<1x16xf32>
      tpu.vector_store %arg9[%swap3A_913, %swap3A_914], %swap3A_917 {strides = array<i32>} : memref<4x128xf32, #tpu.memory_space<vmem>>, vector<1x16xf32>,
      %broadcast_in_dim3A_918 = arith.constant 0.000000e+00 : f32
      %broadcast_in_dim3A_919 = vector.broadcast %broadcast_in_dim3A_918 : f32 to vector<16xf32>
      %broadcast_in_dim3A_920 = arith.constant 0.000000e+00 : f32
      %broadcast_in_dim3A_921 = vector.broadcast %broadcast_in_dim3A_920 : f32 to vector<16xf32>
      %broadcast_in_dim3A_922 = arith.constant 0.000000e+00 : f32
      %broadcast_in_dim3A_923 = vector.broadcast %broadcast_in_dim3A_922 : f32 to vector<16xf32>
      %broadcast_in_dim3A_924 = arith.constant 0.000000e+00 : f32
      %broadcast_in_dim3A_925 = vector.broadcast %broadcast_in_dim3A_924 : f32 to vector<16xf32>
      %broadcast_in_dim3A_926 = arith.constant 0.000000e+00 : f32
      %broadcast_in_dim3A_927 = vector.broadcast %broadcast_in_dim3A_926 : f32 to vector<16xf32>
      %broadcast_in_dim3A_928 = arith.constant 0.000000e+00 : f32
      %broadcast_in_dim3A_929 = vector.broadcast %broadcast_in_dim3A_928 : f32 to vector<16xf32>
      %broadcast_in_dim3A_930 = arith.constant 0.000000e+00 : f32
      %broadcast_in_dim3A_931 = vector.broadcast %broadcast_in_dim3A_930 : f32 to vector<16xf32>
      %broadcast_in_dim3A_932 = arith.constant 0.000000e+00 : f32
      %broadcast_in_dim3A_933 = vector.broadcast %broadcast_in_dim3A_932 : f32 to vector<16xf32>
      %scan3A_934 = arith.constant 0 : i32
      %scan3A_935 = arith.constant 32 : i32
      %scan3A_936 = arith.addi %scan3A_934, %scan3A_935 : i32
      %scan3A_937 = arith.constant 1 : i32
      %scan3A_938:8 = scf.for %scan3A_1308 = %scan3A_934 to %scan3A_936 step %scan3A_937 iter_args(%scan3A_1309 = %broadcast_in_dim3A_919, %scan3A_1310 = %broadcast_in_dim3A_921, %scan3A_1311 = %broadcast_in_dim3A_923, %scan3A_1312 = %broadcast_in_dim3A_925, %scan3A_1313 = %broadcast_in_dim3A_927, %scan3A_1314 = %broadcast_in_dim3A_929, %scan3A_1315 = %broadcast_in_dim3A_931, %scan3A_1316 = %broadcast_in_dim3A_933) -> (vector<16xf32>, vector<16xf32>, vector<16xf32>, vector<16xf32>, vector<16xf32>, vector<16xf32>, vector<16xf32>, vector<16xf32>)  : i32 {
        %add3A_1317 = arith.constant 96 : i32
        %add3A_1318 = arith.addi %add3A_1317, %scan3A_1308 : i32
        %get3A = arith.index_cast %add3A_1318 : i32 to index
        %get3A_1319 = arith.constant 0 : index
        %get3A_1320 = tpu.vector_load %arg7[%get3A, %get3A_1319] {strides = array<i32>} : memref<128x128xf32, #tpu.memory_space<vmem>>, vector<1x16xf32>,
        %get3A_1321 = vector.shape_cast %get3A_1320 : vector<1x16xf32> to vector<16xf32>
        %add3A_1322 = arith.addf %scan3A_1309, %get3A_1321 : vector<16xf32>
        %add3A_1323 = arith.constant 96 : i32
        %add3A_1324 = arith.addi %add3A_1323, %scan3A_1308 : i32
        %get3A_1325 = arith.index_cast %add3A_1324 : i32 to index
        %get3A_1326 = arith.constant 16 : index
        %get3A_1327 = tpu.vector_load %arg7[%get3A_1325, %get3A_1326] {strides = array<i32>} : memref<128x128xf32, #tpu.memory_space<vmem>>, vector<1x16xf32>,
        %get3A_1328 = vector.shape_cast %get3A_1327 : vector<1x16xf32> to vector<16xf32>
        %add3A_1329 = arith.addf %scan3A_1310, %get3A_1328 : vector<16xf32>
        %add3A_1330 = arith.constant 96 : i32
        %add3A_1331 = arith.addi %add3A_1330, %scan3A_1308 : i32
        %get3A_1332 = arith.index_cast %add3A_1331 : i32 to index
        %get3A_1333 = arith.constant 32 : index
        %get3A_1334 = tpu.vector_load %arg7[%get3A_1332, %get3A_1333] {strides = array<i32>} : memref<128x128xf32, #tpu.memory_space<vmem>>, vector<1x16xf32>,
        %get3A_1335 = vector.shape_cast %get3A_1334 : vector<1x16xf32> to vector<16xf32>
        %add3A_1336 = arith.addf %scan3A_1311, %get3A_1335 : vector<16xf32>
        %add3A_1337 = arith.constant 96 : i32
        %add3A_1338 = arith.addi %add3A_1337, %scan3A_1308 : i32
        %get3A_1339 = arith.index_cast %add3A_1338 : i32 to index
        %get3A_1340 = arith.constant 48 : index
        %get3A_1341 = tpu.vector_load %arg7[%get3A_1339, %get3A_1340] {strides = array<i32>} : memref<128x128xf32, #tpu.memory_space<vmem>>, vector<1x16xf32>,
        %get3A_1342 = vector.shape_cast %get3A_1341 : vector<1x16xf32> to vector<16xf32>
        %add3A_1343 = arith.addf %scan3A_1312, %get3A_1342 : vector<16xf32>
        %add3A_1344 = arith.constant 96 : i32
        %add3A_1345 = arith.addi %add3A_1344, %scan3A_1308 : i32
        %get3A_1346 = arith.index_cast %add3A_1345 : i32 to index
        %get3A_1347 = arith.constant 64 : index
        %get3A_1348 = tpu.vector_load %arg7[%get3A_1346, %get3A_1347] {strides = array<i32>} : memref<128x128xf32, #tpu.memory_space<vmem>>, vector<1x16xf32>,
        %get3A_1349 = vector.shape_cast %get3A_1348 : vector<1x16xf32> to vector<16xf32>
        %add3A_1350 = arith.addf %scan3A_1313, %get3A_1349 : vector<16xf32>
        %add3A_1351 = arith.constant 96 : i32
        %add3A_1352 = arith.addi %add3A_1351, %scan3A_1308 : i32
        %get3A_1353 = arith.index_cast %add3A_1352 : i32 to index
        %get3A_1354 = arith.constant 80 : index
        %get3A_1355 = tpu.vector_load %arg7[%get3A_1353, %get3A_1354] {strides = array<i32>} : memref<128x128xf32, #tpu.memory_space<vmem>>, vector<1x16xf32>,
        %get3A_1356 = vector.shape_cast %get3A_1355 : vector<1x16xf32> to vector<16xf32>
        %add3A_1357 = arith.addf %scan3A_1314, %get3A_1356 : vector<16xf32>
        %add3A_1358 = arith.constant 96 : i32
        %add3A_1359 = arith.addi %add3A_1358, %scan3A_1308 : i32
        %get3A_1360 = arith.index_cast %add3A_1359 : i32 to index
        %get3A_1361 = arith.constant 96 : index
        %get3A_1362 = tpu.vector_load %arg7[%get3A_1360, %get3A_1361] {strides = array<i32>} : memref<128x128xf32, #tpu.memory_space<vmem>>, vector<1x16xf32>,
        %get3A_1363 = vector.shape_cast %get3A_1362 : vector<1x16xf32> to vector<16xf32>
        %add3A_1364 = arith.addf %scan3A_1315, %get3A_1363 : vector<16xf32>
        %add3A_1365 = arith.constant 96 : i32
        %add3A_1366 = arith.addi %add3A_1365, %scan3A_1308 : i32
        %get3A_1367 = arith.index_cast %add3A_1366 : i32 to index
        %get3A_1368 = arith.constant 112 : index
        %get3A_1369 = tpu.vector_load %arg7[%get3A_1367, %get3A_1368] {strides = array<i32>} : memref<128x128xf32, #tpu.memory_space<vmem>>, vector<1x16xf32>,
        %get3A_1370 = vector.shape_cast %get3A_1369 : vector<1x16xf32> to vector<16xf32>
        %add3A_1371 = arith.addf %scan3A_1316, %get3A_1370 : vector<16xf32>
        scf.yield %add3A_1322, %add3A_1329, %add3A_1336, %add3A_1343, %add3A_1350, %add3A_1357, %add3A_1364, %add3A_1371 : vector<16xf32>, vector<16xf32>, vector<16xf32>, vector<16xf32>, vector<16xf32>, vector<16xf32>, vector<16xf32>, vector<16xf32>
      }
      %scan3A_939 = arith.constant 32 : i32
      %swap3A_940 = arith.constant 3 : i32
      %swap3A_941 = arith.index_cast %swap3A_940 : i32 to index
      %swap3A_942 = arith.constant 0 : index
      %swap3A_943 = tpu.vector_load %arg9[%swap3A_941, %swap3A_942] {strides = array<i32>} : memref<4x128xf32, #tpu.memory_space<vmem>>, vector<1x16xf32>,
      %swap3A_944 = vector.shape_cast %swap3A_943 : vector<1x16xf32> to vector<16xf32>
      %swap3A_945 = vector.shape_cast %scan3A_938#0 : vector<16xf32> to vector<1x16xf32>
      tpu.vector_store %arg9[%swap3A_941, %swap3A_942], %swap3A_945 {strides = array<i32>} : memref<4x128xf32, #tpu.memory_space<vmem>>, vector<1x16xf32>,
      %swap3A_946 = arith.constant 3 : i32
      %swap3A_947 = arith.index_cast %swap3A_946 : i32 to index
      %swap3A_948 = arith.constant 16 : index
      %swap3A_949 = tpu.vector_load %arg9[%swap3A_947, %swap3A_948] {strides = array<i32>} : memref<4x128xf32, #tpu.memory_space<vmem>>, vector<1x16xf32>,
      %swap3A_950 = vector.shape_cast %swap3A_949 : vector<1x16xf32> to vector<16xf32>
      %swap3A_951 = vector.shape_cast %scan3A_938#1 : vector<16xf32> to vector<1x16xf32>
      tpu.vector_store %arg9[%swap3A_947, %swap3A_948], %swap3A_951 {strides = array<i32>} : memref<4x128xf32, #tpu.memory_space<vmem>>, vector<1x16xf32>,
      %swap3A_952 = arith.constant 3 : i32
      %swap3A_953 = arith.index_cast %swap3A_952 : i32 to index
      %swap3A_954 = arith.constant 32 : index
      %swap3A_955 = tpu.vector_load %arg9[%swap3A_953, %swap3A_954] {strides = array<i32>} : memref<4x128xf32, #tpu.memory_space<vmem>>, vector<1x16xf32>,
      %swap3A_956 = vector.shape_cast %swap3A_955 : vector<1x16xf32> to vector<16xf32>
      %swap3A_957 = vector.shape_cast %scan3A_938#2 : vector<16xf32> to vector<1x16xf32>
      tpu.vector_store %arg9[%swap3A_953, %swap3A_954], %swap3A_957 {strides = array<i32>} : memref<4x128xf32, #tpu.memory_space<vmem>>, vector<1x16xf32>,
      %swap3A_958 = arith.constant 3 : i32
      %swap3A_959 = arith.index_cast %swap3A_958 : i32 to index
      %swap3A_960 = arith.constant 48 : index
      %swap3A_961 = tpu.vector_load %arg9[%swap3A_959, %swap3A_960] {strides = array<i32>} : memref<4x128xf32, #tpu.memory_space<vmem>>, vector<1x16xf32>,
      %swap3A_962 = vector.shape_cast %swap3A_961 : vector<1x16xf32> to vector<16xf32>
      %swap3A_963 = vector.shape_cast %scan3A_938#3 : vector<16xf32> to vector<1x16xf32>
      tpu.vector_store %arg9[%swap3A_959, %swap3A_960], %swap3A_963 {strides = array<i32>} : memref<4x128xf32, #tpu.memory_space<vmem>>, vector<1x16xf32>,
      %swap3A_964 = arith.constant 3 : i32
      %swap3A_965 = arith.index_cast %swap3A_964 : i32 to index
      %swap3A_966 = arith.constant 64 : index
      %swap3A_967 = tpu.vector_load %arg9[%swap3A_965, %swap3A_966] {strides = array<i32>} : memref<4x128xf32, #tpu.memory_space<vmem>>, vector<1x16xf32>,
      %swap3A_968 = vector.shape_cast %swap3A_967 : vector<1x16xf32> to vector<16xf32>
      %swap3A_969 = vector.shape_cast %scan3A_938#4 : vector<16xf32> to vector<1x16xf32>
      tpu.vector_store %arg9[%swap3A_965, %swap3A_966], %swap3A_969 {strides = array<i32>} : memref<4x128xf32, #tpu.memory_space<vmem>>, vector<1x16xf32>,
      %swap3A_970 = arith.constant 3 : i32
      %swap3A_971 = arith.index_cast %swap3A_970 : i32 to index
      %swap3A_972 = arith.constant 80 : index
      %swap3A_973 = tpu.vector_load %arg9[%swap3A_971, %swap3A_972] {strides = array<i32>} : memref<4x128xf32, #tpu.memory_space<vmem>>, vector<1x16xf32>,
      %swap3A_974 = vector.shape_cast %swap3A_973 : vector<1x16xf32> to vector<16xf32>
      %swap3A_975 = vector.shape_cast %scan3A_938#5 : vector<16xf32> to vector<1x16xf32>
      tpu.vector_store %arg9[%swap3A_971, %swap3A_972], %swap3A_975 {strides = array<i32>} : memref<4x128xf32, #tpu.memory_space<vmem>>, vector<1x16xf32>,
      %swap3A_976 = arith.constant 3 : i32
      %swap3A_977 = arith.index_cast %swap3A_976 : i32 to index
      %swap3A_978 = arith.constant 96 : index
      %swap3A_979 = tpu.vector_load %arg9[%swap3A_977, %swap3A_978] {strides = array<i32>} : memref<4x128xf32, #tpu.memory_space<vmem>>, vector<1x16xf32>,
      %swap3A_980 = vector.shape_cast %swap3A_979 : vector<1x16xf32> to vector<16xf32>
      %swap3A_981 = vector.shape_cast %scan3A_938#6 : vector<16xf32> to vector<1x16xf32>
      tpu.vector_store %arg9[%swap3A_977, %swap3A_978], %swap3A_981 {strides = array<i32>} : memref<4x128xf32, #tpu.memory_space<vmem>>, vector<1x16xf32>,
      %swap3A_982 = arith.constant 3 : i32
      %swap3A_983 = arith.index_cast %swap3A_982 : i32 to index
      %swap3A_984 = arith.constant 112 : index
      %swap3A_985 = tpu.vector_load %arg9[%swap3A_983, %swap3A_984] {strides = array<i32>} : memref<4x128xf32, #tpu.memory_space<vmem>>, vector<1x16xf32>,
      %swap3A_986 = vector.shape_cast %swap3A_985 : vector<1x16xf32> to vector<16xf32>
      %swap3A_987 = vector.shape_cast %scan3A_938#7 : vector<16xf32> to vector<1x16xf32>
      tpu.vector_store %arg9[%swap3A_983, %swap3A_984], %swap3A_987 {strides = array<i32>} : memref<4x128xf32, #tpu.memory_space<vmem>>, vector<1x16xf32>,
      %add3A_988 = arith.constant 2 : i32
      %add3A_989 = arith.addi %add3A_697, %add3A_988 : i32
      %lt3A = arith.cmpi slt, %add3A_989, %select_n3A : i32
      %convert_element_type3A_990 = arith.extui %lt3A : i1 to i32
      %cond3A_991 = arith.constant 0 : i32
      %cond3A_992 = arith.cmpi ne, %convert_element_type3A_990, %cond3A_991 : i32
      scf.if %cond3A_992 {
        %add3A_1308 = arith.constant 2 : i32
        %add3A_1309 = arith.addi %add3A_697, %add3A_1308 : i32
        %dma_start3A_1310 = arith.constant 0 : i32
        %dma_start3A_1311 = tpu.memref_slice %arg6[%add3A_1309, %dma_start3A_1310] : memref<80x128xi32, #tpu.memory_space<vmem>> -> memref<1x128xi32, #tpu.memory_space<vmem>>
        %dma_start3A_1312 = tpu.memref_squeeze %dma_start3A_1311 : memref<1x128xi32, #tpu.memory_space<vmem>> -> memref<128xi32, #tpu.memory_space<vmem>>
        %dma_start3A_1313 = arith.constant 0 : i32
        %dma_start3A_1314 = arith.constant 0 : i32
        %dma_start3A_1315 = tpu.memref_slice %arg5[%dma_start3A_1313, %dma_start3A_1314] : memref<10000x128xf32, #tpu.memory_space<vmem_shared>> -> memref<10000x128xf32, #tpu.memory_space<vmem_shared>>
        tpu.enqueue_indirect_dma source(%dma_start3A_1315 : memref<10000x128xf32, #tpu.memory_space<vmem_shared>>) target(%arg7 : memref<128x128xf32, #tpu.memory_space<vmem>>) offsets(%dma_start3A_1312 : memref<128xi32, #tpu.memory_space<vmem>>) semaphore(%arg11 : memref<!tpu.dma_semaphore, #tpu.memory_space<semaphore_mem>>)
      } else {
      }
      %mul3A_993 = arith.constant 4 : i32
      %mul3A_994 = arith.muli %add3A_697, %mul3A_993 : i32
      %add3A_995 = arith.addi %mul3A_2, %mul3A_994 : i32
      %dma_start3A_996 = arith.constant 0 : i32
      %dma_start3A_997 = tpu.memref_slice %arg4[%add3A_995, %dma_start3A_996] : memref<10000x128xf32, #tpu.memory_space<hbm>> -> memref<4x128xf32, #tpu.memory_space<hbm>>
      %dma_start3A_998 = arith.constant 0 : i32
      %dma_start3A_999 = tpu.memref_slice %arg4[%add3A_995, %dma_start3A_998] : memref<10000x128xf32, #tpu.memory_space<hbm>> -> memref<4x128xf32, #tpu.memory_space<hbm>>
      tpu.enqueue_dma source(%arg9 : memref<4x128xf32, #tpu.memory_space<vmem>>) target(%dma_start3A_999 : memref<4x128xf32, #tpu.memory_space<hbm>>) target_semaphore(%arg13 : memref<!tpu.dma_semaphore, #tpu.memory_space<semaphore_mem>>)
      %mul3A_1000 = arith.constant 2 : i32
      %mul3A_1001 = arith.muli %while3A_693, %mul3A_1000 : i32
      %add3A_1002 = arith.constant 1 : i32
      %add3A_1003 = arith.addi %mul3A_1001, %add3A_1002 : i32
      %dma_wait3A_1004 = arith.constant 0 : i32
      %dma_wait3A_1005 = tpu.memref_slice %arg6[%add3A_1003, %dma_wait3A_1004] : memref<80x128xi32, #tpu.memory_space<vmem>> -> memref<1x128xi32, #tpu.memory_space<vmem>>
      %dma_wait3A_1006 = tpu.memref_squeeze %dma_wait3A_1005 : memref<1x128xi32, #tpu.memory_space<vmem>> -> memref<128xi32, #tpu.memory_space<vmem>>
      %dma_wait3A_1007 = arith.constant 0 : i32
      %dma_wait3A_1008 = arith.constant 0 : i32
      %dma_wait3A_1009 = tpu.memref_slice %arg5[%dma_wait3A_1007, %dma_wait3A_1008] : memref<10000x128xf32, #tpu.memory_space<vmem_shared>> -> memref<10000x128xf32, #tpu.memory_space<vmem_shared>>
      tpu.wait_indirect_dma semaphore(%arg12 : memref<!tpu.dma_semaphore, #tpu.memory_space<semaphore_mem>>) src(%dma_wait3A_1009 : memref<10000x128xf32, #tpu.memory_space<vmem_shared>>) dst(%arg8 : memref<128x128xf32, #tpu.memory_space<vmem>>)
      %gt3A_1010 = arith.constant 0 : i32
      %gt3A_1011 = arith.cmpi sgt, %while3A_693, %gt3A_1010 : i32
      %convert_element_type3A_1012 = arith.extui %gt3A_1011 : i1 to i32
      %cond3A_1013 = arith.constant 0 : i32
      %cond3A_1014 = arith.cmpi ne, %convert_element_type3A_1012, %cond3A_1013 : i32
      scf.if %cond3A_1014 {
        %dma_wait3A_1308 = arith.constant 0 : i32
        %dma_wait3A_1309 = tpu.memref_slice %arg4[%mul3A_2, %dma_wait3A_1308] : memref<10000x128xf32, #tpu.memory_space<hbm>> -> memref<4x128xf32, #tpu.memory_space<hbm>>
        %dma_wait3A_1310 = arith.constant 0 : i32
        %dma_wait3A_1311 = tpu.memref_slice %arg4[%mul3A_2, %dma_wait3A_1310] : memref<10000x128xf32, #tpu.memory_space<hbm>> -> memref<4x128xf32, #tpu.memory_space<hbm>>
        tpu.wait_dma2 semaphore(%arg14 : memref<!tpu.dma_semaphore, #tpu.memory_space<semaphore_mem>>) src(%arg10 : memref<4x128xf32, #tpu.memory_space<vmem>>) dst(%dma_wait3A_1311 : memref<4x128xf32, #tpu.memory_space<hbm>>)
      } else {
      }
      %broadcast_in_dim3A_1015 = arith.constant 0.000000e+00 : f32
      %broadcast_in_dim3A_1016 = vector.broadcast %broadcast_in_dim3A_1015 : f32 to vector<16xf32>
      %broadcast_in_dim3A_1017 = arith.constant 0.000000e+00 : f32
      %broadcast_in_dim3A_1018 = vector.broadcast %broadcast_in_dim3A_1017 : f32 to vector<16xf32>
      %broadcast_in_dim3A_1019 = arith.constant 0.000000e+00 : f32
      %broadcast_in_dim3A_1020 = vector.broadcast %broadcast_in_dim3A_1019 : f32 to vector<16xf32>
      %broadcast_in_dim3A_1021 = arith.constant 0.000000e+00 : f32
      %broadcast_in_dim3A_1022 = vector.broadcast %broadcast_in_dim3A_1021 : f32 to vector<16xf32>
      %broadcast_in_dim3A_1023 = arith.constant 0.000000e+00 : f32
      %broadcast_in_dim3A_1024 = vector.broadcast %broadcast_in_dim3A_1023 : f32 to vector<16xf32>
      %broadcast_in_dim3A_1025 = arith.constant 0.000000e+00 : f32
      %broadcast_in_dim3A_1026 = vector.broadcast %broadcast_in_dim3A_1025 : f32 to vector<16xf32>
      %broadcast_in_dim3A_1027 = arith.constant 0.000000e+00 : f32
      %broadcast_in_dim3A_1028 = vector.broadcast %broadcast_in_dim3A_1027 : f32 to vector<16xf32>
      %broadcast_in_dim3A_1029 = arith.constant 0.000000e+00 : f32
      %broadcast_in_dim3A_1030 = vector.broadcast %broadcast_in_dim3A_1029 : f32 to vector<16xf32>
      %scan3A_1031 = arith.constant 0 : i32
      %scan3A_1032 = arith.constant 32 : i32
      %scan3A_1033 = arith.addi %scan3A_1031, %scan3A_1032 : i32
      %scan3A_1034 = arith.constant 1 : i32
      %scan3A_1035:8 = scf.for %scan3A_1308 = %scan3A_1031 to %scan3A_1033 step %scan3A_1034 iter_args(%scan3A_1309 = %broadcast_in_dim3A_1016, %scan3A_1310 = %broadcast_in_dim3A_1018, %scan3A_1311 = %broadcast_in_dim3A_1020, %scan3A_1312 = %broadcast_in_dim3A_1022, %scan3A_1313 = %broadcast_in_dim3A_1024, %scan3A_1314 = %broadcast_in_dim3A_1026, %scan3A_1315 = %broadcast_in_dim3A_1028, %scan3A_1316 = %broadcast_in_dim3A_1030) -> (vector<16xf32>, vector<16xf32>, vector<16xf32>, vector<16xf32>, vector<16xf32>, vector<16xf32>, vector<16xf32>, vector<16xf32>)  : i32 {
        %add3A_1317 = arith.constant 0 : i32
        %add3A_1318 = arith.addi %add3A_1317, %scan3A_1308 : i32
        %get3A = arith.index_cast %add3A_1318 : i32 to index
        %get3A_1319 = arith.constant 0 : index
        %get3A_1320 = tpu.vector_load %arg8[%get3A, %get3A_1319] {strides = array<i32>} : memref<128x128xf32, #tpu.memory_space<vmem>>, vector<1x16xf32>,
        %get3A_1321 = vector.shape_cast %get3A_1320 : vector<1x16xf32> to vector<16xf32>
        %add3A_1322 = arith.addf %scan3A_1309, %get3A_1321 : vector<16xf32>
        %add3A_1323 = arith.constant 0 : i32
        %add3A_1324 = arith.addi %add3A_1323, %scan3A_1308 : i32
        %get3A_1325 = arith.index_cast %add3A_1324 : i32 to index
        %get3A_1326 = arith.constant 16 : index
        %get3A_1327 = tpu.vector_load %arg8[%get3A_1325, %get3A_1326] {strides = array<i32>} : memref<128x128xf32, #tpu.memory_space<vmem>>, vector<1x16xf32>,
        %get3A_1328 = vector.shape_cast %get3A_1327 : vector<1x16xf32> to vector<16xf32>
        %add3A_1329 = arith.addf %scan3A_1310, %get3A_1328 : vector<16xf32>
        %add3A_1330 = arith.constant 0 : i32
        %add3A_1331 = arith.addi %add3A_1330, %scan3A_1308 : i32
        %get3A_1332 = arith.index_cast %add3A_1331 : i32 to index
        %get3A_1333 = arith.constant 32 : index
        %get3A_1334 = tpu.vector_load %arg8[%get3A_1332, %get3A_1333] {strides = array<i32>} : memref<128x128xf32, #tpu.memory_space<vmem>>, vector<1x16xf32>,
        %get3A_1335 = vector.shape_cast %get3A_1334 : vector<1x16xf32> to vector<16xf32>
        %add3A_1336 = arith.addf %scan3A_1311, %get3A_1335 : vector<16xf32>
        %add3A_1337 = arith.constant 0 : i32
        %add3A_1338 = arith.addi %add3A_1337, %scan3A_1308 : i32
        %get3A_1339 = arith.index_cast %add3A_1338 : i32 to index
        %get3A_1340 = arith.constant 48 : index
        %get3A_1341 = tpu.vector_load %arg8[%get3A_1339, %get3A_1340] {strides = array<i32>} : memref<128x128xf32, #tpu.memory_space<vmem>>, vector<1x16xf32>,
        %get3A_1342 = vector.shape_cast %get3A_1341 : vector<1x16xf32> to vector<16xf32>
        %add3A_1343 = arith.addf %scan3A_1312, %get3A_1342 : vector<16xf32>
        %add3A_1344 = arith.constant 0 : i32
        %add3A_1345 = arith.addi %add3A_1344, %scan3A_1308 : i32
        %get3A_1346 = arith.index_cast %add3A_1345 : i32 to index
        %get3A_1347 = arith.constant 64 : index
        %get3A_1348 = tpu.vector_load %arg8[%get3A_1346, %get3A_1347] {strides = array<i32>} : memref<128x128xf32, #tpu.memory_space<vmem>>, vector<1x16xf32>,
        %get3A_1349 = vector.shape_cast %get3A_1348 : vector<1x16xf32> to vector<16xf32>
        %add3A_1350 = arith.addf %scan3A_1313, %get3A_1349 : vector<16xf32>
        %add3A_1351 = arith.constant 0 : i32
        %add3A_1352 = arith.addi %add3A_1351, %scan3A_1308 : i32
        %get3A_1353 = arith.index_cast %add3A_1352 : i32 to index
        %get3A_1354 = arith.constant 80 : index
        %get3A_1355 = tpu.vector_load %arg8[%get3A_1353, %get3A_1354] {strides = array<i32>} : memref<128x128xf32, #tpu.memory_space<vmem>>, vector<1x16xf32>,
        %get3A_1356 = vector.shape_cast %get3A_1355 : vector<1x16xf32> to vector<16xf32>
        %add3A_1357 = arith.addf %scan3A_1314, %get3A_1356 : vector<16xf32>
        %add3A_1358 = arith.constant 0 : i32
        %add3A_1359 = arith.addi %add3A_1358, %scan3A_1308 : i32
        %get3A_1360 = arith.index_cast %add3A_1359 : i32 to index
        %get3A_1361 = arith.constant 96 : index
        %get3A_1362 = tpu.vector_load %arg8[%get3A_1360, %get3A_1361] {strides = array<i32>} : memref<128x128xf32, #tpu.memory_space<vmem>>, vector<1x16xf32>,
        %get3A_1363 = vector.shape_cast %get3A_1362 : vector<1x16xf32> to vector<16xf32>
        %add3A_1364 = arith.addf %scan3A_1315, %get3A_1363 : vector<16xf32>
        %add3A_1365 = arith.constant 0 : i32
        %add3A_1366 = arith.addi %add3A_1365, %scan3A_1308 : i32
        %get3A_1367 = arith.index_cast %add3A_1366 : i32 to index
        %get3A_1368 = arith.constant 112 : index
        %get3A_1369 = tpu.vector_load %arg8[%get3A_1367, %get3A_1368] {strides = array<i32>} : memref<128x128xf32, #tpu.memory_space<vmem>>, vector<1x16xf32>,
        %get3A_1370 = vector.shape_cast %get3A_1369 : vector<1x16xf32> to vector<16xf32>
        %add3A_1371 = arith.addf %scan3A_1316, %get3A_1370 : vector<16xf32>
        scf.yield %add3A_1322, %add3A_1329, %add3A_1336, %add3A_1343, %add3A_1350, %add3A_1357, %add3A_1364, %add3A_1371 : vector<16xf32>, vector<16xf32>, vector<16xf32>, vector<16xf32>, vector<16xf32>, vector<16xf32>, vector<16xf32>, vector<16xf32>
      }
      %scan3A_1036 = arith.constant 32 : i32
      %swap3A_1037 = arith.constant 0 : i32
      %swap3A_1038 = arith.index_cast %swap3A_1037 : i32 to index
      %swap3A_1039 = arith.constant 0 : index
      %swap3A_1040 = tpu.vector_load %arg10[%swap3A_1038, %swap3A_1039] {strides = array<i32>} : memref<4x128xf32, #tpu.memory_space<vmem>>, vector<1x16xf32>,
      %swap3A_1041 = vector.shape_cast %swap3A_1040 : vector<1x16xf32> to vector<16xf32>
      %swap3A_1042 = vector.shape_cast %scan3A_1035#0 : vector<16xf32> to vector<1x16xf32>
      tpu.vector_store %arg10[%swap3A_1038, %swap3A_1039], %swap3A_1042 {strides = array<i32>} : memref<4x128xf32, #tpu.memory_space<vmem>>, vector<1x16xf32>,
      %swap3A_1043 = arith.constant 0 : i32
      %swap3A_1044 = arith.index_cast %swap3A_1043 : i32 to index
      %swap3A_1045 = arith.constant 16 : index
      %swap3A_1046 = tpu.vector_load %arg10[%swap3A_1044, %swap3A_1045] {strides = array<i32>} : memref<4x128xf32, #tpu.memory_space<vmem>>, vector<1x16xf32>,
      %swap3A_1047 = vector.shape_cast %swap3A_1046 : vector<1x16xf32> to vector<16xf32>
      %swap3A_1048 = vector.shape_cast %scan3A_1035#1 : vector<16xf32> to vector<1x16xf32>
      tpu.vector_store %arg10[%swap3A_1044, %swap3A_1045], %swap3A_1048 {strides = array<i32>} : memref<4x128xf32, #tpu.memory_space<vmem>>, vector<1x16xf32>,
      %swap3A_1049 = arith.constant 0 : i32
      %swap3A_1050 = arith.index_cast %swap3A_1049 : i32 to index
      %swap3A_1051 = arith.constant 32 : index
      %swap3A_1052 = tpu.vector_load %arg10[%swap3A_1050, %swap3A_1051] {strides = array<i32>} : memref<4x128xf32, #tpu.memory_space<vmem>>, vector<1x16xf32>,
      %swap3A_1053 = vector.shape_cast %swap3A_1052 : vector<1x16xf32> to vector<16xf32>
      %swap3A_1054 = vector.shape_cast %scan3A_1035#2 : vector<16xf32> to vector<1x16xf32>
      tpu.vector_store %arg10[%swap3A_1050, %swap3A_1051], %swap3A_1054 {strides = array<i32>} : memref<4x128xf32, #tpu.memory_space<vmem>>, vector<1x16xf32>,
      %swap3A_1055 = arith.constant 0 : i32
      %swap3A_1056 = arith.index_cast %swap3A_1055 : i32 to index
      %swap3A_1057 = arith.constant 48 : index
      %swap3A_1058 = tpu.vector_load %arg10[%swap3A_1056, %swap3A_1057] {strides = array<i32>} : memref<4x128xf32, #tpu.memory_space<vmem>>, vector<1x16xf32>,
      %swap3A_1059 = vector.shape_cast %swap3A_1058 : vector<1x16xf32> to vector<16xf32>
      %swap3A_1060 = vector.shape_cast %scan3A_1035#3 : vector<16xf32> to vector<1x16xf32>
      tpu.vector_store %arg10[%swap3A_1056, %swap3A_1057], %swap3A_1060 {strides = array<i32>} : memref<4x128xf32, #tpu.memory_space<vmem>>, vector<1x16xf32>,
      %swap3A_1061 = arith.constant 0 : i32
      %swap3A_1062 = arith.index_cast %swap3A_1061 : i32 to index
      %swap3A_1063 = arith.constant 64 : index
      %swap3A_1064 = tpu.vector_load %arg10[%swap3A_1062, %swap3A_1063] {strides = array<i32>} : memref<4x128xf32, #tpu.memory_space<vmem>>, vector<1x16xf32>,
      %swap3A_1065 = vector.shape_cast %swap3A_1064 : vector<1x16xf32> to vector<16xf32>
      %swap3A_1066 = vector.shape_cast %scan3A_1035#4 : vector<16xf32> to vector<1x16xf32>
      tpu.vector_store %arg10[%swap3A_1062, %swap3A_1063], %swap3A_1066 {strides = array<i32>} : memref<4x128xf32, #tpu.memory_space<vmem>>, vector<1x16xf32>,
      %swap3A_1067 = arith.constant 0 : i32
      %swap3A_1068 = arith.index_cast %swap3A_1067 : i32 to index
      %swap3A_1069 = arith.constant 80 : index
      %swap3A_1070 = tpu.vector_load %arg10[%swap3A_1068, %swap3A_1069] {strides = array<i32>} : memref<4x128xf32, #tpu.memory_space<vmem>>, vector<1x16xf32>,
      %swap3A_1071 = vector.shape_cast %swap3A_1070 : vector<1x16xf32> to vector<16xf32>
      %swap3A_1072 = vector.shape_cast %scan3A_1035#5 : vector<16xf32> to vector<1x16xf32>
      tpu.vector_store %arg10[%swap3A_1068, %swap3A_1069], %swap3A_1072 {strides = array<i32>} : memref<4x128xf32, #tpu.memory_space<vmem>>, vector<1x16xf32>,
      %swap3A_1073 = arith.constant 0 : i32
      %swap3A_1074 = arith.index_cast %swap3A_1073 : i32 to index
      %swap3A_1075 = arith.constant 96 : index
      %swap3A_1076 = tpu.vector_load %arg10[%swap3A_1074, %swap3A_1075] {strides = array<i32>} : memref<4x128xf32, #tpu.memory_space<vmem>>, vector<1x16xf32>,
      %swap3A_1077 = vector.shape_cast %swap3A_1076 : vector<1x16xf32> to vector<16xf32>
      %swap3A_1078 = vector.shape_cast %scan3A_1035#6 : vector<16xf32> to vector<1x16xf32>
      tpu.vector_store %arg10[%swap3A_1074, %swap3A_1075], %swap3A_1078 {strides = array<i32>} : memref<4x128xf32, #tpu.memory_space<vmem>>, vector<1x16xf32>,
      %swap3A_1079 = arith.constant 0 : i32
      %swap3A_1080 = arith.index_cast %swap3A_1079 : i32 to index
      %swap3A_1081 = arith.constant 112 : index
      %swap3A_1082 = tpu.vector_load %arg10[%swap3A_1080, %swap3A_1081] {strides = array<i32>} : memref<4x128xf32, #tpu.memory_space<vmem>>, vector<1x16xf32>,
      %swap3A_1083 = vector.shape_cast %swap3A_1082 : vector<1x16xf32> to vector<16xf32>
      %swap3A_1084 = vector.shape_cast %scan3A_1035#7 : vector<16xf32> to vector<1x16xf32>
      tpu.vector_store %arg10[%swap3A_1080, %swap3A_1081], %swap3A_1084 {strides = array<i32>} : memref<4x128xf32, #tpu.memory_space<vmem>>, vector<1x16xf32>,
      %broadcast_in_dim3A_1085 = arith.constant 0.000000e+00 : f32
      %broadcast_in_dim3A_1086 = vector.broadcast %broadcast_in_dim3A_1085 : f32 to vector<16xf32>
      %broadcast_in_dim3A_1087 = arith.constant 0.000000e+00 : f32
      %broadcast_in_dim3A_1088 = vector.broadcast %broadcast_in_dim3A_1087 : f32 to vector<16xf32>
      %broadcast_in_dim3A_1089 = arith.constant 0.000000e+00 : f32
      %broadcast_in_dim3A_1090 = vector.broadcast %broadcast_in_dim3A_1089 : f32 to vector<16xf32>
      %broadcast_in_dim3A_1091 = arith.constant 0.000000e+00 : f32
      %broadcast_in_dim3A_1092 = vector.broadcast %broadcast_in_dim3A_1091 : f32 to vector<16xf32>
      %broadcast_in_dim3A_1093 = arith.constant 0.000000e+00 : f32
      %broadcast_in_dim3A_1094 = vector.broadcast %broadcast_in_dim3A_1093 : f32 to vector<16xf32>
      %broadcast_in_dim3A_1095 = arith.constant 0.000000e+00 : f32
      %broadcast_in_dim3A_1096 = vector.broadcast %broadcast_in_dim3A_1095 : f32 to vector<16xf32>
      %broadcast_in_dim3A_1097 = arith.constant 0.000000e+00 : f32
      %broadcast_in_dim3A_1098 = vector.broadcast %broadcast_in_dim3A_1097 : f32 to vector<16xf32>
      %broadcast_in_dim3A_1099 = arith.constant 0.000000e+00 : f32
      %broadcast_in_dim3A_1100 = vector.broadcast %broadcast_in_dim3A_1099 : f32 to vector<16xf32>
      %scan3A_1101 = arith.constant 0 : i32
      %scan3A_1102 = arith.constant 32 : i32
      %scan3A_1103 = arith.addi %scan3A_1101, %scan3A_1102 : i32
      %scan3A_1104 = arith.constant 1 : i32
      %scan3A_1105:8 = scf.for %scan3A_1308 = %scan3A_1101 to %scan3A_1103 step %scan3A_1104 iter_args(%scan3A_1309 = %broadcast_in_dim3A_1086, %scan3A_1310 = %broadcast_in_dim3A_1088, %scan3A_1311 = %broadcast_in_dim3A_1090, %scan3A_1312 = %broadcast_in_dim3A_1092, %scan3A_1313 = %broadcast_in_dim3A_1094, %scan3A_1314 = %broadcast_in_dim3A_1096, %scan3A_1315 = %broadcast_in_dim3A_1098, %scan3A_1316 = %broadcast_in_dim3A_1100) -> (vector<16xf32>, vector<16xf32>, vector<16xf32>, vector<16xf32>, vector<16xf32>, vector<16xf32>, vector<16xf32>, vector<16xf32>)  : i32 {
        %add3A_1317 = arith.constant 32 : i32
        %add3A_1318 = arith.addi %add3A_1317, %scan3A_1308 : i32
        %get3A = arith.index_cast %add3A_1318 : i32 to index
        %get3A_1319 = arith.constant 0 : index
        %get3A_1320 = tpu.vector_load %arg8[%get3A, %get3A_1319] {strides = array<i32>} : memref<128x128xf32, #tpu.memory_space<vmem>>, vector<1x16xf32>,
        %get3A_1321 = vector.shape_cast %get3A_1320 : vector<1x16xf32> to vector<16xf32>
        %add3A_1322 = arith.addf %scan3A_1309, %get3A_1321 : vector<16xf32>
        %add3A_1323 = arith.constant 32 : i32
        %add3A_1324 = arith.addi %add3A_1323, %scan3A_1308 : i32
        %get3A_1325 = arith.index_cast %add3A_1324 : i32 to index
        %get3A_1326 = arith.constant 16 : index
        %get3A_1327 = tpu.vector_load %arg8[%get3A_1325, %get3A_1326] {strides = array<i32>} : memref<128x128xf32, #tpu.memory_space<vmem>>, vector<1x16xf32>,
        %get3A_1328 = vector.shape_cast %get3A_1327 : vector<1x16xf32> to vector<16xf32>
        %add3A_1329 = arith.addf %scan3A_1310, %get3A_1328 : vector<16xf32>
        %add3A_1330 = arith.constant 32 : i32
        %add3A_1331 = arith.addi %add3A_1330, %scan3A_1308 : i32
        %get3A_1332 = arith.index_cast %add3A_1331 : i32 to index
        %get3A_1333 = arith.constant 32 : index
        %get3A_1334 = tpu.vector_load %arg8[%get3A_1332, %get3A_1333] {strides = array<i32>} : memref<128x128xf32, #tpu.memory_space<vmem>>, vector<1x16xf32>,
        %get3A_1335 = vector.shape_cast %get3A_1334 : vector<1x16xf32> to vector<16xf32>
        %add3A_1336 = arith.addf %scan3A_1311, %get3A_1335 : vector<16xf32>
        %add3A_1337 = arith.constant 32 : i32
        %add3A_1338 = arith.addi %add3A_1337, %scan3A_1308 : i32
        %get3A_1339 = arith.index_cast %add3A_1338 : i32 to index
        %get3A_1340 = arith.constant 48 : index
        %get3A_1341 = tpu.vector_load %arg8[%get3A_1339, %get3A_1340] {strides = array<i32>} : memref<128x128xf32, #tpu.memory_space<vmem>>, vector<1x16xf32>,
        %get3A_1342 = vector.shape_cast %get3A_1341 : vector<1x16xf32> to vector<16xf32>
        %add3A_1343 = arith.addf %scan3A_1312, %get3A_1342 : vector<16xf32>
        %add3A_1344 = arith.constant 32 : i32
        %add3A_1345 = arith.addi %add3A_1344, %scan3A_1308 : i32
        %get3A_1346 = arith.index_cast %add3A_1345 : i32 to index
        %get3A_1347 = arith.constant 64 : index
        %get3A_1348 = tpu.vector_load %arg8[%get3A_1346, %get3A_1347] {strides = array<i32>} : memref<128x128xf32, #tpu.memory_space<vmem>>, vector<1x16xf32>,
        %get3A_1349 = vector.shape_cast %get3A_1348 : vector<1x16xf32> to vector<16xf32>
        %add3A_1350 = arith.addf %scan3A_1313, %get3A_1349 : vector<16xf32>
        %add3A_1351 = arith.constant 32 : i32
        %add3A_1352 = arith.addi %add3A_1351, %scan3A_1308 : i32
        %get3A_1353 = arith.index_cast %add3A_1352 : i32 to index
        %get3A_1354 = arith.constant 80 : index
        %get3A_1355 = tpu.vector_load %arg8[%get3A_1353, %get3A_1354] {strides = array<i32>} : memref<128x128xf32, #tpu.memory_space<vmem>>, vector<1x16xf32>,
        %get3A_1356 = vector.shape_cast %get3A_1355 : vector<1x16xf32> to vector<16xf32>
        %add3A_1357 = arith.addf %scan3A_1314, %get3A_1356 : vector<16xf32>
        %add3A_1358 = arith.constant 32 : i32
        %add3A_1359 = arith.addi %add3A_1358, %scan3A_1308 : i32
        %get3A_1360 = arith.index_cast %add3A_1359 : i32 to index
        %get3A_1361 = arith.constant 96 : index
        %get3A_1362 = tpu.vector_load %arg8[%get3A_1360, %get3A_1361] {strides = array<i32>} : memref<128x128xf32, #tpu.memory_space<vmem>>, vector<1x16xf32>,
        %get3A_1363 = vector.shape_cast %get3A_1362 : vector<1x16xf32> to vector<16xf32>
        %add3A_1364 = arith.addf %scan3A_1315, %get3A_1363 : vector<16xf32>
        %add3A_1365 = arith.constant 32 : i32
        %add3A_1366 = arith.addi %add3A_1365, %scan3A_1308 : i32
        %get3A_1367 = arith.index_cast %add3A_1366 : i32 to index
        %get3A_1368 = arith.constant 112 : index
        %get3A_1369 = tpu.vector_load %arg8[%get3A_1367, %get3A_1368] {strides = array<i32>} : memref<128x128xf32, #tpu.memory_space<vmem>>, vector<1x16xf32>,
        %get3A_1370 = vector.shape_cast %get3A_1369 : vector<1x16xf32> to vector<16xf32>
        %add3A_1371 = arith.addf %scan3A_1316, %get3A_1370 : vector<16xf32>
        scf.yield %add3A_1322, %add3A_1329, %add3A_1336, %add3A_1343, %add3A_1350, %add3A_1357, %add3A_1364, %add3A_1371 : vector<16xf32>, vector<16xf32>, vector<16xf32>, vector<16xf32>, vector<16xf32>, vector<16xf32>, vector<16xf32>, vector<16xf32>
      }
      %scan3A_1106 = arith.constant 32 : i32
      %swap3A_1107 = arith.constant 1 : i32
      %swap3A_1108 = arith.index_cast %swap3A_1107 : i32 to index
      %swap3A_1109 = arith.constant 0 : index
      %swap3A_1110 = tpu.vector_load %arg10[%swap3A_1108, %swap3A_1109] {strides = array<i32>} : memref<4x128xf32, #tpu.memory_space<vmem>>, vector<1x16xf32>,
      %swap3A_1111 = vector.shape_cast %swap3A_1110 : vector<1x16xf32> to vector<16xf32>
      %swap3A_1112 = vector.shape_cast %scan3A_1105#0 : vector<16xf32> to vector<1x16xf32>
      tpu.vector_store %arg10[%swap3A_1108, %swap3A_1109], %swap3A_1112 {strides = array<i32>} : memref<4x128xf32, #tpu.memory_space<vmem>>, vector<1x16xf32>,
      %swap3A_1113 = arith.constant 1 : i32
      %swap3A_1114 = arith.index_cast %swap3A_1113 : i32 to index
      %swap3A_1115 = arith.constant 16 : index
      %swap3A_1116 = tpu.vector_load %arg10[%swap3A_1114, %swap3A_1115] {strides = array<i32>} : memref<4x128xf32, #tpu.memory_space<vmem>>, vector<1x16xf32>,
      %swap3A_1117 = vector.shape_cast %swap3A_1116 : vector<1x16xf32> to vector<16xf32>
      %swap3A_1118 = vector.shape_cast %scan3A_1105#1 : vector<16xf32> to vector<1x16xf32>
      tpu.vector_store %arg10[%swap3A_1114, %swap3A_1115], %swap3A_1118 {strides = array<i32>} : memref<4x128xf32, #tpu.memory_space<vmem>>, vector<1x16xf32>,
      %swap3A_1119 = arith.constant 1 : i32
      %swap3A_1120 = arith.index_cast %swap3A_1119 : i32 to index
      %swap3A_1121 = arith.constant 32 : index
      %swap3A_1122 = tpu.vector_load %arg10[%swap3A_1120, %swap3A_1121] {strides = array<i32>} : memref<4x128xf32, #tpu.memory_space<vmem>>, vector<1x16xf32>,
      %swap3A_1123 = vector.shape_cast %swap3A_1122 : vector<1x16xf32> to vector<16xf32>
      %swap3A_1124 = vector.shape_cast %scan3A_1105#2 : vector<16xf32> to vector<1x16xf32>
      tpu.vector_store %arg10[%swap3A_1120, %swap3A_1121], %swap3A_1124 {strides = array<i32>} : memref<4x128xf32, #tpu.memory_space<vmem>>, vector<1x16xf32>,
      %swap3A_1125 = arith.constant 1 : i32
      %swap3A_1126 = arith.index_cast %swap3A_1125 : i32 to index
      %swap3A_1127 = arith.constant 48 : index
      %swap3A_1128 = tpu.vector_load %arg10[%swap3A_1126, %swap3A_1127] {strides = array<i32>} : memref<4x128xf32, #tpu.memory_space<vmem>>, vector<1x16xf32>,
      %swap3A_1129 = vector.shape_cast %swap3A_1128 : vector<1x16xf32> to vector<16xf32>
      %swap3A_1130 = vector.shape_cast %scan3A_1105#3 : vector<16xf32> to vector<1x16xf32>
      tpu.vector_store %arg10[%swap3A_1126, %swap3A_1127], %swap3A_1130 {strides = array<i32>} : memref<4x128xf32, #tpu.memory_space<vmem>>, vector<1x16xf32>,
      %swap3A_1131 = arith.constant 1 : i32
      %swap3A_1132 = arith.index_cast %swap3A_1131 : i32 to index
      %swap3A_1133 = arith.constant 64 : index
      %swap3A_1134 = tpu.vector_load %arg10[%swap3A_1132, %swap3A_1133] {strides = array<i32>} : memref<4x128xf32, #tpu.memory_space<vmem>>, vector<1x16xf32>,
      %swap3A_1135 = vector.shape_cast %swap3A_1134 : vector<1x16xf32> to vector<16xf32>
      %swap3A_1136 = vector.shape_cast %scan3A_1105#4 : vector<16xf32> to vector<1x16xf32>
      tpu.vector_store %arg10[%swap3A_1132, %swap3A_1133], %swap3A_1136 {strides = array<i32>} : memref<4x128xf32, #tpu.memory_space<vmem>>, vector<1x16xf32>,
      %swap3A_1137 = arith.constant 1 : i32
      %swap3A_1138 = arith.index_cast %swap3A_1137 : i32 to index
      %swap3A_1139 = arith.constant 80 : index
      %swap3A_1140 = tpu.vector_load %arg10[%swap3A_1138, %swap3A_1139] {strides = array<i32>} : memref<4x128xf32, #tpu.memory_space<vmem>>, vector<1x16xf32>,
      %swap3A_1141 = vector.shape_cast %swap3A_1140 : vector<1x16xf32> to vector<16xf32>
      %swap3A_1142 = vector.shape_cast %scan3A_1105#5 : vector<16xf32> to vector<1x16xf32>
      tpu.vector_store %arg10[%swap3A_1138, %swap3A_1139], %swap3A_1142 {strides = array<i32>} : memref<4x128xf32, #tpu.memory_space<vmem>>, vector<1x16xf32>,
      %swap3A_1143 = arith.constant 1 : i32
      %swap3A_1144 = arith.index_cast %swap3A_1143 : i32 to index
      %swap3A_1145 = arith.constant 96 : index
      %swap3A_1146 = tpu.vector_load %arg10[%swap3A_1144, %swap3A_1145] {strides = array<i32>} : memref<4x128xf32, #tpu.memory_space<vmem>>, vector<1x16xf32>,
      %swap3A_1147 = vector.shape_cast %swap3A_1146 : vector<1x16xf32> to vector<16xf32>
      %swap3A_1148 = vector.shape_cast %scan3A_1105#6 : vector<16xf32> to vector<1x16xf32>
      tpu.vector_store %arg10[%swap3A_1144, %swap3A_1145], %swap3A_1148 {strides = array<i32>} : memref<4x128xf32, #tpu.memory_space<vmem>>, vector<1x16xf32>,
      %swap3A_1149 = arith.constant 1 : i32
      %swap3A_1150 = arith.index_cast %swap3A_1149 : i32 to index
      %swap3A_1151 = arith.constant 112 : index
      %swap3A_1152 = tpu.vector_load %arg10[%swap3A_1150, %swap3A_1151] {strides = array<i32>} : memref<4x128xf32, #tpu.memory_space<vmem>>, vector<1x16xf32>,
      %swap3A_1153 = vector.shape_cast %swap3A_1152 : vector<1x16xf32> to vector<16xf32>
      %swap3A_1154 = vector.shape_cast %scan3A_1105#7 : vector<16xf32> to vector<1x16xf32>
      tpu.vector_store %arg10[%swap3A_1150, %swap3A_1151], %swap3A_1154 {strides = array<i32>} : memref<4x128xf32, #tpu.memory_space<vmem>>, vector<1x16xf32>,
      %broadcast_in_dim3A_1155 = arith.constant 0.000000e+00 : f32
      %broadcast_in_dim3A_1156 = vector.broadcast %broadcast_in_dim3A_1155 : f32 to vector<16xf32>
      %broadcast_in_dim3A_1157 = arith.constant 0.000000e+00 : f32
      %broadcast_in_dim3A_1158 = vector.broadcast %broadcast_in_dim3A_1157 : f32 to vector<16xf32>
      %broadcast_in_dim3A_1159 = arith.constant 0.000000e+00 : f32
      %broadcast_in_dim3A_1160 = vector.broadcast %broadcast_in_dim3A_1159 : f32 to vector<16xf32>
      %broadcast_in_dim3A_1161 = arith.constant 0.000000e+00 : f32
      %broadcast_in_dim3A_1162 = vector.broadcast %broadcast_in_dim3A_1161 : f32 to vector<16xf32>
      %broadcast_in_dim3A_1163 = arith.constant 0.000000e+00 : f32
      %broadcast_in_dim3A_1164 = vector.broadcast %broadcast_in_dim3A_1163 : f32 to vector<16xf32>
      %broadcast_in_dim3A_1165 = arith.constant 0.000000e+00 : f32
      %broadcast_in_dim3A_1166 = vector.broadcast %broadcast_in_dim3A_1165 : f32 to vector<16xf32>
      %broadcast_in_dim3A_1167 = arith.constant 0.000000e+00 : f32
      %broadcast_in_dim3A_1168 = vector.broadcast %broadcast_in_dim3A_1167 : f32 to vector<16xf32>
      %broadcast_in_dim3A_1169 = arith.constant 0.000000e+00 : f32
      %broadcast_in_dim3A_1170 = vector.broadcast %broadcast_in_dim3A_1169 : f32 to vector<16xf32>
      %scan3A_1171 = arith.constant 0 : i32
      %scan3A_1172 = arith.constant 32 : i32
      %scan3A_1173 = arith.addi %scan3A_1171, %scan3A_1172 : i32
      %scan3A_1174 = arith.constant 1 : i32
      %scan3A_1175:8 = scf.for %scan3A_1308 = %scan3A_1171 to %scan3A_1173 step %scan3A_1174 iter_args(%scan3A_1309 = %broadcast_in_dim3A_1156, %scan3A_1310 = %broadcast_in_dim3A_1158, %scan3A_1311 = %broadcast_in_dim3A_1160, %scan3A_1312 = %broadcast_in_dim3A_1162, %scan3A_1313 = %broadcast_in_dim3A_1164, %scan3A_1314 = %broadcast_in_dim3A_1166, %scan3A_1315 = %broadcast_in_dim3A_1168, %scan3A_1316 = %broadcast_in_dim3A_1170) -> (vector<16xf32>, vector<16xf32>, vector<16xf32>, vector<16xf32>, vector<16xf32>, vector<16xf32>, vector<16xf32>, vector<16xf32>)  : i32 {
        %add3A_1317 = arith.constant 64 : i32
        %add3A_1318 = arith.addi %add3A_1317, %scan3A_1308 : i32
        %get3A = arith.index_cast %add3A_1318 : i32 to index
        %get3A_1319 = arith.constant 0 : index
        %get3A_1320 = tpu.vector_load %arg8[%get3A, %get3A_1319] {strides = array<i32>} : memref<128x128xf32, #tpu.memory_space<vmem>>, vector<1x16xf32>,
        %get3A_1321 = vector.shape_cast %get3A_1320 : vector<1x16xf32> to vector<16xf32>
        %add3A_1322 = arith.addf %scan3A_1309, %get3A_1321 : vector<16xf32>
        %add3A_1323 = arith.constant 64 : i32
        %add3A_1324 = arith.addi %add3A_1323, %scan3A_1308 : i32
        %get3A_1325 = arith.index_cast %add3A_1324 : i32 to index
        %get3A_1326 = arith.constant 16 : index
        %get3A_1327 = tpu.vector_load %arg8[%get3A_1325, %get3A_1326] {strides = array<i32>} : memref<128x128xf32, #tpu.memory_space<vmem>>, vector<1x16xf32>,
        %get3A_1328 = vector.shape_cast %get3A_1327 : vector<1x16xf32> to vector<16xf32>
        %add3A_1329 = arith.addf %scan3A_1310, %get3A_1328 : vector<16xf32>
        %add3A_1330 = arith.constant 64 : i32
        %add3A_1331 = arith.addi %add3A_1330, %scan3A_1308 : i32
        %get3A_1332 = arith.index_cast %add3A_1331 : i32 to index
        %get3A_1333 = arith.constant 32 : index
        %get3A_1334 = tpu.vector_load %arg8[%get3A_1332, %get3A_1333] {strides = array<i32>} : memref<128x128xf32, #tpu.memory_space<vmem>>, vector<1x16xf32>,
        %get3A_1335 = vector.shape_cast %get3A_1334 : vector<1x16xf32> to vector<16xf32>
        %add3A_1336 = arith.addf %scan3A_1311, %get3A_1335 : vector<16xf32>
        %add3A_1337 = arith.constant 64 : i32
        %add3A_1338 = arith.addi %add3A_1337, %scan3A_1308 : i32
        %get3A_1339 = arith.index_cast %add3A_1338 : i32 to index
        %get3A_1340 = arith.constant 48 : index
        %get3A_1341 = tpu.vector_load %arg8[%get3A_1339, %get3A_1340] {strides = array<i32>} : memref<128x128xf32, #tpu.memory_space<vmem>>, vector<1x16xf32>,
        %get3A_1342 = vector.shape_cast %get3A_1341 : vector<1x16xf32> to vector<16xf32>
        %add3A_1343 = arith.addf %scan3A_1312, %get3A_1342 : vector<16xf32>
        %add3A_1344 = arith.constant 64 : i32
        %add3A_1345 = arith.addi %add3A_1344, %scan3A_1308 : i32
        %get3A_1346 = arith.index_cast %add3A_1345 : i32 to index
        %get3A_1347 = arith.constant 64 : index
        %get3A_1348 = tpu.vector_load %arg8[%get3A_1346, %get3A_1347] {strides = array<i32>} : memref<128x128xf32, #tpu.memory_space<vmem>>, vector<1x16xf32>,
        %get3A_1349 = vector.shape_cast %get3A_1348 : vector<1x16xf32> to vector<16xf32>
        %add3A_1350 = arith.addf %scan3A_1313, %get3A_1349 : vector<16xf32>
        %add3A_1351 = arith.constant 64 : i32
        %add3A_1352 = arith.addi %add3A_1351, %scan3A_1308 : i32
        %get3A_1353 = arith.index_cast %add3A_1352 : i32 to index
        %get3A_1354 = arith.constant 80 : index
        %get3A_1355 = tpu.vector_load %arg8[%get3A_1353, %get3A_1354] {strides = array<i32>} : memref<128x128xf32, #tpu.memory_space<vmem>>, vector<1x16xf32>,
        %get3A_1356 = vector.shape_cast %get3A_1355 : vector<1x16xf32> to vector<16xf32>
        %add3A_1357 = arith.addf %scan3A_1314, %get3A_1356 : vector<16xf32>
        %add3A_1358 = arith.constant 64 : i32
        %add3A_1359 = arith.addi %add3A_1358, %scan3A_1308 : i32
        %get3A_1360 = arith.index_cast %add3A_1359 : i32 to index
        %get3A_1361 = arith.constant 96 : index
        %get3A_1362 = tpu.vector_load %arg8[%get3A_1360, %get3A_1361] {strides = array<i32>} : memref<128x128xf32, #tpu.memory_space<vmem>>, vector<1x16xf32>,
        %get3A_1363 = vector.shape_cast %get3A_1362 : vector<1x16xf32> to vector<16xf32>
        %add3A_1364 = arith.addf %scan3A_1315, %get3A_1363 : vector<16xf32>
        %add3A_1365 = arith.constant 64 : i32
        %add3A_1366 = arith.addi %add3A_1365, %scan3A_1308 : i32
        %get3A_1367 = arith.index_cast %add3A_1366 : i32 to index
        %get3A_1368 = arith.constant 112 : index
        %get3A_1369 = tpu.vector_load %arg8[%get3A_1367, %get3A_1368] {strides = array<i32>} : memref<128x128xf32, #tpu.memory_space<vmem>>, vector<1x16xf32>,
        %get3A_1370 = vector.shape_cast %get3A_1369 : vector<1x16xf32> to vector<16xf32>
        %add3A_1371 = arith.addf %scan3A_1316, %get3A_1370 : vector<16xf32>
        scf.yield %add3A_1322, %add3A_1329, %add3A_1336, %add3A_1343, %add3A_1350, %add3A_1357, %add3A_1364, %add3A_1371 : vector<16xf32>, vector<16xf32>, vector<16xf32>, vector<16xf32>, vector<16xf32>, vector<16xf32>, vector<16xf32>, vector<16xf32>
      }
      %scan3A_1176 = arith.constant 32 : i32
      %swap3A_1177 = arith.constant 2 : i32
      %swap3A_1178 = arith.index_cast %swap3A_1177 : i32 to index
      %swap3A_1179 = arith.constant 0 : index
      %swap3A_1180 = tpu.vector_load %arg10[%swap3A_1178, %swap3A_1179] {strides = array<i32>} : memref<4x128xf32, #tpu.memory_space<vmem>>, vector<1x16xf32>,
      %swap3A_1181 = vector.shape_cast %swap3A_1180 : vector<1x16xf32> to vector<16xf32>
      %swap3A_1182 = vector.shape_cast %scan3A_1175#0 : vector<16xf32> to vector<1x16xf32>
      tpu.vector_store %arg10[%swap3A_1178, %swap3A_1179], %swap3A_1182 {strides = array<i32>} : memref<4x128xf32, #tpu.memory_space<vmem>>, vector<1x16xf32>,
      %swap3A_1183 = arith.constant 2 : i32
      %swap3A_1184 = arith.index_cast %swap3A_1183 : i32 to index
      %swap3A_1185 = arith.constant 16 : index
      %swap3A_1186 = tpu.vector_load %arg10[%swap3A_1184, %swap3A_1185] {strides = array<i32>} : memref<4x128xf32, #tpu.memory_space<vmem>>, vector<1x16xf32>,
      %swap3A_1187 = vector.shape_cast %swap3A_1186 : vector<1x16xf32> to vector<16xf32>
      %swap3A_1188 = vector.shape_cast %scan3A_1175#1 : vector<16xf32> to vector<1x16xf32>
      tpu.vector_store %arg10[%swap3A_1184, %swap3A_1185], %swap3A_1188 {strides = array<i32>} : memref<4x128xf32, #tpu.memory_space<vmem>>, vector<1x16xf32>,
      %swap3A_1189 = arith.constant 2 : i32
      %swap3A_1190 = arith.index_cast %swap3A_1189 : i32 to index
      %swap3A_1191 = arith.constant 32 : index
      %swap3A_1192 = tpu.vector_load %arg10[%swap3A_1190, %swap3A_1191] {strides = array<i32>} : memref<4x128xf32, #tpu.memory_space<vmem>>, vector<1x16xf32>,
      %swap3A_1193 = vector.shape_cast %swap3A_1192 : vector<1x16xf32> to vector<16xf32>
      %swap3A_1194 = vector.shape_cast %scan3A_1175#2 : vector<16xf32> to vector<1x16xf32>
      tpu.vector_store %arg10[%swap3A_1190, %swap3A_1191], %swap3A_1194 {strides = array<i32>} : memref<4x128xf32, #tpu.memory_space<vmem>>, vector<1x16xf32>,
      %swap3A_1195 = arith.constant 2 : i32
      %swap3A_1196 = arith.index_cast %swap3A_1195 : i32 to index
      %swap3A_1197 = arith.constant 48 : index
      %swap3A_1198 = tpu.vector_load %arg10[%swap3A_1196, %swap3A_1197] {strides = array<i32>} : memref<4x128xf32, #tpu.memory_space<vmem>>, vector<1x16xf32>,
      %swap3A_1199 = vector.shape_cast %swap3A_1198 : vector<1x16xf32> to vector<16xf32>
      %swap3A_1200 = vector.shape_cast %scan3A_1175#3 : vector<16xf32> to vector<1x16xf32>
      tpu.vector_store %arg10[%swap3A_1196, %swap3A_1197], %swap3A_1200 {strides = array<i32>} : memref<4x128xf32, #tpu.memory_space<vmem>>, vector<1x16xf32>,
      %swap3A_1201 = arith.constant 2 : i32
      %swap3A_1202 = arith.index_cast %swap3A_1201 : i32 to index
      %swap3A_1203 = arith.constant 64 : index
      %swap3A_1204 = tpu.vector_load %arg10[%swap3A_1202, %swap3A_1203] {strides = array<i32>} : memref<4x128xf32, #tpu.memory_space<vmem>>, vector<1x16xf32>,
      %swap3A_1205 = vector.shape_cast %swap3A_1204 : vector<1x16xf32> to vector<16xf32>
      %swap3A_1206 = vector.shape_cast %scan3A_1175#4 : vector<16xf32> to vector<1x16xf32>
      tpu.vector_store %arg10[%swap3A_1202, %swap3A_1203], %swap3A_1206 {strides = array<i32>} : memref<4x128xf32, #tpu.memory_space<vmem>>, vector<1x16xf32>,
      %swap3A_1207 = arith.constant 2 : i32
      %swap3A_1208 = arith.index_cast %swap3A_1207 : i32 to index
      %swap3A_1209 = arith.constant 80 : index
      %swap3A_1210 = tpu.vector_load %arg10[%swap3A_1208, %swap3A_1209] {strides = array<i32>} : memref<4x128xf32, #tpu.memory_space<vmem>>, vector<1x16xf32>,
      %swap3A_1211 = vector.shape_cast %swap3A_1210 : vector<1x16xf32> to vector<16xf32>
      %swap3A_1212 = vector.shape_cast %scan3A_1175#5 : vector<16xf32> to vector<1x16xf32>
      tpu.vector_store %arg10[%swap3A_1208, %swap3A_1209], %swap3A_1212 {strides = array<i32>} : memref<4x128xf32, #tpu.memory_space<vmem>>, vector<1x16xf32>,
      %swap3A_1213 = arith.constant 2 : i32
      %swap3A_1214 = arith.index_cast %swap3A_1213 : i32 to index
      %swap3A_1215 = arith.constant 96 : index
      %swap3A_1216 = tpu.vector_load %arg10[%swap3A_1214, %swap3A_1215] {strides = array<i32>} : memref<4x128xf32, #tpu.memory_space<vmem>>, vector<1x16xf32>,
      %swap3A_1217 = vector.shape_cast %swap3A_1216 : vector<1x16xf32> to vector<16xf32>
      %swap3A_1218 = vector.shape_cast %scan3A_1175#6 : vector<16xf32> to vector<1x16xf32>
      tpu.vector_store %arg10[%swap3A_1214, %swap3A_1215], %swap3A_1218 {strides = array<i32>} : memref<4x128xf32, #tpu.memory_space<vmem>>, vector<1x16xf32>,
      %swap3A_1219 = arith.constant 2 : i32
      %swap3A_1220 = arith.index_cast %swap3A_1219 : i32 to index
      %swap3A_1221 = arith.constant 112 : index
      %swap3A_1222 = tpu.vector_load %arg10[%swap3A_1220, %swap3A_1221] {strides = array<i32>} : memref<4x128xf32, #tpu.memory_space<vmem>>, vector<1x16xf32>,
      %swap3A_1223 = vector.shape_cast %swap3A_1222 : vector<1x16xf32> to vector<16xf32>
      %swap3A_1224 = vector.shape_cast %scan3A_1175#7 : vector<16xf32> to vector<1x16xf32>
      tpu.vector_store %arg10[%swap3A_1220, %swap3A_1221], %swap3A_1224 {strides = array<i32>} : memref<4x128xf32, #tpu.memory_space<vmem>>, vector<1x16xf32>,
      %broadcast_in_dim3A_1225 = arith.constant 0.000000e+00 : f32
      %broadcast_in_dim3A_1226 = vector.broadcast %broadcast_in_dim3A_1225 : f32 to vector<16xf32>
      %broadcast_in_dim3A_1227 = arith.constant 0.000000e+00 : f32
      %broadcast_in_dim3A_1228 = vector.broadcast %broadcast_in_dim3A_1227 : f32 to vector<16xf32>
      %broadcast_in_dim3A_1229 = arith.constant 0.000000e+00 : f32
      %broadcast_in_dim3A_1230 = vector.broadcast %broadcast_in_dim3A_1229 : f32 to vector<16xf32>
      %broadcast_in_dim3A_1231 = arith.constant 0.000000e+00 : f32
      %broadcast_in_dim3A_1232 = vector.broadcast %broadcast_in_dim3A_1231 : f32 to vector<16xf32>
      %broadcast_in_dim3A_1233 = arith.constant 0.000000e+00 : f32
      %broadcast_in_dim3A_1234 = vector.broadcast %broadcast_in_dim3A_1233 : f32 to vector<16xf32>
      %broadcast_in_dim3A_1235 = arith.constant 0.000000e+00 : f32
      %broadcast_in_dim3A_1236 = vector.broadcast %broadcast_in_dim3A_1235 : f32 to vector<16xf32>
      %broadcast_in_dim3A_1237 = arith.constant 0.000000e+00 : f32
      %broadcast_in_dim3A_1238 = vector.broadcast %broadcast_in_dim3A_1237 : f32 to vector<16xf32>
      %broadcast_in_dim3A_1239 = arith.constant 0.000000e+00 : f32
      %broadcast_in_dim3A_1240 = vector.broadcast %broadcast_in_dim3A_1239 : f32 to vector<16xf32>
      %scan3A_1241 = arith.constant 0 : i32
      %scan3A_1242 = arith.constant 32 : i32
      %scan3A_1243 = arith.addi %scan3A_1241, %scan3A_1242 : i32
      %scan3A_1244 = arith.constant 1 : i32
      %scan3A_1245:8 = scf.for %scan3A_1308 = %scan3A_1241 to %scan3A_1243 step %scan3A_1244 iter_args(%scan3A_1309 = %broadcast_in_dim3A_1226, %scan3A_1310 = %broadcast_in_dim3A_1228, %scan3A_1311 = %broadcast_in_dim3A_1230, %scan3A_1312 = %broadcast_in_dim3A_1232, %scan3A_1313 = %broadcast_in_dim3A_1234, %scan3A_1314 = %broadcast_in_dim3A_1236, %scan3A_1315 = %broadcast_in_dim3A_1238, %scan3A_1316 = %broadcast_in_dim3A_1240) -> (vector<16xf32>, vector<16xf32>, vector<16xf32>, vector<16xf32>, vector<16xf32>, vector<16xf32>, vector<16xf32>, vector<16xf32>)  : i32 {
        %add3A_1317 = arith.constant 96 : i32
        %add3A_1318 = arith.addi %add3A_1317, %scan3A_1308 : i32
        %get3A = arith.index_cast %add3A_1318 : i32 to index
        %get3A_1319 = arith.constant 0 : index
        %get3A_1320 = tpu.vector_load %arg8[%get3A, %get3A_1319] {strides = array<i32>} : memref<128x128xf32, #tpu.memory_space<vmem>>, vector<1x16xf32>,
        %get3A_1321 = vector.shape_cast %get3A_1320 : vector<1x16xf32> to vector<16xf32>
        %add3A_1322 = arith.addf %scan3A_1309, %get3A_1321 : vector<16xf32>
        %add3A_1323 = arith.constant 96 : i32
        %add3A_1324 = arith.addi %add3A_1323, %scan3A_1308 : i32
        %get3A_1325 = arith.index_cast %add3A_1324 : i32 to index
        %get3A_1326 = arith.constant 16 : index
        %get3A_1327 = tpu.vector_load %arg8[%get3A_1325, %get3A_1326] {strides = array<i32>} : memref<128x128xf32, #tpu.memory_space<vmem>>, vector<1x16xf32>,
        %get3A_1328 = vector.shape_cast %get3A_1327 : vector<1x16xf32> to vector<16xf32>
        %add3A_1329 = arith.addf %scan3A_1310, %get3A_1328 : vector<16xf32>
        %add3A_1330 = arith.constant 96 : i32
        %add3A_1331 = arith.addi %add3A_1330, %scan3A_1308 : i32
        %get3A_1332 = arith.index_cast %add3A_1331 : i32 to index
        %get3A_1333 = arith.constant 32 : index
        %get3A_1334 = tpu.vector_load %arg8[%get3A_1332, %get3A_1333] {strides = array<i32>} : memref<128x128xf32, #tpu.memory_space<vmem>>, vector<1x16xf32>,
        %get3A_1335 = vector.shape_cast %get3A_1334 : vector<1x16xf32> to vector<16xf32>
        %add3A_1336 = arith.addf %scan3A_1311, %get3A_1335 : vector<16xf32>
        %add3A_1337 = arith.constant 96 : i32
        %add3A_1338 = arith.addi %add3A_1337, %scan3A_1308 : i32
        %get3A_1339 = arith.index_cast %add3A_1338 : i32 to index
        %get3A_1340 = arith.constant 48 : index
        %get3A_1341 = tpu.vector_load %arg8[%get3A_1339, %get3A_1340] {strides = array<i32>} : memref<128x128xf32, #tpu.memory_space<vmem>>, vector<1x16xf32>,
        %get3A_1342 = vector.shape_cast %get3A_1341 : vector<1x16xf32> to vector<16xf32>
        %add3A_1343 = arith.addf %scan3A_1312, %get3A_1342 : vector<16xf32>
        %add3A_1344 = arith.constant 96 : i32
        %add3A_1345 = arith.addi %add3A_1344, %scan3A_1308 : i32
        %get3A_1346 = arith.index_cast %add3A_1345 : i32 to index
        %get3A_1347 = arith.constant 64 : index
        %get3A_1348 = tpu.vector_load %arg8[%get3A_1346, %get3A_1347] {strides = array<i32>} : memref<128x128xf32, #tpu.memory_space<vmem>>, vector<1x16xf32>,
        %get3A_1349 = vector.shape_cast %get3A_1348 : vector<1x16xf32> to vector<16xf32>
        %add3A_1350 = arith.addf %scan3A_1313, %get3A_1349 : vector<16xf32>
        %add3A_1351 = arith.constant 96 : i32
        %add3A_1352 = arith.addi %add3A_1351, %scan3A_1308 : i32
        %get3A_1353 = arith.index_cast %add3A_1352 : i32 to index
        %get3A_1354 = arith.constant 80 : index
        %get3A_1355 = tpu.vector_load %arg8[%get3A_1353, %get3A_1354] {strides = array<i32>} : memref<128x128xf32, #tpu.memory_space<vmem>>, vector<1x16xf32>,
        %get3A_1356 = vector.shape_cast %get3A_1355 : vector<1x16xf32> to vector<16xf32>
        %add3A_1357 = arith.addf %scan3A_1314, %get3A_1356 : vector<16xf32>
        %add3A_1358 = arith.constant 96 : i32
        %add3A_1359 = arith.addi %add3A_1358, %scan3A_1308 : i32
        %get3A_1360 = arith.index_cast %add3A_1359 : i32 to index
        %get3A_1361 = arith.constant 96 : index
        %get3A_1362 = tpu.vector_load %arg8[%get3A_1360, %get3A_1361] {strides = array<i32>} : memref<128x128xf32, #tpu.memory_space<vmem>>, vector<1x16xf32>,
        %get3A_1363 = vector.shape_cast %get3A_1362 : vector<1x16xf32> to vector<16xf32>
        %add3A_1364 = arith.addf %scan3A_1315, %get3A_1363 : vector<16xf32>
        %add3A_1365 = arith.constant 96 : i32
        %add3A_1366 = arith.addi %add3A_1365, %scan3A_1308 : i32
        %get3A_1367 = arith.index_cast %add3A_1366 : i32 to index
        %get3A_1368 = arith.constant 112 : index
        %get3A_1369 = tpu.vector_load %arg8[%get3A_1367, %get3A_1368] {strides = array<i32>} : memref<128x128xf32, #tpu.memory_space<vmem>>, vector<1x16xf32>,
        %get3A_1370 = vector.shape_cast %get3A_1369 : vector<1x16xf32> to vector<16xf32>
        %add3A_1371 = arith.addf %scan3A_1316, %get3A_1370 : vector<16xf32>
        scf.yield %add3A_1322, %add3A_1329, %add3A_1336, %add3A_1343, %add3A_1350, %add3A_1357, %add3A_1364, %add3A_1371 : vector<16xf32>, vector<16xf32>, vector<16xf32>, vector<16xf32>, vector<16xf32>, vector<16xf32>, vector<16xf32>, vector<16xf32>
      }
      %scan3A_1246 = arith.constant 32 : i32
      %swap3A_1247 = arith.constant 3 : i32
      %swap3A_1248 = arith.index_cast %swap3A_1247 : i32 to index
      %swap3A_1249 = arith.constant 0 : index
      %swap3A_1250 = tpu.vector_load %arg10[%swap3A_1248, %swap3A_1249] {strides = array<i32>} : memref<4x128xf32, #tpu.memory_space<vmem>>, vector<1x16xf32>,
      %swap3A_1251 = vector.shape_cast %swap3A_1250 : vector<1x16xf32> to vector<16xf32>
      %swap3A_1252 = vector.shape_cast %scan3A_1245#0 : vector<16xf32> to vector<1x16xf32>
      tpu.vector_store %arg10[%swap3A_1248, %swap3A_1249], %swap3A_1252 {strides = array<i32>} : memref<4x128xf32, #tpu.memory_space<vmem>>, vector<1x16xf32>,
      %swap3A_1253 = arith.constant 3 : i32
      %swap3A_1254 = arith.index_cast %swap3A_1253 : i32 to index
      %swap3A_1255 = arith.constant 16 : index
      %swap3A_1256 = tpu.vector_load %arg10[%swap3A_1254, %swap3A_1255] {strides = array<i32>} : memref<4x128xf32, #tpu.memory_space<vmem>>, vector<1x16xf32>,
      %swap3A_1257 = vector.shape_cast %swap3A_1256 : vector<1x16xf32> to vector<16xf32>
      %swap3A_1258 = vector.shape_cast %scan3A_1245#1 : vector<16xf32> to vector<1x16xf32>
      tpu.vector_store %arg10[%swap3A_1254, %swap3A_1255], %swap3A_1258 {strides = array<i32>} : memref<4x128xf32, #tpu.memory_space<vmem>>, vector<1x16xf32>,
      %swap3A_1259 = arith.constant 3 : i32
      %swap3A_1260 = arith.index_cast %swap3A_1259 : i32 to index
      %swap3A_1261 = arith.constant 32 : index
      %swap3A_1262 = tpu.vector_load %arg10[%swap3A_1260, %swap3A_1261] {strides = array<i32>} : memref<4x128xf32, #tpu.memory_space<vmem>>, vector<1x16xf32>,
      %swap3A_1263 = vector.shape_cast %swap3A_1262 : vector<1x16xf32> to vector<16xf32>
      %swap3A_1264 = vector.shape_cast %scan3A_1245#2 : vector<16xf32> to vector<1x16xf32>
      tpu.vector_store %arg10[%swap3A_1260, %swap3A_1261], %swap3A_1264 {strides = array<i32>} : memref<4x128xf32, #tpu.memory_space<vmem>>, vector<1x16xf32>,
      %swap3A_1265 = arith.constant 3 : i32
      %swap3A_1266 = arith.index_cast %swap3A_1265 : i32 to index
      %swap3A_1267 = arith.constant 48 : index
      %swap3A_1268 = tpu.vector_load %arg10[%swap3A_1266, %swap3A_1267] {strides = array<i32>} : memref<4x128xf32, #tpu.memory_space<vmem>>, vector<1x16xf32>,
      %swap3A_1269 = vector.shape_cast %swap3A_1268 : vector<1x16xf32> to vector<16xf32>
      %swap3A_1270 = vector.shape_cast %scan3A_1245#3 : vector<16xf32> to vector<1x16xf32>
      tpu.vector_store %arg10[%swap3A_1266, %swap3A_1267], %swap3A_1270 {strides = array<i32>} : memref<4x128xf32, #tpu.memory_space<vmem>>, vector<1x16xf32>,
      %swap3A_1271 = arith.constant 3 : i32
      %swap3A_1272 = arith.index_cast %swap3A_1271 : i32 to index
      %swap3A_1273 = arith.constant 64 : index
      %swap3A_1274 = tpu.vector_load %arg10[%swap3A_1272, %swap3A_1273] {strides = array<i32>} : memref<4x128xf32, #tpu.memory_space<vmem>>, vector<1x16xf32>,
      %swap3A_1275 = vector.shape_cast %swap3A_1274 : vector<1x16xf32> to vector<16xf32>
      %swap3A_1276 = vector.shape_cast %scan3A_1245#4 : vector<16xf32> to vector<1x16xf32>
      tpu.vector_store %arg10[%swap3A_1272, %swap3A_1273], %swap3A_1276 {strides = array<i32>} : memref<4x128xf32, #tpu.memory_space<vmem>>, vector<1x16xf32>,
      %swap3A_1277 = arith.constant 3 : i32
      %swap3A_1278 = arith.index_cast %swap3A_1277 : i32 to index
      %swap3A_1279 = arith.constant 80 : index
      %swap3A_1280 = tpu.vector_load %arg10[%swap3A_1278, %swap3A_1279] {strides = array<i32>} : memref<4x128xf32, #tpu.memory_space<vmem>>, vector<1x16xf32>,
      %swap3A_1281 = vector.shape_cast %swap3A_1280 : vector<1x16xf32> to vector<16xf32>
      %swap3A_1282 = vector.shape_cast %scan3A_1245#5 : vector<16xf32> to vector<1x16xf32>
      tpu.vector_store %arg10[%swap3A_1278, %swap3A_1279], %swap3A_1282 {strides = array<i32>} : memref<4x128xf32, #tpu.memory_space<vmem>>, vector<1x16xf32>,
      %swap3A_1283 = arith.constant 3 : i32
      %swap3A_1284 = arith.index_cast %swap3A_1283 : i32 to index
      %swap3A_1285 = arith.constant 96 : index
      %swap3A_1286 = tpu.vector_load %arg10[%swap3A_1284, %swap3A_1285] {strides = array<i32>} : memref<4x128xf32, #tpu.memory_space<vmem>>, vector<1x16xf32>,
      %swap3A_1287 = vector.shape_cast %swap3A_1286 : vector<1x16xf32> to vector<16xf32>
      %swap3A_1288 = vector.shape_cast %scan3A_1245#6 : vector<16xf32> to vector<1x16xf32>
      tpu.vector_store %arg10[%swap3A_1284, %swap3A_1285], %swap3A_1288 {strides = array<i32>} : memref<4x128xf32, #tpu.memory_space<vmem>>, vector<1x16xf32>,
      %swap3A_1289 = arith.constant 3 : i32
      %swap3A_1290 = arith.index_cast %swap3A_1289 : i32 to index
      %swap3A_1291 = arith.constant 112 : index
      %swap3A_1292 = tpu.vector_load %arg10[%swap3A_1290, %swap3A_1291] {strides = array<i32>} : memref<4x128xf32, #tpu.memory_space<vmem>>, vector<1x16xf32>,
      %swap3A_1293 = vector.shape_cast %swap3A_1292 : vector<1x16xf32> to vector<16xf32>
      %swap3A_1294 = vector.shape_cast %scan3A_1245#7 : vector<16xf32> to vector<1x16xf32>
      tpu.vector_store %arg10[%swap3A_1290, %swap3A_1291], %swap3A_1294 {strides = array<i32>} : memref<4x128xf32, #tpu.memory_space<vmem>>, vector<1x16xf32>,
      %add3A_1295 = arith.constant 2 : i32
      %add3A_1296 = arith.addi %add3A_1003, %add3A_1295 : i32
      %lt3A_1297 = arith.cmpi slt, %add3A_1296, %select_n3A : i32
      %convert_element_type3A_1298 = arith.extui %lt3A_1297 : i1 to i32
      %cond3A_1299 = arith.constant 0 : i32
      %cond3A_1300 = arith.cmpi ne, %convert_element_type3A_1298, %cond3A_1299 : i32
      scf.if %cond3A_1300 {
        %add3A_1308 = arith.constant 2 : i32
        %add3A_1309 = arith.addi %add3A_1003, %add3A_1308 : i32
        %dma_start3A_1310 = arith.constant 0 : i32
        %dma_start3A_1311 = tpu.memref_slice %arg6[%add3A_1309, %dma_start3A_1310] : memref<80x128xi32, #tpu.memory_space<vmem>> -> memref<1x128xi32, #tpu.memory_space<vmem>>
        %dma_start3A_1312 = tpu.memref_squeeze %dma_start3A_1311 : memref<1x128xi32, #tpu.memory_space<vmem>> -> memref<128xi32, #tpu.memory_space<vmem>>
        %dma_start3A_1313 = arith.constant 0 : i32
        %dma_start3A_1314 = arith.constant 0 : i32
        %dma_start3A_1315 = tpu.memref_slice %arg5[%dma_start3A_1313, %dma_start3A_1314] : memref<10000x128xf32, #tpu.memory_space<vmem_shared>> -> memref<10000x128xf32, #tpu.memory_space<vmem_shared>>
        tpu.enqueue_indirect_dma source(%dma_start3A_1315 : memref<10000x128xf32, #tpu.memory_space<vmem_shared>>) target(%arg8 : memref<128x128xf32, #tpu.memory_space<vmem>>) offsets(%dma_start3A_1312 : memref<128xi32, #tpu.memory_space<vmem>>) semaphore(%arg12 : memref<!tpu.dma_semaphore, #tpu.memory_space<semaphore_mem>>)
      } else {
      }
      %mul3A_1301 = arith.constant 4 : i32
      %mul3A_1302 = arith.muli %add3A_1003, %mul3A_1301 : i32
      %add3A_1303 = arith.addi %mul3A_2, %mul3A_1302 : i32
      %dma_start3A_1304 = arith.constant 0 : i32
      %dma_start3A_1305 = tpu.memref_slice %arg4[%add3A_1303, %dma_start3A_1304] : memref<10000x128xf32, #tpu.memory_space<hbm>> -> memref<4x128xf32, #tpu.memory_space<hbm>>
      %dma_start3A_1306 = arith.constant 0 : i32
      %dma_start3A_1307 = tpu.memref_slice %arg4[%add3A_1303, %dma_start3A_1306] : memref<10000x128xf32, #tpu.memory_space<hbm>> -> memref<4x128xf32, #tpu.memory_space<hbm>>
      tpu.enqueue_dma source(%arg10 : memref<4x128xf32, #tpu.memory_space<vmem>>) target(%dma_start3A_1307 : memref<4x128xf32, #tpu.memory_space<hbm>>) target_semaphore(%arg14 : memref<!tpu.dma_semaphore, #tpu.memory_space<semaphore_mem>>)
    }
    %dma_wait3A_685 = arith.constant 0 : i32
    %dma_wait3A_686 = tpu.memref_slice %arg4[%mul3A_2, %dma_wait3A_685] : memref<10000x128xf32, #tpu.memory_space<hbm>> -> memref<4x128xf32, #tpu.memory_space<hbm>>
    %dma_wait3A_687 = arith.constant 0 : i32
    %dma_wait3A_688 = tpu.memref_slice %arg4[%mul3A_2, %dma_wait3A_687] : memref<10000x128xf32, #tpu.memory_space<hbm>> -> memref<4x128xf32, #tpu.memory_space<hbm>>
    tpu.wait_dma2 semaphore(%arg13 : memref<!tpu.dma_semaphore, #tpu.memory_space<semaphore_mem>>) src(%arg9 : memref<4x128xf32, #tpu.memory_space<vmem>>) dst(%dma_wait3A_688 : memref<4x128xf32, #tpu.memory_space<hbm>>)
    %dma_wait3A_689 = arith.constant 0 : i32
    %dma_wait3A_690 = tpu.memref_slice %arg4[%mul3A_2, %dma_wait3A_689] : memref<10000x128xf32, #tpu.memory_space<hbm>> -> memref<4x128xf32, #tpu.memory_space<hbm>>
    %dma_wait3A_691 = arith.constant 0 : i32
    %dma_wait3A_692 = tpu.memref_slice %arg4[%mul3A_2, %dma_wait3A_691] : memref<10000x128xf32, #tpu.memory_space<hbm>> -> memref<4x128xf32, #tpu.memory_space<hbm>>
    tpu.wait_dma2 semaphore(%arg14 : memref<!tpu.dma_semaphore, #tpu.memory_space<semaphore_mem>>) src(%arg10 : memref<4x128xf32, #tpu.memory_space<vmem>>) dst(%dma_wait3A_692 : memref<4x128xf32, #tpu.memory_space<hbm>>)
    return
  }
}

module attributes {stable_mosaic.version = 14 : i64} {
  func.func @mm_body(%arg0: i32, %arg1: memref<2000x128xf32, #tpu.memory_space<vmem>>, %arg2: memref<128x128xf32, #tpu.memory_space<vmem>>, %arg3: memref<2000x128xf32, #tpu.memory_space<vmem>>) attributes {dimension_semantics = [#tpu.dimension_semantics<arbitrary>], iteration_bounds = array<i64: 5>, scalar_prefetch = 0 : i64, scratch_operands = 0 : i64, tpu.core_type = #tpu.core_type<tc>, window_params = [{transform_indices = @transform_0, window_bounds = array<i64: 2000, 128>}, {pipeline_mode = #tpu.pipeline_mode<synchronous>, transform_indices = @transform_1, window_bounds = array<i64: 128, 128>}, {transform_indices = @transform_2, window_bounds = array<i64: 2000, 128>}]} {
    %get3A = arith.constant 0 : index
    %get3A_0 = arith.constant 0 : index
    %get3A_1 = vector.load %arg1[%get3A, %get3A_0] : memref<2000x128xf32, #tpu.memory_space<vmem>>, vector<2000x128xf32>
    %get3A_2 = arith.constant 0 : index
    %get3A_3 = arith.constant 0 : index
    %get3A_4 = vector.load %arg2[%get3A_2, %get3A_3] : memref<128x128xf32, #tpu.memory_space<vmem>>, vector<128x128xf32>
    %dot_general3A = arith.constant dense<0.000000e+00> : vector<2000x128xf32>
    %dot_general3A_5 = tpu.matmul %get3A_1, %get3A_4, %dot_general3A {dimension_numbers = #tpu.dot_dimension_numbers<[1], [0], [0], [1], [0, 0, 1, 1], [], []>, transpose_lhs_hint = false} : vector<2000x128xf32>, vector<128x128xf32>, vector<2000x128xf32> -> vector<2000x128xf32>
    %swap3A = arith.constant 0 : index
    %swap3A_6 = arith.constant 0 : index
    %swap3A_7 = vector.load %arg3[%swap3A, %swap3A_6] : memref<2000x128xf32, #tpu.memory_space<vmem>>, vector<2000x128xf32>
    tpu.vector_store %arg3[%swap3A, %swap3A_6], %dot_general3A_5 {strides = array<i32>} : memref<2000x128xf32, #tpu.memory_space<vmem>>, vector<2000x128xf32>,
    return
  }
  func.func @transform_0(%arg0: i32) -> (i32, i32) {
    %c0_i32 = arith.constant 0 : i32
    %c0_i32_0 = arith.constant 0 : i32
    return %arg0, %c0_i32 : i32, i32
  }
  func.func @transform_1(%arg0: i32) -> (i32, i32) {
    %c0_i32 = arith.constant 0 : i32
    %c0_i32_0 = arith.constant 0 : i32
    %c0_i32_1 = arith.constant 0 : i32
    return %c0_i32, %c0_i32_0 : i32, i32
  }
  func.func @transform_2(%arg0: i32) -> (i32, i32) {
    %c0_i32 = arith.constant 0 : i32
    %c0_i32_0 = arith.constant 0 : i32
    return %arg0, %c0_i32 : i32, i32
  }
}

</mosaic_0001>

<sc_bundles>
// kernel: kernel.4.cloned.1.call-start
scs
__scs_entry_jumppad:
0x0: {  	(pc) =	sbr.rel $0x88, $3  }
0x1: {  	(tag) =	ssettag $0x0;
	lr =	simm.s32 $0x1  }
0x2: {  	[smem:$0x3F9E] =	sst lr;
	_ =	strace $0xD0000000  }
0x3: {  	_ = 	snop  }
0x4: {  	_ = 	snop  }
0x5: {  	_ = 	snop  }
0x6: {  	_ = 	snop  }
0x7: {  	_ = 	snop  }
__scs_overlays_trampoline_lowered:
0x8: {  	[smem:$0x3FAD] =	sst s0  }
0x9: {  	[smem:$0x3FAE] =	sst s1  }
0xa: {  	[smem:$0x3FAF] =	sst s2  }
0xb: {  	[smem:$0x3FB0] =	sst s3  }
0xc: {  	[smem:$0x3FB1] =	sst s4  }
0xd: {  	[smem:$0x3FB2] =	sst s5  }
0xe: {  	[smem:$0x3FB3] =	sst s6  }
0xf: {  	[smem:$0x3FB4] =	sst s7  }
0x10: {  	[smem:$0x3FB5] =	sst s8  }
0x11: {  	[smem:$0x3FB6] =	sst s9;
	s0 =	simm.s32 @!p0 $0x0  }
0x12: {  	s1 =	sld [smem:$0x3F9C];
	s0 =	simm.s32 @p0 $0x1  }
0x13: {  	[smem:$0x3FB7] =	sst s0;
	s0 =	simm.s32 @!p1 $0x0  }
0x14: {  	s2 =	sld [smem:$0x3F9B];
	s0 =	simm.s32 @p1 $0x1  }
0x15: {  	[smem:$0x3FB8] =	sst s0;
	s0 =	simm.s32 @!p2 $0x0  }
0x16: {  	s3 =	sld [smem:$0x3FDB];
	s0 =	simm.s32 @p2 $0x1  }
0x17: {  	s4 =	simm.s32 $0x1BF5;
	[smem:$0x3FBA] =	sst s0  }
0x18: {  	s0 =	sld [smem:$0x3F9D];
	_ =	swait.ge [sflag:s4], $0x0  }
0x19: {  	s7 =	sld [smem:$0x3F9E]  }
0x1a: {  	s8 =	sadd.s32 $0xFFFFE003, lr  }
0x1b: {  	s9 =	sadd.s32 $0xFFFFFEF7, lr;
	s5 =	simm.s32 $0xFFFFFFFF;
	p2 =	slt.u32 s8, $0xFFFFF086  }
0x1c: {  	p1 =	slt.u32 s9, $0xF7A;
	s5 =	simm.s32 @!p2 $0x0  }
0x1d: {  	s5 =	simm.s32 @p1 $0x1;
	p0 =	seq.s32 s7, s2  }
0x1e: {  	s7 =	smul.u32 @!p0 $0xF7A, s2;
	p2 =	seq.s32 @!p0 s5, $0x0  }
0x1f: {  	s9 =	smul.u32 $0xF7A, s1;
	s8 =	simm.s32 @!p0 $0x1BF5;
	p2 =	por !p2, p0  }
0x20: {  	[sflag:s8] =	ssyncset.s32 @!p0 $0xFFFFF086;
	s6 =	sadd.s32 @!p0 s3, s7;
	s7 =	simm.s32 @!p0 $0x108  }
0x21: {  	s3 =	sadd.s32 s3, s9;
	s6 =	sadd.s32 @!p0 $0x88, s6;
	s7 =	simm.s32 @p2 $0x1082  }
0x22: {  	[simem:s7], [sflag:s8] =	dma.local @!p0 [hbm:s6], $0xF7A  }
0x23: {  	s9 =	sor.u32 $0xD0000000, s2;
	s6 =	simm.s32 $0x108;
	_ =	swait.ge @!p0 [sflag:s8], $0x0  }
0x24: {  	s3 =	sadd.s32 $0x88, s3;
	s6 =	simm.s32 @!p1 $0x1082;
	[sflag:s4] =	ssyncset.s32 $0xFFFFF086  }
0x25: {  	[simem:s6], [sflag:s4] =	dma.local [hbm:s3], $0xF7A  }
0x26: {  	[smem:$0x3F9E] =	sst s1;
	(tag) =	ssettag s2;
	_ =	strace s9  }
0x27: {  	s1 =	sld [smem:$0x3FAE]  }
0x28: {  	s2 =	sld [smem:$0x3FAF]  }
0x29: {  	s4 =	sld [smem:$0x3FB1]  }
0x2a: {  	p0 =	seq.s32 s5, $0x0;
	s5 =	sld [smem:$0x3FB2]  }
0x2b: {  	s6 =	sld [smem:$0x3FB3]  }
0x2c: {  	s7 =	sld [smem:$0x3FB4]  }
0x2d: {  	s3 =	simm.s32 $0x108;
	s8 =	sld [smem:$0x3FB5]  }
0x2e: {  	s3 =	simm.s32 @!p0 $0x1082;
	s9 =	sld [smem:$0x3FB6]  }
0x2f: {  	lr =	sadd.s32 s0, s3;
	s0 =	sld [smem:$0x3FAD]  }
0x30: {  	s3 =	sld [smem:$0x3FB0]  }
0x31: {  	[smem:$0x3FB9] =	sst s10  }
0x32: {  	s10 =	sld [smem:$0x3FB7];
	_ =	sdelay $0x3  }
0x33: {  	p0 =	seq.s32 s10, $0x1;
	s10 =	sld [smem:$0x3FB9];
	_ =	sdelay $0x3  }
0x34: {  	[smem:$0x3FB9] =	sst s10  }
0x35: {  	s10 =	sld [smem:$0x3FB8];
	_ =	sdelay $0x3  }
0x36: {  	p1 =	seq.s32 s10, $0x1;
	s10 =	sld [smem:$0x3FB9];
	_ =	sdelay $0x3  }
0x37: {  	[smem:$0x3FB9] =	sst s10  }
0x38: {  	s10 =	sld [smem:$0x3FBA]  }
0x39: {  	_ = 	snop;
	(pc) =	sbr.ind lr, $3  }
0x3a: {  	_ = 	snop  }
0x3b: {  	_ = 	snop  }
0x3c: {  	p2 =	seq.s32 s10, $0x1;
	s10 =	sld [smem:$0x3FB9]  }
0x3d: {  	_ =	shalt  }
0x3e: {  	_ =	shalt  }
0x3f: {  	_ =	shalt  }
0x40: {  	_ =	shalt  }
0x41: {  	_ =	shalt  }
0x42: {  	_ =	shalt  }
0x43: {  	_ =	shalt  }
0x44: {  	_ =	shalt  }
0x45: {  	_ =	shalt  }
0x46: {  	_ =	shalt  }
0x47: {  	_ =	shalt  }
0x48: {  	_ =	shalt  }
0x49: {  	_ =	shalt  }
0x4a: {  	_ =	shalt  }
0x4b: {  	_ =	shalt  }
0x4c: {  	_ =	shalt  }
0x4d: {  	_ =	shalt  }
0x4e: {  	_ =	shalt  }
0x4f: {  	_ =	shalt  }
0x50: {  	_ =	shalt  }
0x51: {  	_ =	shalt  }
0x52: {  	_ =	shalt  }
0x53: {  	_ =	shalt  }
0x54: {  	_ =	shalt  }
0x55: {  	_ =	shalt  }
0x56: {  	_ =	shalt  }
0x57: {  	_ =	shalt  }
0x58: {  	_ =	shalt  }
0x59: {  	_ =	shalt  }
0x5a: {  	_ =	shalt  }
0x5b: {  	_ =	shalt  }
0x5c: {  	_ =	shalt  }
0x5d: {  	_ =	shalt  }
0x5e: {  	_ =	shalt  }
0x5f: {  	_ =	shalt  }
0x60: {  	_ =	shalt  }
0x61: {  	_ =	shalt  }
0x62: {  	_ =	shalt  }
0x63: {  	_ =	shalt  }
0x64: {  	_ =	shalt  }
0x65: {  	_ =	shalt  }
0x66: {  	_ =	shalt  }
0x67: {  	_ =	shalt  }
0x68: {  	_ =	shalt  }
0x69: {  	_ =	shalt  }
0x6a: {  	_ =	shalt  }
0x6b: {  	_ =	shalt  }
0x6c: {  	_ =	shalt  }
0x6d: {  	_ =	shalt  }
0x6e: {  	_ =	shalt  }
0x6f: {  	_ =	shalt  }
0x70: {  	_ =	shalt  }
0x71: {  	_ =	shalt  }
0x72: {  	_ =	shalt  }
0x73: {  	_ =	shalt  }
0x74: {  	_ =	shalt  }
0x75: {  	_ =	shalt  }
0x76: {  	_ =	shalt  }
0x77: {  	_ =	shalt  }
0x78: {  	_ =	shalt  }
0x79: {  	_ =	shalt  }
0x7a: {  	_ =	shalt  }
0x7b: {  	_ =	shalt  }
0x7c: {  	_ =	shalt  }
0x7d: {  	_ =	shalt  }
0x7e: {  	_ =	shalt  }
0x7f: {  	_ =	shalt  }
0x80: {  	_ =	shalt  }
0x81: {  	_ =	shalt  }
0x82: {  	_ =	shalt  }
0x83: {  	_ =	shalt  }
0x84: {  	_ =	shalt  }
0x85: {  	_ =	shalt  }
0x86: {  	_ =	shalt  }
0x87: {  	_ =	shalt  }
.Lfunc_end0:
.L_simem_size_0:
called_computation_lowered:
.L_overlay_start_0:
0x88: {  	s2 =	sld [smem:$0x3FD9]  }
0x89: {  	s3 =	sld [smem:$0x3FFE];
	_ =	sdelay $0x1  }
0x8a: {  	s1 =	srdreg.scid  }
0x8b: {  	s0 =	sand.u32 $0x1, s1  }
0x8c: {  	s17 =	sshll.u32 s0, $0xA;
	s2 =	sadd.s32 s3, s2  }
0x8d: {  	s2 =	sadd.s32 s2, s17  }
0x8e: {  	[smem:$0x3FC5] =	sst s2  }
0x8f: {  	_ = 	snop  }
0x90: {  	s2 =	sld [smem:$0x3FC9]  }
0x91: {  	s18 =	sld [smem:$0x3FD0];
	(tm) =	ssettm $0x1  }
0x92: {  	s4 =	sld [smem:$0x3FFB];
	_ =	sdelay $0x3  }
0x93: {  	_ =	strace s4  }
0x94: {  	s4 =	sld [smem:$0x3FFC];
	_ =	sdelay $0x3  }
0x95: {  	_ =	strace s4  }
0x96: {  	s4 =	sld [smem:$0x3FFD];
	_ =	sdelay $0x3  }
0x97: {  	_ =	strace s4  }
0x98: {  	_ =	strace $0x8FFFFFFF  }
0x99: {  	s19 =	sld [smem:$0x3FDB];
	_ =	sdelay $0x1  }
0x9a: {  	s5 =	simm.s32 $_scs_section_size  }
0x9b: {  	s6 =	simm.s32 $_size__tile_overlayer_lowered;
	s7 =	simm.s32 $_tile_overlayer_lowered  }
0x9c: {  	s22 =	simm.s32 $0x1BFF;
	s21 =	sshll.u32 s7, $0x1;
	s4 =	sadd.s32 s5, s19  }
0x9d: {  	s8 =	simm.s32 $0x0;
	s20 =	sshll.u32 s6, $0x1;
	s6 =	sadd.s32 s21, s4  }
0x9e: {  	[timem:s8], [sflag:s22] =	dma.local [hbm:s6], s20  }
0x9f: {  	_ =	swait.ge [sflag:s22], s20  }
0xa0: {  	s5 =	ssub.s32 $0x0, s20;
	[sflag:s22] =	ssyncset.done $0x0  }
0xa1: {  	[sflag:s22] =	ssyncadd.s32 s5;
	_ =	sdelay $0x1  }
0xa2: {  	s23 =	simm.s32 $0x1B8B  }
0xa3: {  	_ =	swait.ge [sflag:s23], $0x1  }
0xa4: {  	[sflag:s23] =	ssyncset.done $0x0  }
0xa5: {  	s25 =	simm.s32 $0x1B8E;
	s24 =	sld [smem:$0x3FFE];
	[sflag:s23] =	ssyncadd.s32 $0xFFFFFFFF  }
0xa6: {  	s26 =	simm.s32 $execute0_lowered;
	[smem:$0x3FD2] =	sst s25  }
0xa7: {  	s6 =	sshll.u32 s26, $0x1;
	_ =	strace $0x80000046;
	[dreg:$0x1] =	wrdreg $0xFFFFFFFF  }
0xa8: {  	s28 =	simm.s32 $_size_execute0_lowered;
	s4 =	sadd.s32 s4, s6;
	[dreg:$0x0] =	wrdreg $0x0  }
0xa9: {  	s6 =	sshll.u32 s28, $0x1;
	[dreg:$0x2] =	wrdreg s4  }
0xaa: {  	[dreg:$0x3] =	wrdreg s6  }
0xab: {  	[dreg:$0x4] =	wrdreg $0xC0  }
0xac: {  	_ =	task [dreg:s8], $0x5FFFF  }
0xad: {  	[dreg:$0x1] =	wrdreg $0xFFFFFFFF  }
0xae: {  	[dreg:$0x0] =	wrdreg $0x60  }
0xaf: {  	[dreg:$0x2] =	wrdreg s2  }
0xb0: {  	[dreg:$0x3] =	wrdreg s24  }
0xb1: {  	[dreg:$0x4] =	wrdreg s18  }
0xb2: {  	[dreg:$0x5] =	wrdreg $0x0  }
0xb3: {  	[dreg:$0x6] =	wrdreg $0x9  }
0xb4: {  	_ =	task.clear_ibuf [dreg:s8], $0x7FFFF;
	_ =	strace $0x90000046  }
0xb5: {  	s29 =	simm.s32 $0x9;
	_ =	strace $0x80000048  }
0xb6: {  	_ =	swait.ge [sflag:s29], $0x1  }
0xb7: {  	[sflag:s29] =	ssyncadd.s32 $0xFFFFFFFF  }
0xb8: {  	_ =	strace $0x90000048  }
0xb9: {  	_ =	sfence  }
0xba: {  	s30 =	sld [smem:$0x0];
	_ =	sdelay $0x2  }
0xbb: {  	s31 =	sshll.u32 s1, $0xD;
	s1 =	sshrl.u32 s1, $0x2  }
0xbc: {  	s3 =	sand.u32 $0x4000, s31;
	s1 =	sadd.s32 s1, s30  }
0xbd: {  	s0 =	sor.u32 s3, s0;
	s1 =	sshll.u32 s1, $0x11  }
0xbe: {  	s0 =	sor.u32 s1, s0  }
0xbf: {  	s0 =	sadd.s32 $0x8F2B, s0  }
0xc0: {  	[sflag:s0] =	ssyncadd.remote.s32 $0x1  }
0xc1: {  	_ =	sfence.sel $0xFFFF  }
0xc2: {  	[dreg:$0x0] =	wrdreg $0xFFFFFFFF;
	(pc) =	sbr.abs _section_cstart, $3  }
0xc3: {  	[dreg:$0x1] =	wrdreg $0xFFFFFFFF  }
0xc4: {  	_ =	task.clear_ibuf [dreg:s8], $0x2FFFF;
	_ =	strace $0x9FFFFFFF  }
0xc5: {  	(tm) =	ssettm $0x7FFFFFFF  }
tec
execute0_lowered:
.L_overlay_start_1:
0x0: {  	(tag) =	ssettag $0x1  }
0x1: {  	s11 =	rddreg [dreg:$0x0]  }
0x2: {  	s0 =	rddreg [dreg:$0x1]  }
0x3: {  	s1 =	srdreg.scid;
	s2 =	rddreg [dreg:$0x2]  }
0x4: {  	s15 =	stileid.u32;
	s3 =	rddreg [dreg:$0x3]  }
0x5: {  	s18 =	simm.s32 $0x6;
	s19 =	simm.s32 $0x80;
	s20 =	simm.s32 $0x16080  }
0x6: {  	s28 =	simm.s32 $0x2;
	s29 =	simm.s32 $0x1E280;
	s9 =	smul.u32 $0x4E000, s15  }
0x7: {  	s31 =	simm.s32 $0x3;
	s1 =	sand.u32 $0x1, s1;
	s23 =	smul.u32 $0x2700, s15  }
0x8: {  	s4 =	sshll.u32 s15, $0x1;
	s25 =	sshll.u32 s15, $0x6;
	s26 =	smul.u32 $0xFFFFFD80, s15  }
0x9: {  	s8 =	sor.u32 s1, s4;
	s21 =	ssub.s32 $0x2, s1;
	s1 =	smul.u32 $0xFFFFFEC0, s1  }
0xa: {  	s17 =	sadd.s32 $0x138000, s3;
	s4 =	simm.s32 $0x0;
	s5 =	smul.u32 $0x500, s8  }
0xb: {  	p0 =	sne.s32 s15, $0x0;
	[smem:$0x7FF] =	sst s4;
	s12 =	smul.u32 $0x140, s8  }
0xc: {  	s6 =	sshrl.u32 s21, $0x1;
	s24 =	sshrl.u32 s9, $0x2;
	s10 =	smul.u32 $0x1400, s8  }
0xd: {  	s8 =	sadd.s32 $0x27000, s11;
	_ =	strace $0x80000047;
	s14 =	ssub.s32 s21, s6  }
0xe: {  	s16 =	sadd.s32 s24, s3;
	s6 =	sadd.s32 s11, s23;
	s1 =	sadd.s32 s26, s1  }
0xf: {  	s23 =	simm.s32 $0x1;
	s24 =	simm.s32 $0x1E080;
	s21 =	simm.s32 $0x0  }
0x10: {  	s0 =	sadd.s32 s5, s0;
	s7 =	ssub.s32 $0x2710, s12;
	s10 =	sadd.s32 s2, s10  }
0x11: {  	s30 =	sadd.s32 $0x2710, s1;
	s12 =	sshrl.u32 s12, $0x3;
	s14 =	smax.u32 s14, $0x1  }
0x12: {  	s15 =	sshrl.u32 s16, $0x3;
	s16 =	sshrl.u32 @!p0 s17, $0x3;
	s1 =	simm.s32 $0x4  }
0x13: {  	s22 =	smin.u32 s7, $0x140;
	s7 =	sor.u32 $0x1C05, s25;
	s9 =	sadd.s32 $0x800, s0  }
0x14: {  	s11 =	sadd.s32 $0x40, s10;
	s0 =	smin.u32 s30, $0x140;
	s25 =	simm.s32 $0x5  }
0x15: {  	s5 =	sshrl.u32 s22, $0x2;
	s13 =	sshrl.u32 s0, $0x3;
	s22 =	simm.s32 $0x1A080  }
.LBB2_1:
0x16: {  	[spmem:s15], [sflag:s7] =	dma.local [hbm:s6], $0x2700  }
0x17: {  	s17 =	simm.s32 $0x13880  }
0x18: {  	[spmem:s16], [sflag:s7] =	dma.local @!p0 [hbm:s8], $0x100  }
0x19: {  	[tilespmem:s17], [sflag:$0x6] =	stream.linear.gather [hbm4b:s9+s4], $0x2800, $0x38;
	[tilespmem:$0x1E480] =	vst v63  }
0x1a: {  	_ =	swait.ge [sflag:s18], $0x2800  }
0x1b: {  	[sflag:s18] =	ssyncset.done $0x0  }
0x1c: {  	[sflag:s18] =	ssyncadd.s32 $0xFFFFD800  }
0x1d: {  	s0 =	rddreg [dreg:$0x0]  }
0x1e: {  	[tilespmem:s20], [sflag:$0x1] =	stream.indirect.gather [hbm4b:s0+s19], $0x80, s17, s19, $0xb8;
	[tilespmem:$0x1E480] =	vst v63  }
0x1f: {  	s26 =	simm.s32 $0x13900  }
0x20: {  	[tilespmem:s22], [sflag:$0x2] =	stream.indirect.gather [hbm4b:s0+s19], $0x80, s26, s19, $0xb8;
	[tilespmem:$0x1E480] =	vst v63  }
0x21: {  	_ =	swait.ge [sflag:s23], $0x4000  }
0x22: {  	[sflag:s23] =	ssyncset.done $0x0  }
0x23: {  	s30 =	simm.s32 $0x0;
	[sflag:s23] =	ssyncadd.s32 $0xFFFFC000  }
0x24: {  	v0 =	vld [tilespmem:s30+$0x160F0]  }
0x25: {  	v2 =	vld [tilespmem:s30+$0x16080]  }
0x26: {  	v3 =	vld [tilespmem:s30+$0x16090]  }
0x27: {  	v11 =	vld [tilespmem:s30+$0x160A0]  }
0x28: {  	v10 =	vld [tilespmem:s30+$0x160B0]  }
0x29: {  	v1 =	vimm.f32 $0.0e+00;
	v6 =	vimm.f32 $0.0e+00;
	v7 =	vld [tilespmem:s30+$0x160C0]  }
0x2a: {  	v8 =	vimm.f32 $0.0e+00;
	v4 =	vimm.f32 $0.0e+00;
	v9 =	vld [tilespmem:s30+$0x160D0];
	v0 =	vadd.f32 v0, v1  }
0x2b: {  	s26 =	simm.s32 $0x80;
	s0 =	simm.s32 $0x400;
	v12 =	vld [tilespmem:s30+$0x160E0];
	v5 =	vadd.f32 v2, v1;
	v3 =	vadd.f32 v3, v1;
	v2 =	vimm.f32 $0.0e+00  }
.LBB2_2:
0x2c: {  	p1 =	sne.s32 s0, $0x3E00;
	v13 =	vld [tilespmem:s26+$0x160F0];
	v1 =	vadd.f32 v11, v1  }
0x2d: {  	v14 =	vld [tilespmem:s26+$0x16080];
	v6 =	vadd.f32 v10, v6  }
0x2e: {  	v15 =	vld [tilespmem:s26+$0x16090];
	v8 =	vadd.f32 v7, v8  }
.Ltmp0:
0x2f: {  	v11 =	vld [tilespmem:s26+$0x160A0];
	v4 =	vadd.f32 v9, v4;
	(pc) =	sbr.rel @p1 .LBB2_2-.Ltmp0, $4  }
0x30: {  	v10 =	vld [tilespmem:s26+$0x160B0];
	v2 =	vadd.f32 v12, v2  }
0x31: {  	v7 =	vld [tilespmem:s26+$0x160C0];
	v0 =	vadd.f32 v13, v0  }
0x32: {  	v5 =	vadd.f32 v14, v5;
	v9 =	vld [tilespmem:s26+$0x160D0]  }
0x33: {  	v3 =	vadd.f32 v15, v3;
	v12 =	vld [tilespmem:s26+$0x160E0];
	s26 =	sshra.s32 s0, $0x2;
	s0 =	sadd.s32 $0x200, s0  }
0x34: {  	v14 =	vld [tilespmem:s26+$0x16080]  }
0x35: {  	v15 =	vld [tilespmem:s26+$0x16090]  }
0x36: {  	v16 =	vld [tilespmem:s26+$0x160A0]  }
0x37: {  	v13 =	vld [tilespmem:s26+$0x160F0]  }
0x38: {  	v6 =	vadd.f32 v10, v6;
	v10 =	vld [tilespmem:s26+$0x160E0]  }
0x39: {  	v17 =	vld [tilespmem:s26+$0x160B0];
	v1 =	vadd.f32 v11, v1;
	v5 =	vadd.f32 v14, v5  }
0x3a: {  	v18 =	vld [tilespmem:s26+$0x160C0];
	v3 =	vadd.f32 v15, v3  }
0x3b: {  	v11 =	vld [tilespmem:s26+$0x160D0];
	v2 =	vadd.f32 v12, v2;
	v1 =	vadd.f32 v16, v1;
	[tilespmem:$0x1E080] =	vst v5  }
0x3c: {  	v0 =	vadd.f32 v13, v0;
	[tilespmem:$0x1E090] =	vst v3  }
0x3d: {  	v7 =	vadd.f32 v7, v8;
	v2 =	vadd.f32 v10, v2;
	[tilespmem:$0x1E0A0] =	vst v1  }
0x3e: {  	v4 =	vadd.f32 v9, v4;
	v5 =	vadd.f32 v17, v6;
	[tilespmem:$0x1E0F0] =	vst v0  }
0x3f: {  	v3 =	vadd.f32 v18, v7;
	[tilespmem:$0x1E0E0] =	vst v2  }
0x40: {  	v1 =	vadd.f32 v11, v4;
	[tilespmem:$0x1E0B0] =	vst v5  }
0x41: {  	[tilespmem:$0x1E0C0] =	vst v3  }
0x42: {  	s17 =	simm.s32 $0x0;
	[tilespmem:$0x1E0D0] =	vst v1  }
0x43: {  	v0 =	vld [tilespmem:s17+$0x170F0]  }
0x44: {  	v2 =	vld [tilespmem:s17+$0x17080]  }
0x45: {  	v3 =	vld [tilespmem:s17+$0x17090]  }
0x46: {  	v11 =	vld [tilespmem:s17+$0x170A0]  }
0x47: {  	v10 =	vld [tilespmem:s17+$0x170B0]  }
0x48: {  	v8 =	vimm.f32 $0.0e+00;
	v1 =	vimm.f32 $0.0e+00;
	v7 =	vld [tilespmem:s17+$0x170C0]  }
0x49: {  	v6 =	vimm.f32 $0.0e+00;
	v4 =	vimm.f32 $0.0e+00;
	v9 =	vld [tilespmem:s17+$0x170D0];
	v0 =	vadd.f32 v0, v1  }
0x4a: {  	s0 =	simm.s32 $0x400;
	s26 =	simm.s32 $0x80;
	v12 =	vld [tilespmem:s17+$0x170E0];
	v5 =	vadd.f32 v2, v1;
	v3 =	vadd.f32 v3, v1;
	v2 =	vimm.f32 $0.0e+00  }
.LBB2_4:
0x4b: {  	p1 =	sne.s32 s0, $0x3E00;
	v13 =	vld [tilespmem:s26+$0x170F0];
	v1 =	vadd.f32 v11, v1  }
0x4c: {  	v14 =	vld [tilespmem:s26+$0x17080];
	v6 =	vadd.f32 v10, v6  }
0x4d: {  	v15 =	vld [tilespmem:s26+$0x17090];
	v8 =	vadd.f32 v7, v8  }
.Ltmp1:
0x4e: {  	v11 =	vld [tilespmem:s26+$0x170A0];
	v4 =	vadd.f32 v9, v4;
	(pc) =	sbr.rel @p1 .LBB2_4-.Ltmp1, $4  }
0x4f: {  	v10 =	vld [tilespmem:s26+$0x170B0];
	v2 =	vadd.f32 v12, v2  }
0x50: {  	v7 =	vld [tilespmem:s26+$0x170C0];
	v0 =	vadd.f32 v13, v0  }
0x51: {  	v5 =	vadd.f32 v14, v5;
	v9 =	vld [tilespmem:s26+$0x170D0]  }
0x52: {  	v3 =	vadd.f32 v15, v3;
	v12 =	vld [tilespmem:s26+$0x170E0];
	s26 =	sshra.s32 s0, $0x2;
	s0 =	sadd.s32 $0x200, s0  }
0x53: {  	v14 =	vld [tilespmem:s26+$0x17080]  }
0x54: {  	v15 =	vld [tilespmem:s26+$0x17090]  }
0x55: {  	v16 =	vld [tilespmem:s26+$0x170A0]  }
0x56: {  	v13 =	vld [tilespmem:s26+$0x170F0]  }
0x57: {  	v6 =	vadd.f32 v10, v6;
	v10 =	vld [tilespmem:s26+$0x170E0]  }
0x58: {  	v17 =	vld [tilespmem:s26+$0x170B0];
	v1 =	vadd.f32 v11, v1;
	v5 =	vadd.f32 v14, v5  }
0x59: {  	v18 =	vld [tilespmem:s26+$0x170C0];
	v3 =	vadd.f32 v15, v3  }
0x5a: {  	v11 =	vld [tilespmem:s26+$0x170D0];
	v2 =	vadd.f32 v12, v2;
	v1 =	vadd.f32 v16, v1;
	[tilespmem:$0x1E100] =	vst v5  }
0x5b: {  	v0 =	vadd.f32 v13, v0;
	[tilespmem:$0x1E110] =	vst v3  }
0x5c: {  	v7 =	vadd.f32 v7, v8;
	v2 =	vadd.f32 v10, v2;
	[tilespmem:$0x1E120] =	vst v1  }
0x5d: {  	v4 =	vadd.f32 v9, v4;
	v5 =	vadd.f32 v17, v6;
	[tilespmem:$0x1E170] =	vst v0  }
0x5e: {  	v3 =	vadd.f32 v18, v7;
	[tilespmem:$0x1E160] =	vst v2  }
0x5f: {  	v1 =	vadd.f32 v11, v4;
	[tilespmem:$0x1E130] =	vst v5  }
0x60: {  	[tilespmem:$0x1E140] =	vst v3  }
0x61: {  	s17 =	simm.s32 $0x0;
	[tilespmem:$0x1E150] =	vst v1  }
0x62: {  	v0 =	vld [tilespmem:s17+$0x180F0]  }
0x63: {  	v2 =	vld [tilespmem:s17+$0x18080]  }
0x64: {  	v3 =	vld [tilespmem:s17+$0x18090]  }
0x65: {  	v11 =	vld [tilespmem:s17+$0x180A0]  }
0x66: {  	v10 =	vld [tilespmem:s17+$0x180B0]  }
0x67: {  	v8 =	vimm.f32 $0.0e+00;
	v1 =	vimm.f32 $0.0e+00;
	v7 =	vld [tilespmem:s17+$0x180C0]  }
0x68: {  	v6 =	vimm.f32 $0.0e+00;
	v4 =	vimm.f32 $0.0e+00;
	v9 =	vld [tilespmem:s17+$0x180D0];
	v0 =	vadd.f32 v0, v1  }
0x69: {  	s0 =	simm.s32 $0x400;
	s26 =	simm.s32 $0x80;
	v12 =	vld [tilespmem:s17+$0x180E0];
	v5 =	vadd.f32 v2, v1;
	v3 =	vadd.f32 v3, v1;
	v2 =	vimm.f32 $0.0e+00  }
.LBB2_6:
0x6a: {  	p1 =	sne.s32 s0, $0x3E00;
	v13 =	vld [tilespmem:s26+$0x180F0];
	v1 =	vadd.f32 v11, v1  }
0x6b: {  	v14 =	vld [tilespmem:s26+$0x18080];
	v6 =	vadd.f32 v10, v6  }
0x6c: {  	v15 =	vld [tilespmem:s26+$0x18090];
	v8 =	vadd.f32 v7, v8  }
.Ltmp2:
0x6d: {  	v11 =	vld [tilespmem:s26+$0x180A0];
	v4 =	vadd.f32 v9, v4;
	(pc) =	sbr.rel @p1 .LBB2_6-.Ltmp2, $4  }
0x6e: {  	v10 =	vld [tilespmem:s26+$0x180B0];
	v2 =	vadd.f32 v12, v2  }
0x6f: {  	v7 =	vld [tilespmem:s26+$0x180C0];
	v0 =	vadd.f32 v13, v0  }
0x70: {  	v5 =	vadd.f32 v14, v5;
	v9 =	vld [tilespmem:s26+$0x180D0]  }
0x71: {  	v3 =	vadd.f32 v15, v3;
	v12 =	vld [tilespmem:s26+$0x180E0];
	s26 =	sshra.s32 s0, $0x2;
	s0 =	sadd.s32 $0x200, s0  }
0x72: {  	v14 =	vld [tilespmem:s26+$0x18080]  }
0x73: {  	v15 =	vld [tilespmem:s26+$0x18090]  }
0x74: {  	v16 =	vld [tilespmem:s26+$0x180A0]  }
0x75: {  	v13 =	vld [tilespmem:s26+$0x180F0]  }
0x76: {  	v6 =	vadd.f32 v10, v6;
	v10 =	vld [tilespmem:s26+$0x180E0]  }
0x77: {  	v17 =	vld [tilespmem:s26+$0x180B0];
	v1 =	vadd.f32 v11, v1;
	v5 =	vadd.f32 v14, v5  }
0x78: {  	v18 =	vld [tilespmem:s26+$0x180C0];
	v3 =	vadd.f32 v15, v3  }
0x79: {  	v11 =	vld [tilespmem:s26+$0x180D0];
	v2 =	vadd.f32 v12, v2;
	v1 =	vadd.f32 v16, v1;
	[tilespmem:$0x1E180] =	vst v5  }
0x7a: {  	v0 =	vadd.f32 v13, v0;
	[tilespmem:$0x1E190] =	vst v3  }
0x7b: {  	v7 =	vadd.f32 v7, v8;
	v2 =	vadd.f32 v10, v2;
	[tilespmem:$0x1E1A0] =	vst v1  }
0x7c: {  	v4 =	vadd.f32 v9, v4;
	v5 =	vadd.f32 v17, v6;
	[tilespmem:$0x1E1F0] =	vst v0  }
0x7d: {  	v3 =	vadd.f32 v18, v7;
	[tilespmem:$0x1E1E0] =	vst v2  }
0x7e: {  	v1 =	vadd.f32 v11, v4;
	[tilespmem:$0x1E1B0] =	vst v5  }
0x7f: {  	[tilespmem:$0x1E1C0] =	vst v3  }
0x80: {  	s17 =	simm.s32 $0x0;
	[tilespmem:$0x1E1D0] =	vst v1  }
0x81: {  	v0 =	vld [tilespmem:s17+$0x190F0]  }
0x82: {  	v2 =	vld [tilespmem:s17+$0x19080]  }
0x83: {  	v3 =	vld [tilespmem:s17+$0x19090]  }
0x84: {  	v11 =	vld [tilespmem:s17+$0x190A0]  }
0x85: {  	v10 =	vld [tilespmem:s17+$0x190B0]  }
0x86: {  	v8 =	vimm.f32 $0.0e+00;
	v1 =	vimm.f32 $0.0e+00;
	v7 =	vld [tilespmem:s17+$0x190C0]  }
0x87: {  	v6 =	vimm.f32 $0.0e+00;
	v4 =	vimm.f32 $0.0e+00;
	v9 =	vld [tilespmem:s17+$0x190D0];
	v0 =	vadd.f32 v0, v1  }
0x88: {  	s0 =	simm.s32 $0x400;
	s26 =	simm.s32 $0x80;
	v12 =	vld [tilespmem:s17+$0x190E0];
	v5 =	vadd.f32 v2, v1;
	v3 =	vadd.f32 v3, v1;
	v2 =	vimm.f32 $0.0e+00  }
.LBB2_8:
0x89: {  	p1 =	sne.s32 s0, $0x3E00;
	v13 =	vld [tilespmem:s26+$0x190F0];
	v1 =	vadd.f32 v11, v1  }
0x8a: {  	v14 =	vld [tilespmem:s26+$0x19080];
	v6 =	vadd.f32 v10, v6  }
0x8b: {  	v15 =	vld [tilespmem:s26+$0x19090];
	v8 =	vadd.f32 v7, v8  }
.Ltmp3:
0x8c: {  	v11 =	vld [tilespmem:s26+$0x190A0];
	v4 =	vadd.f32 v9, v4;
	(pc) =	sbr.rel @p1 .LBB2_8-.Ltmp3, $4  }
0x8d: {  	v10 =	vld [tilespmem:s26+$0x190B0];
	v2 =	vadd.f32 v12, v2  }
0x8e: {  	v7 =	vld [tilespmem:s26+$0x190C0];
	v0 =	vadd.f32 v13, v0  }
0x8f: {  	v5 =	vadd.f32 v14, v5;
	v9 =	vld [tilespmem:s26+$0x190D0]  }
0x90: {  	v3 =	vadd.f32 v15, v3;
	v12 =	vld [tilespmem:s26+$0x190E0];
	s26 =	sshra.s32 s0, $0x2;
	s0 =	sadd.s32 $0x200, s0  }
0x91: {  	v14 =	vld [tilespmem:s26+$0x19080]  }
0x92: {  	v15 =	vld [tilespmem:s26+$0x19090]  }
0x93: {  	v16 =	vld [tilespmem:s26+$0x190A0]  }
0x94: {  	v13 =	vld [tilespmem:s26+$0x190F0]  }
0x95: {  	v6 =	vadd.f32 v10, v6;
	v10 =	vld [tilespmem:s26+$0x190E0]  }
0x96: {  	v17 =	vld [tilespmem:s26+$0x190B0];
	v1 =	vadd.f32 v11, v1;
	v5 =	vadd.f32 v14, v5  }
0x97: {  	v18 =	vld [tilespmem:s26+$0x190C0];
	v3 =	vadd.f32 v15, v3  }
0x98: {  	v11 =	vld [tilespmem:s26+$0x190D0];
	v2 =	vadd.f32 v12, v2;
	v1 =	vadd.f32 v16, v1;
	[tilespmem:$0x1E200] =	vst v5  }
0x99: {  	v0 =	vadd.f32 v13, v0;
	[tilespmem:$0x1E210] =	vst v3  }
0x9a: {  	v7 =	vadd.f32 v7, v8;
	v2 =	vadd.f32 v10, v2;
	[tilespmem:$0x1E220] =	vst v1  }
0x9b: {  	v4 =	vadd.f32 v9, v4;
	v5 =	vadd.f32 v17, v6;
	[tilespmem:$0x1E270] =	vst v0  }
0x9c: {  	v3 =	vadd.f32 v18, v7;
	[tilespmem:$0x1E260] =	vst v2  }
0x9d: {  	v1 =	vadd.f32 v11, v4;
	[tilespmem:$0x1E230] =	vst v5  }
0x9e: {  	[tilespmem:$0x1E240] =	vst v3  }
0x9f: {  	[tilespmem:$0x1E250] =	vst v1  }
0xa0: {  	[hbm4b:s10+s4] =	stream.linear.scatter [tilespmem:s24], [sflag:$0x3], $0x200, $0x38;
	[tilespmem:$0x1E480] =	vst v63  }
0xa1: {  	_ =	swait.ge [sflag:s25], $0x2700  }
0xa2: {  	[sflag:s25] =	ssyncset.done $0x0  }
0xa3: {  	s0 =	simm.s32 @!p0 $0x5;
	[sflag:s25] =	ssyncadd.s32 $0xFFFFD900  }
0xa4: {  	_ =	swait.ge @!p0 [sflag:s0], $0x100  }
0xa5: {  	[sflag:s0] =	ssyncset.done @!p0 $0x0  }
0xa6: {  	[sflag:s0] =	ssyncadd.s32 @!p0 $0xFFFFFF00  }
0xa7: {  	s30 =	simm.s32 $0x13980;
	[bflag:$0x0] =	sbarrier.arrive $0xFFFF  }
0xa8: {  	[tilespmem:s20], [sflag:$0x1] =	stream.indirect.gather [spmem:s3], $0x80, s30, s19, $0xb8;
	[tilespmem:$0x1E480] =	vst v63  }
0xa9: {  	_ =	swait.ge [sflag:s28], $0x4000  }
0xaa: {  	[sflag:s28] =	ssyncset.done $0x0  }
0xab: {  	s17 =	simm.s32 $0x0;
	[sflag:s28] =	ssyncadd.s32 $0xFFFFC000  }
0xac: {  	v0 =	vld [tilespmem:s17+$0x1A0F0]  }
0xad: {  	v2 =	vld [tilespmem:s17+$0x1A080]  }
0xae: {  	v3 =	vld [tilespmem:s17+$0x1A090]  }
0xaf: {  	v11 =	vld [tilespmem:s17+$0x1A0A0]  }
0xb0: {  	v10 =	vld [tilespmem:s17+$0x1A0B0]  }
0xb1: {  	v8 =	vimm.f32 $0.0e+00;
	v1 =	vimm.f32 $0.0e+00;
	v7 =	vld [tilespmem:s17+$0x1A0C0]  }
0xb2: {  	v6 =	vimm.f32 $0.0e+00;
	v4 =	vimm.f32 $0.0e+00;
	v9 =	vld [tilespmem:s17+$0x1A0D0];
	v0 =	vadd.f32 v0, v1  }
0xb3: {  	s26 =	simm.s32 $0x80;
	s0 =	simm.s32 $0x400;
	v12 =	vld [tilespmem:s17+$0x1A0E0];
	v5 =	vadd.f32 v2, v1;
	v3 =	vadd.f32 v3, v1;
	v2 =	vimm.f32 $0.0e+00  }
.LBB2_10:
0xb4: {  	p1 =	sne.s32 s0, $0x3E00;
	v13 =	vld [tilespmem:s26+$0x1A0F0];
	v1 =	vadd.f32 v11, v1  }
0xb5: {  	v14 =	vld [tilespmem:s26+$0x1A080];
	v6 =	vadd.f32 v10, v6  }
0xb6: {  	v15 =	vld [tilespmem:s26+$0x1A090];
	v8 =	vadd.f32 v7, v8  }
.Ltmp4:
0xb7: {  	v11 =	vld [tilespmem:s26+$0x1A0A0];
	v4 =	vadd.f32 v9, v4;
	(pc) =	sbr.rel @p1 .LBB2_10-.Ltmp4, $4  }
0xb8: {  	v10 =	vld [tilespmem:s26+$0x1A0B0];
	v2 =	vadd.f32 v12, v2  }
0xb9: {  	v7 =	vld [tilespmem:s26+$0x1A0C0];
	v0 =	vadd.f32 v13, v0  }
0xba: {  	v5 =	vadd.f32 v14, v5;
	v9 =	vld [tilespmem:s26+$0x1A0D0]  }
0xbb: {  	v3 =	vadd.f32 v15, v3;
	v12 =	vld [tilespmem:s26+$0x1A0E0];
	s26 =	sshra.s32 s0, $0x2;
	s0 =	sadd.s32 $0x200, s0  }
0xbc: {  	v14 =	vld [tilespmem:s26+$0x1A080]  }
0xbd: {  	v15 =	vld [tilespmem:s26+$0x1A090]  }
0xbe: {  	v16 =	vld [tilespmem:s26+$0x1A0A0]  }
0xbf: {  	v13 =	vld [tilespmem:s26+$0x1A0F0]  }
0xc0: {  	v6 =	vadd.f32 v10, v6;
	v10 =	vld [tilespmem:s26+$0x1A0E0]  }
0xc1: {  	v17 =	vld [tilespmem:s26+$0x1A0B0];
	v1 =	vadd.f32 v11, v1;
	v5 =	vadd.f32 v14, v5  }
0xc2: {  	v18 =	vld [tilespmem:s26+$0x1A0C0];
	v3 =	vadd.f32 v15, v3  }
0xc3: {  	v11 =	vld [tilespmem:s26+$0x1A0D0];
	v2 =	vadd.f32 v12, v2;
	v1 =	vadd.f32 v16, v1;
	[tilespmem:$0x1E280] =	vst v5  }
0xc4: {  	v0 =	vadd.f32 v13, v0;
	[tilespmem:$0x1E290] =	vst v3  }
0xc5: {  	v7 =	vadd.f32 v7, v8;
	v2 =	vadd.f32 v10, v2;
	[tilespmem:$0x1E2A0] =	vst v1  }
0xc6: {  	v4 =	vadd.f32 v9, v4;
	v5 =	vadd.f32 v17, v6;
	[tilespmem:$0x1E2F0] =	vst v0  }
0xc7: {  	v3 =	vadd.f32 v18, v7;
	[tilespmem:$0x1E2E0] =	vst v2  }
0xc8: {  	v1 =	vadd.f32 v11, v4;
	[tilespmem:$0x1E2B0] =	vst v5  }
0xc9: {  	[tilespmem:$0x1E2C0] =	vst v3  }
0xca: {  	s17 =	simm.s32 $0x0;
	[tilespmem:$0x1E2D0] =	vst v1  }
0xcb: {  	v0 =	vld [tilespmem:s17+$0x1B0F0]  }
0xcc: {  	v2 =	vld [tilespmem:s17+$0x1B080]  }
0xcd: {  	v3 =	vld [tilespmem:s17+$0x1B090]  }
0xce: {  	v11 =	vld [tilespmem:s17+$0x1B0A0]  }
0xcf: {  	v10 =	vld [tilespmem:s17+$0x1B0B0]  }
0xd0: {  	v8 =	vimm.f32 $0.0e+00;
	v1 =	vimm.f32 $0.0e+00;
	v7 =	vld [tilespmem:s17+$0x1B0C0]  }
0xd1: {  	v6 =	vimm.f32 $0.0e+00;
	v4 =	vimm.f32 $0.0e+00;
	v9 =	vld [tilespmem:s17+$0x1B0D0];
	v0 =	vadd.f32 v0, v1  }
0xd2: {  	s0 =	simm.s32 $0x400;
	s26 =	simm.s32 $0x80;
	v12 =	vld [tilespmem:s17+$0x1B0E0];
	v5 =	vadd.f32 v2, v1;
	v3 =	vadd.f32 v3, v1;
	v2 =	vimm.f32 $0.0e+00  }
.LBB2_12:
0xd3: {  	p1 =	sne.s32 s0, $0x3E00;
	v13 =	vld [tilespmem:s26+$0x1B0F0];
	v1 =	vadd.f32 v11, v1  }
0xd4: {  	v14 =	vld [tilespmem:s26+$0x1B080];
	v6 =	vadd.f32 v10, v6  }
0xd5: {  	v15 =	vld [tilespmem:s26+$0x1B090];
	v8 =	vadd.f32 v7, v8  }
.Ltmp5:
0xd6: {  	v11 =	vld [tilespmem:s26+$0x1B0A0];
	v4 =	vadd.f32 v9, v4;
	(pc) =	sbr.rel @p1 .LBB2_12-.Ltmp5, $4  }
0xd7: {  	v10 =	vld [tilespmem:s26+$0x1B0B0];
	v2 =	vadd.f32 v12, v2  }
0xd8: {  	v7 =	vld [tilespmem:s26+$0x1B0C0];
	v0 =	vadd.f32 v13, v0  }
0xd9: {  	v5 =	vadd.f32 v14, v5;
	v9 =	vld [tilespmem:s26+$0x1B0D0]  }
0xda: {  	v3 =	vadd.f32 v15, v3;
	v12 =	vld [tilespmem:s26+$0x1B0E0];
	s26 =	sshra.s32 s0, $0x2;
	s0 =	sadd.s32 $0x200, s0  }
0xdb: {  	v14 =	vld [tilespmem:s26+$0x1B080]  }
0xdc: {  	v15 =	vld [tilespmem:s26+$0x1B090]  }
0xdd: {  	v16 =	vld [tilespmem:s26+$0x1B0A0]  }
0xde: {  	v13 =	vld [tilespmem:s26+$0x1B0F0]  }
0xdf: {  	v6 =	vadd.f32 v10, v6;
	v10 =	vld [tilespmem:s26+$0x1B0E0]  }
0xe0: {  	v17 =	vld [tilespmem:s26+$0x1B0B0];
	v1 =	vadd.f32 v11, v1;
	v5 =	vadd.f32 v14, v5  }
0xe1: {  	v18 =	vld [tilespmem:s26+$0x1B0C0];
	v3 =	vadd.f32 v15, v3  }
0xe2: {  	v11 =	vld [tilespmem:s26+$0x1B0D0];
	v2 =	vadd.f32 v12, v2;
	v1 =	vadd.f32 v16, v1;
	[tilespmem:$0x1E300] =	vst v5  }
0xe3: {  	v0 =	vadd.f32 v13, v0;
	[tilespmem:$0x1E310] =	vst v3  }
0xe4: {  	v7 =	vadd.f32 v7, v8;
	v2 =	vadd.f32 v10, v2;
	[tilespmem:$0x1E320] =	vst v1  }
0xe5: {  	v4 =	vadd.f32 v9, v4;
	v5 =	vadd.f32 v17, v6;
	[tilespmem:$0x1E370] =	vst v0  }
0xe6: {  	v3 =	vadd.f32 v18, v7;
	[tilespmem:$0x1E360] =	vst v2  }
0xe7: {  	v1 =	vadd.f32 v11, v4;
	[tilespmem:$0x1E330] =	vst v5  }
0xe8: {  	[tilespmem:$0x1E340] =	vst v3  }
0xe9: {  	s17 =	simm.s32 $0x0;
	[tilespmem:$0x1E350] =	vst v1  }
0xea: {  	v0 =	vld [tilespmem:s17+$0x1C0F0]  }
0xeb: {  	v2 =	vld [tilespmem:s17+$0x1C080]  }
0xec: {  	v3 =	vld [tilespmem:s17+$0x1C090]  }
0xed: {  	v11 =	vld [tilespmem:s17+$0x1C0A0]  }
0xee: {  	v10 =	vld [tilespmem:s17+$0x1C0B0]  }
0xef: {  	v8 =	vimm.f32 $0.0e+00;
	v1 =	vimm.f32 $0.0e+00;
	v7 =	vld [tilespmem:s17+$0x1C0C0]  }
0xf0: {  	v6 =	vimm.f32 $0.0e+00;
	v4 =	vimm.f32 $0.0e+00;
	v9 =	vld [tilespmem:s17+$0x1C0D0];
	v0 =	vadd.f32 v0, v1  }
0xf1: {  	s0 =	simm.s32 $0x400;
	s26 =	simm.s32 $0x80;
	v12 =	vld [tilespmem:s17+$0x1C0E0];
	v5 =	vadd.f32 v2, v1;
	v3 =	vadd.f32 v3, v1;
	v2 =	vimm.f32 $0.0e+00  }
.LBB2_14:
0xf2: {  	p1 =	sne.s32 s0, $0x3E00;
	v13 =	vld [tilespmem:s26+$0x1C0F0];
	v1 =	vadd.f32 v11, v1  }
0xf3: {  	v14 =	vld [tilespmem:s26+$0x1C080];
	v6 =	vadd.f32 v10, v6  }
0xf4: {  	v15 =	vld [tilespmem:s26+$0x1C090];
	v8 =	vadd.f32 v7, v8  }
.Ltmp6:
0xf5: {  	v11 =	vld [tilespmem:s26+$0x1C0A0];
	v4 =	vadd.f32 v9, v4;
	(pc) =	sbr.rel @p1 .LBB2_14-.Ltmp6, $4  }
0xf6: {  	v10 =	vld [tilespmem:s26+$0x1C0B0];
	v2 =	vadd.f32 v12, v2  }
0xf7: {  	v7 =	vld [tilespmem:s26+$0x1C0C0];
	v0 =	vadd.f32 v13, v0  }
0xf8: {  	v5 =	vadd.f32 v14, v5;
	v9 =	vld [tilespmem:s26+$0x1C0D0]  }
0xf9: {  	v3 =	vadd.f32 v15, v3;
	v12 =	vld [tilespmem:s26+$0x1C0E0];
	s26 =	sshra.s32 s0, $0x2;
	s0 =	sadd.s32 $0x200, s0  }
0xfa: {  	v14 =	vld [tilespmem:s26+$0x1C080]  }
0xfb: {  	v15 =	vld [tilespmem:s26+$0x1C090]  }
0xfc: {  	v16 =	vld [tilespmem:s26+$0x1C0A0]  }
0xfd: {  	v13 =	vld [tilespmem:s26+$0x1C0F0]  }
0xfe: {  	v6 =	vadd.f32 v10, v6;
	v10 =	vld [tilespmem:s26+$0x1C0E0]  }
0xff: {  	v17 =	vld [tilespmem:s26+$0x1C0B0];
	v1 =	vadd.f32 v11, v1;
	v5 =	vadd.f32 v14, v5  }
0x100: {  	v18 =	vld [tilespmem:s26+$0x1C0C0];
	v3 =	vadd.f32 v15, v3  }
0x101: {  	v11 =	vld [tilespmem:s26+$0x1C0D0];
	v2 =	vadd.f32 v12, v2;
	v1 =	vadd.f32 v16, v1;
	[tilespmem:$0x1E380] =	vst v5  }
0x102: {  	v0 =	vadd.f32 v13, v0;
	[tilespmem:$0x1E390] =	vst v3  }
0x103: {  	v7 =	vadd.f32 v7, v8;
	v2 =	vadd.f32 v10, v2;
	[tilespmem:$0x1E3A0] =	vst v1  }
0x104: {  	v4 =	vadd.f32 v9, v4;
	v5 =	vadd.f32 v17, v6;
	[tilespmem:$0x1E3F0] =	vst v0  }
0x105: {  	v3 =	vadd.f32 v18, v7;
	[tilespmem:$0x1E3E0] =	vst v2  }
0x106: {  	v1 =	vadd.f32 v11, v4;
	[tilespmem:$0x1E3B0] =	vst v5  }
0x107: {  	[tilespmem:$0x1E3C0] =	vst v3  }
0x108: {  	s17 =	simm.s32 $0x0;
	[tilespmem:$0x1E3D0] =	vst v1  }
0x109: {  	v0 =	vld [tilespmem:s17+$0x1D0F0]  }
0x10a: {  	v2 =	vld [tilespmem:s17+$0x1D080]  }
0x10b: {  	v3 =	vld [tilespmem:s17+$0x1D090]  }
0x10c: {  	v11 =	vld [tilespmem:s17+$0x1D0A0]  }
0x10d: {  	v10 =	vld [tilespmem:s17+$0x1D0B0]  }
0x10e: {  	v8 =	vimm.f32 $0.0e+00;
	v1 =	vimm.f32 $0.0e+00;
	v7 =	vld [tilespmem:s17+$0x1D0C0]  }
0x10f: {  	v6 =	vimm.f32 $0.0e+00;
	v4 =	vimm.f32 $0.0e+00;
	v9 =	vld [tilespmem:s17+$0x1D0D0];
	v0 =	vadd.f32 v0, v1  }
0x110: {  	s0 =	simm.s32 $0x400;
	s26 =	simm.s32 $0x80;
	v12 =	vld [tilespmem:s17+$0x1D0E0];
	v5 =	vadd.f32 v2, v1;
	v3 =	vadd.f32 v3, v1;
	v2 =	vimm.f32 $0.0e+00  }
.LBB2_16:
0x111: {  	p1 =	sne.s32 s0, $0x3E00;
	v13 =	vld [tilespmem:s26+$0x1D0F0];
	v1 =	vadd.f32 v11, v1  }
0x112: {  	v14 =	vld [tilespmem:s26+$0x1D080];
	v6 =	vadd.f32 v10, v6  }
0x113: {  	v15 =	vld [tilespmem:s26+$0x1D090];
	v8 =	vadd.f32 v7, v8  }
.Ltmp7:
0x114: {  	v11 =	vld [tilespmem:s26+$0x1D0A0];
	v4 =	vadd.f32 v9, v4;
	(pc) =	sbr.rel @p1 .LBB2_16-.Ltmp7, $4  }
0x115: {  	v10 =	vld [tilespmem:s26+$0x1D0B0];
	v2 =	vadd.f32 v12, v2  }
0x116: {  	v7 =	vld [tilespmem:s26+$0x1D0C0];
	v0 =	vadd.f32 v13, v0  }
0x117: {  	v5 =	vadd.f32 v14, v5;
	v9 =	vld [tilespmem:s26+$0x1D0D0]  }
0x118: {  	v3 =	vadd.f32 v15, v3;
	v12 =	vld [tilespmem:s26+$0x1D0E0];
	s26 =	sshra.s32 s0, $0x2;
	s0 =	sadd.s32 $0x200, s0  }
0x119: {  	v14 =	vld [tilespmem:s26+$0x1D080]  }
0x11a: {  	v15 =	vld [tilespmem:s26+$0x1D090]  }
0x11b: {  	v16 =	vld [tilespmem:s26+$0x1D0A0]  }
0x11c: {  	v17 =	vld [tilespmem:s26+$0x1D0B0]  }
0x11d: {  	v18 =	vld [tilespmem:s26+$0x1D0C0]  }
0x11e: {  	v1 =	vadd.f32 v11, v1;
	v59 =	vld [tilespmem:s26+$0x1D0D0];
	v5 =	vadd.f32 v14, v5  }
0x11f: {  	v13 =	vld [tilespmem:s26+$0x1D0F0];
	v6 =	vadd.f32 v10, v6;
	v3 =	vadd.f32 v15, v3  }
0x120: {  	v60 =	vld [tilespmem:s26+$0x1D0E0];
	v7 =	vadd.f32 v7, v8;
	v1 =	vadd.f32 v16, v1;
	[tilespmem:$0x1E400] =	vst v5  }
0x121: {  	v4 =	vadd.f32 v9, v4;
	v61 =	vadd.f32 v17, v6;
	[tilespmem:$0x1E410] =	vst v3  }
0x122: {  	v62 =	vadd.f32 v18, v7;
	[tilespmem:$0x1E420] =	vst v1  }
0x123: {  	v2 =	vadd.f32 v12, v2;
	v63 =	vadd.f32 v59, v4;
	[tilespmem:$0x1E430] =	vst v61  }
0x124: {  	v0 =	vadd.f32 v13, v0;
	[tilespmem:$0x1E440] =	vst v62  }
0x125: {  	v2 =	vadd.f32 v60, v2;
	[tilespmem:$0x1E450] =	vst v63  }
0x126: {  	[tilespmem:$0x1E470] =	vst v0  }
0x127: {  	[tilespmem:$0x1E460] =	vst v2  }
0x128: {  	[hbm4b:s11+s4] =	stream.linear.scatter [tilespmem:s29], [sflag:$0x4], $0x200, $0x38;
	[tilespmem:$0x1E480] =	vst v63  }
0x129: {  	s0 =	simm.s32 $0x13A00;
	s26 =	simm.s32 $0x1  }
0x12a: {  	[tilespmem:s22], [sflag:$0x2] =	stream.indirect.gather [spmem:s3], $0x80, s0, s19, $0xb8;
	[tilespmem:$0x1E480] =	vst v63  }
.LBB2_18:
0x12b: {  	_ =	swait.ge [sflag:s23], $0x4000  }
0x12c: {  	[sflag:s23] =	ssyncset.done $0x0  }
0x12d: {  	[sflag:s23] =	ssyncadd.s32 $0xFFFFC000  }
0x12e: {  	_ =	swait.ge [sflag:s31], $0x200  }
0x12f: {  	[sflag:s31] =	ssyncset.done $0x0  }
0x130: {  	s17 =	simm.s32 $0x0;
	[sflag:s31] =	ssyncadd.s32 $0xFFFFFE00  }
0x131: {  	v0 =	vld [tilespmem:s17+$0x160F0]  }
0x132: {  	v2 =	vld [tilespmem:s17+$0x16080]  }
0x133: {  	v3 =	vld [tilespmem:s17+$0x16090]  }
0x134: {  	v11 =	vld [tilespmem:s17+$0x160A0]  }
0x135: {  	v10 =	vld [tilespmem:s17+$0x160B0]  }
0x136: {  	v1 =	vimm.f32 $0.0e+00;
	v6 =	vimm.f32 $0.0e+00;
	v7 =	vld [tilespmem:s17+$0x160C0]  }
0x137: {  	v8 =	vimm.f32 $0.0e+00;
	v4 =	vimm.f32 $0.0e+00;
	v9 =	vld [tilespmem:s17+$0x160D0];
	v0 =	vadd.f32 v0, v1  }
0x138: {  	s30 =	simm.s32 $0x80;
	s0 =	simm.s32 $0x400;
	v12 =	vld [tilespmem:s17+$0x160E0];
	v5 =	vadd.f32 v2, v1;
	v3 =	vadd.f32 v3, v1;
	v2 =	vimm.f32 $0.0e+00  }
.LBB2_19:
0x139: {  	p1 =	sne.s32 s0, $0x3E00;
	v13 =	vld [tilespmem:s30+$0x160F0];
	v1 =	vadd.f32 v11, v1  }
0x13a: {  	v14 =	vld [tilespmem:s30+$0x16080];
	v6 =	vadd.f32 v10, v6  }
0x13b: {  	v15 =	vld [tilespmem:s30+$0x16090];
	v8 =	vadd.f32 v7, v8  }
.Ltmp8:
0x13c: {  	v11 =	vld [tilespmem:s30+$0x160A0];
	v4 =	vadd.f32 v9, v4;
	(pc) =	sbr.rel @p1 .LBB2_19-.Ltmp8, $4  }
0x13d: {  	v10 =	vld [tilespmem:s30+$0x160B0];
	v2 =	vadd.f32 v12, v2  }
0x13e: {  	v7 =	vld [tilespmem:s30+$0x160C0];
	v0 =	vadd.f32 v13, v0  }
0x13f: {  	v5 =	vadd.f32 v14, v5;
	v9 =	vld [tilespmem:s30+$0x160D0]  }
0x140: {  	v3 =	vadd.f32 v15, v3;
	v12 =	vld [tilespmem:s30+$0x160E0];
	s30 =	sshra.s32 s0, $0x2;
	s0 =	sadd.s32 $0x200, s0  }
0x141: {  	v14 =	vld [tilespmem:s30+$0x16080]  }
0x142: {  	v15 =	vld [tilespmem:s30+$0x16090]  }
0x143: {  	v16 =	vld [tilespmem:s30+$0x160A0]  }
0x144: {  	v13 =	vld [tilespmem:s30+$0x160F0]  }
0x145: {  	v6 =	vadd.f32 v10, v6;
	v10 =	vld [tilespmem:s30+$0x160E0]  }
0x146: {  	v17 =	vld [tilespmem:s30+$0x160B0];
	v1 =	vadd.f32 v11, v1;
	v5 =	vadd.f32 v14, v5  }
0x147: {  	v18 =	vld [tilespmem:s30+$0x160C0];
	v3 =	vadd.f32 v15, v3  }
0x148: {  	v11 =	vld [tilespmem:s30+$0x160D0];
	v2 =	vadd.f32 v12, v2;
	v1 =	vadd.f32 v16, v1;
	[tilespmem:$0x1E080] =	vst v5  }
0x149: {  	v0 =	vadd.f32 v13, v0;
	[tilespmem:$0x1E090] =	vst v3  }
0x14a: {  	v7 =	vadd.f32 v7, v8;
	v2 =	vadd.f32 v10, v2;
	[tilespmem:$0x1E0A0] =	vst v1  }
0x14b: {  	v4 =	vadd.f32 v9, v4;
	v5 =	vadd.f32 v17, v6;
	[tilespmem:$0x1E0F0] =	vst v0  }
0x14c: {  	v3 =	vadd.f32 v18, v7;
	[tilespmem:$0x1E0E0] =	vst v2  }
0x14d: {  	v1 =	vadd.f32 v11, v4;
	[tilespmem:$0x1E0B0] =	vst v5  }
0x14e: {  	[tilespmem:$0x1E0C0] =	vst v3  }
0x14f: {  	s17 =	simm.s32 $0x0;
	[tilespmem:$0x1E0D0] =	vst v1  }
0x150: {  	v0 =	vld [tilespmem:s17+$0x170F0]  }
0x151: {  	v2 =	vld [tilespmem:s17+$0x17080]  }
0x152: {  	v3 =	vld [tilespmem:s17+$0x17090]  }
0x153: {  	v11 =	vld [tilespmem:s17+$0x170A0]  }
0x154: {  	v10 =	vld [tilespmem:s17+$0x170B0]  }
0x155: {  	v8 =	vimm.f32 $0.0e+00;
	v1 =	vimm.f32 $0.0e+00;
	v7 =	vld [tilespmem:s17+$0x170C0]  }
0x156: {  	v6 =	vimm.f32 $0.0e+00;
	v4 =	vimm.f32 $0.0e+00;
	v9 =	vld [tilespmem:s17+$0x170D0];
	v0 =	vadd.f32 v0, v1  }
0x157: {  	s0 =	simm.s32 $0x400;
	s30 =	simm.s32 $0x80;
	v12 =	vld [tilespmem:s17+$0x170E0];
	v5 =	vadd.f32 v2, v1;
	v3 =	vadd.f32 v3, v1;
	v2 =	vimm.f32 $0.0e+00  }
.LBB2_21:
0x158: {  	p1 =	sne.s32 s0, $0x3E00;
	v13 =	vld [tilespmem:s30+$0x170F0];
	v1 =	vadd.f32 v11, v1  }
0x159: {  	v14 =	vld [tilespmem:s30+$0x17080];
	v6 =	vadd.f32 v10, v6  }
0x15a: {  	v15 =	vld [tilespmem:s30+$0x17090];
	v8 =	vadd.f32 v7, v8  }
.Ltmp9:
0x15b: {  	v11 =	vld [tilespmem:s30+$0x170A0];
	v4 =	vadd.f32 v9, v4;
	(pc) =	sbr.rel @p1 .LBB2_21-.Ltmp9, $4  }
0x15c: {  	v10 =	vld [tilespmem:s30+$0x170B0];
	v2 =	vadd.f32 v12, v2  }
0x15d: {  	v7 =	vld [tilespmem:s30+$0x170C0];
	v0 =	vadd.f32 v13, v0  }
0x15e: {  	v5 =	vadd.f32 v14, v5;
	v9 =	vld [tilespmem:s30+$0x170D0]  }
0x15f: {  	v3 =	vadd.f32 v15, v3;
	v12 =	vld [tilespmem:s30+$0x170E0];
	s30 =	sshra.s32 s0, $0x2;
	s0 =	sadd.s32 $0x200, s0  }
0x160: {  	v14 =	vld [tilespmem:s30+$0x17080]  }
0x161: {  	v15 =	vld [tilespmem:s30+$0x17090]  }
0x162: {  	v16 =	vld [tilespmem:s30+$0x170A0]  }
0x163: {  	v13 =	vld [tilespmem:s30+$0x170F0]  }
0x164: {  	v6 =	vadd.f32 v10, v6;
	v10 =	vld [tilespmem:s30+$0x170E0]  }
0x165: {  	v17 =	vld [tilespmem:s30+$0x170B0];
	v1 =	vadd.f32 v11, v1;
	v5 =	vadd.f32 v14, v5  }
0x166: {  	v18 =	vld [tilespmem:s30+$0x170C0];
	v3 =	vadd.f32 v15, v3  }
0x167: {  	v11 =	vld [tilespmem:s30+$0x170D0];
	v2 =	vadd.f32 v12, v2;
	v1 =	vadd.f32 v16, v1;
	[tilespmem:$0x1E100] =	vst v5  }
0x168: {  	v0 =	vadd.f32 v13, v0;
	[tilespmem:$0x1E110] =	vst v3  }
0x169: {  	v7 =	vadd.f32 v7, v8;
	v2 =	vadd.f32 v10, v2;
	[tilespmem:$0x1E120] =	vst v1  }
0x16a: {  	v4 =	vadd.f32 v9, v4;
	v5 =	vadd.f32 v17, v6;
	[tilespmem:$0x1E170] =	vst v0  }
0x16b: {  	v3 =	vadd.f32 v18, v7;
	[tilespmem:$0x1E160] =	vst v2  }
0x16c: {  	v1 =	vadd.f32 v11, v4;
	[tilespmem:$0x1E130] =	vst v5  }
0x16d: {  	[tilespmem:$0x1E140] =	vst v3  }
0x16e: {  	s17 =	simm.s32 $0x0;
	[tilespmem:$0x1E150] =	vst v1  }
0x16f: {  	v0 =	vld [tilespmem:s17+$0x180F0]  }
0x170: {  	v2 =	vld [tilespmem:s17+$0x18080]  }
0x171: {  	v3 =	vld [tilespmem:s17+$0x18090]  }
0x172: {  	v11 =	vld [tilespmem:s17+$0x180A0]  }
0x173: {  	v10 =	vld [tilespmem:s17+$0x180B0]  }
0x174: {  	v8 =	vimm.f32 $0.0e+00;
	v1 =	vimm.f32 $0.0e+00;
	v7 =	vld [tilespmem:s17+$0x180C0]  }
0x175: {  	v6 =	vimm.f32 $0.0e+00;
	v4 =	vimm.f32 $0.0e+00;
	v9 =	vld [tilespmem:s17+$0x180D0];
	v0 =	vadd.f32 v0, v1  }
0x176: {  	s0 =	simm.s32 $0x400;
	s30 =	simm.s32 $0x80;
	v12 =	vld [tilespmem:s17+$0x180E0];
	v5 =	vadd.f32 v2, v1;
	v3 =	vadd.f32 v3, v1;
	v2 =	vimm.f32 $0.0e+00  }
.LBB2_23:
0x177: {  	p1 =	sne.s32 s0, $0x3E00;
	v13 =	vld [tilespmem:s30+$0x180F0];
	v1 =	vadd.f32 v11, v1  }
0x178: {  	v14 =	vld [tilespmem:s30+$0x18080];
	v6 =	vadd.f32 v10, v6  }
0x179: {  	v15 =	vld [tilespmem:s30+$0x18090];
	v8 =	vadd.f32 v7, v8  }
.Ltmp10:
0x17a: {  	v11 =	vld [tilespmem:s30+$0x180A0];
	v4 =	vadd.f32 v9, v4;
	(pc) =	sbr.rel @p1 .LBB2_23-.Ltmp10, $4  }
0x17b: {  	v10 =	vld [tilespmem:s30+$0x180B0];
	v2 =	vadd.f32 v12, v2  }
0x17c: {  	v7 =	vld [tilespmem:s30+$0x180C0];
	v0 =	vadd.f32 v13, v0  }
0x17d: {  	v5 =	vadd.f32 v14, v5;
	v9 =	vld [tilespmem:s30+$0x180D0]  }
0x17e: {  	v3 =	vadd.f32 v15, v3;
	v12 =	vld [tilespmem:s30+$0x180E0];
	s30 =	sshra.s32 s0, $0x2;
	s0 =	sadd.s32 $0x200, s0  }
0x17f: {  	v14 =	vld [tilespmem:s30+$0x18080]  }
0x180: {  	v15 =	vld [tilespmem:s30+$0x18090]  }
0x181: {  	v16 =	vld [tilespmem:s30+$0x180A0]  }
0x182: {  	v13 =	vld [tilespmem:s30+$0x180F0]  }
0x183: {  	v6 =	vadd.f32 v10, v6;
	v10 =	vld [tilespmem:s30+$0x180E0]  }
0x184: {  	v17 =	vld [tilespmem:s30+$0x180B0];
	v1 =	vadd.f32 v11, v1;
	v5 =	vadd.f32 v14, v5  }
0x185: {  	v18 =	vld [tilespmem:s30+$0x180C0];
	v3 =	vadd.f32 v15, v3  }
0x186: {  	v11 =	vld [tilespmem:s30+$0x180D0];
	v2 =	vadd.f32 v12, v2;
	v1 =	vadd.f32 v16, v1;
	[tilespmem:$0x1E180] =	vst v5  }
0x187: {  	v0 =	vadd.f32 v13, v0;
	[tilespmem:$0x1E190] =	vst v3  }
0x188: {  	v7 =	vadd.f32 v7, v8;
	v2 =	vadd.f32 v10, v2;
	[tilespmem:$0x1E1A0] =	vst v1  }
0x189: {  	v4 =	vadd.f32 v9, v4;
	v5 =	vadd.f32 v17, v6;
	[tilespmem:$0x1E1F0] =	vst v0  }
0x18a: {  	v3 =	vadd.f32 v18, v7;
	[tilespmem:$0x1E1E0] =	vst v2  }
0x18b: {  	v1 =	vadd.f32 v11, v4;
	[tilespmem:$0x1E1B0] =	vst v5  }
0x18c: {  	[tilespmem:$0x1E1C0] =	vst v3  }
0x18d: {  	s17 =	simm.s32 $0x0;
	[tilespmem:$0x1E1D0] =	vst v1  }
0x18e: {  	v0 =	vld [tilespmem:s17+$0x190F0]  }
0x18f: {  	v2 =	vld [tilespmem:s17+$0x19080]  }
0x190: {  	v3 =	vld [tilespmem:s17+$0x19090]  }
0x191: {  	v11 =	vld [tilespmem:s17+$0x190A0]  }
0x192: {  	v10 =	vld [tilespmem:s17+$0x190B0]  }
0x193: {  	v8 =	vimm.f32 $0.0e+00;
	v1 =	vimm.f32 $0.0e+00;
	v7 =	vld [tilespmem:s17+$0x190C0]  }
0x194: {  	v6 =	vimm.f32 $0.0e+00;
	v4 =	vimm.f32 $0.0e+00;
	v9 =	vld [tilespmem:s17+$0x190D0];
	v0 =	vadd.f32 v0, v1  }
0x195: {  	s0 =	simm.s32 $0x400;
	s30 =	simm.s32 $0x80;
	v12 =	vld [tilespmem:s17+$0x190E0];
	v5 =	vadd.f32 v2, v1;
	v3 =	vadd.f32 v3, v1;
	v2 =	vimm.f32 $0.0e+00  }
.LBB2_25:
0x196: {  	p1 =	sne.s32 s0, $0x3E00;
	v13 =	vld [tilespmem:s30+$0x190F0];
	v1 =	vadd.f32 v11, v1  }
0x197: {  	v14 =	vld [tilespmem:s30+$0x19080];
	v6 =	vadd.f32 v10, v6  }
0x198: {  	v15 =	vld [tilespmem:s30+$0x19090];
	v8 =	vadd.f32 v7, v8  }
.Ltmp11:
0x199: {  	v11 =	vld [tilespmem:s30+$0x190A0];
	v4 =	vadd.f32 v9, v4;
	(pc) =	sbr.rel @p1 .LBB2_25-.Ltmp11, $4  }
0x19a: {  	v10 =	vld [tilespmem:s30+$0x190B0];
	v2 =	vadd.f32 v12, v2  }
0x19b: {  	v7 =	vld [tilespmem:s30+$0x190C0];
	v0 =	vadd.f32 v13, v0  }
0x19c: {  	v5 =	vadd.f32 v14, v5;
	v9 =	vld [tilespmem:s30+$0x190D0]  }
0x19d: {  	v3 =	vadd.f32 v15, v3;
	v12 =	vld [tilespmem:s30+$0x190E0];
	s30 =	sshra.s32 s0, $0x2;
	s0 =	sadd.s32 $0x200, s0  }
0x19e: {  	v14 =	vld [tilespmem:s30+$0x19080]  }
0x19f: {  	v15 =	vld [tilespmem:s30+$0x19090]  }
0x1a0: {  	v16 =	vld [tilespmem:s30+$0x190A0]  }
0x1a1: {  	v13 =	vld [tilespmem:s30+$0x190F0]  }
0x1a2: {  	v6 =	vadd.f32 v10, v6;
	v10 =	vld [tilespmem:s30+$0x190E0]  }
0x1a3: {  	v17 =	vld [tilespmem:s30+$0x190B0];
	v1 =	vadd.f32 v11, v1;
	v5 =	vadd.f32 v14, v5  }
0x1a4: {  	v18 =	vld [tilespmem:s30+$0x190C0];
	v3 =	vadd.f32 v15, v3  }
0x1a5: {  	v11 =	vld [tilespmem:s30+$0x190D0];
	v2 =	vadd.f32 v12, v2;
	v1 =	vadd.f32 v16, v1;
	[tilespmem:$0x1E200] =	vst v5  }
0x1a6: {  	v0 =	vadd.f32 v13, v0;
	[tilespmem:$0x1E210] =	vst v3  }
0x1a7: {  	s30 =	sshll.u32 s26, $0x1;
	v7 =	vadd.f32 v7, v8;
	v2 =	vadd.f32 v10, v2;
	[tilespmem:$0x1E220] =	vst v1  }
0x1a8: {  	s0 =	sadd.s32 $0x2, s30;
	v4 =	vadd.f32 v9, v4;
	v5 =	vadd.f32 v17, v6;
	[tilespmem:$0x1E270] =	vst v0  }
0x1a9: {  	p1 =	sge.u32 s0, s5;
	v3 =	vadd.f32 v18, v7;
	[tilespmem:$0x1E260] =	vst v2  }
0x1aa: {  	s0 =	sshll.u32 @!p1 s0, $0x7;
	v1 =	vadd.f32 v11, v4;
	[tilespmem:$0x1E230] =	vst v5  }
0x1ab: {  	s0 =	sand.u32 @!p1 $0x3FFFFF80, s0;
	[tilespmem:$0x1E240] =	vst v3  }
0x1ac: {  	s17 =	simm.s32 @!p1 $0x80;
	s20 =	simm.s32 @!p1 $0x16080;
	s0 =	sadd.s32 @!p1 $0x13880, s0;
	[tilespmem:$0x1E250] =	vst v1  }
0x1ad: {  	[tilespmem:s20], [sflag:$0x1] =	stream.indirect.gather @!p1 [spmem:s3], $0x80, s0, s17, $0xb8;
	[tilespmem:$0x1E480] =	vst v63  }
0x1ae: {  	s17 =	sadd.s32 s12, s26  }
0x1af: {  	s0 =	sshll.u32 s17, $0x7  }
0x1b0: {  	s20 =	simm.s32 $0x0;
	s0 =	sadd.s32 s2, s0  }
0x1b1: {  	[hbm4b:s0+s20] =	stream.linear.scatter [tilespmem:s24], [sflag:$0x3], $0x200, $0x38;
	[tilespmem:$0x1E480] =	vst v63  }
0x1b2: {  	_ =	swait.ge [sflag:s28], $0x4000  }
0x1b3: {  	[sflag:s28] =	ssyncset.done $0x0  }
0x1b4: {  	[sflag:s28] =	ssyncadd.s32 $0xFFFFC000  }
0x1b5: {  	_ =	swait.ge [sflag:s1], $0x200  }
0x1b6: {  	[sflag:s1] =	ssyncset.done $0x0  }
0x1b7: {  	s20 =	simm.s32 $0x0;
	[sflag:s1] =	ssyncadd.s32 $0xFFFFFE00  }
0x1b8: {  	v0 =	vld [tilespmem:s20+$0x1A0F0]  }
0x1b9: {  	v2 =	vld [tilespmem:s20+$0x1A080]  }
0x1ba: {  	v3 =	vld [tilespmem:s20+$0x1A090]  }
0x1bb: {  	v11 =	vld [tilespmem:s20+$0x1A0A0]  }
0x1bc: {  	v10 =	vld [tilespmem:s20+$0x1A0B0]  }
0x1bd: {  	v8 =	vimm.f32 $0.0e+00;
	v1 =	vimm.f32 $0.0e+00;
	v7 =	vld [tilespmem:s20+$0x1A0C0]  }
0x1be: {  	v6 =	vimm.f32 $0.0e+00;
	v4 =	vimm.f32 $0.0e+00;
	v9 =	vld [tilespmem:s20+$0x1A0D0];
	v0 =	vadd.f32 v0, v1  }
0x1bf: {  	s17 =	simm.s32 $0x400;
	s0 =	simm.s32 $0x80;
	v12 =	vld [tilespmem:s20+$0x1A0E0];
	v5 =	vadd.f32 v2, v1;
	v3 =	vadd.f32 v3, v1;
	v2 =	vimm.f32 $0.0e+00  }
.LBB2_27:
0x1c0: {  	p1 =	sne.s32 s17, $0x3E00;
	v13 =	vld [tilespmem:s0+$0x1A0F0];
	v1 =	vadd.f32 v11, v1  }
0x1c1: {  	v14 =	vld [tilespmem:s0+$0x1A080];
	v6 =	vadd.f32 v10, v6  }
0x1c2: {  	v15 =	vld [tilespmem:s0+$0x1A090];
	v8 =	vadd.f32 v7, v8  }
.Ltmp12:
0x1c3: {  	v11 =	vld [tilespmem:s0+$0x1A0A0];
	v4 =	vadd.f32 v9, v4;
	(pc) =	sbr.rel @p1 .LBB2_27-.Ltmp12, $4  }
0x1c4: {  	v10 =	vld [tilespmem:s0+$0x1A0B0];
	v2 =	vadd.f32 v12, v2  }
0x1c5: {  	v7 =	vld [tilespmem:s0+$0x1A0C0];
	v0 =	vadd.f32 v13, v0  }
0x1c6: {  	v5 =	vadd.f32 v14, v5;
	v9 =	vld [tilespmem:s0+$0x1A0D0]  }
0x1c7: {  	v3 =	vadd.f32 v15, v3;
	v12 =	vld [tilespmem:s0+$0x1A0E0];
	s0 =	sshra.s32 s17, $0x2;
	s17 =	sadd.s32 $0x200, s17  }
0x1c8: {  	v14 =	vld [tilespmem:s0+$0x1A080]  }
0x1c9: {  	v15 =	vld [tilespmem:s0+$0x1A090]  }
0x1ca: {  	v16 =	vld [tilespmem:s0+$0x1A0A0]  }
0x1cb: {  	v13 =	vld [tilespmem:s0+$0x1A0F0]  }
0x1cc: {  	v6 =	vadd.f32 v10, v6;
	v10 =	vld [tilespmem:s0+$0x1A0E0]  }
0x1cd: {  	v17 =	vld [tilespmem:s0+$0x1A0B0];
	v1 =	vadd.f32 v11, v1;
	v5 =	vadd.f32 v14, v5  }
0x1ce: {  	v18 =	vld [tilespmem:s0+$0x1A0C0];
	v3 =	vadd.f32 v15, v3  }
0x1cf: {  	v11 =	vld [tilespmem:s0+$0x1A0D0];
	v2 =	vadd.f32 v12, v2;
	v1 =	vadd.f32 v16, v1;
	[tilespmem:$0x1E280] =	vst v5  }
0x1d0: {  	v0 =	vadd.f32 v13, v0;
	[tilespmem:$0x1E290] =	vst v3  }
0x1d1: {  	v7 =	vadd.f32 v7, v8;
	v2 =	vadd.f32 v10, v2;
	[tilespmem:$0x1E2A0] =	vst v1  }
0x1d2: {  	v4 =	vadd.f32 v9, v4;
	v5 =	vadd.f32 v17, v6;
	[tilespmem:$0x1E2F0] =	vst v0  }
0x1d3: {  	v3 =	vadd.f32 v18, v7;
	[tilespmem:$0x1E2E0] =	vst v2  }
0x1d4: {  	v1 =	vadd.f32 v11, v4;
	[tilespmem:$0x1E2B0] =	vst v5  }
0x1d5: {  	[tilespmem:$0x1E2C0] =	vst v3  }
0x1d6: {  	s20 =	simm.s32 $0x0;
	[tilespmem:$0x1E2D0] =	vst v1  }
0x1d7: {  	v0 =	vld [tilespmem:s20+$0x1B0F0]  }
0x1d8: {  	v2 =	vld [tilespmem:s20+$0x1B080]  }
0x1d9: {  	v3 =	vld [tilespmem:s20+$0x1B090]  }
0x1da: {  	v11 =	vld [tilespmem:s20+$0x1B0A0]  }
0x1db: {  	v10 =	vld [tilespmem:s20+$0x1B0B0]  }
0x1dc: {  	v8 =	vimm.f32 $0.0e+00;
	v1 =	vimm.f32 $0.0e+00;
	v7 =	vld [tilespmem:s20+$0x1B0C0]  }
0x1dd: {  	v6 =	vimm.f32 $0.0e+00;
	v4 =	vimm.f32 $0.0e+00;
	v9 =	vld [tilespmem:s20+$0x1B0D0];
	v0 =	vadd.f32 v0, v1  }
0x1de: {  	s17 =	simm.s32 $0x400;
	s0 =	simm.s32 $0x80;
	v12 =	vld [tilespmem:s20+$0x1B0E0];
	v5 =	vadd.f32 v2, v1;
	v3 =	vadd.f32 v3, v1;
	v2 =	vimm.f32 $0.0e+00  }
.LBB2_29:
0x1df: {  	p1 =	sne.s32 s17, $0x3E00;
	v13 =	vld [tilespmem:s0+$0x1B0F0];
	v1 =	vadd.f32 v11, v1  }
0x1e0: {  	v14 =	vld [tilespmem:s0+$0x1B080];
	v6 =	vadd.f32 v10, v6  }
0x1e1: {  	v15 =	vld [tilespmem:s0+$0x1B090];
	v8 =	vadd.f32 v7, v8  }
.Ltmp13:
0x1e2: {  	v11 =	vld [tilespmem:s0+$0x1B0A0];
	v4 =	vadd.f32 v9, v4;
	(pc) =	sbr.rel @p1 .LBB2_29-.Ltmp13, $4  }
0x1e3: {  	v10 =	vld [tilespmem:s0+$0x1B0B0];
	v2 =	vadd.f32 v12, v2  }
0x1e4: {  	v7 =	vld [tilespmem:s0+$0x1B0C0];
	v0 =	vadd.f32 v13, v0  }
0x1e5: {  	v5 =	vadd.f32 v14, v5;
	v9 =	vld [tilespmem:s0+$0x1B0D0]  }
0x1e6: {  	v3 =	vadd.f32 v15, v3;
	v12 =	vld [tilespmem:s0+$0x1B0E0];
	s0 =	sshra.s32 s17, $0x2;
	s17 =	sadd.s32 $0x200, s17  }
0x1e7: {  	v14 =	vld [tilespmem:s0+$0x1B080]  }
0x1e8: {  	v15 =	vld [tilespmem:s0+$0x1B090]  }
0x1e9: {  	v16 =	vld [tilespmem:s0+$0x1B0A0]  }
0x1ea: {  	v13 =	vld [tilespmem:s0+$0x1B0F0]  }
0x1eb: {  	v6 =	vadd.f32 v10, v6;
	v10 =	vld [tilespmem:s0+$0x1B0E0]  }
0x1ec: {  	v17 =	vld [tilespmem:s0+$0x1B0B0];
	v1 =	vadd.f32 v11, v1;
	v5 =	vadd.f32 v14, v5  }
0x1ed: {  	v18 =	vld [tilespmem:s0+$0x1B0C0];
	v3 =	vadd.f32 v15, v3  }
0x1ee: {  	v11 =	vld [tilespmem:s0+$0x1B0D0];
	v2 =	vadd.f32 v12, v2;
	v1 =	vadd.f32 v16, v1;
	[tilespmem:$0x1E300] =	vst v5  }
0x1ef: {  	v0 =	vadd.f32 v13, v0;
	[tilespmem:$0x1E310] =	vst v3  }
0x1f0: {  	v7 =	vadd.f32 v7, v8;
	v2 =	vadd.f32 v10, v2;
	[tilespmem:$0x1E320] =	vst v1  }
0x1f1: {  	v4 =	vadd.f32 v9, v4;
	v5 =	vadd.f32 v17, v6;
	[tilespmem:$0x1E370] =	vst v0  }
0x1f2: {  	v3 =	vadd.f32 v18, v7;
	[tilespmem:$0x1E360] =	vst v2  }
0x1f3: {  	v1 =	vadd.f32 v11, v4;
	[tilespmem:$0x1E330] =	vst v5  }
0x1f4: {  	[tilespmem:$0x1E340] =	vst v3  }
0x1f5: {  	s20 =	simm.s32 $0x0;
	[tilespmem:$0x1E350] =	vst v1  }
0x1f6: {  	v0 =	vld [tilespmem:s20+$0x1C0F0]  }
0x1f7: {  	v2 =	vld [tilespmem:s20+$0x1C080]  }
0x1f8: {  	v3 =	vld [tilespmem:s20+$0x1C090]  }
0x1f9: {  	v11 =	vld [tilespmem:s20+$0x1C0A0]  }
0x1fa: {  	v10 =	vld [tilespmem:s20+$0x1C0B0]  }
0x1fb: {  	v8 =	vimm.f32 $0.0e+00;
	v1 =	vimm.f32 $0.0e+00;
	v7 =	vld [tilespmem:s20+$0x1C0C0]  }
0x1fc: {  	v6 =	vimm.f32 $0.0e+00;
	v4 =	vimm.f32 $0.0e+00;
	v9 =	vld [tilespmem:s20+$0x1C0D0];
	v0 =	vadd.f32 v0, v1  }
0x1fd: {  	s17 =	simm.s32 $0x400;
	s0 =	simm.s32 $0x80;
	v12 =	vld [tilespmem:s20+$0x1C0E0];
	v5 =	vadd.f32 v2, v1;
	v3 =	vadd.f32 v3, v1;
	v2 =	vimm.f32 $0.0e+00  }
.LBB2_31:
0x1fe: {  	p1 =	sne.s32 s17, $0x3E00;
	v13 =	vld [tilespmem:s0+$0x1C0F0];
	v1 =	vadd.f32 v11, v1  }
0x1ff: {  	v14 =	vld [tilespmem:s0+$0x1C080];
	v6 =	vadd.f32 v10, v6  }
0x200: {  	v15 =	vld [tilespmem:s0+$0x1C090];
	v8 =	vadd.f32 v7, v8  }
.Ltmp14:
0x201: {  	v11 =	vld [tilespmem:s0+$0x1C0A0];
	v4 =	vadd.f32 v9, v4;
	(pc) =	sbr.rel @p1 .LBB2_31-.Ltmp14, $4  }
0x202: {  	v10 =	vld [tilespmem:s0+$0x1C0B0];
	v2 =	vadd.f32 v12, v2  }
0x203: {  	v7 =	vld [tilespmem:s0+$0x1C0C0];
	v0 =	vadd.f32 v13, v0  }
0x204: {  	v5 =	vadd.f32 v14, v5;
	v9 =	vld [tilespmem:s0+$0x1C0D0]  }
0x205: {  	v3 =	vadd.f32 v15, v3;
	v12 =	vld [tilespmem:s0+$0x1C0E0];
	s0 =	sshra.s32 s17, $0x2;
	s17 =	sadd.s32 $0x200, s17  }
0x206: {  	v14 =	vld [tilespmem:s0+$0x1C080]  }
0x207: {  	v15 =	vld [tilespmem:s0+$0x1C090]  }
0x208: {  	v16 =	vld [tilespmem:s0+$0x1C0A0]  }
0x209: {  	v13 =	vld [tilespmem:s0+$0x1C0F0]  }
0x20a: {  	v6 =	vadd.f32 v10, v6;
	v10 =	vld [tilespmem:s0+$0x1C0E0]  }
0x20b: {  	v17 =	vld [tilespmem:s0+$0x1C0B0];
	v1 =	vadd.f32 v11, v1;
	v5 =	vadd.f32 v14, v5  }
0x20c: {  	v18 =	vld [tilespmem:s0+$0x1C0C0];
	v3 =	vadd.f32 v15, v3  }
0x20d: {  	v11 =	vld [tilespmem:s0+$0x1C0D0];
	v2 =	vadd.f32 v12, v2;
	v1 =	vadd.f32 v16, v1;
	[tilespmem:$0x1E380] =	vst v5  }
0x20e: {  	v0 =	vadd.f32 v13, v0;
	[tilespmem:$0x1E390] =	vst v3  }
0x20f: {  	v7 =	vadd.f32 v7, v8;
	v2 =	vadd.f32 v10, v2;
	[tilespmem:$0x1E3A0] =	vst v1  }
0x210: {  	v4 =	vadd.f32 v9, v4;
	v5 =	vadd.f32 v17, v6;
	[tilespmem:$0x1E3F0] =	vst v0  }
0x211: {  	v3 =	vadd.f32 v18, v7;
	[tilespmem:$0x1E3E0] =	vst v2  }
0x212: {  	v1 =	vadd.f32 v11, v4;
	[tilespmem:$0x1E3B0] =	vst v5  }
0x213: {  	[tilespmem:$0x1E3C0] =	vst v3  }
0x214: {  	s20 =	simm.s32 $0x0;
	[tilespmem:$0x1E3D0] =	vst v1  }
0x215: {  	v0 =	vld [tilespmem:s20+$0x1D0F0]  }
0x216: {  	v2 =	vld [tilespmem:s20+$0x1D080]  }
0x217: {  	v3 =	vld [tilespmem:s20+$0x1D090]  }
0x218: {  	v11 =	vld [tilespmem:s20+$0x1D0A0]  }
0x219: {  	v10 =	vld [tilespmem:s20+$0x1D0B0]  }
0x21a: {  	v8 =	vimm.f32 $0.0e+00;
	v1 =	vimm.f32 $0.0e+00;
	v7 =	vld [tilespmem:s20+$0x1D0C0]  }
0x21b: {  	v6 =	vimm.f32 $0.0e+00;
	v4 =	vimm.f32 $0.0e+00;
	v9 =	vld [tilespmem:s20+$0x1D0D0];
	v0 =	vadd.f32 v0, v1  }
0x21c: {  	s17 =	simm.s32 $0x400;
	s0 =	simm.s32 $0x80;
	v12 =	vld [tilespmem:s20+$0x1D0E0];
	v5 =	vadd.f32 v2, v1;
	v3 =	vadd.f32 v3, v1;
	v2 =	vimm.f32 $0.0e+00  }
.LBB2_33:
0x21d: {  	p1 =	sne.s32 s17, $0x3E00;
	v13 =	vld [tilespmem:s0+$0x1D0F0];
	v1 =	vadd.f32 v11, v1  }
0x21e: {  	v14 =	vld [tilespmem:s0+$0x1D080];
	v6 =	vadd.f32 v10, v6  }
0x21f: {  	v15 =	vld [tilespmem:s0+$0x1D090];
	v8 =	vadd.f32 v7, v8  }
.Ltmp15:
0x220: {  	v11 =	vld [tilespmem:s0+$0x1D0A0];
	v4 =	vadd.f32 v9, v4;
	(pc) =	sbr.rel @p1 .LBB2_33-.Ltmp15, $4  }
0x221: {  	v10 =	vld [tilespmem:s0+$0x1D0B0];
	v2 =	vadd.f32 v12, v2  }
0x222: {  	v7 =	vld [tilespmem:s0+$0x1D0C0];
	v0 =	vadd.f32 v13, v0  }
0x223: {  	v5 =	vadd.f32 v14, v5;
	v9 =	vld [tilespmem:s0+$0x1D0D0]  }
0x224: {  	v3 =	vadd.f32 v15, v3;
	v12 =	vld [tilespmem:s0+$0x1D0E0];
	s0 =	sshra.s32 s17, $0x2;
	s17 =	sadd.s32 $0x200, s17  }
0x225: {  	v14 =	vld [tilespmem:s0+$0x1D080]  }
0x226: {  	v15 =	vld [tilespmem:s0+$0x1D090]  }
0x227: {  	v16 =	vld [tilespmem:s0+$0x1D0A0]  }
0x228: {  	v17 =	vld [tilespmem:s0+$0x1D0B0]  }
0x229: {  	v18 =	vld [tilespmem:s0+$0x1D0C0]  }
0x22a: {  	v1 =	vadd.f32 v11, v1;
	v59 =	vld [tilespmem:s0+$0x1D0D0];
	v5 =	vadd.f32 v14, v5  }
0x22b: {  	v13 =	vld [tilespmem:s0+$0x1D0F0];
	v6 =	vadd.f32 v10, v6;
	v3 =	vadd.f32 v15, v3  }
0x22c: {  	v60 =	vld [tilespmem:s0+$0x1D0E0];
	v7 =	vadd.f32 v7, v8;
	v1 =	vadd.f32 v16, v1;
	[tilespmem:$0x1E400] =	vst v5  }
0x22d: {  	v4 =	vadd.f32 v9, v4;
	v61 =	vadd.f32 v17, v6;
	[tilespmem:$0x1E410] =	vst v3  }
0x22e: {  	v62 =	vadd.f32 v18, v7;
	[tilespmem:$0x1E420] =	vst v1  }
0x22f: {  	s0 =	sadd.s32 $0x3, s30;
	v2 =	vadd.f32 v12, v2;
	v63 =	vadd.f32 v59, v4;
	[tilespmem:$0x1E430] =	vst v61  }
0x230: {  	p1 =	sge.u32 s0, s5;
	v0 =	vadd.f32 v13, v0;
	[tilespmem:$0x1E440] =	vst v62  }
0x231: {  	s0 =	sshll.u32 @!p1 s0, $0x7;
	v2 =	vadd.f32 v60, v2;
	[tilespmem:$0x1E450] =	vst v63  }
0x232: {  	s30 =	sshll.u32 s26, $0x7;
	s26 =	sadd.s32 $0x1, s26;
	s0 =	sand.u32 @!p1 $0x3FFFFF80, s0;
	[tilespmem:$0x1E470] =	vst v0  }
0x233: {  	s17 =	simm.s32 @!p1 $0x80;
	s20 =	simm.s32 @!p1 $0x1A080;
	s0 =	sadd.s32 @!p1 $0x13880, s0;
	[tilespmem:$0x1E460] =	vst v2  }
0x234: {  	[tilespmem:s20], [sflag:$0x2] =	stream.indirect.gather @!p1 [spmem:s3], $0x80, s0, s17, $0xb8;
	[tilespmem:$0x1E480] =	vst v63  }
0x235: {  	p1 =	sne.s32 s26, s13  }
.Ltmp16:
0x236: {  	_ = 	snop;
	(pc) =	sbr.rel @p1 .LBB2_18-.Ltmp16, $3  }
0x237: {  	_ =	sdelay $0x1  }
0x238: {  	s0 =	sadd.s32 s11, s30  }
0x239: {  	[hbm4b:s0+s4] =	stream.linear.scatter [tilespmem:s29], [sflag:$0x4], $0x200, $0x38;
	[tilespmem:$0x1E480] =	vst v63  }
0x23a: {  	s21 =	sadd.s32 $0x1, s21  }
0x23b: {  	_ =	swait.ge [sflag:s31], $0x200;
	p1 =	sne.s32 s21, s14  }
.Ltmp17:
0x23c: {  	[sflag:s31] =	ssyncset.done $0x0;
	(pc) =	sbr.rel @p1 .LBB2_1-.Ltmp17, $4  }
0x23d: {  	[sflag:s31] =	ssyncadd.s32 $0xFFFFFE00  }
0x23e: {  	_ =	swait.ge [sflag:s1], $0x200  }
0x23f: {  	[sflag:s1] =	ssyncset.done $0x0  }
0x240: {  	s20 =	simm.s32 $0x16080;
	[sflag:s1] =	ssyncadd.s32 $0xFFFFFE00  }
0x241: {  	_ =	sfence.sel $0x180000  }
0x242: {  	[bflag:$0x0] =	sbarrier.arrive $0xFFFF  }
0x243: {  	_ =	strace $0x90000047  }
0x244: {  	[bflag:$0x2] =	sbarrier.arrive $0xFFFF  }
0x245: {  	s0 =	rddreg [dreg:$0x4]  }
0x246: {  	s0 =	sadd.s32 @!p0 $0x100000, s0  }
0x247: {  	[sflag:s0] =	ssyncadd.tile.s32 @!p0 $0x1;
	_ =	shalt  }
.Lfunc_end2:
_tile_overlayer_lowered:
.L_overlay_start_2:
0x248: {  	(tag) =	ssettag $0x2  }
0x249: {  	s0 =	rddreg [dreg:$0x0];
	s2 =	stileid.u32  }
0x24a: {  	s1 =	rddreg [dreg:$0x1];
	p0 =	sne.s32 s2, $0x0  }
0x24b: {  	s3 =	rddreg [dreg:$0x2];
	[bflag:$0x3] =	sbarrier.arrive $0xFFFF;
	s2 =	simm.s32 @!p0 $0x1C06  }
0x24c: {  	[timem:s3], [sflag:s2] =	dma.local @!p0 [hbm:s0], s1  }
0x24d: {  	s0 =	simm.s32 @!p0 $0x6  }
0x24e: {  	_ =	swait.ge @!p0 [sflag:s0], s1  }
0x24f: {  	s1 =	ssub.s32 @!p0 $0x0, s1;
	[sflag:s0] =	ssyncset.done @!p0 $0x0  }
0x250: {  	[sflag:s0] =	ssyncadd.s32 @!p0 s1  }
0x251: {  	[bflag:$0x3] =	sbarrier.arrive $0xFFFF  }
0x252: {  	_ =	shalt  }

</sc_bundles>
